<compile_context>
chip_gen: v7x
topology: tpu7x:2x2x1
jax: 0.10.2.dev20260603
libtpu: 0.0.44.dev20260713+nightly
codegen_flags: <defaults>
</compile_context>

<pallas_src>
import jax
import jax.numpy as jnp
from jax import lax
from jax.experimental import pallas as pl
from jax.experimental.pallas import tpu as pltpu
from jax.experimental.pallas import tpu_sc as plsc

N = 10000
E = 320000
D = 128
F = 64
G = 64
NC = 2
NS = 16
NPAD = 10112
ROWS_PER_TILE = NPAD // NS

CHUNK = 128
INNER = 2
NWORK = NS
CPW = 160
NROUND = CPW // INNER
EPAD = NWORK * CPW * CHUNK
NBLK = 10
BLK = N // NBLK


def _sc_agg_body(h_hbm, src_hbm, dst_hbm, out_hbm, agg_sh, h_sh,
                 gsem0, gsem1, ssem0, ssem1, isem_s, isem_d):
    c = lax.axis_index("c")
    s = lax.axis_index("s")
    wid = s
    hc = h_hbm.at[c]
    outc = out_hbm.at[c]
    gsem = (gsem0, gsem1)
    ssem = (ssem0, ssem1)

    def _inner(rows_v, srci, dsti, sbuf):
        live = []
        for pp, nrows in ((0, 256), (256, 256), (512, ROWS_PER_TILE - 512)):
            for d in live:
                d.wait()
            sl = pl.ds(s * ROWS_PER_TILE + pp, nrows)
            stage = sbuf.at[pl.ds(0, nrows)]
            pltpu.sync_copy(hc.at[sl], stage)
            live = [pltpu.async_copy(stage, h_sh.at[sl], gsem0),
                    pltpu.async_copy(stage, agg_sh.at[sl], ssem0)]
        for d in live:
            d.wait()
        plsc.subcore_barrier()

        def fire_gathers(g, st):
            for j in range(INNER):
                pltpu.async_copy(h_sh.at[srci.at[st, j]], rows_v.at[st, j],
                                 gsem[st])

        def fire_scatters(st):
            for j in range(INNER):
                pltpu.async_copy(rows_v.at[st, j], agg_sh.at[dsti.at[st, j]],
                                 ssem[st], add=True)

        def drain_rows(sem, st):
            for j in range(INNER):
                pltpu.make_async_copy(hc.at[pl.ds(0, CHUNK)],
                                      rows_v.at[st, j], sem).wait()

        def drain_idx(sem, buf, st):
            pltpu.make_async_copy(src_hbm.at[wid, pl.ds(0, INNER)],
                                  buf.at[st], sem).wait()

        def fetch_idx(g, buf, hbm, st, sem):
            pltpu.async_copy(hbm.at[wid, pl.ds(g * INNER, INNER)], buf.at[st], sem)

        fetch_idx(0, srci, src_hbm, 0, isem_s)
        drain_idx(isem_s, srci, 0)
        fetch_idx(0, dsti, dst_hbm, 0, isem_d)
        fire_gathers(0, 0)
        fetch_idx(1, srci, src_hbm, 1, isem_s)

        def half_round(r, cur, nxt):
            @pl.when(r >= 1)
            def _():
                drain_rows(ssem[nxt], nxt)
            drain_rows(gsem[cur], cur)
            drain_idx(isem_d, dsti, cur)
            fire_scatters(cur)

            @pl.when(r + 1 < NROUND)
            def _():
                fetch_idx(r + 1, dsti, dst_hbm, nxt, isem_d)
                drain_idx(isem_s, srci, nxt)
                fire_gathers(r + 1, nxt)

            @pl.when(r + 2 < NROUND)
            def _():
                fetch_idx(r + 2, srci, src_hbm, cur, isem_s)

        def round_body(t, carry):
            half_round(2 * t, 0, 1)
            half_round(2 * t + 1, 1, 0)
            return carry

        lax.fori_loop(0, NROUND // 2, round_body, 0)
        drain_rows(ssem[(NROUND - 1) % 2], (NROUND - 1) % 2)

        plsc.subcore_barrier()
        live = []
        for pp, nrows in ((0, 256), (256, 256), (512, ROWS_PER_TILE - 512)):
            for d in live:
                d.wait()
            sl = pl.ds(s * ROWS_PER_TILE + pp, nrows)
            stage = sbuf.at[pl.ds(0, nrows)]
            pltpu.sync_copy(agg_sh.at[sl], stage)
            live = [pltpu.async_copy(stage, outc.at[sl], gsem1)]
        for d in live:
            d.wait()

    pl.run_scoped(_inner,
                  pltpu.VMEM((2, INNER, CHUNK, F), jnp.float32),
                  pltpu.VMEM((2, INNER, CHUNK), jnp.int32),
                  pltpu.VMEM((2, INNER, CHUNK), jnp.int32),
                  pltpu.VMEM((256, F), jnp.float32))


def _sc_agg(h2, src3, dst3):
    k = pl.kernel(
        _sc_agg_body,
        out_type=jax.ShapeDtypeStruct((NC, NPAD, F), jnp.float32),
        mesh=plsc.VectorSubcoreMesh(core_axis_name="c", subcore_axis_name="s"),
        compiler_params=pltpu.CompilerParams(use_tc_tiling_on_sc=False),
        scratch_types=[
            pltpu.VMEM_SHARED((NPAD, F), jnp.float32),
            pltpu.VMEM_SHARED((NPAD, F), jnp.float32),
            pltpu.SemaphoreType.DMA,
            pltpu.SemaphoreType.DMA,
            pltpu.SemaphoreType.DMA,
            pltpu.SemaphoreType.DMA,
            pltpu.SemaphoreType.DMA,
            pltpu.SemaphoreType.DMA,
        ],
    )
    return k(h2, src3, dst3)


def _tc_layer_body(a_ref, w_ref, b_ref, o_ref):
    z = jnp.concatenate([a_ref[0], a_ref[1]], axis=1)
    acc = jnp.dot(z, w_ref[...], preferred_element_type=jnp.float32)
    h = jnp.maximum(acc + b_ref[...], 0.0)
    o_ref[0] = h[:, :F]
    o_ref[1] = h[:, F:]


def _tc_layer(agg, W, b2d):
    return pl.pallas_call(
        _tc_layer_body,
        grid=(NBLK,),
        in_specs=[
            pl.BlockSpec((NC, BLK, F), lambda i: (0, i, 0)),
            pl.BlockSpec((D, D), lambda i: (0, 0)),
            pl.BlockSpec((1, D), lambda i: (0, 0)),
        ],
        out_specs=pl.BlockSpec((NC, BLK, F), lambda i: (0, i, 0)),
        out_shape=jax.ShapeDtypeStruct((NC, NPAD, F), jnp.float32),
    )(agg, W, b2d)


def _tc_final_body(a_ref, w3_ref, b3_ref, bat_ref, wo_ref, bo_ref,
                   o_ref, pool_ref, cnt_ref):
    i = pl.program_id(0)

    @pl.when(i == 0)
    def _init():
        pool_ref[...] = jnp.zeros_like(pool_ref)
        cnt_ref[...] = jnp.zeros_like(cnt_ref)

    z = jnp.concatenate([a_ref[0], a_ref[1]], axis=1)
    h3 = jnp.maximum(
        jnp.dot(z, w3_ref[...], preferred_element_type=jnp.float32) + b3_ref[...],
        0.0)
    bat = bat_ref[0]
    gids = lax.broadcasted_iota(jnp.int32, (G, BLK), 0)
    onehot = (gids == jnp.broadcast_to(bat, (G, BLK))).astype(jnp.float32)
    pool_ref[...] += jnp.dot(onehot, h3, preferred_element_type=jnp.float32)
    cnt_ref[...] += jnp.broadcast_to(jnp.sum(onehot, axis=1)[:, None], (G, D))

    @pl.when(i == pl.num_programs(0) - 1)
    def _finish():
        pooled = pool_ref[...] / jnp.maximum(cnt_ref[...], 1.0)
        o_ref[...] = (jnp.dot(pooled, wo_ref[...], preferred_element_type=jnp.float32)
                      + bo_ref[...])


def _tc_final(agg, W3, b3_2d, bat3, Wout, bout2d):
    return pl.pallas_call(
        _tc_final_body,
        grid=(NBLK,),
        in_specs=[
            pl.BlockSpec((NC, BLK, F), lambda i: (0, i, 0)),
            pl.BlockSpec((D, D), lambda i: (0, 0)),
            pl.BlockSpec((1, D), lambda i: (0, 0)),
            pl.BlockSpec((1, 1, BLK), lambda i: (i, 0, 0)),
            pl.BlockSpec((D, D), lambda i: (0, 0)),
            pl.BlockSpec((1, D), lambda i: (0, 0)),
        ],
        out_specs=pl.BlockSpec((G, D), lambda i: (0, 0)),
        out_shape=jax.ShapeDtypeStruct((G, D), jnp.float32),
        scratch_shapes=[
            pltpu.VMEM((G, D), jnp.float32),
            pltpu.VMEM((G, D), jnp.float32),
        ],
    )(agg, W3, b3_2d, bat3, Wout, bout2d)


def kernel(x, edge_index, batch, W1, b1, W2, b2, W3, b3, Wout, bout):
    src = edge_index[0]
    dst = edge_index[1]
    pad = EPAD - E
    src3 = jnp.concatenate([src, jnp.zeros((pad,), jnp.int32)]).reshape(NWORK, CPW, CHUNK)
    dst3 = jnp.concatenate([dst, jnp.full((pad,), N, jnp.int32)]).reshape(NWORK, CPW, CHUNK)
    bat3 = batch.reshape(NBLK, 1, BLK)
    b1r, b2r, b3r, boutr = (v.reshape(1, D) for v in (b1, b2, b3, bout))
    x2 = jnp.zeros((NC, NPAD, F), jnp.float32).at[:, :N].set(
        jnp.stack([x[:, :F], x[:, F:]]))

    agg = _sc_agg(x2, src3, dst3)
    h1 = _tc_layer(agg, W1, b1r)
    agg = _sc_agg(h1, src3, dst3)
    h2 = _tc_layer(agg, W2, b2r)
    agg = _sc_agg(h2, src3, dst3)
    return _tc_final(agg, W3, b3r, bat3, Wout, boutr)

# --- scband reference (transcript-rebuilt; emitter-appended) ---
"""Pipeline reference for scband-ginconv-v1-16020228014646 (READ-ONLY COPY).

The authoritative reference and input builder live on the scoring server;
editing this copy changes nothing except your own understanding.
"""

import jax, jax.numpy as jnp
import numpy as np

N_NODES = 10000
N_EDGES = 320000
D_IN = 128
D_HID = 128
D_OUT = 128
N_GRAPHS = 64


def setup_inputs(seed: int = 0) -> dict:
    key = jax.random.key(seed)
    ks = jax.random.split(key, 12)
    x = jax.random.normal(ks[0], (N_NODES, D_IN), dtype=jnp.float32)
    edge_index = jax.random.randint(ks[1], (2, N_EDGES), 0, N_NODES, dtype=jnp.int32)
    batch = jnp.sort(jax.random.randint(ks[2], (N_NODES,), 0, N_GRAPHS, dtype=jnp.int32))
    s_in = 1.0 / np.sqrt(D_IN)
    s_hid = 1.0 / np.sqrt(D_HID)
    W1 = jax.random.uniform(ks[3], (D_IN, D_HID), jnp.float32, -s_in, s_in)
    b1 = jax.random.uniform(ks[4], (D_HID,), jnp.float32, -s_in, s_in)
    W2 = jax.random.uniform(ks[5], (D_HID, D_HID), jnp.float32, -s_hid, s_hid)
    b2 = jax.random.uniform(ks[6], (D_HID,), jnp.float32, -s_hid, s_hid)
    W3 = jax.random.uniform(ks[7], (D_HID, D_HID), jnp.float32, -s_hid, s_hid)
    b3 = jax.random.uniform(ks[8], (D_HID,), jnp.float32, -s_hid, s_hid)
    Wout = jax.random.uniform(ks[9], (D_HID, D_OUT), jnp.float32, -s_hid, s_hid)
    bout = jax.random.uniform(ks[10], (D_OUT,), jnp.float32, -s_hid, s_hid)
    return {"x": x, "edge_index": edge_index, "batch": batch,
            "W1": W1, "b1": b1, "W2": W2, "b2": b2, "W3": W3, "b3": b3,
            "Wout": Wout, "bout": bout}


def _gin_layer(x, edge_index, W, b):
    # GIN aggregation (eps = 0): (1 + eps) * x + sum_{j in N(i)} x_j, then Linear
    src = edge_index[0]
    dst = edge_index[1]
    msgs = jnp.take(x, src, axis=0)                       # gather over edges
    agg = jax.ops.segment_sum(msgs, dst, num_segments=x.shape[0])  # scatter-add
    z = x + agg
    return z @ W + b


def reference(x, edge_index, batch, W1, b1, W2, b2, W3, b3, Wout, bout):
    # layer 1
    h = _gin_layer(x, edge_index, W1, b1)
    h = jax.nn.relu(h)  # act (dropout p=0.0, no norm)
    # layer 2
    h = _gin_layer(h, edge_index, W2, b2)
    h = jax.nn.relu(h)
    # layer 3
    h = _gin_layer(h, edge_index, W3, b3)
    h = jax.nn.relu(h)
    # global_mean_pool over graphs
    sums = jax.ops.segment_sum(h, batch, num_segments=N_GRAPHS)
    counts = jax.ops.segment_sum(jnp.ones((h.shape[0],), jnp.float32), batch, num_segments=N_GRAPHS)
    pooled = sums / jnp.clip(counts, 1.0, None)[:, None]
    # output linear
    out = pooled @ Wout + bout
    return out

if __name__ == "__main__":
    import jax
    _d = setup_inputs()
    print(jax.jit(kernel)(*tuple(_d.values())))

</pallas_src>

<mosaic_0001>
#map = affine_map<(d0, d1) -> (0, 0, 0)>
module attributes {stable_mosaic.version = 14 : i64} {
  func.func @_sc_agg_body(%arg0: i32, %arg1: i32, %arg2: memref<2x10112x64xf32, #tpu.memory_space<hbm>>, %arg3: memref<16x160x128xi32, #tpu.memory_space<hbm>>, %arg4: memref<16x160x128xi32, #tpu.memory_space<hbm>>, %arg5: memref<2x10112x64xf32, #tpu.memory_space<hbm>>, %arg6: memref<10112x64xf32, #tpu.memory_space<vmem_shared>>, %arg7: memref<10112x64xf32, #tpu.memory_space<vmem_shared>>, %arg8: memref<!tpu.dma_semaphore, #tpu.memory_space<semaphore_mem>>, %arg9: memref<!tpu.dma_semaphore, #tpu.memory_space<semaphore_mem>>, %arg10: memref<!tpu.dma_semaphore, #tpu.memory_space<semaphore_mem>>, %arg11: memref<!tpu.dma_semaphore, #tpu.memory_space<semaphore_mem>>, %arg12: memref<!tpu.dma_semaphore, #tpu.memory_space<semaphore_mem>>, %arg13: memref<!tpu.dma_semaphore, #tpu.memory_space<semaphore_mem>>) attributes {dimension_semantics = [#tpu.dimension_semantics<core_parallel>, #tpu.dimension_semantics<subcore_parallel>], iteration_bounds = array<i64: 2, 16>, scalar_prefetch = 0 : i64, scratch_operands = 8 : i64, tpu.core_type = #tpu.core_type<sc_vector_subcore>, window_params = [{transform_indices = #map}, {transform_indices = #map}, {transform_indices = #map}, {transform_indices = #map}]} {
    "tpu.region"() ({
      %run_scoped3A = memref.alloca() : memref<2x2x128x64xf32, #tpu.memory_space<vmem>>
      %run_scoped3A_0 = memref.alloca() : memref<2x2x128xi32, #tpu.memory_space<vmem>>
      %run_scoped3A_1 = memref.alloca() : memref<2x2x128xi32, #tpu.memory_space<vmem>>
      %run_scoped3A_2 = memref.alloca() : memref<256x64xf32, #tpu.memory_space<vmem>>
      %mul3A = arith.constant 632 : i32
      %mul3A_3 = arith.muli %arg1, %mul3A : i32
      %add3A = arith.constant 0 : i32
      %add3A_4 = arith.addi %mul3A_3, %add3A : i32
      "tpu.region"() ({
        %run_scoped3A_401 = tpu.sem_alloc : memref<!tpu.dma_semaphore, #tpu.memory_space<semaphore_mem>>
        %dma_start3A_402 = arith.constant 0 : i32
        %dma_start3A_403 = arith.constant 0 : i32
        %dma_start3A_404 = tpu.memref_slice %run_scoped3A_2[%dma_start3A_402, %dma_start3A_403] : memref<256x64xf32, #tpu.memory_space<vmem>> -> memref<256x64xf32, #tpu.memory_space<vmem>>
        %dma_start3A_405 = arith.constant 0 : i32
        %dma_start3A_406 = arith.constant 0 : i32
        %dma_start3A_407 = tpu.memref_slice %arg2[%arg0, %dma_start3A_405, %dma_start3A_406] : memref<2x10112x64xf32, #tpu.memory_space<hbm>> -> memref<1x10112x64xf32, #tpu.memory_space<hbm>>
        %dma_start3A_408 = tpu.memref_squeeze %dma_start3A_407 : memref<1x10112x64xf32, #tpu.memory_space<hbm>> -> memref<10112x64xf32, #tpu.memory_space<hbm>>
        %dma_start3A_409 = arith.constant 0 : i32
        %dma_start3A_410 = tpu.memref_slice %dma_start3A_408[%add3A_4, %dma_start3A_409] : memref<10112x64xf32, #tpu.memory_space<hbm>> -> memref<256x64xf32, #tpu.memory_space<hbm>>
        %dma_start3A_411 = arith.constant 0 : i32
        %dma_start3A_412 = arith.constant 0 : i32
        %dma_start3A_413 = tpu.memref_slice %run_scoped3A_2[%dma_start3A_411, %dma_start3A_412] : memref<256x64xf32, #tpu.memory_space<vmem>> -> memref<256x64xf32, #tpu.memory_space<vmem>>
        %dma_start3A_414 = arith.constant 0 : i32
        %dma_start3A_415 = arith.constant 0 : i32
        %dma_start3A_416 = tpu.memref_slice %arg2[%arg0, %dma_start3A_414, %dma_start3A_415] : memref<2x10112x64xf32, #tpu.memory_space<hbm>> -> memref<1x10112x64xf32, #tpu.memory_space<hbm>>
        %dma_start3A_417 = tpu.memref_squeeze %dma_start3A_416 : memref<1x10112x64xf32, #tpu.memory_space<hbm>> -> memref<10112x64xf32, #tpu.memory_space<hbm>>
        %dma_start3A_418 = arith.constant 0 : i32
        %dma_start3A_419 = tpu.memref_slice %dma_start3A_417[%add3A_4, %dma_start3A_418] : memref<10112x64xf32, #tpu.memory_space<hbm>> -> memref<256x64xf32, #tpu.memory_space<hbm>>
        tpu.enqueue_dma source(%dma_start3A_419 : memref<256x64xf32, #tpu.memory_space<hbm>>) target(%dma_start3A_413 : memref<256x64xf32, #tpu.memory_space<vmem>>) target_semaphore(%run_scoped3A_401 : memref<!tpu.dma_semaphore, #tpu.memory_space<semaphore_mem>>)
        %dma_wait3A_420 = arith.constant 0 : i32
        %dma_wait3A_421 = arith.constant 0 : i32
        %dma_wait3A_422 = tpu.memref_slice %run_scoped3A_2[%dma_wait3A_420, %dma_wait3A_421] : memref<256x64xf32, #tpu.memory_space<vmem>> -> memref<256x64xf32, #tpu.memory_space<vmem>>
        %dma_wait3A_423 = arith.constant 0 : i32
        %dma_wait3A_424 = arith.constant 0 : i32
        %dma_wait3A_425 = tpu.memref_slice %arg2[%arg0, %dma_wait3A_423, %dma_wait3A_424] : memref<2x10112x64xf32, #tpu.memory_space<hbm>> -> memref<1x10112x64xf32, #tpu.memory_space<hbm>>
        %dma_wait3A_426 = tpu.memref_squeeze %dma_wait3A_425 : memref<1x10112x64xf32, #tpu.memory_space<hbm>> -> memref<10112x64xf32, #tpu.memory_space<hbm>>
        %dma_wait3A_427 = arith.constant 0 : i32
        %dma_wait3A_428 = tpu.memref_slice %dma_wait3A_426[%add3A_4, %dma_wait3A_427] : memref<10112x64xf32, #tpu.memory_space<hbm>> -> memref<256x64xf32, #tpu.memory_space<hbm>>
        %dma_wait3A_429 = arith.constant 0 : i32
        %dma_wait3A_430 = arith.constant 0 : i32
        %dma_wait3A_431 = tpu.memref_slice %run_scoped3A_2[%dma_wait3A_429, %dma_wait3A_430] : memref<256x64xf32, #tpu.memory_space<vmem>> -> memref<256x64xf32, #tpu.memory_space<vmem>>
        %dma_wait3A_432 = arith.constant 0 : i32
        %dma_wait3A_433 = arith.constant 0 : i32
        %dma_wait3A_434 = tpu.memref_slice %arg2[%arg0, %dma_wait3A_432, %dma_wait3A_433] : memref<2x10112x64xf32, #tpu.memory_space<hbm>> -> memref<1x10112x64xf32, #tpu.memory_space<hbm>>
        %dma_wait3A_435 = tpu.memref_squeeze %dma_wait3A_434 : memref<1x10112x64xf32, #tpu.memory_space<hbm>> -> memref<10112x64xf32, #tpu.memory_space<hbm>>
        %dma_wait3A_436 = arith.constant 0 : i32
        %dma_wait3A_437 = tpu.memref_slice %dma_wait3A_435[%add3A_4, %dma_wait3A_436] : memref<10112x64xf32, #tpu.memory_space<hbm>> -> memref<256x64xf32, #tpu.memory_space<hbm>>
        tpu.wait_dma2 semaphore(%run_scoped3A_401 : memref<!tpu.dma_semaphore, #tpu.memory_space<semaphore_mem>>) src(%dma_wait3A_437 : memref<256x64xf32, #tpu.memory_space<hbm>>) dst(%dma_wait3A_431 : memref<256x64xf32, #tpu.memory_space<vmem>>)
        tpu.yield
      }) : () -> ()
      %dma_start3A = arith.constant 0 : i32
      %dma_start3A_5 = arith.constant 0 : i32
      %dma_start3A_6 = tpu.memref_slice %run_scoped3A_2[%dma_start3A, %dma_start3A_5] : memref<256x64xf32, #tpu.memory_space<vmem>> -> memref<256x64xf32, #tpu.memory_space<vmem>>
      %dma_start3A_7 = arith.constant 0 : i32
      %dma_start3A_8 = tpu.memref_slice %arg7[%add3A_4, %dma_start3A_7] : memref<10112x64xf32, #tpu.memory_space<vmem_shared>> -> memref<256x64xf32, #tpu.memory_space<vmem_shared>>
      %dma_start3A_9 = arith.constant 0 : i32
      %dma_start3A_10 = tpu.memref_slice %arg7[%add3A_4, %dma_start3A_9] : memref<10112x64xf32, #tpu.memory_space<vmem_shared>> -> memref<256x64xf32, #tpu.memory_space<vmem_shared>>
      %dma_start3A_11 = arith.constant 0 : i32
      %dma_start3A_12 = arith.constant 0 : i32
      %dma_start3A_13 = tpu.memref_slice %run_scoped3A_2[%dma_start3A_11, %dma_start3A_12] : memref<256x64xf32, #tpu.memory_space<vmem>> -> memref<256x64xf32, #tpu.memory_space<vmem>>
      tpu.enqueue_dma source(%dma_start3A_13 : memref<256x64xf32, #tpu.memory_space<vmem>>) target(%dma_start3A_10 : memref<256x64xf32, #tpu.memory_space<vmem_shared>>) target_semaphore(%arg8 : memref<!tpu.dma_semaphore, #tpu.memory_space<semaphore_mem>>)
      %dma_start3A_14 = arith.constant 0 : i32
      %dma_start3A_15 = arith.constant 0 : i32
      %dma_start3A_16 = tpu.memref_slice %run_scoped3A_2[%dma_start3A_14, %dma_start3A_15] : memref<256x64xf32, #tpu.memory_space<vmem>> -> memref<256x64xf32, #tpu.memory_space<vmem>>
      %dma_start3A_17 = arith.constant 0 : i32
      %dma_start3A_18 = tpu.memref_slice %arg6[%add3A_4, %dma_start3A_17] : memref<10112x64xf32, #tpu.memory_space<vmem_shared>> -> memref<256x64xf32, #tpu.memory_space<vmem_shared>>
      %dma_start3A_19 = arith.constant 0 : i32
      %dma_start3A_20 = tpu.memref_slice %arg6[%add3A_4, %dma_start3A_19] : memref<10112x64xf32, #tpu.memory_space<vmem_shared>> -> memref<256x64xf32, #tpu.memory_space<vmem_shared>>
      %dma_start3A_21 = arith.constant 0 : i32
      %dma_start3A_22 = arith.constant 0 : i32
      %dma_start3A_23 = tpu.memref_slice %run_scoped3A_2[%dma_start3A_21, %dma_start3A_22] : memref<256x64xf32, #tpu.memory_space<vmem>> -> memref<256x64xf32, #tpu.memory_space<vmem>>
      tpu.enqueue_dma source(%dma_start3A_23 : memref<256x64xf32, #tpu.memory_space<vmem>>) target(%dma_start3A_20 : memref<256x64xf32, #tpu.memory_space<vmem_shared>>) target_semaphore(%arg10 : memref<!tpu.dma_semaphore, #tpu.memory_space<semaphore_mem>>)
      %dma_wait3A = arith.constant 0 : i32
      %dma_wait3A_24 = arith.constant 0 : i32
      %dma_wait3A_25 = tpu.memref_slice %run_scoped3A_2[%dma_wait3A, %dma_wait3A_24] : memref<256x64xf32, #tpu.memory_space<vmem>> -> memref<256x64xf32, #tpu.memory_space<vmem>>
      %dma_wait3A_26 = arith.constant 0 : i32
      %dma_wait3A_27 = tpu.memref_slice %arg7[%add3A_4, %dma_wait3A_26] : memref<10112x64xf32, #tpu.memory_space<vmem_shared>> -> memref<256x64xf32, #tpu.memory_space<vmem_shared>>
      %dma_wait3A_28 = arith.constant 0 : i32
      %dma_wait3A_29 = tpu.memref_slice %arg7[%add3A_4, %dma_wait3A_28] : memref<10112x64xf32, #tpu.memory_space<vmem_shared>> -> memref<256x64xf32, #tpu.memory_space<vmem_shared>>
      %dma_wait3A_30 = arith.constant 0 : i32
      %dma_wait3A_31 = arith.constant 0 : i32
      %dma_wait3A_32 = tpu.memref_slice %run_scoped3A_2[%dma_wait3A_30, %dma_wait3A_31] : memref<256x64xf32, #tpu.memory_space<vmem>> -> memref<256x64xf32, #tpu.memory_space<vmem>>
      tpu.wait_dma2 semaphore(%arg8 : memref<!tpu.dma_semaphore, #tpu.memory_space<semaphore_mem>>) src(%dma_wait3A_32 : memref<256x64xf32, #tpu.memory_space<vmem>>) dst(%dma_wait3A_29 : memref<256x64xf32, #tpu.memory_space<vmem_shared>>)
      %dma_wait3A_33 = arith.constant 0 : i32
      %dma_wait3A_34 = arith.constant 0 : i32
      %dma_wait3A_35 = tpu.memref_slice %run_scoped3A_2[%dma_wait3A_33, %dma_wait3A_34] : memref<256x64xf32, #tpu.memory_space<vmem>> -> memref<256x64xf32, #tpu.memory_space<vmem>>
      %dma_wait3A_36 = arith.constant 0 : i32
      %dma_wait3A_37 = tpu.memref_slice %arg6[%add3A_4, %dma_wait3A_36] : memref<10112x64xf32, #tpu.memory_space<vmem_shared>> -> memref<256x64xf32, #tpu.memory_space<vmem_shared>>
      %dma_wait3A_38 = arith.constant 0 : i32
      %dma_wait3A_39 = tpu.memref_slice %arg6[%add3A_4, %dma_wait3A_38] : memref<10112x64xf32, #tpu.memory_space<vmem_shared>> -> memref<256x64xf32, #tpu.memory_space<vmem_shared>>
      %dma_wait3A_40 = arith.constant 0 : i32
      %dma_wait3A_41 = arith.constant 0 : i32
      %dma_wait3A_42 = tpu.memref_slice %run_scoped3A_2[%dma_wait3A_40, %dma_wait3A_41] : memref<256x64xf32, #tpu.memory_space<vmem>> -> memref<256x64xf32, #tpu.memory_space<vmem>>
      tpu.wait_dma2 semaphore(%arg10 : memref<!tpu.dma_semaphore, #tpu.memory_space<semaphore_mem>>) src(%dma_wait3A_42 : memref<256x64xf32, #tpu.memory_space<vmem>>) dst(%dma_wait3A_39 : memref<256x64xf32, #tpu.memory_space<vmem_shared>>)
      %mul3A_43 = arith.constant 632 : i32
      %mul3A_44 = arith.muli %arg1, %mul3A_43 : i32
      %add3A_45 = arith.constant 256 : i32
      %add3A_46 = arith.addi %mul3A_44, %add3A_45 : i32
      "tpu.region"() ({
        %run_scoped3A_401 = tpu.sem_alloc : memref<!tpu.dma_semaphore, #tpu.memory_space<semaphore_mem>>
        %dma_start3A_402 = arith.constant 0 : i32
        %dma_start3A_403 = arith.constant 0 : i32
        %dma_start3A_404 = tpu.memref_slice %run_scoped3A_2[%dma_start3A_402, %dma_start3A_403] : memref<256x64xf32, #tpu.memory_space<vmem>> -> memref<256x64xf32, #tpu.memory_space<vmem>>
        %dma_start3A_405 = arith.constant 0 : i32
        %dma_start3A_406 = arith.constant 0 : i32
        %dma_start3A_407 = tpu.memref_slice %arg2[%arg0, %dma_start3A_405, %dma_start3A_406] : memref<2x10112x64xf32, #tpu.memory_space<hbm>> -> memref<1x10112x64xf32, #tpu.memory_space<hbm>>
        %dma_start3A_408 = tpu.memref_squeeze %dma_start3A_407 : memref<1x10112x64xf32, #tpu.memory_space<hbm>> -> memref<10112x64xf32, #tpu.memory_space<hbm>>
        %dma_start3A_409 = arith.constant 0 : i32
        %dma_start3A_410 = tpu.memref_slice %dma_start3A_408[%add3A_46, %dma_start3A_409] : memref<10112x64xf32, #tpu.memory_space<hbm>> -> memref<256x64xf32, #tpu.memory_space<hbm>>
        %dma_start3A_411 = arith.constant 0 : i32
        %dma_start3A_412 = arith.constant 0 : i32
        %dma_start3A_413 = tpu.memref_slice %run_scoped3A_2[%dma_start3A_411, %dma_start3A_412] : memref<256x64xf32, #tpu.memory_space<vmem>> -> memref<256x64xf32, #tpu.memory_space<vmem>>
        %dma_start3A_414 = arith.constant 0 : i32
        %dma_start3A_415 = arith.constant 0 : i32
        %dma_start3A_416 = tpu.memref_slice %arg2[%arg0, %dma_start3A_414, %dma_start3A_415] : memref<2x10112x64xf32, #tpu.memory_space<hbm>> -> memref<1x10112x64xf32, #tpu.memory_space<hbm>>
        %dma_start3A_417 = tpu.memref_squeeze %dma_start3A_416 : memref<1x10112x64xf32, #tpu.memory_space<hbm>> -> memref<10112x64xf32, #tpu.memory_space<hbm>>
        %dma_start3A_418 = arith.constant 0 : i32
        %dma_start3A_419 = tpu.memref_slice %dma_start3A_417[%add3A_46, %dma_start3A_418] : memref<10112x64xf32, #tpu.memory_space<hbm>> -> memref<256x64xf32, #tpu.memory_space<hbm>>
        tpu.enqueue_dma source(%dma_start3A_419 : memref<256x64xf32, #tpu.memory_space<hbm>>) target(%dma_start3A_413 : memref<256x64xf32, #tpu.memory_space<vmem>>) target_semaphore(%run_scoped3A_401 : memref<!tpu.dma_semaphore, #tpu.memory_space<semaphore_mem>>)
        %dma_wait3A_420 = arith.constant 0 : i32
        %dma_wait3A_421 = arith.constant 0 : i32
        %dma_wait3A_422 = tpu.memref_slice %run_scoped3A_2[%dma_wait3A_420, %dma_wait3A_421] : memref<256x64xf32, #tpu.memory_space<vmem>> -> memref<256x64xf32, #tpu.memory_space<vmem>>
        %dma_wait3A_423 = arith.constant 0 : i32
        %dma_wait3A_424 = arith.constant 0 : i32
        %dma_wait3A_425 = tpu.memref_slice %arg2[%arg0, %dma_wait3A_423, %dma_wait3A_424] : memref<2x10112x64xf32, #tpu.memory_space<hbm>> -> memref<1x10112x64xf32, #tpu.memory_space<hbm>>
        %dma_wait3A_426 = tpu.memref_squeeze %dma_wait3A_425 : memref<1x10112x64xf32, #tpu.memory_space<hbm>> -> memref<10112x64xf32, #tpu.memory_space<hbm>>
        %dma_wait3A_427 = arith.constant 0 : i32
        %dma_wait3A_428 = tpu.memref_slice %dma_wait3A_426[%add3A_46, %dma_wait3A_427] : memref<10112x64xf32, #tpu.memory_space<hbm>> -> memref<256x64xf32, #tpu.memory_space<hbm>>
        %dma_wait3A_429 = arith.constant 0 : i32
        %dma_wait3A_430 = arith.constant 0 : i32
        %dma_wait3A_431 = tpu.memref_slice %run_scoped3A_2[%dma_wait3A_429, %dma_wait3A_430] : memref<256x64xf32, #tpu.memory_space<vmem>> -> memref<256x64xf32, #tpu.memory_space<vmem>>
        %dma_wait3A_432 = arith.constant 0 : i32
        %dma_wait3A_433 = arith.constant 0 : i32
        %dma_wait3A_434 = tpu.memref_slice %arg2[%arg0, %dma_wait3A_432, %dma_wait3A_433] : memref<2x10112x64xf32, #tpu.memory_space<hbm>> -> memref<1x10112x64xf32, #tpu.memory_space<hbm>>
        %dma_wait3A_435 = tpu.memref_squeeze %dma_wait3A_434 : memref<1x10112x64xf32, #tpu.memory_space<hbm>> -> memref<10112x64xf32, #tpu.memory_space<hbm>>
        %dma_wait3A_436 = arith.constant 0 : i32
        %dma_wait3A_437 = tpu.memref_slice %dma_wait3A_435[%add3A_46, %dma_wait3A_436] : memref<10112x64xf32, #tpu.memory_space<hbm>> -> memref<256x64xf32, #tpu.memory_space<hbm>>
        tpu.wait_dma2 semaphore(%run_scoped3A_401 : memref<!tpu.dma_semaphore, #tpu.memory_space<semaphore_mem>>) src(%dma_wait3A_437 : memref<256x64xf32, #tpu.memory_space<hbm>>) dst(%dma_wait3A_431 : memref<256x64xf32, #tpu.memory_space<vmem>>)
        tpu.yield
      }) : () -> ()
      %dma_start3A_47 = arith.constant 0 : i32
      %dma_start3A_48 = arith.constant 0 : i32
      %dma_start3A_49 = tpu.memref_slice %run_scoped3A_2[%dma_start3A_47, %dma_start3A_48] : memref<256x64xf32, #tpu.memory_space<vmem>> -> memref<256x64xf32, #tpu.memory_space<vmem>>
      %dma_start3A_50 = arith.constant 0 : i32
      %dma_start3A_51 = tpu.memref_slice %arg7[%add3A_46, %dma_start3A_50] : memref<10112x64xf32, #tpu.memory_space<vmem_shared>> -> memref<256x64xf32, #tpu.memory_space<vmem_shared>>
      %dma_start3A_52 = arith.constant 0 : i32
      %dma_start3A_53 = tpu.memref_slice %arg7[%add3A_46, %dma_start3A_52] : memref<10112x64xf32, #tpu.memory_space<vmem_shared>> -> memref<256x64xf32, #tpu.memory_space<vmem_shared>>
      %dma_start3A_54 = arith.constant 0 : i32
      %dma_start3A_55 = arith.constant 0 : i32
      %dma_start3A_56 = tpu.memref_slice %run_scoped3A_2[%dma_start3A_54, %dma_start3A_55] : memref<256x64xf32, #tpu.memory_space<vmem>> -> memref<256x64xf32, #tpu.memory_space<vmem>>
      tpu.enqueue_dma source(%dma_start3A_56 : memref<256x64xf32, #tpu.memory_space<vmem>>) target(%dma_start3A_53 : memref<256x64xf32, #tpu.memory_space<vmem_shared>>) target_semaphore(%arg8 : memref<!tpu.dma_semaphore, #tpu.memory_space<semaphore_mem>>)
      %dma_start3A_57 = arith.constant 0 : i32
      %dma_start3A_58 = arith.constant 0 : i32
      %dma_start3A_59 = tpu.memref_slice %run_scoped3A_2[%dma_start3A_57, %dma_start3A_58] : memref<256x64xf32, #tpu.memory_space<vmem>> -> memref<256x64xf32, #tpu.memory_space<vmem>>
      %dma_start3A_60 = arith.constant 0 : i32
      %dma_start3A_61 = tpu.memref_slice %arg6[%add3A_46, %dma_start3A_60] : memref<10112x64xf32, #tpu.memory_space<vmem_shared>> -> memref<256x64xf32, #tpu.memory_space<vmem_shared>>
      %dma_start3A_62 = arith.constant 0 : i32
      %dma_start3A_63 = tpu.memref_slice %arg6[%add3A_46, %dma_start3A_62] : memref<10112x64xf32, #tpu.memory_space<vmem_shared>> -> memref<256x64xf32, #tpu.memory_space<vmem_shared>>
      %dma_start3A_64 = arith.constant 0 : i32
      %dma_start3A_65 = arith.constant 0 : i32
      %dma_start3A_66 = tpu.memref_slice %run_scoped3A_2[%dma_start3A_64, %dma_start3A_65] : memref<256x64xf32, #tpu.memory_space<vmem>> -> memref<256x64xf32, #tpu.memory_space<vmem>>
      tpu.enqueue_dma source(%dma_start3A_66 : memref<256x64xf32, #tpu.memory_space<vmem>>) target(%dma_start3A_63 : memref<256x64xf32, #tpu.memory_space<vmem_shared>>) target_semaphore(%arg10 : memref<!tpu.dma_semaphore, #tpu.memory_space<semaphore_mem>>)
      %dma_wait3A_67 = arith.constant 0 : i32
      %dma_wait3A_68 = arith.constant 0 : i32
      %dma_wait3A_69 = tpu.memref_slice %run_scoped3A_2[%dma_wait3A_67, %dma_wait3A_68] : memref<256x64xf32, #tpu.memory_space<vmem>> -> memref<256x64xf32, #tpu.memory_space<vmem>>
      %dma_wait3A_70 = arith.constant 0 : i32
      %dma_wait3A_71 = tpu.memref_slice %arg7[%add3A_46, %dma_wait3A_70] : memref<10112x64xf32, #tpu.memory_space<vmem_shared>> -> memref<256x64xf32, #tpu.memory_space<vmem_shared>>
      %dma_wait3A_72 = arith.constant 0 : i32
      %dma_wait3A_73 = tpu.memref_slice %arg7[%add3A_46, %dma_wait3A_72] : memref<10112x64xf32, #tpu.memory_space<vmem_shared>> -> memref<256x64xf32, #tpu.memory_space<vmem_shared>>
      %dma_wait3A_74 = arith.constant 0 : i32
      %dma_wait3A_75 = arith.constant 0 : i32
      %dma_wait3A_76 = tpu.memref_slice %run_scoped3A_2[%dma_wait3A_74, %dma_wait3A_75] : memref<256x64xf32, #tpu.memory_space<vmem>> -> memref<256x64xf32, #tpu.memory_space<vmem>>
      tpu.wait_dma2 semaphore(%arg8 : memref<!tpu.dma_semaphore, #tpu.memory_space<semaphore_mem>>) src(%dma_wait3A_76 : memref<256x64xf32, #tpu.memory_space<vmem>>) dst(%dma_wait3A_73 : memref<256x64xf32, #tpu.memory_space<vmem_shared>>)
      %dma_wait3A_77 = arith.constant 0 : i32
      %dma_wait3A_78 = arith.constant 0 : i32
      %dma_wait3A_79 = tpu.memref_slice %run_scoped3A_2[%dma_wait3A_77, %dma_wait3A_78] : memref<256x64xf32, #tpu.memory_space<vmem>> -> memref<256x64xf32, #tpu.memory_space<vmem>>
      %dma_wait3A_80 = arith.constant 0 : i32
      %dma_wait3A_81 = tpu.memref_slice %arg6[%add3A_46, %dma_wait3A_80] : memref<10112x64xf32, #tpu.memory_space<vmem_shared>> -> memref<256x64xf32, #tpu.memory_space<vmem_shared>>
      %dma_wait3A_82 = arith.constant 0 : i32
      %dma_wait3A_83 = tpu.memref_slice %arg6[%add3A_46, %dma_wait3A_82] : memref<10112x64xf32, #tpu.memory_space<vmem_shared>> -> memref<256x64xf32, #tpu.memory_space<vmem_shared>>
      %dma_wait3A_84 = arith.constant 0 : i32
      %dma_wait3A_85 = arith.constant 0 : i32
      %dma_wait3A_86 = tpu.memref_slice %run_scoped3A_2[%dma_wait3A_84, %dma_wait3A_85] : memref<256x64xf32, #tpu.memory_space<vmem>> -> memref<256x64xf32, #tpu.memory_space<vmem>>
      tpu.wait_dma2 semaphore(%arg10 : memref<!tpu.dma_semaphore, #tpu.memory_space<semaphore_mem>>) src(%dma_wait3A_86 : memref<256x64xf32, #tpu.memory_space<vmem>>) dst(%dma_wait3A_83 : memref<256x64xf32, #tpu.memory_space<vmem_shared>>)
      %mul3A_87 = arith.constant 632 : i32
      %mul3A_88 = arith.muli %arg1, %mul3A_87 : i32
      %add3A_89 = arith.constant 512 : i32
      %add3A_90 = arith.addi %mul3A_88, %add3A_89 : i32
      "tpu.region"() ({
        %run_scoped3A_401 = tpu.sem_alloc : memref<!tpu.dma_semaphore, #tpu.memory_space<semaphore_mem>>
        %dma_start3A_402 = arith.constant 0 : i32
        %dma_start3A_403 = arith.constant 0 : i32
        %dma_start3A_404 = tpu.memref_slice %run_scoped3A_2[%dma_start3A_402, %dma_start3A_403] : memref<256x64xf32, #tpu.memory_space<vmem>> -> memref<120x64xf32, #tpu.memory_space<vmem>>
        %dma_start3A_405 = arith.constant 0 : i32
        %dma_start3A_406 = arith.constant 0 : i32
        %dma_start3A_407 = tpu.memref_slice %arg2[%arg0, %dma_start3A_405, %dma_start3A_406] : memref<2x10112x64xf32, #tpu.memory_space<hbm>> -> memref<1x10112x64xf32, #tpu.memory_space<hbm>>
        %dma_start3A_408 = tpu.memref_squeeze %dma_start3A_407 : memref<1x10112x64xf32, #tpu.memory_space<hbm>> -> memref<10112x64xf32, #tpu.memory_space<hbm>>
        %dma_start3A_409 = arith.constant 0 : i32
        %dma_start3A_410 = tpu.memref_slice %dma_start3A_408[%add3A_90, %dma_start3A_409] : memref<10112x64xf32, #tpu.memory_space<hbm>> -> memref<120x64xf32, #tpu.memory_space<hbm>>
        %dma_start3A_411 = arith.constant 0 : i32
        %dma_start3A_412 = arith.constant 0 : i32
        %dma_start3A_413 = tpu.memref_slice %run_scoped3A_2[%dma_start3A_411, %dma_start3A_412] : memref<256x64xf32, #tpu.memory_space<vmem>> -> memref<120x64xf32, #tpu.memory_space<vmem>>
        %dma_start3A_414 = arith.constant 0 : i32
        %dma_start3A_415 = arith.constant 0 : i32
        %dma_start3A_416 = tpu.memref_slice %arg2[%arg0, %dma_start3A_414, %dma_start3A_415] : memref<2x10112x64xf32, #tpu.memory_space<hbm>> -> memref<1x10112x64xf32, #tpu.memory_space<hbm>>
        %dma_start3A_417 = tpu.memref_squeeze %dma_start3A_416 : memref<1x10112x64xf32, #tpu.memory_space<hbm>> -> memref<10112x64xf32, #tpu.memory_space<hbm>>
        %dma_start3A_418 = arith.constant 0 : i32
        %dma_start3A_419 = tpu.memref_slice %dma_start3A_417[%add3A_90, %dma_start3A_418] : memref<10112x64xf32, #tpu.memory_space<hbm>> -> memref<120x64xf32, #tpu.memory_space<hbm>>
        tpu.enqueue_dma source(%dma_start3A_419 : memref<120x64xf32, #tpu.memory_space<hbm>>) target(%dma_start3A_413 : memref<120x64xf32, #tpu.memory_space<vmem>>) target_semaphore(%run_scoped3A_401 : memref<!tpu.dma_semaphore, #tpu.memory_space<semaphore_mem>>)
        %dma_wait3A_420 = arith.constant 0 : i32
        %dma_wait3A_421 = arith.constant 0 : i32
        %dma_wait3A_422 = tpu.memref_slice %run_scoped3A_2[%dma_wait3A_420, %dma_wait3A_421] : memref<256x64xf32, #tpu.memory_space<vmem>> -> memref<120x64xf32, #tpu.memory_space<vmem>>
        %dma_wait3A_423 = arith.constant 0 : i32
        %dma_wait3A_424 = arith.constant 0 : i32
        %dma_wait3A_425 = tpu.memref_slice %arg2[%arg0, %dma_wait3A_423, %dma_wait3A_424] : memref<2x10112x64xf32, #tpu.memory_space<hbm>> -> memref<1x10112x64xf32, #tpu.memory_space<hbm>>
        %dma_wait3A_426 = tpu.memref_squeeze %dma_wait3A_425 : memref<1x10112x64xf32, #tpu.memory_space<hbm>> -> memref<10112x64xf32, #tpu.memory_space<hbm>>
        %dma_wait3A_427 = arith.constant 0 : i32
        %dma_wait3A_428 = tpu.memref_slice %dma_wait3A_426[%add3A_90, %dma_wait3A_427] : memref<10112x64xf32, #tpu.memory_space<hbm>> -> memref<120x64xf32, #tpu.memory_space<hbm>>
        %dma_wait3A_429 = arith.constant 0 : i32
        %dma_wait3A_430 = arith.constant 0 : i32
        %dma_wait3A_431 = tpu.memref_slice %run_scoped3A_2[%dma_wait3A_429, %dma_wait3A_430] : memref<256x64xf32, #tpu.memory_space<vmem>> -> memref<120x64xf32, #tpu.memory_space<vmem>>
        %dma_wait3A_432 = arith.constant 0 : i32
        %dma_wait3A_433 = arith.constant 0 : i32
        %dma_wait3A_434 = tpu.memref_slice %arg2[%arg0, %dma_wait3A_432, %dma_wait3A_433] : memref<2x10112x64xf32, #tpu.memory_space<hbm>> -> memref<1x10112x64xf32, #tpu.memory_space<hbm>>
        %dma_wait3A_435 = tpu.memref_squeeze %dma_wait3A_434 : memref<1x10112x64xf32, #tpu.memory_space<hbm>> -> memref<10112x64xf32, #tpu.memory_space<hbm>>
        %dma_wait3A_436 = arith.constant 0 : i32
        %dma_wait3A_437 = tpu.memref_slice %dma_wait3A_435[%add3A_90, %dma_wait3A_436] : memref<10112x64xf32, #tpu.memory_space<hbm>> -> memref<120x64xf32, #tpu.memory_space<hbm>>
        tpu.wait_dma2 semaphore(%run_scoped3A_401 : memref<!tpu.dma_semaphore, #tpu.memory_space<semaphore_mem>>) src(%dma_wait3A_437 : memref<120x64xf32, #tpu.memory_space<hbm>>) dst(%dma_wait3A_431 : memref<120x64xf32, #tpu.memory_space<vmem>>)
        tpu.yield
      }) : () -> ()
      %dma_start3A_91 = arith.constant 0 : i32
      %dma_start3A_92 = arith.constant 0 : i32
      %dma_start3A_93 = tpu.memref_slice %run_scoped3A_2[%dma_start3A_91, %dma_start3A_92] : memref<256x64xf32, #tpu.memory_space<vmem>> -> memref<120x64xf32, #tpu.memory_space<vmem>>
      %dma_start3A_94 = arith.constant 0 : i32
      %dma_start3A_95 = tpu.memref_slice %arg7[%add3A_90, %dma_start3A_94] : memref<10112x64xf32, #tpu.memory_space<vmem_shared>> -> memref<120x64xf32, #tpu.memory_space<vmem_shared>>
      %dma_start3A_96 = arith.constant 0 : i32
      %dma_start3A_97 = tpu.memref_slice %arg7[%add3A_90, %dma_start3A_96] : memref<10112x64xf32, #tpu.memory_space<vmem_shared>> -> memref<120x64xf32, #tpu.memory_space<vmem_shared>>
      %dma_start3A_98 = arith.constant 0 : i32
      %dma_start3A_99 = arith.constant 0 : i32
      %dma_start3A_100 = tpu.memref_slice %run_scoped3A_2[%dma_start3A_98, %dma_start3A_99] : memref<256x64xf32, #tpu.memory_space<vmem>> -> memref<120x64xf32, #tpu.memory_space<vmem>>
      tpu.enqueue_dma source(%dma_start3A_100 : memref<120x64xf32, #tpu.memory_space<vmem>>) target(%dma_start3A_97 : memref<120x64xf32, #tpu.memory_space<vmem_shared>>) target_semaphore(%arg8 : memref<!tpu.dma_semaphore, #tpu.memory_space<semaphore_mem>>)
      %dma_start3A_101 = arith.constant 0 : i32
      %dma_start3A_102 = arith.constant 0 : i32
      %dma_start3A_103 = tpu.memref_slice %run_scoped3A_2[%dma_start3A_101, %dma_start3A_102] : memref<256x64xf32, #tpu.memory_space<vmem>> -> memref<120x64xf32, #tpu.memory_space<vmem>>
      %dma_start3A_104 = arith.constant 0 : i32
      %dma_start3A_105 = tpu.memref_slice %arg6[%add3A_90, %dma_start3A_104] : memref<10112x64xf32, #tpu.memory_space<vmem_shared>> -> memref<120x64xf32, #tpu.memory_space<vmem_shared>>
      %dma_start3A_106 = arith.constant 0 : i32
      %dma_start3A_107 = tpu.memref_slice %arg6[%add3A_90, %dma_start3A_106] : memref<10112x64xf32, #tpu.memory_space<vmem_shared>> -> memref<120x64xf32, #tpu.memory_space<vmem_shared>>
      %dma_start3A_108 = arith.constant 0 : i32
      %dma_start3A_109 = arith.constant 0 : i32
      %dma_start3A_110 = tpu.memref_slice %run_scoped3A_2[%dma_start3A_108, %dma_start3A_109] : memref<256x64xf32, #tpu.memory_space<vmem>> -> memref<120x64xf32, #tpu.memory_space<vmem>>
      tpu.enqueue_dma source(%dma_start3A_110 : memref<120x64xf32, #tpu.memory_space<vmem>>) target(%dma_start3A_107 : memref<120x64xf32, #tpu.memory_space<vmem_shared>>) target_semaphore(%arg10 : memref<!tpu.dma_semaphore, #tpu.memory_space<semaphore_mem>>)
      %dma_wait3A_111 = arith.constant 0 : i32
      %dma_wait3A_112 = arith.constant 0 : i32
      %dma_wait3A_113 = tpu.memref_slice %run_scoped3A_2[%dma_wait3A_111, %dma_wait3A_112] : memref<256x64xf32, #tpu.memory_space<vmem>> -> memref<120x64xf32, #tpu.memory_space<vmem>>
      %dma_wait3A_114 = arith.constant 0 : i32
      %dma_wait3A_115 = tpu.memref_slice %arg7[%add3A_90, %dma_wait3A_114] : memref<10112x64xf32, #tpu.memory_space<vmem_shared>> -> memref<120x64xf32, #tpu.memory_space<vmem_shared>>
      %dma_wait3A_116 = arith.constant 0 : i32
      %dma_wait3A_117 = tpu.memref_slice %arg7[%add3A_90, %dma_wait3A_116] : memref<10112x64xf32, #tpu.memory_space<vmem_shared>> -> memref<120x64xf32, #tpu.memory_space<vmem_shared>>
      %dma_wait3A_118 = arith.constant 0 : i32
      %dma_wait3A_119 = arith.constant 0 : i32
      %dma_wait3A_120 = tpu.memref_slice %run_scoped3A_2[%dma_wait3A_118, %dma_wait3A_119] : memref<256x64xf32, #tpu.memory_space<vmem>> -> memref<120x64xf32, #tpu.memory_space<vmem>>
      tpu.wait_dma2 semaphore(%arg8 : memref<!tpu.dma_semaphore, #tpu.memory_space<semaphore_mem>>) src(%dma_wait3A_120 : memref<120x64xf32, #tpu.memory_space<vmem>>) dst(%dma_wait3A_117 : memref<120x64xf32, #tpu.memory_space<vmem_shared>>)
      %dma_wait3A_121 = arith.constant 0 : i32
      %dma_wait3A_122 = arith.constant 0 : i32
      %dma_wait3A_123 = tpu.memref_slice %run_scoped3A_2[%dma_wait3A_121, %dma_wait3A_122] : memref<256x64xf32, #tpu.memory_space<vmem>> -> memref<120x64xf32, #tpu.memory_space<vmem>>
      %dma_wait3A_124 = arith.constant 0 : i32
      %dma_wait3A_125 = tpu.memref_slice %arg6[%add3A_90, %dma_wait3A_124] : memref<10112x64xf32, #tpu.memory_space<vmem_shared>> -> memref<120x64xf32, #tpu.memory_space<vmem_shared>>
      %dma_wait3A_126 = arith.constant 0 : i32
      %dma_wait3A_127 = tpu.memref_slice %arg6[%add3A_90, %dma_wait3A_126] : memref<10112x64xf32, #tpu.memory_space<vmem_shared>> -> memref<120x64xf32, #tpu.memory_space<vmem_shared>>
      %dma_wait3A_128 = arith.constant 0 : i32
      %dma_wait3A_129 = arith.constant 0 : i32
      %dma_wait3A_130 = tpu.memref_slice %run_scoped3A_2[%dma_wait3A_128, %dma_wait3A_129] : memref<256x64xf32, #tpu.memory_space<vmem>> -> memref<120x64xf32, #tpu.memory_space<vmem>>
      tpu.wait_dma2 semaphore(%arg10 : memref<!tpu.dma_semaphore, #tpu.memory_space<semaphore_mem>>) src(%dma_wait3A_130 : memref<120x64xf32, #tpu.memory_space<vmem>>) dst(%dma_wait3A_127 : memref<120x64xf32, #tpu.memory_space<vmem_shared>>)
      %barrier3A = arith.constant 0 : index
      tpu.barrier barrier_id(%barrier3A)
      %dma_start3A_131 = arith.constant 0 : i32
      %dma_start3A_132 = arith.constant 0 : i32
      %dma_start3A_133 = arith.constant 0 : i32
      %dma_start3A_134 = tpu.memref_slice %run_scoped3A_0[%dma_start3A_131, %dma_start3A_132, %dma_start3A_133] : memref<2x2x128xi32, #tpu.memory_space<vmem>> -> memref<1x2x128xi32, #tpu.memory_space<vmem>>
      %dma_start3A_135 = tpu.memref_squeeze %dma_start3A_134 : memref<1x2x128xi32, #tpu.memory_space<vmem>> -> memref<2x128xi32, #tpu.memory_space<vmem>>
      %dma_start3A_136 = arith.constant 0 : i32
      %dma_start3A_137 = arith.constant 0 : i32
      %dma_start3A_138 = tpu.memref_slice %arg3[%arg1, %dma_start3A_136, %dma_start3A_137] : memref<16x160x128xi32, #tpu.memory_space<hbm>> -> memref<1x2x128xi32, #tpu.memory_space<hbm>>
      %dma_start3A_139 = tpu.memref_squeeze %dma_start3A_138 : memref<1x2x128xi32, #tpu.memory_space<hbm>> -> memref<2x128xi32, #tpu.memory_space<hbm>>
      %dma_start3A_140 = arith.constant 0 : i32
      %dma_start3A_141 = arith.constant 0 : i32
      %dma_start3A_142 = tpu.memref_slice %run_scoped3A_0[%dma_start3A_131, %dma_start3A_140, %dma_start3A_141] : memref<2x2x128xi32, #tpu.memory_space<vmem>> -> memref<1x2x128xi32, #tpu.memory_space<vmem>>
      %dma_start3A_143 = tpu.memref_squeeze %dma_start3A_142 : memref<1x2x128xi32, #tpu.memory_space<vmem>> -> memref<2x128xi32, #tpu.memory_space<vmem>>
      %dma_start3A_144 = arith.constant 0 : i32
      %dma_start3A_145 = arith.constant 0 : i32
      %dma_start3A_146 = tpu.memref_slice %arg3[%arg1, %dma_start3A_144, %dma_start3A_145] : memref<16x160x128xi32, #tpu.memory_space<hbm>> -> memref<1x2x128xi32, #tpu.memory_space<hbm>>
      %dma_start3A_147 = tpu.memref_squeeze %dma_start3A_146 : memref<1x2x128xi32, #tpu.memory_space<hbm>> -> memref<2x128xi32, #tpu.memory_space<hbm>>
      tpu.enqueue_dma source(%dma_start3A_147 : memref<2x128xi32, #tpu.memory_space<hbm>>) target(%dma_start3A_143 : memref<2x128xi32, #tpu.memory_space<vmem>>) target_semaphore(%arg12 : memref<!tpu.dma_semaphore, #tpu.memory_space<semaphore_mem>>)
      %dma_wait3A_148 = arith.constant 0 : i32
      %dma_wait3A_149 = arith.constant 0 : i32
      %dma_wait3A_150 = arith.constant 0 : i32
      %dma_wait3A_151 = tpu.memref_slice %run_scoped3A_0[%dma_wait3A_148, %dma_wait3A_149, %dma_wait3A_150] : memref<2x2x128xi32, #tpu.memory_space<vmem>> -> memref<1x2x128xi32, #tpu.memory_space<vmem>>
      %dma_wait3A_152 = tpu.memref_squeeze %dma_wait3A_151 : memref<1x2x128xi32, #tpu.memory_space<vmem>> -> memref<2x128xi32, #tpu.memory_space<vmem>>
      %dma_wait3A_153 = arith.constant 0 : i32
      %dma_wait3A_154 = arith.constant 0 : i32
      %dma_wait3A_155 = tpu.memref_slice %arg3[%arg1, %dma_wait3A_153, %dma_wait3A_154] : memref<16x160x128xi32, #tpu.memory_space<hbm>> -> memref<1x2x128xi32, #tpu.memory_space<hbm>>
      %dma_wait3A_156 = tpu.memref_squeeze %dma_wait3A_155 : memref<1x2x128xi32, #tpu.memory_space<hbm>> -> memref<2x128xi32, #tpu.memory_space<hbm>>
      %dma_wait3A_157 = arith.constant 0 : i32
      %dma_wait3A_158 = arith.constant 0 : i32
      %dma_wait3A_159 = tpu.memref_slice %run_scoped3A_0[%dma_wait3A_148, %dma_wait3A_157, %dma_wait3A_158] : memref<2x2x128xi32, #tpu.memory_space<vmem>> -> memref<1x2x128xi32, #tpu.memory_space<vmem>>
      %dma_wait3A_160 = tpu.memref_squeeze %dma_wait3A_159 : memref<1x2x128xi32, #tpu.memory_space<vmem>> -> memref<2x128xi32, #tpu.memory_space<vmem>>
      %dma_wait3A_161 = arith.constant 0 : i32
      %dma_wait3A_162 = arith.constant 0 : i32
      %dma_wait3A_163 = tpu.memref_slice %arg3[%arg1, %dma_wait3A_161, %dma_wait3A_162] : memref<16x160x128xi32, #tpu.memory_space<hbm>> -> memref<1x2x128xi32, #tpu.memory_space<hbm>>
      %dma_wait3A_164 = tpu.memref_squeeze %dma_wait3A_163 : memref<1x2x128xi32, #tpu.memory_space<hbm>> -> memref<2x128xi32, #tpu.memory_space<hbm>>
      tpu.wait_dma2 semaphore(%arg12 : memref<!tpu.dma_semaphore, #tpu.memory_space<semaphore_mem>>) src(%dma_wait3A_164 : memref<2x128xi32, #tpu.memory_space<hbm>>) dst(%dma_wait3A_160 : memref<2x128xi32, #tpu.memory_space<vmem>>)
      %dma_start3A_165 = arith.constant 0 : i32
      %dma_start3A_166 = arith.constant 0 : i32
      %dma_start3A_167 = arith.constant 0 : i32
      %dma_start3A_168 = tpu.memref_slice %run_scoped3A_1[%dma_start3A_165, %dma_start3A_166, %dma_start3A_167] : memref<2x2x128xi32, #tpu.memory_space<vmem>> -> memref<1x2x128xi32, #tpu.memory_space<vmem>>
      %dma_start3A_169 = tpu.memref_squeeze %dma_start3A_168 : memref<1x2x128xi32, #tpu.memory_space<vmem>> -> memref<2x128xi32, #tpu.memory_space<vmem>>
      %dma_start3A_170 = arith.constant 0 : i32
      %dma_start3A_171 = arith.constant 0 : i32
      %dma_start3A_172 = tpu.memref_slice %arg4[%arg1, %dma_start3A_170, %dma_start3A_171] : memref<16x160x128xi32, #tpu.memory_space<hbm>> -> memref<1x2x128xi32, #tpu.memory_space<hbm>>
      %dma_start3A_173 = tpu.memref_squeeze %dma_start3A_172 : memref<1x2x128xi32, #tpu.memory_space<hbm>> -> memref<2x128xi32, #tpu.memory_space<hbm>>
      %dma_start3A_174 = arith.constant 0 : i32
      %dma_start3A_175 = arith.constant 0 : i32
      %dma_start3A_176 = tpu.memref_slice %run_scoped3A_1[%dma_start3A_165, %dma_start3A_174, %dma_start3A_175] : memref<2x2x128xi32, #tpu.memory_space<vmem>> -> memref<1x2x128xi32, #tpu.memory_space<vmem>>
      %dma_start3A_177 = tpu.memref_squeeze %dma_start3A_176 : memref<1x2x128xi32, #tpu.memory_space<vmem>> -> memref<2x128xi32, #tpu.memory_space<vmem>>
      %dma_start3A_178 = arith.constant 0 : i32
      %dma_start3A_179 = arith.constant 0 : i32
      %dma_start3A_180 = tpu.memref_slice %arg4[%arg1, %dma_start3A_178, %dma_start3A_179] : memref<16x160x128xi32, #tpu.memory_space<hbm>> -> memref<1x2x128xi32, #tpu.memory_space<hbm>>
      %dma_start3A_181 = tpu.memref_squeeze %dma_start3A_180 : memref<1x2x128xi32, #tpu.memory_space<hbm>> -> memref<2x128xi32, #tpu.memory_space<hbm>>
      tpu.enqueue_dma source(%dma_start3A_181 : memref<2x128xi32, #tpu.memory_space<hbm>>) target(%dma_start3A_177 : memref<2x128xi32, #tpu.memory_space<vmem>>) target_semaphore(%arg13 : memref<!tpu.dma_semaphore, #tpu.memory_space<semaphore_mem>>)
      %dma_start3A_182 = arith.constant 0 : i32
      %dma_start3A_183 = arith.constant 0 : i32
      %dma_start3A_184 = arith.constant 0 : i32
      %dma_start3A_185 = arith.constant 0 : i32
      %dma_start3A_186 = arith.constant 0 : i32
      %dma_start3A_187 = arith.constant 0 : i32
      %dma_start3A_188 = tpu.memref_slice %run_scoped3A[%dma_start3A_184, %dma_start3A_185, %dma_start3A_186, %dma_start3A_187] : memref<2x2x128x64xf32, #tpu.memory_space<vmem>> -> memref<1x1x128x64xf32, #tpu.memory_space<vmem>>
      %dma_start3A_189 = tpu.memref_squeeze %dma_start3A_188 : memref<1x1x128x64xf32, #tpu.memory_space<vmem>> -> memref<128x64xf32, #tpu.memory_space<vmem>>
      %dma_start3A_190 = arith.constant 0 : i32
      %dma_start3A_191 = tpu.memref_slice %run_scoped3A_0[%dma_start3A_182, %dma_start3A_183, %dma_start3A_190] : memref<2x2x128xi32, #tpu.memory_space<vmem>> -> memref<1x1x128xi32, #tpu.memory_space<vmem>>
      %dma_start3A_192 = tpu.memref_squeeze %dma_start3A_191 : memref<1x1x128xi32, #tpu.memory_space<vmem>> -> memref<128xi32, #tpu.memory_space<vmem>>
      %dma_start3A_193 = arith.constant 0 : i32
      %dma_start3A_194 = arith.constant 0 : i32
      %dma_start3A_195 = tpu.memref_slice %arg7[%dma_start3A_193, %dma_start3A_194] : memref<10112x64xf32, #tpu.memory_space<vmem_shared>> -> memref<10112x64xf32, #tpu.memory_space<vmem_shared>>
      tpu.enqueue_indirect_dma source(%dma_start3A_195 : memref<10112x64xf32, #tpu.memory_space<vmem_shared>>) target(%dma_start3A_189 : memref<128x64xf32, #tpu.memory_space<vmem>>) offsets(%dma_start3A_192 : memref<128xi32, #tpu.memory_space<vmem>>) semaphore(%arg8 : memref<!tpu.dma_semaphore, #tpu.memory_space<semaphore_mem>>)
      %dma_start3A_196 = arith.constant 0 : i32
      %dma_start3A_197 = arith.constant 1 : i32
      %dma_start3A_198 = arith.constant 0 : i32
      %dma_start3A_199 = arith.constant 1 : i32
      %dma_start3A_200 = arith.constant 0 : i32
      %dma_start3A_201 = arith.constant 0 : i32
      %dma_start3A_202 = tpu.memref_slice %run_scoped3A[%dma_start3A_198, %dma_start3A_199, %dma_start3A_200, %dma_start3A_201] : memref<2x2x128x64xf32, #tpu.memory_space<vmem>> -> memref<1x1x128x64xf32, #tpu.memory_space<vmem>>
      %dma_start3A_203 = tpu.memref_squeeze %dma_start3A_202 : memref<1x1x128x64xf32, #tpu.memory_space<vmem>> -> memref<128x64xf32, #tpu.memory_space<vmem>>
      %dma_start3A_204 = arith.constant 0 : i32
      %dma_start3A_205 = tpu.memref_slice %run_scoped3A_0[%dma_start3A_196, %dma_start3A_197, %dma_start3A_204] : memref<2x2x128xi32, #tpu.memory_space<vmem>> -> memref<1x1x128xi32, #tpu.memory_space<vmem>>
      %dma_start3A_206 = tpu.memref_squeeze %dma_start3A_205 : memref<1x1x128xi32, #tpu.memory_space<vmem>> -> memref<128xi32, #tpu.memory_space<vmem>>
      %dma_start3A_207 = arith.constant 0 : i32
      %dma_start3A_208 = arith.constant 0 : i32
      %dma_start3A_209 = tpu.memref_slice %arg7[%dma_start3A_207, %dma_start3A_208] : memref<10112x64xf32, #tpu.memory_space<vmem_shared>> -> memref<10112x64xf32, #tpu.memory_space<vmem_shared>>
      tpu.enqueue_indirect_dma source(%dma_start3A_209 : memref<10112x64xf32, #tpu.memory_space<vmem_shared>>) target(%dma_start3A_203 : memref<128x64xf32, #tpu.memory_space<vmem>>) offsets(%dma_start3A_206 : memref<128xi32, #tpu.memory_space<vmem>>) semaphore(%arg8 : memref<!tpu.dma_semaphore, #tpu.memory_space<semaphore_mem>>)
      %dma_start3A_210 = arith.constant 1 : i32
      %dma_start3A_211 = arith.constant 0 : i32
      %dma_start3A_212 = arith.constant 0 : i32
      %dma_start3A_213 = tpu.memref_slice %run_scoped3A_0[%dma_start3A_210, %dma_start3A_211, %dma_start3A_212] : memref<2x2x128xi32, #tpu.memory_space<vmem>> -> memref<1x2x128xi32, #tpu.memory_space<vmem>>
      %dma_start3A_214 = tpu.memref_squeeze %dma_start3A_213 : memref<1x2x128xi32, #tpu.memory_space<vmem>> -> memref<2x128xi32, #tpu.memory_space<vmem>>
      %dma_start3A_215 = arith.constant 2 : i32
      %dma_start3A_216 = arith.constant 0 : i32
      %dma_start3A_217 = tpu.memref_slice %arg3[%arg1, %dma_start3A_215, %dma_start3A_216] : memref<16x160x128xi32, #tpu.memory_space<hbm>> -> memref<1x2x128xi32, #tpu.memory_space<hbm>>
      %dma_start3A_218 = tpu.memref_squeeze %dma_start3A_217 : memref<1x2x128xi32, #tpu.memory_space<hbm>> -> memref<2x128xi32, #tpu.memory_space<hbm>>
      %dma_start3A_219 = arith.constant 0 : i32
      %dma_start3A_220 = arith.constant 0 : i32
      %dma_start3A_221 = tpu.memref_slice %run_scoped3A_0[%dma_start3A_210, %dma_start3A_219, %dma_start3A_220] : memref<2x2x128xi32, #tpu.memory_space<vmem>> -> memref<1x2x128xi32, #tpu.memory_space<vmem>>
      %dma_start3A_222 = tpu.memref_squeeze %dma_start3A_221 : memref<1x2x128xi32, #tpu.memory_space<vmem>> -> memref<2x128xi32, #tpu.memory_space<vmem>>
      %dma_start3A_223 = arith.constant 2 : i32
      %dma_start3A_224 = arith.constant 0 : i32
      %dma_start3A_225 = tpu.memref_slice %arg3[%arg1, %dma_start3A_223, %dma_start3A_224] : memref<16x160x128xi32, #tpu.memory_space<hbm>> -> memref<1x2x128xi32, #tpu.memory_space<hbm>>
      %dma_start3A_226 = tpu.memref_squeeze %dma_start3A_225 : memref<1x2x128xi32, #tpu.memory_space<hbm>> -> memref<2x128xi32, #tpu.memory_space<hbm>>
      tpu.enqueue_dma source(%dma_start3A_226 : memref<2x128xi32, #tpu.memory_space<hbm>>) target(%dma_start3A_222 : memref<2x128xi32, #tpu.memory_space<vmem>>) target_semaphore(%arg12 : memref<!tpu.dma_semaphore, #tpu.memory_space<semaphore_mem>>)
      %scan3A = arith.constant 0 : i32
      %scan3A_227 = arith.constant 0 : i32
      %scan3A_228 = arith.constant 40 : i32
      %scan3A_229 = arith.addi %scan3A_227, %scan3A_228 : i32
      %scan3A_230 = arith.constant 1 : i32
      scf.for %scan3A_401 = %scan3A_227 to %scan3A_229 step %scan3A_230  : i32 {
        %mul3A_402 = arith.constant 2 : i32
        %mul3A_403 = arith.muli %mul3A_402, %scan3A_401 : i32
        %ge3A = arith.constant 1 : i32
        %ge3A_404 = arith.cmpi sge, %mul3A_403, %ge3A : i32
        %convert_element_type3A = arith.extui %ge3A_404 : i1 to i32
        %cond3A = arith.constant 0 : i32
        %cond3A_405 = arith.cmpi ne, %convert_element_type3A, %cond3A : i32
        scf.if %cond3A_405 {
          %dma_wait3A_628 = arith.constant 1 : i32
          %dma_wait3A_629 = arith.constant 0 : i32
          %dma_wait3A_630 = arith.constant 0 : i32
          %dma_wait3A_631 = arith.constant 0 : i32
          %dma_wait3A_632 = tpu.memref_slice %run_scoped3A[%dma_wait3A_628, %dma_wait3A_629, %dma_wait3A_630, %dma_wait3A_631] : memref<2x2x128x64xf32, #tpu.memory_space<vmem>> -> memref<1x1x128x64xf32, #tpu.memory_space<vmem>>
          %dma_wait3A_633 = tpu.memref_squeeze %dma_wait3A_632 : memref<1x1x128x64xf32, #tpu.memory_space<vmem>> -> memref<128x64xf32, #tpu.memory_space<vmem>>
          %dma_wait3A_634 = arith.constant 0 : i32
          %dma_wait3A_635 = arith.constant 0 : i32
          %dma_wait3A_636 = tpu.memref_slice %arg2[%arg0, %dma_wait3A_634, %dma_wait3A_635] : memref<2x10112x64xf32, #tpu.memory_space<hbm>> -> memref<1x10112x64xf32, #tpu.memory_space<hbm>>
          %dma_wait3A_637 = tpu.memref_squeeze %dma_wait3A_636 : memref<1x10112x64xf32, #tpu.memory_space<hbm>> -> memref<10112x64xf32, #tpu.memory_space<hbm>>
          %dma_wait3A_638 = arith.constant 0 : i32
          %dma_wait3A_639 = arith.constant 0 : i32
          %dma_wait3A_640 = tpu.memref_slice %dma_wait3A_637[%dma_wait3A_638, %dma_wait3A_639] : memref<10112x64xf32, #tpu.memory_space<hbm>> -> memref<128x64xf32, #tpu.memory_space<hbm>>
          %dma_wait3A_641 = arith.constant 0 : i32
          %dma_wait3A_642 = arith.constant 0 : i32
          %dma_wait3A_643 = tpu.memref_slice %run_scoped3A[%dma_wait3A_628, %dma_wait3A_629, %dma_wait3A_641, %dma_wait3A_642] : memref<2x2x128x64xf32, #tpu.memory_space<vmem>> -> memref<1x1x128x64xf32, #tpu.memory_space<vmem>>
          %dma_wait3A_644 = tpu.memref_squeeze %dma_wait3A_643 : memref<1x1x128x64xf32, #tpu.memory_space<vmem>> -> memref<128x64xf32, #tpu.memory_space<vmem>>
          %dma_wait3A_645 = arith.constant 0 : i32
          %dma_wait3A_646 = arith.constant 0 : i32
          %dma_wait3A_647 = tpu.memref_slice %arg2[%arg0, %dma_wait3A_645, %dma_wait3A_646] : memref<2x10112x64xf32, #tpu.memory_space<hbm>> -> memref<1x10112x64xf32, #tpu.memory_space<hbm>>
          %dma_wait3A_648 = tpu.memref_squeeze %dma_wait3A_647 : memref<1x10112x64xf32, #tpu.memory_space<hbm>> -> memref<10112x64xf32, #tpu.memory_space<hbm>>
          %dma_wait3A_649 = arith.constant 0 : i32
          %dma_wait3A_650 = arith.constant 0 : i32
          %dma_wait3A_651 = tpu.memref_slice %dma_wait3A_648[%dma_wait3A_649, %dma_wait3A_650] : memref<10112x64xf32, #tpu.memory_space<hbm>> -> memref<128x64xf32, #tpu.memory_space<hbm>>
          tpu.wait_dma2 semaphore(%arg11 : memref<!tpu.dma_semaphore, #tpu.memory_space<semaphore_mem>>) src(%dma_wait3A_651 : memref<128x64xf32, #tpu.memory_space<hbm>>) dst(%dma_wait3A_644 : memref<128x64xf32, #tpu.memory_space<vmem>>)
          %dma_wait3A_652 = arith.constant 1 : i32
          %dma_wait3A_653 = arith.constant 1 : i32
          %dma_wait3A_654 = arith.constant 0 : i32
          %dma_wait3A_655 = arith.constant 0 : i32
          %dma_wait3A_656 = tpu.memref_slice %run_scoped3A[%dma_wait3A_652, %dma_wait3A_653, %dma_wait3A_654, %dma_wait3A_655] : memref<2x2x128x64xf32, #tpu.memory_space<vmem>> -> memref<1x1x128x64xf32, #tpu.memory_space<vmem>>
          %dma_wait3A_657 = tpu.memref_squeeze %dma_wait3A_656 : memref<1x1x128x64xf32, #tpu.memory_space<vmem>> -> memref<128x64xf32, #tpu.memory_space<vmem>>
          %dma_wait3A_658 = arith.constant 0 : i32
          %dma_wait3A_659 = arith.constant 0 : i32
          %dma_wait3A_660 = tpu.memref_slice %arg2[%arg0, %dma_wait3A_658, %dma_wait3A_659] : memref<2x10112x64xf32, #tpu.memory_space<hbm>> -> memref<1x10112x64xf32, #tpu.memory_space<hbm>>
          %dma_wait3A_661 = tpu.memref_squeeze %dma_wait3A_660 : memref<1x10112x64xf32, #tpu.memory_space<hbm>> -> memref<10112x64xf32, #tpu.memory_space<hbm>>
          %dma_wait3A_662 = arith.constant 0 : i32
          %dma_wait3A_663 = arith.constant 0 : i32
          %dma_wait3A_664 = tpu.memref_slice %dma_wait3A_661[%dma_wait3A_662, %dma_wait3A_663] : memref<10112x64xf32, #tpu.memory_space<hbm>> -> memref<128x64xf32, #tpu.memory_space<hbm>>
          %dma_wait3A_665 = arith.constant 0 : i32
          %dma_wait3A_666 = arith.constant 0 : i32
          %dma_wait3A_667 = tpu.memref_slice %run_scoped3A[%dma_wait3A_652, %dma_wait3A_653, %dma_wait3A_665, %dma_wait3A_666] : memref<2x2x128x64xf32, #tpu.memory_space<vmem>> -> memref<1x1x128x64xf32, #tpu.memory_space<vmem>>
          %dma_wait3A_668 = tpu.memref_squeeze %dma_wait3A_667 : memref<1x1x128x64xf32, #tpu.memory_space<vmem>> -> memref<128x64xf32, #tpu.memory_space<vmem>>
          %dma_wait3A_669 = arith.constant 0 : i32
          %dma_wait3A_670 = arith.constant 0 : i32
          %dma_wait3A_671 = tpu.memref_slice %arg2[%arg0, %dma_wait3A_669, %dma_wait3A_670] : memref<2x10112x64xf32, #tpu.memory_space<hbm>> -> memref<1x10112x64xf32, #tpu.memory_space<hbm>>
          %dma_wait3A_672 = tpu.memref_squeeze %dma_wait3A_671 : memref<1x10112x64xf32, #tpu.memory_space<hbm>> -> memref<10112x64xf32, #tpu.memory_space<hbm>>
          %dma_wait3A_673 = arith.constant 0 : i32
          %dma_wait3A_674 = arith.constant 0 : i32
          %dma_wait3A_675 = tpu.memref_slice %dma_wait3A_672[%dma_wait3A_673, %dma_wait3A_674] : memref<10112x64xf32, #tpu.memory_space<hbm>> -> memref<128x64xf32, #tpu.memory_space<hbm>>
          tpu.wait_dma2 semaphore(%arg11 : memref<!tpu.dma_semaphore, #tpu.memory_space<semaphore_mem>>) src(%dma_wait3A_675 : memref<128x64xf32, #tpu.memory_space<hbm>>) dst(%dma_wait3A_668 : memref<128x64xf32, #tpu.memory_space<vmem>>)
        } else {
        }
        %dma_wait3A_406 = arith.constant 0 : i32
        %dma_wait3A_407 = arith.constant 0 : i32
        %dma_wait3A_408 = arith.constant 0 : i32
        %dma_wait3A_409 = arith.constant 0 : i32
        %dma_wait3A_410 = tpu.memref_slice %run_scoped3A[%dma_wait3A_406, %dma_wait3A_407, %dma_wait3A_408, %dma_wait3A_409] : memref<2x2x128x64xf32, #tpu.memory_space<vmem>> -> memref<1x1x128x64xf32, #tpu.memory_space<vmem>>
        %dma_wait3A_411 = tpu.memref_squeeze %dma_wait3A_410 : memref<1x1x128x64xf32, #tpu.memory_space<vmem>> -> memref<128x64xf32, #tpu.memory_space<vmem>>
        %dma_wait3A_412 = arith.constant 0 : i32
        %dma_wait3A_413 = arith.constant 0 : i32
        %dma_wait3A_414 = tpu.memref_slice %arg2[%arg0, %dma_wait3A_412, %dma_wait3A_413] : memref<2x10112x64xf32, #tpu.memory_space<hbm>> -> memref<1x10112x64xf32, #tpu.memory_space<hbm>>
        %dma_wait3A_415 = tpu.memref_squeeze %dma_wait3A_414 : memref<1x10112x64xf32, #tpu.memory_space<hbm>> -> memref<10112x64xf32, #tpu.memory_space<hbm>>
        %dma_wait3A_416 = arith.constant 0 : i32
        %dma_wait3A_417 = arith.constant 0 : i32
        %dma_wait3A_418 = tpu.memref_slice %dma_wait3A_415[%dma_wait3A_416, %dma_wait3A_417] : memref<10112x64xf32, #tpu.memory_space<hbm>> -> memref<128x64xf32, #tpu.memory_space<hbm>>
        %dma_wait3A_419 = arith.constant 0 : i32
        %dma_wait3A_420 = arith.constant 0 : i32
        %dma_wait3A_421 = tpu.memref_slice %run_scoped3A[%dma_wait3A_406, %dma_wait3A_407, %dma_wait3A_419, %dma_wait3A_420] : memref<2x2x128x64xf32, #tpu.memory_space<vmem>> -> memref<1x1x128x64xf32, #tpu.memory_space<vmem>>
        %dma_wait3A_422 = tpu.memref_squeeze %dma_wait3A_421 : memref<1x1x128x64xf32, #tpu.memory_space<vmem>> -> memref<128x64xf32, #tpu.memory_space<vmem>>
        %dma_wait3A_423 = arith.constant 0 : i32
        %dma_wait3A_424 = arith.constant 0 : i32
        %dma_wait3A_425 = tpu.memref_slice %arg2[%arg0, %dma_wait3A_423, %dma_wait3A_424] : memref<2x10112x64xf32, #tpu.memory_space<hbm>> -> memref<1x10112x64xf32, #tpu.memory_space<hbm>>
        %dma_wait3A_426 = tpu.memref_squeeze %dma_wait3A_425 : memref<1x10112x64xf32, #tpu.memory_space<hbm>> -> memref<10112x64xf32, #tpu.memory_space<hbm>>
        %dma_wait3A_427 = arith.constant 0 : i32
        %dma_wait3A_428 = arith.constant 0 : i32
        %dma_wait3A_429 = tpu.memref_slice %dma_wait3A_426[%dma_wait3A_427, %dma_wait3A_428] : memref<10112x64xf32, #tpu.memory_space<hbm>> -> memref<128x64xf32, #tpu.memory_space<hbm>>
        tpu.wait_dma2 semaphore(%arg8 : memref<!tpu.dma_semaphore, #tpu.memory_space<semaphore_mem>>) src(%dma_wait3A_429 : memref<128x64xf32, #tpu.memory_space<hbm>>) dst(%dma_wait3A_422 : memref<128x64xf32, #tpu.memory_space<vmem>>)
        %dma_wait3A_430 = arith.constant 0 : i32
        %dma_wait3A_431 = arith.constant 1 : i32
        %dma_wait3A_432 = arith.constant 0 : i32
        %dma_wait3A_433 = arith.constant 0 : i32
        %dma_wait3A_434 = tpu.memref_slice %run_scoped3A[%dma_wait3A_430, %dma_wait3A_431, %dma_wait3A_432, %dma_wait3A_433] : memref<2x2x128x64xf32, #tpu.memory_space<vmem>> -> memref<1x1x128x64xf32, #tpu.memory_space<vmem>>
        %dma_wait3A_435 = tpu.memref_squeeze %dma_wait3A_434 : memref<1x1x128x64xf32, #tpu.memory_space<vmem>> -> memref<128x64xf32, #tpu.memory_space<vmem>>
        %dma_wait3A_436 = arith.constant 0 : i32
        %dma_wait3A_437 = arith.constant 0 : i32
        %dma_wait3A_438 = tpu.memref_slice %arg2[%arg0, %dma_wait3A_436, %dma_wait3A_437] : memref<2x10112x64xf32, #tpu.memory_space<hbm>> -> memref<1x10112x64xf32, #tpu.memory_space<hbm>>
        %dma_wait3A_439 = tpu.memref_squeeze %dma_wait3A_438 : memref<1x10112x64xf32, #tpu.memory_space<hbm>> -> memref<10112x64xf32, #tpu.memory_space<hbm>>
        %dma_wait3A_440 = arith.constant 0 : i32
        %dma_wait3A_441 = arith.constant 0 : i32
        %dma_wait3A_442 = tpu.memref_slice %dma_wait3A_439[%dma_wait3A_440, %dma_wait3A_441] : memref<10112x64xf32, #tpu.memory_space<hbm>> -> memref<128x64xf32, #tpu.memory_space<hbm>>
        %dma_wait3A_443 = arith.constant 0 : i32
        %dma_wait3A_444 = arith.constant 0 : i32
        %dma_wait3A_445 = tpu.memref_slice %run_scoped3A[%dma_wait3A_430, %dma_wait3A_431, %dma_wait3A_443, %dma_wait3A_444] : memref<2x2x128x64xf32, #tpu.memory_space<vmem>> -> memref<1x1x128x64xf32, #tpu.memory_space<vmem>>
        %dma_wait3A_446 = tpu.memref_squeeze %dma_wait3A_445 : memref<1x1x128x64xf32, #tpu.memory_space<vmem>> -> memref<128x64xf32, #tpu.memory_space<vmem>>
        %dma_wait3A_447 = arith.constant 0 : i32
        %dma_wait3A_448 = arith.constant 0 : i32
        %dma_wait3A_449 = tpu.memref_slice %arg2[%arg0, %dma_wait3A_447, %dma_wait3A_448] : memref<2x10112x64xf32, #tpu.memory_space<hbm>> -> memref<1x10112x64xf32, #tpu.memory_space<hbm>>
        %dma_wait3A_450 = tpu.memref_squeeze %dma_wait3A_449 : memref<1x10112x64xf32, #tpu.memory_space<hbm>> -> memref<10112x64xf32, #tpu.memory_space<hbm>>
        %dma_wait3A_451 = arith.constant 0 : i32
        %dma_wait3A_452 = arith.constant 0 : i32
        %dma_wait3A_453 = tpu.memref_slice %dma_wait3A_450[%dma_wait3A_451, %dma_wait3A_452] : memref<10112x64xf32, #tpu.memory_space<hbm>> -> memref<128x64xf32, #tpu.memory_space<hbm>>
        tpu.wait_dma2 semaphore(%arg8 : memref<!tpu.dma_semaphore, #tpu.memory_space<semaphore_mem>>) src(%dma_wait3A_453 : memref<128x64xf32, #tpu.memory_space<hbm>>) dst(%dma_wait3A_446 : memref<128x64xf32, #tpu.memory_space<vmem>>)
        %dma_wait3A_454 = arith.constant 0 : i32
        %dma_wait3A_455 = arith.constant 0 : i32
        %dma_wait3A_456 = arith.constant 0 : i32
        %dma_wait3A_457 = tpu.memref_slice %run_scoped3A_1[%dma_wait3A_454, %dma_wait3A_455, %dma_wait3A_456] : memref<2x2x128xi32, #tpu.memory_space<vmem>> -> memref<1x2x128xi32, #tpu.memory_space<vmem>>
        %dma_wait3A_458 = tpu.memref_squeeze %dma_wait3A_457 : memref<1x2x128xi32, #tpu.memory_space<vmem>> -> memref<2x128xi32, #tpu.memory_space<vmem>>
        %dma_wait3A_459 = arith.constant 0 : i32
        %dma_wait3A_460 = arith.constant 0 : i32
        %dma_wait3A_461 = tpu.memref_slice %arg3[%arg1, %dma_wait3A_459, %dma_wait3A_460] : memref<16x160x128xi32, #tpu.memory_space<hbm>> -> memref<1x2x128xi32, #tpu.memory_space<hbm>>
        %dma_wait3A_462 = tpu.memref_squeeze %dma_wait3A_461 : memref<1x2x128xi32, #tpu.memory_space<hbm>> -> memref<2x128xi32, #tpu.memory_space<hbm>>
        %dma_wait3A_463 = arith.constant 0 : i32
        %dma_wait3A_464 = arith.constant 0 : i32
        %dma_wait3A_465 = tpu.memref_slice %run_scoped3A_1[%dma_wait3A_454, %dma_wait3A_463, %dma_wait3A_464] : memref<2x2x128xi32, #tpu.memory_space<vmem>> -> memref<1x2x128xi32, #tpu.memory_space<vmem>>
        %dma_wait3A_466 = tpu.memref_squeeze %dma_wait3A_465 : memref<1x2x128xi32, #tpu.memory_space<vmem>> -> memref<2x128xi32, #tpu.memory_space<vmem>>
        %dma_wait3A_467 = arith.constant 0 : i32
        %dma_wait3A_468 = arith.constant 0 : i32
        %dma_wait3A_469 = tpu.memref_slice %arg3[%arg1, %dma_wait3A_467, %dma_wait3A_468] : memref<16x160x128xi32, #tpu.memory_space<hbm>> -> memref<1x2x128xi32, #tpu.memory_space<hbm>>
        %dma_wait3A_470 = tpu.memref_squeeze %dma_wait3A_469 : memref<1x2x128xi32, #tpu.memory_space<hbm>> -> memref<2x128xi32, #tpu.memory_space<hbm>>
        tpu.wait_dma2 semaphore(%arg13 : memref<!tpu.dma_semaphore, #tpu.memory_space<semaphore_mem>>) src(%dma_wait3A_470 : memref<2x128xi32, #tpu.memory_space<hbm>>) dst(%dma_wait3A_466 : memref<2x128xi32, #tpu.memory_space<vmem>>)
        %dma_start3A_471 = arith.constant 0 : i32
        %dma_start3A_472 = arith.constant 0 : i32
        %dma_start3A_473 = arith.constant 0 : i32
        %dma_start3A_474 = arith.constant 0 : i32
        %dma_start3A_475 = arith.constant 0 : i32
        %dma_start3A_476 = arith.constant 0 : i32
        %dma_start3A_477 = tpu.memref_slice %run_scoped3A[%dma_start3A_471, %dma_start3A_472, %dma_start3A_475, %dma_start3A_476] : memref<2x2x128x64xf32, #tpu.memory_space<vmem>> -> memref<1x1x128x64xf32, #tpu.memory_space<vmem>>
        %dma_start3A_478 = tpu.memref_squeeze %dma_start3A_477 : memref<1x1x128x64xf32, #tpu.memory_space<vmem>> -> memref<128x64xf32, #tpu.memory_space<vmem>>
        %dma_start3A_479 = arith.constant 0 : i32
        %dma_start3A_480 = tpu.memref_slice %run_scoped3A_1[%dma_start3A_473, %dma_start3A_474, %dma_start3A_479] : memref<2x2x128xi32, #tpu.memory_space<vmem>> -> memref<1x1x128xi32, #tpu.memory_space<vmem>>
        %dma_start3A_481 = tpu.memref_squeeze %dma_start3A_480 : memref<1x1x128xi32, #tpu.memory_space<vmem>> -> memref<128xi32, #tpu.memory_space<vmem>>
        %dma_start3A_482 = arith.constant 0 : i32
        %dma_start3A_483 = arith.constant 0 : i32
        %dma_start3A_484 = tpu.memref_slice %arg6[%dma_start3A_482, %dma_start3A_483] : memref<10112x64xf32, #tpu.memory_space<vmem_shared>> -> memref<10112x64xf32, #tpu.memory_space<vmem_shared>>
        tpu.enqueue_indirect_dma source(%dma_start3A_478 : memref<128x64xf32, #tpu.memory_space<vmem>>) target(%dma_start3A_484 : memref<10112x64xf32, #tpu.memory_space<vmem_shared>>) offsets(%dma_start3A_481 : memref<128xi32, #tpu.memory_space<vmem>>) semaphore(%arg10 : memref<!tpu.dma_semaphore, #tpu.memory_space<semaphore_mem>>) {add = true}
        %dma_start3A_485 = arith.constant 0 : i32
        %dma_start3A_486 = arith.constant 1 : i32
        %dma_start3A_487 = arith.constant 0 : i32
        %dma_start3A_488 = arith.constant 1 : i32
        %dma_start3A_489 = arith.constant 0 : i32
        %dma_start3A_490 = arith.constant 0 : i32
        %dma_start3A_491 = tpu.memref_slice %run_scoped3A[%dma_start3A_485, %dma_start3A_486, %dma_start3A_489, %dma_start3A_490] : memref<2x2x128x64xf32, #tpu.memory_space<vmem>> -> memref<1x1x128x64xf32, #tpu.memory_space<vmem>>
        %dma_start3A_492 = tpu.memref_squeeze %dma_start3A_491 : memref<1x1x128x64xf32, #tpu.memory_space<vmem>> -> memref<128x64xf32, #tpu.memory_space<vmem>>
        %dma_start3A_493 = arith.constant 0 : i32
        %dma_start3A_494 = tpu.memref_slice %run_scoped3A_1[%dma_start3A_487, %dma_start3A_488, %dma_start3A_493] : memref<2x2x128xi32, #tpu.memory_space<vmem>> -> memref<1x1x128xi32, #tpu.memory_space<vmem>>
        %dma_start3A_495 = tpu.memref_squeeze %dma_start3A_494 : memref<1x1x128xi32, #tpu.memory_space<vmem>> -> memref<128xi32, #tpu.memory_space<vmem>>
        %dma_start3A_496 = arith.constant 0 : i32
        %dma_start3A_497 = arith.constant 0 : i32
        %dma_start3A_498 = tpu.memref_slice %arg6[%dma_start3A_496, %dma_start3A_497] : memref<10112x64xf32, #tpu.memory_space<vmem_shared>> -> memref<10112x64xf32, #tpu.memory_space<vmem_shared>>
        tpu.enqueue_indirect_dma source(%dma_start3A_492 : memref<128x64xf32, #tpu.memory_space<vmem>>) target(%dma_start3A_498 : memref<10112x64xf32, #tpu.memory_space<vmem_shared>>) offsets(%dma_start3A_495 : memref<128xi32, #tpu.memory_space<vmem>>) semaphore(%arg10 : memref<!tpu.dma_semaphore, #tpu.memory_space<semaphore_mem>>) {add = true}
        %add3A_499 = arith.constant 1 : i32
        %add3A_500 = arith.addi %mul3A_403, %add3A_499 : i32
        %lt3A = arith.constant 80 : i32
        %lt3A_501 = arith.cmpi slt, %add3A_500, %lt3A : i32
        %convert_element_type3A_502 = arith.extui %lt3A_501 : i1 to i32
        %cond3A_503 = arith.constant 0 : i32
        %cond3A_504 = arith.cmpi ne, %convert_element_type3A_502, %cond3A_503 : i32
        scf.if %cond3A_504 {
          %add3A_628 = arith.constant 1 : i32
          %add3A_629 = arith.addi %mul3A_403, %add3A_628 : i32
          %mul3A_630 = arith.constant 2 : i32
          %mul3A_631 = arith.muli %add3A_629, %mul3A_630 : i32
          %dma_start3A_632 = arith.constant 1 : i32
          %dma_start3A_633 = arith.constant 0 : i32
          %dma_start3A_634 = arith.constant 0 : i32
          %dma_start3A_635 = tpu.memref_slice %run_scoped3A_1[%dma_start3A_632, %dma_start3A_633, %dma_start3A_634] : memref<2x2x128xi32, #tpu.memory_space<vmem>> -> memref<1x2x128xi32, #tpu.memory_space<vmem>>
          %dma_start3A_636 = tpu.memref_squeeze %dma_start3A_635 : memref<1x2x128xi32, #tpu.memory_space<vmem>> -> memref<2x128xi32, #tpu.memory_space<vmem>>
          %dma_start3A_637 = arith.constant 0 : i32
          %dma_start3A_638 = tpu.memref_slice %arg4[%arg1, %mul3A_631, %dma_start3A_637] : memref<16x160x128xi32, #tpu.memory_space<hbm>> -> memref<1x2x128xi32, #tpu.memory_space<hbm>>
          %dma_start3A_639 = tpu.memref_squeeze %dma_start3A_638 : memref<1x2x128xi32, #tpu.memory_space<hbm>> -> memref<2x128xi32, #tpu.memory_space<hbm>>
          %dma_start3A_640 = arith.constant 0 : i32
          %dma_start3A_641 = arith.constant 0 : i32
          %dma_start3A_642 = tpu.memref_slice %run_scoped3A_1[%dma_start3A_632, %dma_start3A_640, %dma_start3A_641] : memref<2x2x128xi32, #tpu.memory_space<vmem>> -> memref<1x2x128xi32, #tpu.memory_space<vmem>>
          %dma_start3A_643 = tpu.memref_squeeze %dma_start3A_642 : memref<1x2x128xi32, #tpu.memory_space<vmem>> -> memref<2x128xi32, #tpu.memory_space<vmem>>
          %dma_start3A_644 = arith.constant 0 : i32
          %dma_start3A_645 = tpu.memref_slice %arg4[%arg1, %mul3A_631, %dma_start3A_644] : memref<16x160x128xi32, #tpu.memory_space<hbm>> -> memref<1x2x128xi32, #tpu.memory_space<hbm>>
          %dma_start3A_646 = tpu.memref_squeeze %dma_start3A_645 : memref<1x2x128xi32, #tpu.memory_space<hbm>> -> memref<2x128xi32, #tpu.memory_space<hbm>>
          tpu.enqueue_dma source(%dma_start3A_646 : memref<2x128xi32, #tpu.memory_space<hbm>>) target(%dma_start3A_643 : memref<2x128xi32, #tpu.memory_space<vmem>>) target_semaphore(%arg13 : memref<!tpu.dma_semaphore, #tpu.memory_space<semaphore_mem>>)
          %dma_wait3A_647 = arith.constant 1 : i32
          %dma_wait3A_648 = arith.constant 0 : i32
          %dma_wait3A_649 = arith.constant 0 : i32
          %dma_wait3A_650 = tpu.memref_slice %run_scoped3A_0[%dma_wait3A_647, %dma_wait3A_648, %dma_wait3A_649] : memref<2x2x128xi32, #tpu.memory_space<vmem>> -> memref<1x2x128xi32, #tpu.memory_space<vmem>>
          %dma_wait3A_651 = tpu.memref_squeeze %dma_wait3A_650 : memref<1x2x128xi32, #tpu.memory_space<vmem>> -> memref<2x128xi32, #tpu.memory_space<vmem>>
          %dma_wait3A_652 = arith.constant 0 : i32
          %dma_wait3A_653 = arith.constant 0 : i32
          %dma_wait3A_654 = tpu.memref_slice %arg3[%arg1, %dma_wait3A_652, %dma_wait3A_653] : memref<16x160x128xi32, #tpu.memory_space<hbm>> -> memref<1x2x128xi32, #tpu.memory_space<hbm>>
          %dma_wait3A_655 = tpu.memref_squeeze %dma_wait3A_654 : memref<1x2x128xi32, #tpu.memory_space<hbm>> -> memref<2x128xi32, #tpu.memory_space<hbm>>
          %dma_wait3A_656 = arith.constant 0 : i32
          %dma_wait3A_657 = arith.constant 0 : i32
          %dma_wait3A_658 = tpu.memref_slice %run_scoped3A_0[%dma_wait3A_647, %dma_wait3A_656, %dma_wait3A_657] : memref<2x2x128xi32, #tpu.memory_space<vmem>> -> memref<1x2x128xi32, #tpu.memory_space<vmem>>
          %dma_wait3A_659 = tpu.memref_squeeze %dma_wait3A_658 : memref<1x2x128xi32, #tpu.memory_space<vmem>> -> memref<2x128xi32, #tpu.memory_space<vmem>>
          %dma_wait3A_660 = arith.constant 0 : i32
          %dma_wait3A_661 = arith.constant 0 : i32
          %dma_wait3A_662 = tpu.memref_slice %arg3[%arg1, %dma_wait3A_660, %dma_wait3A_661] : memref<16x160x128xi32, #tpu.memory_space<hbm>> -> memref<1x2x128xi32, #tpu.memory_space<hbm>>
          %dma_wait3A_663 = tpu.memref_squeeze %dma_wait3A_662 : memref<1x2x128xi32, #tpu.memory_space<hbm>> -> memref<2x128xi32, #tpu.memory_space<hbm>>
          tpu.wait_dma2 semaphore(%arg12 : memref<!tpu.dma_semaphore, #tpu.memory_space<semaphore_mem>>) src(%dma_wait3A_663 : memref<2x128xi32, #tpu.memory_space<hbm>>) dst(%dma_wait3A_659 : memref<2x128xi32, #tpu.memory_space<vmem>>)
          %add3A_664 = arith.constant 1 : i32
          %add3A_665 = arith.addi %mul3A_403, %add3A_664 : i32
          %dma_start3A_666 = arith.constant 1 : i32
          %dma_start3A_667 = arith.constant 0 : i32
          %dma_start3A_668 = arith.constant 1 : i32
          %dma_start3A_669 = arith.constant 0 : i32
          %dma_start3A_670 = arith.constant 0 : i32
          %dma_start3A_671 = arith.constant 0 : i32
          %dma_start3A_672 = tpu.memref_slice %run_scoped3A[%dma_start3A_668, %dma_start3A_669, %dma_start3A_670, %dma_start3A_671] : memref<2x2x128x64xf32, #tpu.memory_space<vmem>> -> memref<1x1x128x64xf32, #tpu.memory_space<vmem>>
          %dma_start3A_673 = tpu.memref_squeeze %dma_start3A_672 : memref<1x1x128x64xf32, #tpu.memory_space<vmem>> -> memref<128x64xf32, #tpu.memory_space<vmem>>
          %dma_start3A_674 = arith.constant 0 : i32
          %dma_start3A_675 = tpu.memref_slice %run_scoped3A_0[%dma_start3A_666, %dma_start3A_667, %dma_start3A_674] : memref<2x2x128xi32, #tpu.memory_space<vmem>> -> memref<1x1x128xi32, #tpu.memory_space<vmem>>
          %dma_start3A_676 = tpu.memref_squeeze %dma_start3A_675 : memref<1x1x128xi32, #tpu.memory_space<vmem>> -> memref<128xi32, #tpu.memory_space<vmem>>
          %dma_start3A_677 = arith.constant 0 : i32
          %dma_start3A_678 = arith.constant 0 : i32
          %dma_start3A_679 = tpu.memref_slice %arg7[%dma_start3A_677, %dma_start3A_678] : memref<10112x64xf32, #tpu.memory_space<vmem_shared>> -> memref<10112x64xf32, #tpu.memory_space<vmem_shared>>
          tpu.enqueue_indirect_dma source(%dma_start3A_679 : memref<10112x64xf32, #tpu.memory_space<vmem_shared>>) target(%dma_start3A_673 : memref<128x64xf32, #tpu.memory_space<vmem>>) offsets(%dma_start3A_676 : memref<128xi32, #tpu.memory_space<vmem>>) semaphore(%arg9 : memref<!tpu.dma_semaphore, #tpu.memory_space<semaphore_mem>>)
          %dma_start3A_680 = arith.constant 1 : i32
          %dma_start3A_681 = arith.constant 1 : i32
          %dma_start3A_682 = arith.constant 1 : i32
          %dma_start3A_683 = arith.constant 1 : i32
          %dma_start3A_684 = arith.constant 0 : i32
          %dma_start3A_685 = arith.constant 0 : i32
          %dma_start3A_686 = tpu.memref_slice %run_scoped3A[%dma_start3A_682, %dma_start3A_683, %dma_start3A_684, %dma_start3A_685] : memref<2x2x128x64xf32, #tpu.memory_space<vmem>> -> memref<1x1x128x64xf32, #tpu.memory_space<vmem>>
          %dma_start3A_687 = tpu.memref_squeeze %dma_start3A_686 : memref<1x1x128x64xf32, #tpu.memory_space<vmem>> -> memref<128x64xf32, #tpu.memory_space<vmem>>
          %dma_start3A_688 = arith.constant 0 : i32
          %dma_start3A_689 = tpu.memref_slice %run_scoped3A_0[%dma_start3A_680, %dma_start3A_681, %dma_start3A_688] : memref<2x2x128xi32, #tpu.memory_space<vmem>> -> memref<1x1x128xi32, #tpu.memory_space<vmem>>
          %dma_start3A_690 = tpu.memref_squeeze %dma_start3A_689 : memref<1x1x128xi32, #tpu.memory_space<vmem>> -> memref<128xi32, #tpu.memory_space<vmem>>
          %dma_start3A_691 = arith.constant 0 : i32
          %dma_start3A_692 = arith.constant 0 : i32
          %dma_start3A_693 = tpu.memref_slice %arg7[%dma_start3A_691, %dma_start3A_692] : memref<10112x64xf32, #tpu.memory_space<vmem_shared>> -> memref<10112x64xf32, #tpu.memory_space<vmem_shared>>
          tpu.enqueue_indirect_dma source(%dma_start3A_693 : memref<10112x64xf32, #tpu.memory_space<vmem_shared>>) target(%dma_start3A_687 : memref<128x64xf32, #tpu.memory_space<vmem>>) offsets(%dma_start3A_690 : memref<128xi32, #tpu.memory_space<vmem>>) semaphore(%arg9 : memref<!tpu.dma_semaphore, #tpu.memory_space<semaphore_mem>>)
        } else {
        }
        %add3A_505 = arith.constant 2 : i32
        %add3A_506 = arith.addi %mul3A_403, %add3A_505 : i32
        %lt3A_507 = arith.constant 80 : i32
        %lt3A_508 = arith.cmpi slt, %add3A_506, %lt3A_507 : i32
        %convert_element_type3A_509 = arith.extui %lt3A_508 : i1 to i32
        %cond3A_510 = arith.constant 0 : i32
        %cond3A_511 = arith.cmpi ne, %convert_element_type3A_509, %cond3A_510 : i32
        scf.if %cond3A_511 {
          %add3A_628 = arith.constant 2 : i32
          %add3A_629 = arith.addi %mul3A_403, %add3A_628 : i32
          %mul3A_630 = arith.constant 2 : i32
          %mul3A_631 = arith.muli %add3A_629, %mul3A_630 : i32
          %dma_start3A_632 = arith.constant 0 : i32
          %dma_start3A_633 = arith.constant 0 : i32
          %dma_start3A_634 = arith.constant 0 : i32
          %dma_start3A_635 = tpu.memref_slice %run_scoped3A_0[%dma_start3A_632, %dma_start3A_633, %dma_start3A_634] : memref<2x2x128xi32, #tpu.memory_space<vmem>> -> memref<1x2x128xi32, #tpu.memory_space<vmem>>
          %dma_start3A_636 = tpu.memref_squeeze %dma_start3A_635 : memref<1x2x128xi32, #tpu.memory_space<vmem>> -> memref<2x128xi32, #tpu.memory_space<vmem>>
          %dma_start3A_637 = arith.constant 0 : i32
          %dma_start3A_638 = tpu.memref_slice %arg3[%arg1, %mul3A_631, %dma_start3A_637] : memref<16x160x128xi32, #tpu.memory_space<hbm>> -> memref<1x2x128xi32, #tpu.memory_space<hbm>>
          %dma_start3A_639 = tpu.memref_squeeze %dma_start3A_638 : memref<1x2x128xi32, #tpu.memory_space<hbm>> -> memref<2x128xi32, #tpu.memory_space<hbm>>
          %dma_start3A_640 = arith.constant 0 : i32
          %dma_start3A_641 = arith.constant 0 : i32
          %dma_start3A_642 = tpu.memref_slice %run_scoped3A_0[%dma_start3A_632, %dma_start3A_640, %dma_start3A_641] : memref<2x2x128xi32, #tpu.memory_space<vmem>> -> memref<1x2x128xi32, #tpu.memory_space<vmem>>
          %dma_start3A_643 = tpu.memref_squeeze %dma_start3A_642 : memref<1x2x128xi32, #tpu.memory_space<vmem>> -> memref<2x128xi32, #tpu.memory_space<vmem>>
          %dma_start3A_644 = arith.constant 0 : i32
          %dma_start3A_645 = tpu.memref_slice %arg3[%arg1, %mul3A_631, %dma_start3A_644] : memref<16x160x128xi32, #tpu.memory_space<hbm>> -> memref<1x2x128xi32, #tpu.memory_space<hbm>>
          %dma_start3A_646 = tpu.memref_squeeze %dma_start3A_645 : memref<1x2x128xi32, #tpu.memory_space<hbm>> -> memref<2x128xi32, #tpu.memory_space<hbm>>
          tpu.enqueue_dma source(%dma_start3A_646 : memref<2x128xi32, #tpu.memory_space<hbm>>) target(%dma_start3A_643 : memref<2x128xi32, #tpu.memory_space<vmem>>) target_semaphore(%arg12 : memref<!tpu.dma_semaphore, #tpu.memory_space<semaphore_mem>>)
        } else {
        }
        %mul3A_512 = arith.constant 2 : i32
        %mul3A_513 = arith.muli %mul3A_512, %scan3A_401 : i32
        %add3A_514 = arith.constant 1 : i32
        %add3A_515 = arith.addi %mul3A_513, %add3A_514 : i32
        %ge3A_516 = arith.constant 1 : i32
        %ge3A_517 = arith.cmpi sge, %add3A_515, %ge3A_516 : i32
        %convert_element_type3A_518 = arith.extui %ge3A_517 : i1 to i32
        %cond3A_519 = arith.constant 0 : i32
        %cond3A_520 = arith.cmpi ne, %convert_element_type3A_518, %cond3A_519 : i32
        scf.if %cond3A_520 {
          %dma_wait3A_628 = arith.constant 0 : i32
          %dma_wait3A_629 = arith.constant 0 : i32
          %dma_wait3A_630 = arith.constant 0 : i32
          %dma_wait3A_631 = arith.constant 0 : i32
          %dma_wait3A_632 = tpu.memref_slice %run_scoped3A[%dma_wait3A_628, %dma_wait3A_629, %dma_wait3A_630, %dma_wait3A_631] : memref<2x2x128x64xf32, #tpu.memory_space<vmem>> -> memref<1x1x128x64xf32, #tpu.memory_space<vmem>>
          %dma_wait3A_633 = tpu.memref_squeeze %dma_wait3A_632 : memref<1x1x128x64xf32, #tpu.memory_space<vmem>> -> memref<128x64xf32, #tpu.memory_space<vmem>>
          %dma_wait3A_634 = arith.constant 0 : i32
          %dma_wait3A_635 = arith.constant 0 : i32
          %dma_wait3A_636 = tpu.memref_slice %arg2[%arg0, %dma_wait3A_634, %dma_wait3A_635] : memref<2x10112x64xf32, #tpu.memory_space<hbm>> -> memref<1x10112x64xf32, #tpu.memory_space<hbm>>
          %dma_wait3A_637 = tpu.memref_squeeze %dma_wait3A_636 : memref<1x10112x64xf32, #tpu.memory_space<hbm>> -> memref<10112x64xf32, #tpu.memory_space<hbm>>
          %dma_wait3A_638 = arith.constant 0 : i32
          %dma_wait3A_639 = arith.constant 0 : i32
          %dma_wait3A_640 = tpu.memref_slice %dma_wait3A_637[%dma_wait3A_638, %dma_wait3A_639] : memref<10112x64xf32, #tpu.memory_space<hbm>> -> memref<128x64xf32, #tpu.memory_space<hbm>>
          %dma_wait3A_641 = arith.constant 0 : i32
          %dma_wait3A_642 = arith.constant 0 : i32
          %dma_wait3A_643 = tpu.memref_slice %run_scoped3A[%dma_wait3A_628, %dma_wait3A_629, %dma_wait3A_641, %dma_wait3A_642] : memref<2x2x128x64xf32, #tpu.memory_space<vmem>> -> memref<1x1x128x64xf32, #tpu.memory_space<vmem>>
          %dma_wait3A_644 = tpu.memref_squeeze %dma_wait3A_643 : memref<1x1x128x64xf32, #tpu.memory_space<vmem>> -> memref<128x64xf32, #tpu.memory_space<vmem>>
          %dma_wait3A_645 = arith.constant 0 : i32
          %dma_wait3A_646 = arith.constant 0 : i32
          %dma_wait3A_647 = tpu.memref_slice %arg2[%arg0, %dma_wait3A_645, %dma_wait3A_646] : memref<2x10112x64xf32, #tpu.memory_space<hbm>> -> memref<1x10112x64xf32, #tpu.memory_space<hbm>>
          %dma_wait3A_648 = tpu.memref_squeeze %dma_wait3A_647 : memref<1x10112x64xf32, #tpu.memory_space<hbm>> -> memref<10112x64xf32, #tpu.memory_space<hbm>>
          %dma_wait3A_649 = arith.constant 0 : i32
          %dma_wait3A_650 = arith.constant 0 : i32
          %dma_wait3A_651 = tpu.memref_slice %dma_wait3A_648[%dma_wait3A_649, %dma_wait3A_650] : memref<10112x64xf32, #tpu.memory_space<hbm>> -> memref<128x64xf32, #tpu.memory_space<hbm>>
          tpu.wait_dma2 semaphore(%arg10 : memref<!tpu.dma_semaphore, #tpu.memory_space<semaphore_mem>>) src(%dma_wait3A_651 : memref<128x64xf32, #tpu.memory_space<hbm>>) dst(%dma_wait3A_644 : memref<128x64xf32, #tpu.memory_space<vmem>>)
          %dma_wait3A_652 = arith.constant 0 : i32
          %dma_wait3A_653 = arith.constant 1 : i32
          %dma_wait3A_654 = arith.constant 0 : i32
          %dma_wait3A_655 = arith.constant 0 : i32
          %dma_wait3A_656 = tpu.memref_slice %run_scoped3A[%dma_wait3A_652, %dma_wait3A_653, %dma_wait3A_654, %dma_wait3A_655] : memref<2x2x128x64xf32, #tpu.memory_space<vmem>> -> memref<1x1x128x64xf32, #tpu.memory_space<vmem>>
          %dma_wait3A_657 = tpu.memref_squeeze %dma_wait3A_656 : memref<1x1x128x64xf32, #tpu.memory_space<vmem>> -> memref<128x64xf32, #tpu.memory_space<vmem>>
          %dma_wait3A_658 = arith.constant 0 : i32
          %dma_wait3A_659 = arith.constant 0 : i32
          %dma_wait3A_660 = tpu.memref_slice %arg2[%arg0, %dma_wait3A_658, %dma_wait3A_659] : memref<2x10112x64xf32, #tpu.memory_space<hbm>> -> memref<1x10112x64xf32, #tpu.memory_space<hbm>>
          %dma_wait3A_661 = tpu.memref_squeeze %dma_wait3A_660 : memref<1x10112x64xf32, #tpu.memory_space<hbm>> -> memref<10112x64xf32, #tpu.memory_space<hbm>>
          %dma_wait3A_662 = arith.constant 0 : i32
          %dma_wait3A_663 = arith.constant 0 : i32
          %dma_wait3A_664 = tpu.memref_slice %dma_wait3A_661[%dma_wait3A_662, %dma_wait3A_663] : memref<10112x64xf32, #tpu.memory_space<hbm>> -> memref<128x64xf32, #tpu.memory_space<hbm>>
          %dma_wait3A_665 = arith.constant 0 : i32
          %dma_wait3A_666 = arith.constant 0 : i32
          %dma_wait3A_667 = tpu.memref_slice %run_scoped3A[%dma_wait3A_652, %dma_wait3A_653, %dma_wait3A_665, %dma_wait3A_666] : memref<2x2x128x64xf32, #tpu.memory_space<vmem>> -> memref<1x1x128x64xf32, #tpu.memory_space<vmem>>
          %dma_wait3A_668 = tpu.memref_squeeze %dma_wait3A_667 : memref<1x1x128x64xf32, #tpu.memory_space<vmem>> -> memref<128x64xf32, #tpu.memory_space<vmem>>
          %dma_wait3A_669 = arith.constant 0 : i32
          %dma_wait3A_670 = arith.constant 0 : i32
          %dma_wait3A_671 = tpu.memref_slice %arg2[%arg0, %dma_wait3A_669, %dma_wait3A_670] : memref<2x10112x64xf32, #tpu.memory_space<hbm>> -> memref<1x10112x64xf32, #tpu.memory_space<hbm>>
          %dma_wait3A_672 = tpu.memref_squeeze %dma_wait3A_671 : memref<1x10112x64xf32, #tpu.memory_space<hbm>> -> memref<10112x64xf32, #tpu.memory_space<hbm>>
          %dma_wait3A_673 = arith.constant 0 : i32
          %dma_wait3A_674 = arith.constant 0 : i32
          %dma_wait3A_675 = tpu.memref_slice %dma_wait3A_672[%dma_wait3A_673, %dma_wait3A_674] : memref<10112x64xf32, #tpu.memory_space<hbm>> -> memref<128x64xf32, #tpu.memory_space<hbm>>
          tpu.wait_dma2 semaphore(%arg10 : memref<!tpu.dma_semaphore, #tpu.memory_space<semaphore_mem>>) src(%dma_wait3A_675 : memref<128x64xf32, #tpu.memory_space<hbm>>) dst(%dma_wait3A_668 : memref<128x64xf32, #tpu.memory_space<vmem>>)
        } else {
        }
        %dma_wait3A_521 = arith.constant 1 : i32
        %dma_wait3A_522 = arith.constant 0 : i32
        %dma_wait3A_523 = arith.constant 0 : i32
        %dma_wait3A_524 = arith.constant 0 : i32
        %dma_wait3A_525 = tpu.memref_slice %run_scoped3A[%dma_wait3A_521, %dma_wait3A_522, %dma_wait3A_523, %dma_wait3A_524] : memref<2x2x128x64xf32, #tpu.memory_space<vmem>> -> memref<1x1x128x64xf32, #tpu.memory_space<vmem>>
        %dma_wait3A_526 = tpu.memref_squeeze %dma_wait3A_525 : memref<1x1x128x64xf32, #tpu.memory_space<vmem>> -> memref<128x64xf32, #tpu.memory_space<vmem>>
        %dma_wait3A_527 = arith.constant 0 : i32
        %dma_wait3A_528 = arith.constant 0 : i32
        %dma_wait3A_529 = tpu.memref_slice %arg2[%arg0, %dma_wait3A_527, %dma_wait3A_528] : memref<2x10112x64xf32, #tpu.memory_space<hbm>> -> memref<1x10112x64xf32, #tpu.memory_space<hbm>>
        %dma_wait3A_530 = tpu.memref_squeeze %dma_wait3A_529 : memref<1x10112x64xf32, #tpu.memory_space<hbm>> -> memref<10112x64xf32, #tpu.memory_space<hbm>>
        %dma_wait3A_531 = arith.constant 0 : i32
        %dma_wait3A_532 = arith.constant 0 : i32
        %dma_wait3A_533 = tpu.memref_slice %dma_wait3A_530[%dma_wait3A_531, %dma_wait3A_532] : memref<10112x64xf32, #tpu.memory_space<hbm>> -> memref<128x64xf32, #tpu.memory_space<hbm>>
        %dma_wait3A_534 = arith.constant 0 : i32
        %dma_wait3A_535 = arith.constant 0 : i32
        %dma_wait3A_536 = tpu.memref_slice %run_scoped3A[%dma_wait3A_521, %dma_wait3A_522, %dma_wait3A_534, %dma_wait3A_535] : memref<2x2x128x64xf32, #tpu.memory_space<vmem>> -> memref<1x1x128x64xf32, #tpu.memory_space<vmem>>
        %dma_wait3A_537 = tpu.memref_squeeze %dma_wait3A_536 : memref<1x1x128x64xf32, #tpu.memory_space<vmem>> -> memref<128x64xf32, #tpu.memory_space<vmem>>
        %dma_wait3A_538 = arith.constant 0 : i32
        %dma_wait3A_539 = arith.constant 0 : i32
        %dma_wait3A_540 = tpu.memref_slice %arg2[%arg0, %dma_wait3A_538, %dma_wait3A_539] : memref<2x10112x64xf32, #tpu.memory_space<hbm>> -> memref<1x10112x64xf32, #tpu.memory_space<hbm>>
        %dma_wait3A_541 = tpu.memref_squeeze %dma_wait3A_540 : memref<1x10112x64xf32, #tpu.memory_space<hbm>> -> memref<10112x64xf32, #tpu.memory_space<hbm>>
        %dma_wait3A_542 = arith.constant 0 : i32
        %dma_wait3A_543 = arith.constant 0 : i32
        %dma_wait3A_544 = tpu.memref_slice %dma_wait3A_541[%dma_wait3A_542, %dma_wait3A_543] : memref<10112x64xf32, #tpu.memory_space<hbm>> -> memref<128x64xf32, #tpu.memory_space<hbm>>
        tpu.wait_dma2 semaphore(%arg9 : memref<!tpu.dma_semaphore, #tpu.memory_space<semaphore_mem>>) src(%dma_wait3A_544 : memref<128x64xf32, #tpu.memory_space<hbm>>) dst(%dma_wait3A_537 : memref<128x64xf32, #tpu.memory_space<vmem>>)
        %dma_wait3A_545 = arith.constant 1 : i32
        %dma_wait3A_546 = arith.constant 1 : i32
        %dma_wait3A_547 = arith.constant 0 : i32
        %dma_wait3A_548 = arith.constant 0 : i32
        %dma_wait3A_549 = tpu.memref_slice %run_scoped3A[%dma_wait3A_545, %dma_wait3A_546, %dma_wait3A_547, %dma_wait3A_548] : memref<2x2x128x64xf32, #tpu.memory_space<vmem>> -> memref<1x1x128x64xf32, #tpu.memory_space<vmem>>
        %dma_wait3A_550 = tpu.memref_squeeze %dma_wait3A_549 : memref<1x1x128x64xf32, #tpu.memory_space<vmem>> -> memref<128x64xf32, #tpu.memory_space<vmem>>
        %dma_wait3A_551 = arith.constant 0 : i32
        %dma_wait3A_552 = arith.constant 0 : i32
        %dma_wait3A_553 = tpu.memref_slice %arg2[%arg0, %dma_wait3A_551, %dma_wait3A_552] : memref<2x10112x64xf32, #tpu.memory_space<hbm>> -> memref<1x10112x64xf32, #tpu.memory_space<hbm>>
        %dma_wait3A_554 = tpu.memref_squeeze %dma_wait3A_553 : memref<1x10112x64xf32, #tpu.memory_space<hbm>> -> memref<10112x64xf32, #tpu.memory_space<hbm>>
        %dma_wait3A_555 = arith.constant 0 : i32
        %dma_wait3A_556 = arith.constant 0 : i32
        %dma_wait3A_557 = tpu.memref_slice %dma_wait3A_554[%dma_wait3A_555, %dma_wait3A_556] : memref<10112x64xf32, #tpu.memory_space<hbm>> -> memref<128x64xf32, #tpu.memory_space<hbm>>
        %dma_wait3A_558 = arith.constant 0 : i32
        %dma_wait3A_559 = arith.constant 0 : i32
        %dma_wait3A_560 = tpu.memref_slice %run_scoped3A[%dma_wait3A_545, %dma_wait3A_546, %dma_wait3A_558, %dma_wait3A_559] : memref<2x2x128x64xf32, #tpu.memory_space<vmem>> -> memref<1x1x128x64xf32, #tpu.memory_space<vmem>>
        %dma_wait3A_561 = tpu.memref_squeeze %dma_wait3A_560 : memref<1x1x128x64xf32, #tpu.memory_space<vmem>> -> memref<128x64xf32, #tpu.memory_space<vmem>>
        %dma_wait3A_562 = arith.constant 0 : i32
        %dma_wait3A_563 = arith.constant 0 : i32
        %dma_wait3A_564 = tpu.memref_slice %arg2[%arg0, %dma_wait3A_562, %dma_wait3A_563] : memref<2x10112x64xf32, #tpu.memory_space<hbm>> -> memref<1x10112x64xf32, #tpu.memory_space<hbm>>
        %dma_wait3A_565 = tpu.memref_squeeze %dma_wait3A_564 : memref<1x10112x64xf32, #tpu.memory_space<hbm>> -> memref<10112x64xf32, #tpu.memory_space<hbm>>
        %dma_wait3A_566 = arith.constant 0 : i32
        %dma_wait3A_567 = arith.constant 0 : i32
        %dma_wait3A_568 = tpu.memref_slice %dma_wait3A_565[%dma_wait3A_566, %dma_wait3A_567] : memref<10112x64xf32, #tpu.memory_space<hbm>> -> memref<128x64xf32, #tpu.memory_space<hbm>>
        tpu.wait_dma2 semaphore(%arg9 : memref<!tpu.dma_semaphore, #tpu.memory_space<semaphore_mem>>) src(%dma_wait3A_568 : memref<128x64xf32, #tpu.memory_space<hbm>>) dst(%dma_wait3A_561 : memref<128x64xf32, #tpu.memory_space<vmem>>)
        %dma_wait3A_569 = arith.constant 1 : i32
        %dma_wait3A_570 = arith.constant 0 : i32
        %dma_wait3A_571 = arith.constant 0 : i32
        %dma_wait3A_572 = tpu.memref_slice %run_scoped3A_1[%dma_wait3A_569, %dma_wait3A_570, %dma_wait3A_571] : memref<2x2x128xi32, #tpu.memory_space<vmem>> -> memref<1x2x128xi32, #tpu.memory_space<vmem>>
        %dma_wait3A_573 = tpu.memref_squeeze %dma_wait3A_572 : memref<1x2x128xi32, #tpu.memory_space<vmem>> -> memref<2x128xi32, #tpu.memory_space<vmem>>
        %dma_wait3A_574 = arith.constant 0 : i32
        %dma_wait3A_575 = arith.constant 0 : i32
        %dma_wait3A_576 = tpu.memref_slice %arg3[%arg1, %dma_wait3A_574, %dma_wait3A_575] : memref<16x160x128xi32, #tpu.memory_space<hbm>> -> memref<1x2x128xi32, #tpu.memory_space<hbm>>
        %dma_wait3A_577 = tpu.memref_squeeze %dma_wait3A_576 : memref<1x2x128xi32, #tpu.memory_space<hbm>> -> memref<2x128xi32, #tpu.memory_space<hbm>>
        %dma_wait3A_578 = arith.constant 0 : i32
        %dma_wait3A_579 = arith.constant 0 : i32
        %dma_wait3A_580 = tpu.memref_slice %run_scoped3A_1[%dma_wait3A_569, %dma_wait3A_578, %dma_wait3A_579] : memref<2x2x128xi32, #tpu.memory_space<vmem>> -> memref<1x2x128xi32, #tpu.memory_space<vmem>>
        %dma_wait3A_581 = tpu.memref_squeeze %dma_wait3A_580 : memref<1x2x128xi32, #tpu.memory_space<vmem>> -> memref<2x128xi32, #tpu.memory_space<vmem>>
        %dma_wait3A_582 = arith.constant 0 : i32
        %dma_wait3A_583 = arith.constant 0 : i32
        %dma_wait3A_584 = tpu.memref_slice %arg3[%arg1, %dma_wait3A_582, %dma_wait3A_583] : memref<16x160x128xi32, #tpu.memory_space<hbm>> -> memref<1x2x128xi32, #tpu.memory_space<hbm>>
        %dma_wait3A_585 = tpu.memref_squeeze %dma_wait3A_584 : memref<1x2x128xi32, #tpu.memory_space<hbm>> -> memref<2x128xi32, #tpu.memory_space<hbm>>
        tpu.wait_dma2 semaphore(%arg13 : memref<!tpu.dma_semaphore, #tpu.memory_space<semaphore_mem>>) src(%dma_wait3A_585 : memref<2x128xi32, #tpu.memory_space<hbm>>) dst(%dma_wait3A_581 : memref<2x128xi32, #tpu.memory_space<vmem>>)
        %dma_start3A_586 = arith.constant 1 : i32
        %dma_start3A_587 = arith.constant 0 : i32
        %dma_start3A_588 = arith.constant 1 : i32
        %dma_start3A_589 = arith.constant 0 : i32
        %dma_start3A_590 = arith.constant 0 : i32
        %dma_start3A_591 = arith.constant 0 : i32
        %dma_start3A_592 = tpu.memref_slice %run_scoped3A[%dma_start3A_586, %dma_start3A_587, %dma_start3A_590, %dma_start3A_591] : memref<2x2x128x64xf32, #tpu.memory_space<vmem>> -> memref<1x1x128x64xf32, #tpu.memory_space<vmem>>
        %dma_start3A_593 = tpu.memref_squeeze %dma_start3A_592 : memref<1x1x128x64xf32, #tpu.memory_space<vmem>> -> memref<128x64xf32, #tpu.memory_space<vmem>>
        %dma_start3A_594 = arith.constant 0 : i32
        %dma_start3A_595 = tpu.memref_slice %run_scoped3A_1[%dma_start3A_588, %dma_start3A_589, %dma_start3A_594] : memref<2x2x128xi32, #tpu.memory_space<vmem>> -> memref<1x1x128xi32, #tpu.memory_space<vmem>>
        %dma_start3A_596 = tpu.memref_squeeze %dma_start3A_595 : memref<1x1x128xi32, #tpu.memory_space<vmem>> -> memref<128xi32, #tpu.memory_space<vmem>>
        %dma_start3A_597 = arith.constant 0 : i32
        %dma_start3A_598 = arith.constant 0 : i32
        %dma_start3A_599 = tpu.memref_slice %arg6[%dma_start3A_597, %dma_start3A_598] : memref<10112x64xf32, #tpu.memory_space<vmem_shared>> -> memref<10112x64xf32, #tpu.memory_space<vmem_shared>>
        tpu.enqueue_indirect_dma source(%dma_start3A_593 : memref<128x64xf32, #tpu.memory_space<vmem>>) target(%dma_start3A_599 : memref<10112x64xf32, #tpu.memory_space<vmem_shared>>) offsets(%dma_start3A_596 : memref<128xi32, #tpu.memory_space<vmem>>) semaphore(%arg11 : memref<!tpu.dma_semaphore, #tpu.memory_space<semaphore_mem>>) {add = true}
        %dma_start3A_600 = arith.constant 1 : i32
        %dma_start3A_601 = arith.constant 1 : i32
        %dma_start3A_602 = arith.constant 1 : i32
        %dma_start3A_603 = arith.constant 1 : i32
        %dma_start3A_604 = arith.constant 0 : i32
        %dma_start3A_605 = arith.constant 0 : i32
        %dma_start3A_606 = tpu.memref_slice %run_scoped3A[%dma_start3A_600, %dma_start3A_601, %dma_start3A_604, %dma_start3A_605] : memref<2x2x128x64xf32, #tpu.memory_space<vmem>> -> memref<1x1x128x64xf32, #tpu.memory_space<vmem>>
        %dma_start3A_607 = tpu.memref_squeeze %dma_start3A_606 : memref<1x1x128x64xf32, #tpu.memory_space<vmem>> -> memref<128x64xf32, #tpu.memory_space<vmem>>
        %dma_start3A_608 = arith.constant 0 : i32
        %dma_start3A_609 = tpu.memref_slice %run_scoped3A_1[%dma_start3A_602, %dma_start3A_603, %dma_start3A_608] : memref<2x2x128xi32, #tpu.memory_space<vmem>> -> memref<1x1x128xi32, #tpu.memory_space<vmem>>
        %dma_start3A_610 = tpu.memref_squeeze %dma_start3A_609 : memref<1x1x128xi32, #tpu.memory_space<vmem>> -> memref<128xi32, #tpu.memory_space<vmem>>
        %dma_start3A_611 = arith.constant 0 : i32
        %dma_start3A_612 = arith.constant 0 : i32
        %dma_start3A_613 = tpu.memref_slice %arg6[%dma_start3A_611, %dma_start3A_612] : memref<10112x64xf32, #tpu.memory_space<vmem_shared>> -> memref<10112x64xf32, #tpu.memory_space<vmem_shared>>
        tpu.enqueue_indirect_dma source(%dma_start3A_607 : memref<128x64xf32, #tpu.memory_space<vmem>>) target(%dma_start3A_613 : memref<10112x64xf32, #tpu.memory_space<vmem_shared>>) offsets(%dma_start3A_610 : memref<128xi32, #tpu.memory_space<vmem>>) semaphore(%arg11 : memref<!tpu.dma_semaphore, #tpu.memory_space<semaphore_mem>>) {add = true}
        %add3A_614 = arith.constant 1 : i32
        %add3A_615 = arith.addi %add3A_515, %add3A_614 : i32
        %lt3A_616 = arith.constant 80 : i32
        %lt3A_617 = arith.cmpi slt, %add3A_615, %lt3A_616 : i32
        %convert_element_type3A_618 = arith.extui %lt3A_617 : i1 to i32
        %cond3A_619 = arith.constant 0 : i32
        %cond3A_620 = arith.cmpi ne, %convert_element_type3A_618, %cond3A_619 : i32
        scf.if %cond3A_620 {
          %add3A_628 = arith.constant 1 : i32
          %add3A_629 = arith.addi %add3A_515, %add3A_628 : i32
          %mul3A_630 = arith.constant 2 : i32
          %mul3A_631 = arith.muli %add3A_629, %mul3A_630 : i32
          %dma_start3A_632 = arith.constant 0 : i32
          %dma_start3A_633 = arith.constant 0 : i32
          %dma_start3A_634 = arith.constant 0 : i32
          %dma_start3A_635 = tpu.memref_slice %run_scoped3A_1[%dma_start3A_632, %dma_start3A_633, %dma_start3A_634] : memref<2x2x128xi32, #tpu.memory_space<vmem>> -> memref<1x2x128xi32, #tpu.memory_space<vmem>>
          %dma_start3A_636 = tpu.memref_squeeze %dma_start3A_635 : memref<1x2x128xi32, #tpu.memory_space<vmem>> -> memref<2x128xi32, #tpu.memory_space<vmem>>
          %dma_start3A_637 = arith.constant 0 : i32
          %dma_start3A_638 = tpu.memref_slice %arg4[%arg1, %mul3A_631, %dma_start3A_637] : memref<16x160x128xi32, #tpu.memory_space<hbm>> -> memref<1x2x128xi32, #tpu.memory_space<hbm>>
          %dma_start3A_639 = tpu.memref_squeeze %dma_start3A_638 : memref<1x2x128xi32, #tpu.memory_space<hbm>> -> memref<2x128xi32, #tpu.memory_space<hbm>>
          %dma_start3A_640 = arith.constant 0 : i32
          %dma_start3A_641 = arith.constant 0 : i32
          %dma_start3A_642 = tpu.memref_slice %run_scoped3A_1[%dma_start3A_632, %dma_start3A_640, %dma_start3A_641] : memref<2x2x128xi32, #tpu.memory_space<vmem>> -> memref<1x2x128xi32, #tpu.memory_space<vmem>>
          %dma_start3A_643 = tpu.memref_squeeze %dma_start3A_642 : memref<1x2x128xi32, #tpu.memory_space<vmem>> -> memref<2x128xi32, #tpu.memory_space<vmem>>
          %dma_start3A_644 = arith.constant 0 : i32
          %dma_start3A_645 = tpu.memref_slice %arg4[%arg1, %mul3A_631, %dma_start3A_644] : memref<16x160x128xi32, #tpu.memory_space<hbm>> -> memref<1x2x128xi32, #tpu.memory_space<hbm>>
          %dma_start3A_646 = tpu.memref_squeeze %dma_start3A_645 : memref<1x2x128xi32, #tpu.memory_space<hbm>> -> memref<2x128xi32, #tpu.memory_space<hbm>>
          tpu.enqueue_dma source(%dma_start3A_646 : memref<2x128xi32, #tpu.memory_space<hbm>>) target(%dma_start3A_643 : memref<2x128xi32, #tpu.memory_space<vmem>>) target_semaphore(%arg13 : memref<!tpu.dma_semaphore, #tpu.memory_space<semaphore_mem>>)
          %dma_wait3A_647 = arith.constant 0 : i32
          %dma_wait3A_648 = arith.constant 0 : i32
          %dma_wait3A_649 = arith.constant 0 : i32
          %dma_wait3A_650 = tpu.memref_slice %run_scoped3A_0[%dma_wait3A_647, %dma_wait3A_648, %dma_wait3A_649] : memref<2x2x128xi32, #tpu.memory_space<vmem>> -> memref<1x2x128xi32, #tpu.memory_space<vmem>>
          %dma_wait3A_651 = tpu.memref_squeeze %dma_wait3A_650 : memref<1x2x128xi32, #tpu.memory_space<vmem>> -> memref<2x128xi32, #tpu.memory_space<vmem>>
          %dma_wait3A_652 = arith.constant 0 : i32
          %dma_wait3A_653 = arith.constant 0 : i32
          %dma_wait3A_654 = tpu.memref_slice %arg3[%arg1, %dma_wait3A_652, %dma_wait3A_653] : memref<16x160x128xi32, #tpu.memory_space<hbm>> -> memref<1x2x128xi32, #tpu.memory_space<hbm>>
          %dma_wait3A_655 = tpu.memref_squeeze %dma_wait3A_654 : memref<1x2x128xi32, #tpu.memory_space<hbm>> -> memref<2x128xi32, #tpu.memory_space<hbm>>
          %dma_wait3A_656 = arith.constant 0 : i32
          %dma_wait3A_657 = arith.constant 0 : i32
          %dma_wait3A_658 = tpu.memref_slice %run_scoped3A_0[%dma_wait3A_647, %dma_wait3A_656, %dma_wait3A_657] : memref<2x2x128xi32, #tpu.memory_space<vmem>> -> memref<1x2x128xi32, #tpu.memory_space<vmem>>
          %dma_wait3A_659 = tpu.memref_squeeze %dma_wait3A_658 : memref<1x2x128xi32, #tpu.memory_space<vmem>> -> memref<2x128xi32, #tpu.memory_space<vmem>>
          %dma_wait3A_660 = arith.constant 0 : i32
          %dma_wait3A_661 = arith.constant 0 : i32
          %dma_wait3A_662 = tpu.memref_slice %arg3[%arg1, %dma_wait3A_660, %dma_wait3A_661] : memref<16x160x128xi32, #tpu.memory_space<hbm>> -> memref<1x2x128xi32, #tpu.memory_space<hbm>>
          %dma_wait3A_663 = tpu.memref_squeeze %dma_wait3A_662 : memref<1x2x128xi32, #tpu.memory_space<hbm>> -> memref<2x128xi32, #tpu.memory_space<hbm>>
          tpu.wait_dma2 semaphore(%arg12 : memref<!tpu.dma_semaphore, #tpu.memory_space<semaphore_mem>>) src(%dma_wait3A_663 : memref<2x128xi32, #tpu.memory_space<hbm>>) dst(%dma_wait3A_659 : memref<2x128xi32, #tpu.memory_space<vmem>>)
          %add3A_664 = arith.constant 1 : i32
          %add3A_665 = arith.addi %add3A_515, %add3A_664 : i32
          %dma_start3A_666 = arith.constant 0 : i32
          %dma_start3A_667 = arith.constant 0 : i32
          %dma_start3A_668 = arith.constant 0 : i32
          %dma_start3A_669 = arith.constant 0 : i32
          %dma_start3A_670 = arith.constant 0 : i32
          %dma_start3A_671 = arith.constant 0 : i32
          %dma_start3A_672 = tpu.memref_slice %run_scoped3A[%dma_start3A_668, %dma_start3A_669, %dma_start3A_670, %dma_start3A_671] : memref<2x2x128x64xf32, #tpu.memory_space<vmem>> -> memref<1x1x128x64xf32, #tpu.memory_space<vmem>>
          %dma_start3A_673 = tpu.memref_squeeze %dma_start3A_672 : memref<1x1x128x64xf32, #tpu.memory_space<vmem>> -> memref<128x64xf32, #tpu.memory_space<vmem>>
          %dma_start3A_674 = arith.constant 0 : i32
          %dma_start3A_675 = tpu.memref_slice %run_scoped3A_0[%dma_start3A_666, %dma_start3A_667, %dma_start3A_674] : memref<2x2x128xi32, #tpu.memory_space<vmem>> -> memref<1x1x128xi32, #tpu.memory_space<vmem>>
          %dma_start3A_676 = tpu.memref_squeeze %dma_start3A_675 : memref<1x1x128xi32, #tpu.memory_space<vmem>> -> memref<128xi32, #tpu.memory_space<vmem>>
          %dma_start3A_677 = arith.constant 0 : i32
          %dma_start3A_678 = arith.constant 0 : i32
          %dma_start3A_679 = tpu.memref_slice %arg7[%dma_start3A_677, %dma_start3A_678] : memref<10112x64xf32, #tpu.memory_space<vmem_shared>> -> memref<10112x64xf32, #tpu.memory_space<vmem_shared>>
          tpu.enqueue_indirect_dma source(%dma_start3A_679 : memref<10112x64xf32, #tpu.memory_space<vmem_shared>>) target(%dma_start3A_673 : memref<128x64xf32, #tpu.memory_space<vmem>>) offsets(%dma_start3A_676 : memref<128xi32, #tpu.memory_space<vmem>>) semaphore(%arg8 : memref<!tpu.dma_semaphore, #tpu.memory_space<semaphore_mem>>)
          %dma_start3A_680 = arith.constant 0 : i32
          %dma_start3A_681 = arith.constant 1 : i32
          %dma_start3A_682 = arith.constant 0 : i32
          %dma_start3A_683 = arith.constant 1 : i32
          %dma_start3A_684 = arith.constant 0 : i32
          %dma_start3A_685 = arith.constant 0 : i32
          %dma_start3A_686 = tpu.memref_slice %run_scoped3A[%dma_start3A_682, %dma_start3A_683, %dma_start3A_684, %dma_start3A_685] : memref<2x2x128x64xf32, #tpu.memory_space<vmem>> -> memref<1x1x128x64xf32, #tpu.memory_space<vmem>>
          %dma_start3A_687 = tpu.memref_squeeze %dma_start3A_686 : memref<1x1x128x64xf32, #tpu.memory_space<vmem>> -> memref<128x64xf32, #tpu.memory_space<vmem>>
          %dma_start3A_688 = arith.constant 0 : i32
          %dma_start3A_689 = tpu.memref_slice %run_scoped3A_0[%dma_start3A_680, %dma_start3A_681, %dma_start3A_688] : memref<2x2x128xi32, #tpu.memory_space<vmem>> -> memref<1x1x128xi32, #tpu.memory_space<vmem>>
          %dma_start3A_690 = tpu.memref_squeeze %dma_start3A_689 : memref<1x1x128xi32, #tpu.memory_space<vmem>> -> memref<128xi32, #tpu.memory_space<vmem>>
          %dma_start3A_691 = arith.constant 0 : i32
          %dma_start3A_692 = arith.constant 0 : i32
          %dma_start3A_693 = tpu.memref_slice %arg7[%dma_start3A_691, %dma_start3A_692] : memref<10112x64xf32, #tpu.memory_space<vmem_shared>> -> memref<10112x64xf32, #tpu.memory_space<vmem_shared>>
          tpu.enqueue_indirect_dma source(%dma_start3A_693 : memref<10112x64xf32, #tpu.memory_space<vmem_shared>>) target(%dma_start3A_687 : memref<128x64xf32, #tpu.memory_space<vmem>>) offsets(%dma_start3A_690 : memref<128xi32, #tpu.memory_space<vmem>>) semaphore(%arg8 : memref<!tpu.dma_semaphore, #tpu.memory_space<semaphore_mem>>)
        } else {
        }
        %add3A_621 = arith.constant 2 : i32
        %add3A_622 = arith.addi %add3A_515, %add3A_621 : i32
        %lt3A_623 = arith.constant 80 : i32
        %lt3A_624 = arith.cmpi slt, %add3A_622, %lt3A_623 : i32
        %convert_element_type3A_625 = arith.extui %lt3A_624 : i1 to i32
        %cond3A_626 = arith.constant 0 : i32
        %cond3A_627 = arith.cmpi ne, %convert_element_type3A_625, %cond3A_626 : i32
        scf.if %cond3A_627 {
          %add3A_628 = arith.constant 2 : i32
          %add3A_629 = arith.addi %add3A_515, %add3A_628 : i32
          %mul3A_630 = arith.constant 2 : i32
          %mul3A_631 = arith.muli %add3A_629, %mul3A_630 : i32
          %dma_start3A_632 = arith.constant 1 : i32
          %dma_start3A_633 = arith.constant 0 : i32
          %dma_start3A_634 = arith.constant 0 : i32
          %dma_start3A_635 = tpu.memref_slice %run_scoped3A_0[%dma_start3A_632, %dma_start3A_633, %dma_start3A_634] : memref<2x2x128xi32, #tpu.memory_space<vmem>> -> memref<1x2x128xi32, #tpu.memory_space<vmem>>
          %dma_start3A_636 = tpu.memref_squeeze %dma_start3A_635 : memref<1x2x128xi32, #tpu.memory_space<vmem>> -> memref<2x128xi32, #tpu.memory_space<vmem>>
          %dma_start3A_637 = arith.constant 0 : i32
          %dma_start3A_638 = tpu.memref_slice %arg3[%arg1, %mul3A_631, %dma_start3A_637] : memref<16x160x128xi32, #tpu.memory_space<hbm>> -> memref<1x2x128xi32, #tpu.memory_space<hbm>>
          %dma_start3A_639 = tpu.memref_squeeze %dma_start3A_638 : memref<1x2x128xi32, #tpu.memory_space<hbm>> -> memref<2x128xi32, #tpu.memory_space<hbm>>
          %dma_start3A_640 = arith.constant 0 : i32
          %dma_start3A_641 = arith.constant 0 : i32
          %dma_start3A_642 = tpu.memref_slice %run_scoped3A_0[%dma_start3A_632, %dma_start3A_640, %dma_start3A_641] : memref<2x2x128xi32, #tpu.memory_space<vmem>> -> memref<1x2x128xi32, #tpu.memory_space<vmem>>
          %dma_start3A_643 = tpu.memref_squeeze %dma_start3A_642 : memref<1x2x128xi32, #tpu.memory_space<vmem>> -> memref<2x128xi32, #tpu.memory_space<vmem>>
          %dma_start3A_644 = arith.constant 0 : i32
          %dma_start3A_645 = tpu.memref_slice %arg3[%arg1, %mul3A_631, %dma_start3A_644] : memref<16x160x128xi32, #tpu.memory_space<hbm>> -> memref<1x2x128xi32, #tpu.memory_space<hbm>>
          %dma_start3A_646 = tpu.memref_squeeze %dma_start3A_645 : memref<1x2x128xi32, #tpu.memory_space<hbm>> -> memref<2x128xi32, #tpu.memory_space<hbm>>
          tpu.enqueue_dma source(%dma_start3A_646 : memref<2x128xi32, #tpu.memory_space<hbm>>) target(%dma_start3A_643 : memref<2x128xi32, #tpu.memory_space<vmem>>) target_semaphore(%arg12 : memref<!tpu.dma_semaphore, #tpu.memory_space<semaphore_mem>>)
        } else {
        }
      }
      %scan3A_231 = arith.constant 40 : i32
      %dma_wait3A_232 = arith.constant 1 : i32
      %dma_wait3A_233 = arith.constant 0 : i32
      %dma_wait3A_234 = arith.constant 0 : i32
      %dma_wait3A_235 = arith.constant 0 : i32
      %dma_wait3A_236 = tpu.memref_slice %run_scoped3A[%dma_wait3A_232, %dma_wait3A_233, %dma_wait3A_234, %dma_wait3A_235] : memref<2x2x128x64xf32, #tpu.memory_space<vmem>> -> memref<1x1x128x64xf32, #tpu.memory_space<vmem>>
      %dma_wait3A_237 = tpu.memref_squeeze %dma_wait3A_236 : memref<1x1x128x64xf32, #tpu.memory_space<vmem>> -> memref<128x64xf32, #tpu.memory_space<vmem>>
      %dma_wait3A_238 = arith.constant 0 : i32
      %dma_wait3A_239 = arith.constant 0 : i32
      %dma_wait3A_240 = tpu.memref_slice %arg2[%arg0, %dma_wait3A_238, %dma_wait3A_239] : memref<2x10112x64xf32, #tpu.memory_space<hbm>> -> memref<1x10112x64xf32, #tpu.memory_space<hbm>>
      %dma_wait3A_241 = tpu.memref_squeeze %dma_wait3A_240 : memref<1x10112x64xf32, #tpu.memory_space<hbm>> -> memref<10112x64xf32, #tpu.memory_space<hbm>>
      %dma_wait3A_242 = arith.constant 0 : i32
      %dma_wait3A_243 = arith.constant 0 : i32
      %dma_wait3A_244 = tpu.memref_slice %dma_wait3A_241[%dma_wait3A_242, %dma_wait3A_243] : memref<10112x64xf32, #tpu.memory_space<hbm>> -> memref<128x64xf32, #tpu.memory_space<hbm>>
      %dma_wait3A_245 = arith.constant 0 : i32
      %dma_wait3A_246 = arith.constant 0 : i32
      %dma_wait3A_247 = tpu.memref_slice %run_scoped3A[%dma_wait3A_232, %dma_wait3A_233, %dma_wait3A_245, %dma_wait3A_246] : memref<2x2x128x64xf32, #tpu.memory_space<vmem>> -> memref<1x1x128x64xf32, #tpu.memory_space<vmem>>
      %dma_wait3A_248 = tpu.memref_squeeze %dma_wait3A_247 : memref<1x1x128x64xf32, #tpu.memory_space<vmem>> -> memref<128x64xf32, #tpu.memory_space<vmem>>
      %dma_wait3A_249 = arith.constant 0 : i32
      %dma_wait3A_250 = arith.constant 0 : i32
      %dma_wait3A_251 = tpu.memref_slice %arg2[%arg0, %dma_wait3A_249, %dma_wait3A_250] : memref<2x10112x64xf32, #tpu.memory_space<hbm>> -> memref<1x10112x64xf32, #tpu.memory_space<hbm>>
      %dma_wait3A_252 = tpu.memref_squeeze %dma_wait3A_251 : memref<1x10112x64xf32, #tpu.memory_space<hbm>> -> memref<10112x64xf32, #tpu.memory_space<hbm>>
      %dma_wait3A_253 = arith.constant 0 : i32
      %dma_wait3A_254 = arith.constant 0 : i32
      %dma_wait3A_255 = tpu.memref_slice %dma_wait3A_252[%dma_wait3A_253, %dma_wait3A_254] : memref<10112x64xf32, #tpu.memory_space<hbm>> -> memref<128x64xf32, #tpu.memory_space<hbm>>
      tpu.wait_dma2 semaphore(%arg11 : memref<!tpu.dma_semaphore, #tpu.memory_space<semaphore_mem>>) src(%dma_wait3A_255 : memref<128x64xf32, #tpu.memory_space<hbm>>) dst(%dma_wait3A_248 : memref<128x64xf32, #tpu.memory_space<vmem>>)
      %dma_wait3A_256 = arith.constant 1 : i32
      %dma_wait3A_257 = arith.constant 1 : i32
      %dma_wait3A_258 = arith.constant 0 : i32
      %dma_wait3A_259 = arith.constant 0 : i32
      %dma_wait3A_260 = tpu.memref_slice %run_scoped3A[%dma_wait3A_256, %dma_wait3A_257, %dma_wait3A_258, %dma_wait3A_259] : memref<2x2x128x64xf32, #tpu.memory_space<vmem>> -> memref<1x1x128x64xf32, #tpu.memory_space<vmem>>
      %dma_wait3A_261 = tpu.memref_squeeze %dma_wait3A_260 : memref<1x1x128x64xf32, #tpu.memory_space<vmem>> -> memref<128x64xf32, #tpu.memory_space<vmem>>
      %dma_wait3A_262 = arith.constant 0 : i32
      %dma_wait3A_263 = arith.constant 0 : i32
      %dma_wait3A_264 = tpu.memref_slice %arg2[%arg0, %dma_wait3A_262, %dma_wait3A_263] : memref<2x10112x64xf32, #tpu.memory_space<hbm>> -> memref<1x10112x64xf32, #tpu.memory_space<hbm>>
      %dma_wait3A_265 = tpu.memref_squeeze %dma_wait3A_264 : memref<1x10112x64xf32, #tpu.memory_space<hbm>> -> memref<10112x64xf32, #tpu.memory_space<hbm>>
      %dma_wait3A_266 = arith.constant 0 : i32
      %dma_wait3A_267 = arith.constant 0 : i32
      %dma_wait3A_268 = tpu.memref_slice %dma_wait3A_265[%dma_wait3A_266, %dma_wait3A_267] : memref<10112x64xf32, #tpu.memory_space<hbm>> -> memref<128x64xf32, #tpu.memory_space<hbm>>
      %dma_wait3A_269 = arith.constant 0 : i32
      %dma_wait3A_270 = arith.constant 0 : i32
      %dma_wait3A_271 = tpu.memref_slice %run_scoped3A[%dma_wait3A_256, %dma_wait3A_257, %dma_wait3A_269, %dma_wait3A_270] : memref<2x2x128x64xf32, #tpu.memory_space<vmem>> -> memref<1x1x128x64xf32, #tpu.memory_space<vmem>>
      %dma_wait3A_272 = tpu.memref_squeeze %dma_wait3A_271 : memref<1x1x128x64xf32, #tpu.memory_space<vmem>> -> memref<128x64xf32, #tpu.memory_space<vmem>>
      %dma_wait3A_273 = arith.constant 0 : i32
      %dma_wait3A_274 = arith.constant 0 : i32
      %dma_wait3A_275 = tpu.memref_slice %arg2[%arg0, %dma_wait3A_273, %dma_wait3A_274] : memref<2x10112x64xf32, #tpu.memory_space<hbm>> -> memref<1x10112x64xf32, #tpu.memory_space<hbm>>
      %dma_wait3A_276 = tpu.memref_squeeze %dma_wait3A_275 : memref<1x10112x64xf32, #tpu.memory_space<hbm>> -> memref<10112x64xf32, #tpu.memory_space<hbm>>
      %dma_wait3A_277 = arith.constant 0 : i32
      %dma_wait3A_278 = arith.constant 0 : i32
      %dma_wait3A_279 = tpu.memref_slice %dma_wait3A_276[%dma_wait3A_277, %dma_wait3A_278] : memref<10112x64xf32, #tpu.memory_space<hbm>> -> memref<128x64xf32, #tpu.memory_space<hbm>>
      tpu.wait_dma2 semaphore(%arg11 : memref<!tpu.dma_semaphore, #tpu.memory_space<semaphore_mem>>) src(%dma_wait3A_279 : memref<128x64xf32, #tpu.memory_space<hbm>>) dst(%dma_wait3A_272 : memref<128x64xf32, #tpu.memory_space<vmem>>)
      %barrier3A_280 = arith.constant 0 : index
      tpu.barrier barrier_id(%barrier3A_280)
      %mul3A_281 = arith.constant 632 : i32
      %mul3A_282 = arith.muli %arg1, %mul3A_281 : i32
      %add3A_283 = arith.constant 0 : i32
      %add3A_284 = arith.addi %mul3A_282, %add3A_283 : i32
      "tpu.region"() ({
        %run_scoped3A_401 = tpu.sem_alloc : memref<!tpu.dma_semaphore, #tpu.memory_space<semaphore_mem>>
        %dma_start3A_402 = arith.constant 0 : i32
        %dma_start3A_403 = arith.constant 0 : i32
        %dma_start3A_404 = tpu.memref_slice %run_scoped3A_2[%dma_start3A_402, %dma_start3A_403] : memref<256x64xf32, #tpu.memory_space<vmem>> -> memref<256x64xf32, #tpu.memory_space<vmem>>
        %dma_start3A_405 = arith.constant 0 : i32
        %dma_start3A_406 = tpu.memref_slice %arg6[%add3A_284, %dma_start3A_405] : memref<10112x64xf32, #tpu.memory_space<vmem_shared>> -> memref<256x64xf32, #tpu.memory_space<vmem_shared>>
        %dma_start3A_407 = arith.constant 0 : i32
        %dma_start3A_408 = arith.constant 0 : i32
        %dma_start3A_409 = tpu.memref_slice %run_scoped3A_2[%dma_start3A_407, %dma_start3A_408] : memref<256x64xf32, #tpu.memory_space<vmem>> -> memref<256x64xf32, #tpu.memory_space<vmem>>
        %dma_start3A_410 = arith.constant 0 : i32
        %dma_start3A_411 = tpu.memref_slice %arg6[%add3A_284, %dma_start3A_410] : memref<10112x64xf32, #tpu.memory_space<vmem_shared>> -> memref<256x64xf32, #tpu.memory_space<vmem_shared>>
        tpu.enqueue_dma source(%dma_start3A_411 : memref<256x64xf32, #tpu.memory_space<vmem_shared>>) target(%dma_start3A_409 : memref<256x64xf32, #tpu.memory_space<vmem>>) target_semaphore(%run_scoped3A_401 : memref<!tpu.dma_semaphore, #tpu.memory_space<semaphore_mem>>)
        %dma_wait3A_412 = arith.constant 0 : i32
        %dma_wait3A_413 = arith.constant 0 : i32
        %dma_wait3A_414 = tpu.memref_slice %run_scoped3A_2[%dma_wait3A_412, %dma_wait3A_413] : memref<256x64xf32, #tpu.memory_space<vmem>> -> memref<256x64xf32, #tpu.memory_space<vmem>>
        %dma_wait3A_415 = arith.constant 0 : i32
        %dma_wait3A_416 = tpu.memref_slice %arg6[%add3A_284, %dma_wait3A_415] : memref<10112x64xf32, #tpu.memory_space<vmem_shared>> -> memref<256x64xf32, #tpu.memory_space<vmem_shared>>
        %dma_wait3A_417 = arith.constant 0 : i32
        %dma_wait3A_418 = arith.constant 0 : i32
        %dma_wait3A_419 = tpu.memref_slice %run_scoped3A_2[%dma_wait3A_417, %dma_wait3A_418] : memref<256x64xf32, #tpu.memory_space<vmem>> -> memref<256x64xf32, #tpu.memory_space<vmem>>
        %dma_wait3A_420 = arith.constant 0 : i32
        %dma_wait3A_421 = tpu.memref_slice %arg6[%add3A_284, %dma_wait3A_420] : memref<10112x64xf32, #tpu.memory_space<vmem_shared>> -> memref<256x64xf32, #tpu.memory_space<vmem_shared>>
        tpu.wait_dma2 semaphore(%run_scoped3A_401 : memref<!tpu.dma_semaphore, #tpu.memory_space<semaphore_mem>>) src(%dma_wait3A_421 : memref<256x64xf32, #tpu.memory_space<vmem_shared>>) dst(%dma_wait3A_419 : memref<256x64xf32, #tpu.memory_space<vmem>>)
        tpu.yield
      }) : () -> ()
      %dma_start3A_285 = arith.constant 0 : i32
      %dma_start3A_286 = arith.constant 0 : i32
      %dma_start3A_287 = tpu.memref_slice %run_scoped3A_2[%dma_start3A_285, %dma_start3A_286] : memref<256x64xf32, #tpu.memory_space<vmem>> -> memref<256x64xf32, #tpu.memory_space<vmem>>
      %dma_start3A_288 = arith.constant 0 : i32
      %dma_start3A_289 = arith.constant 0 : i32
      %dma_start3A_290 = tpu.memref_slice %arg5[%arg0, %dma_start3A_288, %dma_start3A_289] : memref<2x10112x64xf32, #tpu.memory_space<hbm>> -> memref<1x10112x64xf32, #tpu.memory_space<hbm>>
      %dma_start3A_291 = tpu.memref_squeeze %dma_start3A_290 : memref<1x10112x64xf32, #tpu.memory_space<hbm>> -> memref<10112x64xf32, #tpu.memory_space<hbm>>
      %dma_start3A_292 = arith.constant 0 : i32
      %dma_start3A_293 = tpu.memref_slice %dma_start3A_291[%add3A_284, %dma_start3A_292] : memref<10112x64xf32, #tpu.memory_space<hbm>> -> memref<256x64xf32, #tpu.memory_space<hbm>>
      %dma_start3A_294 = arith.constant 0 : i32
      %dma_start3A_295 = arith.constant 0 : i32
      %dma_start3A_296 = tpu.memref_slice %arg5[%arg0, %dma_start3A_294, %dma_start3A_295] : memref<2x10112x64xf32, #tpu.memory_space<hbm>> -> memref<1x10112x64xf32, #tpu.memory_space<hbm>>
      %dma_start3A_297 = tpu.memref_squeeze %dma_start3A_296 : memref<1x10112x64xf32, #tpu.memory_space<hbm>> -> memref<10112x64xf32, #tpu.memory_space<hbm>>
      %dma_start3A_298 = arith.constant 0 : i32
      %dma_start3A_299 = tpu.memref_slice %dma_start3A_297[%add3A_284, %dma_start3A_298] : memref<10112x64xf32, #tpu.memory_space<hbm>> -> memref<256x64xf32, #tpu.memory_space<hbm>>
      %dma_start3A_300 = arith.constant 0 : i32
      %dma_start3A_301 = arith.constant 0 : i32
      %dma_start3A_302 = tpu.memref_slice %run_scoped3A_2[%dma_start3A_300, %dma_start3A_301] : memref<256x64xf32, #tpu.memory_space<vmem>> -> memref<256x64xf32, #tpu.memory_space<vmem>>
      tpu.enqueue_dma source(%dma_start3A_302 : memref<256x64xf32, #tpu.memory_space<vmem>>) target(%dma_start3A_299 : memref<256x64xf32, #tpu.memory_space<hbm>>) target_semaphore(%arg9 : memref<!tpu.dma_semaphore, #tpu.memory_space<semaphore_mem>>)
      %dma_wait3A_303 = arith.constant 0 : i32
      %dma_wait3A_304 = arith.constant 0 : i32
      %dma_wait3A_305 = tpu.memref_slice %run_scoped3A_2[%dma_wait3A_303, %dma_wait3A_304] : memref<256x64xf32, #tpu.memory_space<vmem>> -> memref<256x64xf32, #tpu.memory_space<vmem>>
      %dma_wait3A_306 = arith.constant 0 : i32
      %dma_wait3A_307 = arith.constant 0 : i32
      %dma_wait3A_308 = tpu.memref_slice %arg5[%arg0, %dma_wait3A_306, %dma_wait3A_307] : memref<2x10112x64xf32, #tpu.memory_space<hbm>> -> memref<1x10112x64xf32, #tpu.memory_space<hbm>>
      %dma_wait3A_309 = tpu.memref_squeeze %dma_wait3A_308 : memref<1x10112x64xf32, #tpu.memory_space<hbm>> -> memref<10112x64xf32, #tpu.memory_space<hbm>>
      %dma_wait3A_310 = arith.constant 0 : i32
      %dma_wait3A_311 = tpu.memref_slice %dma_wait3A_309[%add3A_284, %dma_wait3A_310] : memref<10112x64xf32, #tpu.memory_space<hbm>> -> memref<256x64xf32, #tpu.memory_space<hbm>>
      %dma_wait3A_312 = arith.constant 0 : i32
      %dma_wait3A_313 = arith.constant 0 : i32
      %dma_wait3A_314 = tpu.memref_slice %arg5[%arg0, %dma_wait3A_312, %dma_wait3A_313] : memref<2x10112x64xf32, #tpu.memory_space<hbm>> -> memref<1x10112x64xf32, #tpu.memory_space<hbm>>
      %dma_wait3A_315 = tpu.memref_squeeze %dma_wait3A_314 : memref<1x10112x64xf32, #tpu.memory_space<hbm>> -> memref<10112x64xf32, #tpu.memory_space<hbm>>
      %dma_wait3A_316 = arith.constant 0 : i32
      %dma_wait3A_317 = tpu.memref_slice %dma_wait3A_315[%add3A_284, %dma_wait3A_316] : memref<10112x64xf32, #tpu.memory_space<hbm>> -> memref<256x64xf32, #tpu.memory_space<hbm>>
      %dma_wait3A_318 = arith.constant 0 : i32
      %dma_wait3A_319 = arith.constant 0 : i32
      %dma_wait3A_320 = tpu.memref_slice %run_scoped3A_2[%dma_wait3A_318, %dma_wait3A_319] : memref<256x64xf32, #tpu.memory_space<vmem>> -> memref<256x64xf32, #tpu.memory_space<vmem>>
      tpu.wait_dma2 semaphore(%arg9 : memref<!tpu.dma_semaphore, #tpu.memory_space<semaphore_mem>>) src(%dma_wait3A_320 : memref<256x64xf32, #tpu.memory_space<vmem>>) dst(%dma_wait3A_317 : memref<256x64xf32, #tpu.memory_space<hbm>>)
      %mul3A_321 = arith.constant 632 : i32
      %mul3A_322 = arith.muli %arg1, %mul3A_321 : i32
      %add3A_323 = arith.constant 256 : i32
      %add3A_324 = arith.addi %mul3A_322, %add3A_323 : i32
      "tpu.region"() ({
        %run_scoped3A_401 = tpu.sem_alloc : memref<!tpu.dma_semaphore, #tpu.memory_space<semaphore_mem>>
        %dma_start3A_402 = arith.constant 0 : i32
        %dma_start3A_403 = arith.constant 0 : i32
        %dma_start3A_404 = tpu.memref_slice %run_scoped3A_2[%dma_start3A_402, %dma_start3A_403] : memref<256x64xf32, #tpu.memory_space<vmem>> -> memref<256x64xf32, #tpu.memory_space<vmem>>
        %dma_start3A_405 = arith.constant 0 : i32
        %dma_start3A_406 = tpu.memref_slice %arg6[%add3A_324, %dma_start3A_405] : memref<10112x64xf32, #tpu.memory_space<vmem_shared>> -> memref<256x64xf32, #tpu.memory_space<vmem_shared>>
        %dma_start3A_407 = arith.constant 0 : i32
        %dma_start3A_408 = arith.constant 0 : i32
        %dma_start3A_409 = tpu.memref_slice %run_scoped3A_2[%dma_start3A_407, %dma_start3A_408] : memref<256x64xf32, #tpu.memory_space<vmem>> -> memref<256x64xf32, #tpu.memory_space<vmem>>
        %dma_start3A_410 = arith.constant 0 : i32
        %dma_start3A_411 = tpu.memref_slice %arg6[%add3A_324, %dma_start3A_410] : memref<10112x64xf32, #tpu.memory_space<vmem_shared>> -> memref<256x64xf32, #tpu.memory_space<vmem_shared>>
        tpu.enqueue_dma source(%dma_start3A_411 : memref<256x64xf32, #tpu.memory_space<vmem_shared>>) target(%dma_start3A_409 : memref<256x64xf32, #tpu.memory_space<vmem>>) target_semaphore(%run_scoped3A_401 : memref<!tpu.dma_semaphore, #tpu.memory_space<semaphore_mem>>)
        %dma_wait3A_412 = arith.constant 0 : i32
        %dma_wait3A_413 = arith.constant 0 : i32
        %dma_wait3A_414 = tpu.memref_slice %run_scoped3A_2[%dma_wait3A_412, %dma_wait3A_413] : memref<256x64xf32, #tpu.memory_space<vmem>> -> memref<256x64xf32, #tpu.memory_space<vmem>>
        %dma_wait3A_415 = arith.constant 0 : i32
        %dma_wait3A_416 = tpu.memref_slice %arg6[%add3A_324, %dma_wait3A_415] : memref<10112x64xf32, #tpu.memory_space<vmem_shared>> -> memref<256x64xf32, #tpu.memory_space<vmem_shared>>
        %dma_wait3A_417 = arith.constant 0 : i32
        %dma_wait3A_418 = arith.constant 0 : i32
        %dma_wait3A_419 = tpu.memref_slice %run_scoped3A_2[%dma_wait3A_417, %dma_wait3A_418] : memref<256x64xf32, #tpu.memory_space<vmem>> -> memref<256x64xf32, #tpu.memory_space<vmem>>
        %dma_wait3A_420 = arith.constant 0 : i32
        %dma_wait3A_421 = tpu.memref_slice %arg6[%add3A_324, %dma_wait3A_420] : memref<10112x64xf32, #tpu.memory_space<vmem_shared>> -> memref<256x64xf32, #tpu.memory_space<vmem_shared>>
        tpu.wait_dma2 semaphore(%run_scoped3A_401 : memref<!tpu.dma_semaphore, #tpu.memory_space<semaphore_mem>>) src(%dma_wait3A_421 : memref<256x64xf32, #tpu.memory_space<vmem_shared>>) dst(%dma_wait3A_419 : memref<256x64xf32, #tpu.memory_space<vmem>>)
        tpu.yield
      }) : () -> ()
      %dma_start3A_325 = arith.constant 0 : i32
      %dma_start3A_326 = arith.constant 0 : i32
      %dma_start3A_327 = tpu.memref_slice %run_scoped3A_2[%dma_start3A_325, %dma_start3A_326] : memref<256x64xf32, #tpu.memory_space<vmem>> -> memref<256x64xf32, #tpu.memory_space<vmem>>
      %dma_start3A_328 = arith.constant 0 : i32
      %dma_start3A_329 = arith.constant 0 : i32
      %dma_start3A_330 = tpu.memref_slice %arg5[%arg0, %dma_start3A_328, %dma_start3A_329] : memref<2x10112x64xf32, #tpu.memory_space<hbm>> -> memref<1x10112x64xf32, #tpu.memory_space<hbm>>
      %dma_start3A_331 = tpu.memref_squeeze %dma_start3A_330 : memref<1x10112x64xf32, #tpu.memory_space<hbm>> -> memref<10112x64xf32, #tpu.memory_space<hbm>>
      %dma_start3A_332 = arith.constant 0 : i32
      %dma_start3A_333 = tpu.memref_slice %dma_start3A_331[%add3A_324, %dma_start3A_332] : memref<10112x64xf32, #tpu.memory_space<hbm>> -> memref<256x64xf32, #tpu.memory_space<hbm>>
      %dma_start3A_334 = arith.constant 0 : i32
      %dma_start3A_335 = arith.constant 0 : i32
      %dma_start3A_336 = tpu.memref_slice %arg5[%arg0, %dma_start3A_334, %dma_start3A_335] : memref<2x10112x64xf32, #tpu.memory_space<hbm>> -> memref<1x10112x64xf32, #tpu.memory_space<hbm>>
      %dma_start3A_337 = tpu.memref_squeeze %dma_start3A_336 : memref<1x10112x64xf32, #tpu.memory_space<hbm>> -> memref<10112x64xf32, #tpu.memory_space<hbm>>
      %dma_start3A_338 = arith.constant 0 : i32
      %dma_start3A_339 = tpu.memref_slice %dma_start3A_337[%add3A_324, %dma_start3A_338] : memref<10112x64xf32, #tpu.memory_space<hbm>> -> memref<256x64xf32, #tpu.memory_space<hbm>>
      %dma_start3A_340 = arith.constant 0 : i32
      %dma_start3A_341 = arith.constant 0 : i32
      %dma_start3A_342 = tpu.memref_slice %run_scoped3A_2[%dma_start3A_340, %dma_start3A_341] : memref<256x64xf32, #tpu.memory_space<vmem>> -> memref<256x64xf32, #tpu.memory_space<vmem>>
      tpu.enqueue_dma source(%dma_start3A_342 : memref<256x64xf32, #tpu.memory_space<vmem>>) target(%dma_start3A_339 : memref<256x64xf32, #tpu.memory_space<hbm>>) target_semaphore(%arg9 : memref<!tpu.dma_semaphore, #tpu.memory_space<semaphore_mem>>)
      %dma_wait3A_343 = arith.constant 0 : i32
      %dma_wait3A_344 = arith.constant 0 : i32
      %dma_wait3A_345 = tpu.memref_slice %run_scoped3A_2[%dma_wait3A_343, %dma_wait3A_344] : memref<256x64xf32, #tpu.memory_space<vmem>> -> memref<256x64xf32, #tpu.memory_space<vmem>>
      %dma_wait3A_346 = arith.constant 0 : i32
      %dma_wait3A_347 = arith.constant 0 : i32
      %dma_wait3A_348 = tpu.memref_slice %arg5[%arg0, %dma_wait3A_346, %dma_wait3A_347] : memref<2x10112x64xf32, #tpu.memory_space<hbm>> -> memref<1x10112x64xf32, #tpu.memory_space<hbm>>
      %dma_wait3A_349 = tpu.memref_squeeze %dma_wait3A_348 : memref<1x10112x64xf32, #tpu.memory_space<hbm>> -> memref<10112x64xf32, #tpu.memory_space<hbm>>
      %dma_wait3A_350 = arith.constant 0 : i32
      %dma_wait3A_351 = tpu.memref_slice %dma_wait3A_349[%add3A_324, %dma_wait3A_350] : memref<10112x64xf32, #tpu.memory_space<hbm>> -> memref<256x64xf32, #tpu.memory_space<hbm>>
      %dma_wait3A_352 = arith.constant 0 : i32
      %dma_wait3A_353 = arith.constant 0 : i32
      %dma_wait3A_354 = tpu.memref_slice %arg5[%arg0, %dma_wait3A_352, %dma_wait3A_353] : memref<2x10112x64xf32, #tpu.memory_space<hbm>> -> memref<1x10112x64xf32, #tpu.memory_space<hbm>>
      %dma_wait3A_355 = tpu.memref_squeeze %dma_wait3A_354 : memref<1x10112x64xf32, #tpu.memory_space<hbm>> -> memref<10112x64xf32, #tpu.memory_space<hbm>>
      %dma_wait3A_356 = arith.constant 0 : i32
      %dma_wait3A_357 = tpu.memref_slice %dma_wait3A_355[%add3A_324, %dma_wait3A_356] : memref<10112x64xf32, #tpu.memory_space<hbm>> -> memref<256x64xf32, #tpu.memory_space<hbm>>
      %dma_wait3A_358 = arith.constant 0 : i32
      %dma_wait3A_359 = arith.constant 0 : i32
      %dma_wait3A_360 = tpu.memref_slice %run_scoped3A_2[%dma_wait3A_358, %dma_wait3A_359] : memref<256x64xf32, #tpu.memory_space<vmem>> -> memref<256x64xf32, #tpu.memory_space<vmem>>
      tpu.wait_dma2 semaphore(%arg9 : memref<!tpu.dma_semaphore, #tpu.memory_space<semaphore_mem>>) src(%dma_wait3A_360 : memref<256x64xf32, #tpu.memory_space<vmem>>) dst(%dma_wait3A_357 : memref<256x64xf32, #tpu.memory_space<hbm>>)
      %mul3A_361 = arith.constant 632 : i32
      %mul3A_362 = arith.muli %arg1, %mul3A_361 : i32
      %add3A_363 = arith.constant 512 : i32
      %add3A_364 = arith.addi %mul3A_362, %add3A_363 : i32
      "tpu.region"() ({
        %run_scoped3A_401 = tpu.sem_alloc : memref<!tpu.dma_semaphore, #tpu.memory_space<semaphore_mem>>
        %dma_start3A_402 = arith.constant 0 : i32
        %dma_start3A_403 = arith.constant 0 : i32
        %dma_start3A_404 = tpu.memref_slice %run_scoped3A_2[%dma_start3A_402, %dma_start3A_403] : memref<256x64xf32, #tpu.memory_space<vmem>> -> memref<120x64xf32, #tpu.memory_space<vmem>>
        %dma_start3A_405 = arith.constant 0 : i32
        %dma_start3A_406 = tpu.memref_slice %arg6[%add3A_364, %dma_start3A_405] : memref<10112x64xf32, #tpu.memory_space<vmem_shared>> -> memref<120x64xf32, #tpu.memory_space<vmem_shared>>
        %dma_start3A_407 = arith.constant 0 : i32
        %dma_start3A_408 = arith.constant 0 : i32
        %dma_start3A_409 = tpu.memref_slice %run_scoped3A_2[%dma_start3A_407, %dma_start3A_408] : memref<256x64xf32, #tpu.memory_space<vmem>> -> memref<120x64xf32, #tpu.memory_space<vmem>>
        %dma_start3A_410 = arith.constant 0 : i32
        %dma_start3A_411 = tpu.memref_slice %arg6[%add3A_364, %dma_start3A_410] : memref<10112x64xf32, #tpu.memory_space<vmem_shared>> -> memref<120x64xf32, #tpu.memory_space<vmem_shared>>
        tpu.enqueue_dma source(%dma_start3A_411 : memref<120x64xf32, #tpu.memory_space<vmem_shared>>) target(%dma_start3A_409 : memref<120x64xf32, #tpu.memory_space<vmem>>) target_semaphore(%run_scoped3A_401 : memref<!tpu.dma_semaphore, #tpu.memory_space<semaphore_mem>>)
        %dma_wait3A_412 = arith.constant 0 : i32
        %dma_wait3A_413 = arith.constant 0 : i32
        %dma_wait3A_414 = tpu.memref_slice %run_scoped3A_2[%dma_wait3A_412, %dma_wait3A_413] : memref<256x64xf32, #tpu.memory_space<vmem>> -> memref<120x64xf32, #tpu.memory_space<vmem>>
        %dma_wait3A_415 = arith.constant 0 : i32
        %dma_wait3A_416 = tpu.memref_slice %arg6[%add3A_364, %dma_wait3A_415] : memref<10112x64xf32, #tpu.memory_space<vmem_shared>> -> memref<120x64xf32, #tpu.memory_space<vmem_shared>>
        %dma_wait3A_417 = arith.constant 0 : i32
        %dma_wait3A_418 = arith.constant 0 : i32
        %dma_wait3A_419 = tpu.memref_slice %run_scoped3A_2[%dma_wait3A_417, %dma_wait3A_418] : memref<256x64xf32, #tpu.memory_space<vmem>> -> memref<120x64xf32, #tpu.memory_space<vmem>>
        %dma_wait3A_420 = arith.constant 0 : i32
        %dma_wait3A_421 = tpu.memref_slice %arg6[%add3A_364, %dma_wait3A_420] : memref<10112x64xf32, #tpu.memory_space<vmem_shared>> -> memref<120x64xf32, #tpu.memory_space<vmem_shared>>
        tpu.wait_dma2 semaphore(%run_scoped3A_401 : memref<!tpu.dma_semaphore, #tpu.memory_space<semaphore_mem>>) src(%dma_wait3A_421 : memref<120x64xf32, #tpu.memory_space<vmem_shared>>) dst(%dma_wait3A_419 : memref<120x64xf32, #tpu.memory_space<vmem>>)
        tpu.yield
      }) : () -> ()
      %dma_start3A_365 = arith.constant 0 : i32
      %dma_start3A_366 = arith.constant 0 : i32
      %dma_start3A_367 = tpu.memref_slice %run_scoped3A_2[%dma_start3A_365, %dma_start3A_366] : memref<256x64xf32, #tpu.memory_space<vmem>> -> memref<120x64xf32, #tpu.memory_space<vmem>>
      %dma_start3A_368 = arith.constant 0 : i32
      %dma_start3A_369 = arith.constant 0 : i32
      %dma_start3A_370 = tpu.memref_slice %arg5[%arg0, %dma_start3A_368, %dma_start3A_369] : memref<2x10112x64xf32, #tpu.memory_space<hbm>> -> memref<1x10112x64xf32, #tpu.memory_space<hbm>>
      %dma_start3A_371 = tpu.memref_squeeze %dma_start3A_370 : memref<1x10112x64xf32, #tpu.memory_space<hbm>> -> memref<10112x64xf32, #tpu.memory_space<hbm>>
      %dma_start3A_372 = arith.constant 0 : i32
      %dma_start3A_373 = tpu.memref_slice %dma_start3A_371[%add3A_364, %dma_start3A_372] : memref<10112x64xf32, #tpu.memory_space<hbm>> -> memref<120x64xf32, #tpu.memory_space<hbm>>
      %dma_start3A_374 = arith.constant 0 : i32
      %dma_start3A_375 = arith.constant 0 : i32
      %dma_start3A_376 = tpu.memref_slice %arg5[%arg0, %dma_start3A_374, %dma_start3A_375] : memref<2x10112x64xf32, #tpu.memory_space<hbm>> -> memref<1x10112x64xf32, #tpu.memory_space<hbm>>
      %dma_start3A_377 = tpu.memref_squeeze %dma_start3A_376 : memref<1x10112x64xf32, #tpu.memory_space<hbm>> -> memref<10112x64xf32, #tpu.memory_space<hbm>>
      %dma_start3A_378 = arith.constant 0 : i32
      %dma_start3A_379 = tpu.memref_slice %dma_start3A_377[%add3A_364, %dma_start3A_378] : memref<10112x64xf32, #tpu.memory_space<hbm>> -> memref<120x64xf32, #tpu.memory_space<hbm>>
      %dma_start3A_380 = arith.constant 0 : i32
      %dma_start3A_381 = arith.constant 0 : i32
      %dma_start3A_382 = tpu.memref_slice %run_scoped3A_2[%dma_start3A_380, %dma_start3A_381] : memref<256x64xf32, #tpu.memory_space<vmem>> -> memref<120x64xf32, #tpu.memory_space<vmem>>
      tpu.enqueue_dma source(%dma_start3A_382 : memref<120x64xf32, #tpu.memory_space<vmem>>) target(%dma_start3A_379 : memref<120x64xf32, #tpu.memory_space<hbm>>) target_semaphore(%arg9 : memref<!tpu.dma_semaphore, #tpu.memory_space<semaphore_mem>>)
      %dma_wait3A_383 = arith.constant 0 : i32
      %dma_wait3A_384 = arith.constant 0 : i32
      %dma_wait3A_385 = tpu.memref_slice %run_scoped3A_2[%dma_wait3A_383, %dma_wait3A_384] : memref<256x64xf32, #tpu.memory_space<vmem>> -> memref<120x64xf32, #tpu.memory_space<vmem>>
      %dma_wait3A_386 = arith.constant 0 : i32
      %dma_wait3A_387 = arith.constant 0 : i32
      %dma_wait3A_388 = tpu.memref_slice %arg5[%arg0, %dma_wait3A_386, %dma_wait3A_387] : memref<2x10112x64xf32, #tpu.memory_space<hbm>> -> memref<1x10112x64xf32, #tpu.memory_space<hbm>>
      %dma_wait3A_389 = tpu.memref_squeeze %dma_wait3A_388 : memref<1x10112x64xf32, #tpu.memory_space<hbm>> -> memref<10112x64xf32, #tpu.memory_space<hbm>>
      %dma_wait3A_390 = arith.constant 0 : i32
      %dma_wait3A_391 = tpu.memref_slice %dma_wait3A_389[%add3A_364, %dma_wait3A_390] : memref<10112x64xf32, #tpu.memory_space<hbm>> -> memref<120x64xf32, #tpu.memory_space<hbm>>
      %dma_wait3A_392 = arith.constant 0 : i32
      %dma_wait3A_393 = arith.constant 0 : i32
      %dma_wait3A_394 = tpu.memref_slice %arg5[%arg0, %dma_wait3A_392, %dma_wait3A_393] : memref<2x10112x64xf32, #tpu.memory_space<hbm>> -> memref<1x10112x64xf32, #tpu.memory_space<hbm>>
      %dma_wait3A_395 = tpu.memref_squeeze %dma_wait3A_394 : memref<1x10112x64xf32, #tpu.memory_space<hbm>> -> memref<10112x64xf32, #tpu.memory_space<hbm>>
      %dma_wait3A_396 = arith.constant 0 : i32
      %dma_wait3A_397 = tpu.memref_slice %dma_wait3A_395[%add3A_364, %dma_wait3A_396] : memref<10112x64xf32, #tpu.memory_space<hbm>> -> memref<120x64xf32, #tpu.memory_space<hbm>>
      %dma_wait3A_398 = arith.constant 0 : i32
      %dma_wait3A_399 = arith.constant 0 : i32
      %dma_wait3A_400 = tpu.memref_slice %run_scoped3A_2[%dma_wait3A_398, %dma_wait3A_399] : memref<256x64xf32, #tpu.memory_space<vmem>> -> memref<120x64xf32, #tpu.memory_space<vmem>>
      tpu.wait_dma2 semaphore(%arg9 : memref<!tpu.dma_semaphore, #tpu.memory_space<semaphore_mem>>) src(%dma_wait3A_400 : memref<120x64xf32, #tpu.memory_space<vmem>>) dst(%dma_wait3A_397 : memref<120x64xf32, #tpu.memory_space<hbm>>)
      tpu.yield
    }) : () -> ()
    return
  }
}

#map = affine_map<(d0, d1) -> (0, 0, 0)>
module attributes {stable_mosaic.version = 14 : i64} {
  func.func @_sc_agg_body(%arg0: i32, %arg1: i32, %arg2: memref<2x10112x64xf32, #tpu.memory_space<hbm>>, %arg3: memref<16x160x128xi32, #tpu.memory_space<hbm>>, %arg4: memref<16x160x128xi32, #tpu.memory_space<hbm>>, %arg5: memref<2x10112x64xf32, #tpu.memory_space<hbm>>, %arg6: memref<10112x64xf32, #tpu.memory_space<vmem_shared>>, %arg7: memref<10112x64xf32, #tpu.memory_space<vmem_shared>>, %arg8: memref<!tpu.dma_semaphore, #tpu.memory_space<semaphore_mem>>, %arg9: memref<!tpu.dma_semaphore, #tpu.memory_space<semaphore_mem>>, %arg10: memref<!tpu.dma_semaphore, #tpu.memory_space<semaphore_mem>>, %arg11: memref<!tpu.dma_semaphore, #tpu.memory_space<semaphore_mem>>, %arg12: memref<!tpu.dma_semaphore, #tpu.memory_space<semaphore_mem>>, %arg13: memref<!tpu.dma_semaphore, #tpu.memory_space<semaphore_mem>>) attributes {dimension_semantics = [#tpu.dimension_semantics<core_parallel>, #tpu.dimension_semantics<subcore_parallel>], iteration_bounds = array<i64: 2, 16>, scalar_prefetch = 0 : i64, scratch_operands = 8 : i64, tpu.core_type = #tpu.core_type<sc_vector_subcore>, window_params = [{transform_indices = #map}, {transform_indices = #map}, {transform_indices = #map}, {transform_indices = #map}]} {
    "tpu.region"() ({
      %run_scoped3A = memref.alloca() : memref<2x2x128x64xf32, #tpu.memory_space<vmem>>
      %run_scoped3A_0 = memref.alloca() : memref<2x2x128xi32, #tpu.memory_space<vmem>>
      %run_scoped3A_1 = memref.alloca() : memref<2x2x128xi32, #tpu.memory_space<vmem>>
      %run_scoped3A_2 = memref.alloca() : memref<256x64xf32, #tpu.memory_space<vmem>>
      %mul3A = arith.constant 632 : i32
      %mul3A_3 = arith.muli %arg1, %mul3A : i32
      %add3A = arith.constant 0 : i32
      %add3A_4 = arith.addi %mul3A_3, %add3A : i32
      "tpu.region"() ({
        %run_scoped3A_401 = tpu.sem_alloc : memref<!tpu.dma_semaphore, #tpu.memory_space<semaphore_mem>>
        %dma_start3A_402 = arith.constant 0 : i32
        %dma_start3A_403 = arith.constant 0 : i32
        %dma_start3A_404 = tpu.memref_slice %run_scoped3A_2[%dma_start3A_402, %dma_start3A_403] : memref<256x64xf32, #tpu.memory_space<vmem>> -> memref<256x64xf32, #tpu.memory_space<vmem>>
        %dma_start3A_405 = arith.constant 0 : i32
        %dma_start3A_406 = arith.constant 0 : i32
        %dma_start3A_407 = tpu.memref_slice %arg2[%arg0, %dma_start3A_405, %dma_start3A_406] : memref<2x10112x64xf32, #tpu.memory_space<hbm>> -> memref<1x10112x64xf32, #tpu.memory_space<hbm>>
        %dma_start3A_408 = tpu.memref_squeeze %dma_start3A_407 : memref<1x10112x64xf32, #tpu.memory_space<hbm>> -> memref<10112x64xf32, #tpu.memory_space<hbm>>
        %dma_start3A_409 = arith.constant 0 : i32
        %dma_start3A_410 = tpu.memref_slice %dma_start3A_408[%add3A_4, %dma_start3A_409] : memref<10112x64xf32, #tpu.memory_space<hbm>> -> memref<256x64xf32, #tpu.memory_space<hbm>>
        %dma_start3A_411 = arith.constant 0 : i32
        %dma_start3A_412 = arith.constant 0 : i32
        %dma_start3A_413 = tpu.memref_slice %run_scoped3A_2[%dma_start3A_411, %dma_start3A_412] : memref<256x64xf32, #tpu.memory_space<vmem>> -> memref<256x64xf32, #tpu.memory_space<vmem>>
        %dma_start3A_414 = arith.constant 0 : i32
        %dma_start3A_415 = arith.constant 0 : i32
        %dma_start3A_416 = tpu.memref_slice %arg2[%arg0, %dma_start3A_414, %dma_start3A_415] : memref<2x10112x64xf32, #tpu.memory_space<hbm>> -> memref<1x10112x64xf32, #tpu.memory_space<hbm>>
        %dma_start3A_417 = tpu.memref_squeeze %dma_start3A_416 : memref<1x10112x64xf32, #tpu.memory_space<hbm>> -> memref<10112x64xf32, #tpu.memory_space<hbm>>
        %dma_start3A_418 = arith.constant 0 : i32
        %dma_start3A_419 = tpu.memref_slice %dma_start3A_417[%add3A_4, %dma_start3A_418] : memref<10112x64xf32, #tpu.memory_space<hbm>> -> memref<256x64xf32, #tpu.memory_space<hbm>>
        tpu.enqueue_dma source(%dma_start3A_419 : memref<256x64xf32, #tpu.memory_space<hbm>>) target(%dma_start3A_413 : memref<256x64xf32, #tpu.memory_space<vmem>>) target_semaphore(%run_scoped3A_401 : memref<!tpu.dma_semaphore, #tpu.memory_space<semaphore_mem>>)
        %dma_wait3A_420 = arith.constant 0 : i32
        %dma_wait3A_421 = arith.constant 0 : i32
        %dma_wait3A_422 = tpu.memref_slice %run_scoped3A_2[%dma_wait3A_420, %dma_wait3A_421] : memref<256x64xf32, #tpu.memory_space<vmem>> -> memref<256x64xf32, #tpu.memory_space<vmem>>
        %dma_wait3A_423 = arith.constant 0 : i32
        %dma_wait3A_424 = arith.constant 0 : i32
        %dma_wait3A_425 = tpu.memref_slice %arg2[%arg0, %dma_wait3A_423, %dma_wait3A_424] : memref<2x10112x64xf32, #tpu.memory_space<hbm>> -> memref<1x10112x64xf32, #tpu.memory_space<hbm>>
        %dma_wait3A_426 = tpu.memref_squeeze %dma_wait3A_425 : memref<1x10112x64xf32, #tpu.memory_space<hbm>> -> memref<10112x64xf32, #tpu.memory_space<hbm>>
        %dma_wait3A_427 = arith.constant 0 : i32
        %dma_wait3A_428 = tpu.memref_slice %dma_wait3A_426[%add3A_4, %dma_wait3A_427] : memref<10112x64xf32, #tpu.memory_space<hbm>> -> memref<256x64xf32, #tpu.memory_space<hbm>>
        %dma_wait3A_429 = arith.constant 0 : i32
        %dma_wait3A_430 = arith.constant 0 : i32
        %dma_wait3A_431 = tpu.memref_slice %run_scoped3A_2[%dma_wait3A_429, %dma_wait3A_430] : memref<256x64xf32, #tpu.memory_space<vmem>> -> memref<256x64xf32, #tpu.memory_space<vmem>>
        %dma_wait3A_432 = arith.constant 0 : i32
        %dma_wait3A_433 = arith.constant 0 : i32
        %dma_wait3A_434 = tpu.memref_slice %arg2[%arg0, %dma_wait3A_432, %dma_wait3A_433] : memref<2x10112x64xf32, #tpu.memory_space<hbm>> -> memref<1x10112x64xf32, #tpu.memory_space<hbm>>
        %dma_wait3A_435 = tpu.memref_squeeze %dma_wait3A_434 : memref<1x10112x64xf32, #tpu.memory_space<hbm>> -> memref<10112x64xf32, #tpu.memory_space<hbm>>
        %dma_wait3A_436 = arith.constant 0 : i32
        %dma_wait3A_437 = tpu.memref_slice %dma_wait3A_435[%add3A_4, %dma_wait3A_436] : memref<10112x64xf32, #tpu.memory_space<hbm>> -> memref<256x64xf32, #tpu.memory_space<hbm>>
        tpu.wait_dma2 semaphore(%run_scoped3A_401 : memref<!tpu.dma_semaphore, #tpu.memory_space<semaphore_mem>>) src(%dma_wait3A_437 : memref<256x64xf32, #tpu.memory_space<hbm>>) dst(%dma_wait3A_431 : memref<256x64xf32, #tpu.memory_space<vmem>>)
        tpu.yield
      }) : () -> ()
      %dma_start3A = arith.constant 0 : i32
      %dma_start3A_5 = arith.constant 0 : i32
      %dma_start3A_6 = tpu.memref_slice %run_scoped3A_2[%dma_start3A, %dma_start3A_5] : memref<256x64xf32, #tpu.memory_space<vmem>> -> memref<256x64xf32, #tpu.memory_space<vmem>>
      %dma_start3A_7 = arith.constant 0 : i32
      %dma_start3A_8 = tpu.memref_slice %arg7[%add3A_4, %dma_start3A_7] : memref<10112x64xf32, #tpu.memory_space<vmem_shared>> -> memref<256x64xf32, #tpu.memory_space<vmem_shared>>
      %dma_start3A_9 = arith.constant 0 : i32
      %dma_start3A_10 = tpu.memref_slice %arg7[%add3A_4, %dma_start3A_9] : memref<10112x64xf32, #tpu.memory_space<vmem_shared>> -> memref<256x64xf32, #tpu.memory_space<vmem_shared>>
      %dma_start3A_11 = arith.constant 0 : i32
      %dma_start3A_12 = arith.constant 0 : i32
      %dma_start3A_13 = tpu.memref_slice %run_scoped3A_2[%dma_start3A_11, %dma_start3A_12] : memref<256x64xf32, #tpu.memory_space<vmem>> -> memref<256x64xf32, #tpu.memory_space<vmem>>
      tpu.enqueue_dma source(%dma_start3A_13 : memref<256x64xf32, #tpu.memory_space<vmem>>) target(%dma_start3A_10 : memref<256x64xf32, #tpu.memory_space<vmem_shared>>) target_semaphore(%arg8 : memref<!tpu.dma_semaphore, #tpu.memory_space<semaphore_mem>>)
      %dma_start3A_14 = arith.constant 0 : i32
      %dma_start3A_15 = arith.constant 0 : i32
      %dma_start3A_16 = tpu.memref_slice %run_scoped3A_2[%dma_start3A_14, %dma_start3A_15] : memref<256x64xf32, #tpu.memory_space<vmem>> -> memref<256x64xf32, #tpu.memory_space<vmem>>
      %dma_start3A_17 = arith.constant 0 : i32
      %dma_start3A_18 = tpu.memref_slice %arg6[%add3A_4, %dma_start3A_17] : memref<10112x64xf32, #tpu.memory_space<vmem_shared>> -> memref<256x64xf32, #tpu.memory_space<vmem_shared>>
      %dma_start3A_19 = arith.constant 0 : i32
      %dma_start3A_20 = tpu.memref_slice %arg6[%add3A_4, %dma_start3A_19] : memref<10112x64xf32, #tpu.memory_space<vmem_shared>> -> memref<256x64xf32, #tpu.memory_space<vmem_shared>>
      %dma_start3A_21 = arith.constant 0 : i32
      %dma_start3A_22 = arith.constant 0 : i32
      %dma_start3A_23 = tpu.memref_slice %run_scoped3A_2[%dma_start3A_21, %dma_start3A_22] : memref<256x64xf32, #tpu.memory_space<vmem>> -> memref<256x64xf32, #tpu.memory_space<vmem>>
      tpu.enqueue_dma source(%dma_start3A_23 : memref<256x64xf32, #tpu.memory_space<vmem>>) target(%dma_start3A_20 : memref<256x64xf32, #tpu.memory_space<vmem_shared>>) target_semaphore(%arg10 : memref<!tpu.dma_semaphore, #tpu.memory_space<semaphore_mem>>)
      %dma_wait3A = arith.constant 0 : i32
      %dma_wait3A_24 = arith.constant 0 : i32
      %dma_wait3A_25 = tpu.memref_slice %run_scoped3A_2[%dma_wait3A, %dma_wait3A_24] : memref<256x64xf32, #tpu.memory_space<vmem>> -> memref<256x64xf32, #tpu.memory_space<vmem>>
      %dma_wait3A_26 = arith.constant 0 : i32
      %dma_wait3A_27 = tpu.memref_slice %arg7[%add3A_4, %dma_wait3A_26] : memref<10112x64xf32, #tpu.memory_space<vmem_shared>> -> memref<256x64xf32, #tpu.memory_space<vmem_shared>>
      %dma_wait3A_28 = arith.constant 0 : i32
      %dma_wait3A_29 = tpu.memref_slice %arg7[%add3A_4, %dma_wait3A_28] : memref<10112x64xf32, #tpu.memory_space<vmem_shared>> -> memref<256x64xf32, #tpu.memory_space<vmem_shared>>
      %dma_wait3A_30 = arith.constant 0 : i32
      %dma_wait3A_31 = arith.constant 0 : i32
      %dma_wait3A_32 = tpu.memref_slice %run_scoped3A_2[%dma_wait3A_30, %dma_wait3A_31] : memref<256x64xf32, #tpu.memory_space<vmem>> -> memref<256x64xf32, #tpu.memory_space<vmem>>
      tpu.wait_dma2 semaphore(%arg8 : memref<!tpu.dma_semaphore, #tpu.memory_space<semaphore_mem>>) src(%dma_wait3A_32 : memref<256x64xf32, #tpu.memory_space<vmem>>) dst(%dma_wait3A_29 : memref<256x64xf32, #tpu.memory_space<vmem_shared>>)
      %dma_wait3A_33 = arith.constant 0 : i32
      %dma_wait3A_34 = arith.constant 0 : i32
      %dma_wait3A_35 = tpu.memref_slice %run_scoped3A_2[%dma_wait3A_33, %dma_wait3A_34] : memref<256x64xf32, #tpu.memory_space<vmem>> -> memref<256x64xf32, #tpu.memory_space<vmem>>
      %dma_wait3A_36 = arith.constant 0 : i32
      %dma_wait3A_37 = tpu.memref_slice %arg6[%add3A_4, %dma_wait3A_36] : memref<10112x64xf32, #tpu.memory_space<vmem_shared>> -> memref<256x64xf32, #tpu.memory_space<vmem_shared>>
      %dma_wait3A_38 = arith.constant 0 : i32
      %dma_wait3A_39 = tpu.memref_slice %arg6[%add3A_4, %dma_wait3A_38] : memref<10112x64xf32, #tpu.memory_space<vmem_shared>> -> memref<256x64xf32, #tpu.memory_space<vmem_shared>>
      %dma_wait3A_40 = arith.constant 0 : i32
      %dma_wait3A_41 = arith.constant 0 : i32
      %dma_wait3A_42 = tpu.memref_slice %run_scoped3A_2[%dma_wait3A_40, %dma_wait3A_41] : memref<256x64xf32, #tpu.memory_space<vmem>> -> memref<256x64xf32, #tpu.memory_space<vmem>>
      tpu.wait_dma2 semaphore(%arg10 : memref<!tpu.dma_semaphore, #tpu.memory_space<semaphore_mem>>) src(%dma_wait3A_42 : memref<256x64xf32, #tpu.memory_space<vmem>>) dst(%dma_wait3A_39 : memref<256x64xf32, #tpu.memory_space<vmem_shared>>)
      %mul3A_43 = arith.constant 632 : i32
      %mul3A_44 = arith.muli %arg1, %mul3A_43 : i32
      %add3A_45 = arith.constant 256 : i32
      %add3A_46 = arith.addi %mul3A_44, %add3A_45 : i32
      "tpu.region"() ({
        %run_scoped3A_401 = tpu.sem_alloc : memref<!tpu.dma_semaphore, #tpu.memory_space<semaphore_mem>>
        %dma_start3A_402 = arith.constant 0 : i32
        %dma_start3A_403 = arith.constant 0 : i32
        %dma_start3A_404 = tpu.memref_slice %run_scoped3A_2[%dma_start3A_402, %dma_start3A_403] : memref<256x64xf32, #tpu.memory_space<vmem>> -> memref<256x64xf32, #tpu.memory_space<vmem>>
        %dma_start3A_405 = arith.constant 0 : i32
        %dma_start3A_406 = arith.constant 0 : i32
        %dma_start3A_407 = tpu.memref_slice %arg2[%arg0, %dma_start3A_405, %dma_start3A_406] : memref<2x10112x64xf32, #tpu.memory_space<hbm>> -> memref<1x10112x64xf32, #tpu.memory_space<hbm>>
        %dma_start3A_408 = tpu.memref_squeeze %dma_start3A_407 : memref<1x10112x64xf32, #tpu.memory_space<hbm>> -> memref<10112x64xf32, #tpu.memory_space<hbm>>
        %dma_start3A_409 = arith.constant 0 : i32
        %dma_start3A_410 = tpu.memref_slice %dma_start3A_408[%add3A_46, %dma_start3A_409] : memref<10112x64xf32, #tpu.memory_space<hbm>> -> memref<256x64xf32, #tpu.memory_space<hbm>>
        %dma_start3A_411 = arith.constant 0 : i32
        %dma_start3A_412 = arith.constant 0 : i32
        %dma_start3A_413 = tpu.memref_slice %run_scoped3A_2[%dma_start3A_411, %dma_start3A_412] : memref<256x64xf32, #tpu.memory_space<vmem>> -> memref<256x64xf32, #tpu.memory_space<vmem>>
        %dma_start3A_414 = arith.constant 0 : i32
        %dma_start3A_415 = arith.constant 0 : i32
        %dma_start3A_416 = tpu.memref_slice %arg2[%arg0, %dma_start3A_414, %dma_start3A_415] : memref<2x10112x64xf32, #tpu.memory_space<hbm>> -> memref<1x10112x64xf32, #tpu.memory_space<hbm>>
        %dma_start3A_417 = tpu.memref_squeeze %dma_start3A_416 : memref<1x10112x64xf32, #tpu.memory_space<hbm>> -> memref<10112x64xf32, #tpu.memory_space<hbm>>
        %dma_start3A_418 = arith.constant 0 : i32
        %dma_start3A_419 = tpu.memref_slice %dma_start3A_417[%add3A_46, %dma_start3A_418] : memref<10112x64xf32, #tpu.memory_space<hbm>> -> memref<256x64xf32, #tpu.memory_space<hbm>>
        tpu.enqueue_dma source(%dma_start3A_419 : memref<256x64xf32, #tpu.memory_space<hbm>>) target(%dma_start3A_413 : memref<256x64xf32, #tpu.memory_space<vmem>>) target_semaphore(%run_scoped3A_401 : memref<!tpu.dma_semaphore, #tpu.memory_space<semaphore_mem>>)
        %dma_wait3A_420 = arith.constant 0 : i32
        %dma_wait3A_421 = arith.constant 0 : i32
        %dma_wait3A_422 = tpu.memref_slice %run_scoped3A_2[%dma_wait3A_420, %dma_wait3A_421] : memref<256x64xf32, #tpu.memory_space<vmem>> -> memref<256x64xf32, #tpu.memory_space<vmem>>
        %dma_wait3A_423 = arith.constant 0 : i32
        %dma_wait3A_424 = arith.constant 0 : i32
        %dma_wait3A_425 = tpu.memref_slice %arg2[%arg0, %dma_wait3A_423, %dma_wait3A_424] : memref<2x10112x64xf32, #tpu.memory_space<hbm>> -> memref<1x10112x64xf32, #tpu.memory_space<hbm>>
        %dma_wait3A_426 = tpu.memref_squeeze %dma_wait3A_425 : memref<1x10112x64xf32, #tpu.memory_space<hbm>> -> memref<10112x64xf32, #tpu.memory_space<hbm>>
        %dma_wait3A_427 = arith.constant 0 : i32
        %dma_wait3A_428 = tpu.memref_slice %dma_wait3A_426[%add3A_46, %dma_wait3A_427] : memref<10112x64xf32, #tpu.memory_space<hbm>> -> memref<256x64xf32, #tpu.memory_space<hbm>>
        %dma_wait3A_429 = arith.constant 0 : i32
        %dma_wait3A_430 = arith.constant 0 : i32
        %dma_wait3A_431 = tpu.memref_slice %run_scoped3A_2[%dma_wait3A_429, %dma_wait3A_430] : memref<256x64xf32, #tpu.memory_space<vmem>> -> memref<256x64xf32, #tpu.memory_space<vmem>>
        %dma_wait3A_432 = arith.constant 0 : i32
        %dma_wait3A_433 = arith.constant 0 : i32
        %dma_wait3A_434 = tpu.memref_slice %arg2[%arg0, %dma_wait3A_432, %dma_wait3A_433] : memref<2x10112x64xf32, #tpu.memory_space<hbm>> -> memref<1x10112x64xf32, #tpu.memory_space<hbm>>
        %dma_wait3A_435 = tpu.memref_squeeze %dma_wait3A_434 : memref<1x10112x64xf32, #tpu.memory_space<hbm>> -> memref<10112x64xf32, #tpu.memory_space<hbm>>
        %dma_wait3A_436 = arith.constant 0 : i32
        %dma_wait3A_437 = tpu.memref_slice %dma_wait3A_435[%add3A_46, %dma_wait3A_436] : memref<10112x64xf32, #tpu.memory_space<hbm>> -> memref<256x64xf32, #tpu.memory_space<hbm>>
        tpu.wait_dma2 semaphore(%run_scoped3A_401 : memref<!tpu.dma_semaphore, #tpu.memory_space<semaphore_mem>>) src(%dma_wait3A_437 : memref<256x64xf32, #tpu.memory_space<hbm>>) dst(%dma_wait3A_431 : memref<256x64xf32, #tpu.memory_space<vmem>>)
        tpu.yield
      }) : () -> ()
      %dma_start3A_47 = arith.constant 0 : i32
      %dma_start3A_48 = arith.constant 0 : i32
      %dma_start3A_49 = tpu.memref_slice %run_scoped3A_2[%dma_start3A_47, %dma_start3A_48] : memref<256x64xf32, #tpu.memory_space<vmem>> -> memref<256x64xf32, #tpu.memory_space<vmem>>
      %dma_start3A_50 = arith.constant 0 : i32
      %dma_start3A_51 = tpu.memref_slice %arg7[%add3A_46, %dma_start3A_50] : memref<10112x64xf32, #tpu.memory_space<vmem_shared>> -> memref<256x64xf32, #tpu.memory_space<vmem_shared>>
      %dma_start3A_52 = arith.constant 0 : i32
      %dma_start3A_53 = tpu.memref_slice %arg7[%add3A_46, %dma_start3A_52] : memref<10112x64xf32, #tpu.memory_space<vmem_shared>> -> memref<256x64xf32, #tpu.memory_space<vmem_shared>>
      %dma_start3A_54 = arith.constant 0 : i32
      %dma_start3A_55 = arith.constant 0 : i32
      %dma_start3A_56 = tpu.memref_slice %run_scoped3A_2[%dma_start3A_54, %dma_start3A_55] : memref<256x64xf32, #tpu.memory_space<vmem>> -> memref<256x64xf32, #tpu.memory_space<vmem>>
      tpu.enqueue_dma source(%dma_start3A_56 : memref<256x64xf32, #tpu.memory_space<vmem>>) target(%dma_start3A_53 : memref<256x64xf32, #tpu.memory_space<vmem_shared>>) target_semaphore(%arg8 : memref<!tpu.dma_semaphore, #tpu.memory_space<semaphore_mem>>)
      %dma_start3A_57 = arith.constant 0 : i32
      %dma_start3A_58 = arith.constant 0 : i32
      %dma_start3A_59 = tpu.memref_slice %run_scoped3A_2[%dma_start3A_57, %dma_start3A_58] : memref<256x64xf32, #tpu.memory_space<vmem>> -> memref<256x64xf32, #tpu.memory_space<vmem>>
      %dma_start3A_60 = arith.constant 0 : i32
      %dma_start3A_61 = tpu.memref_slice %arg6[%add3A_46, %dma_start3A_60] : memref<10112x64xf32, #tpu.memory_space<vmem_shared>> -> memref<256x64xf32, #tpu.memory_space<vmem_shared>>
      %dma_start3A_62 = arith.constant 0 : i32
      %dma_start3A_63 = tpu.memref_slice %arg6[%add3A_46, %dma_start3A_62] : memref<10112x64xf32, #tpu.memory_space<vmem_shared>> -> memref<256x64xf32, #tpu.memory_space<vmem_shared>>
      %dma_start3A_64 = arith.constant 0 : i32
      %dma_start3A_65 = arith.constant 0 : i32
      %dma_start3A_66 = tpu.memref_slice %run_scoped3A_2[%dma_start3A_64, %dma_start3A_65] : memref<256x64xf32, #tpu.memory_space<vmem>> -> memref<256x64xf32, #tpu.memory_space<vmem>>
      tpu.enqueue_dma source(%dma_start3A_66 : memref<256x64xf32, #tpu.memory_space<vmem>>) target(%dma_start3A_63 : memref<256x64xf32, #tpu.memory_space<vmem_shared>>) target_semaphore(%arg10 : memref<!tpu.dma_semaphore, #tpu.memory_space<semaphore_mem>>)
      %dma_wait3A_67 = arith.constant 0 : i32
      %dma_wait3A_68 = arith.constant 0 : i32
      %dma_wait3A_69 = tpu.memref_slice %run_scoped3A_2[%dma_wait3A_67, %dma_wait3A_68] : memref<256x64xf32, #tpu.memory_space<vmem>> -> memref<256x64xf32, #tpu.memory_space<vmem>>
      %dma_wait3A_70 = arith.constant 0 : i32
      %dma_wait3A_71 = tpu.memref_slice %arg7[%add3A_46, %dma_wait3A_70] : memref<10112x64xf32, #tpu.memory_space<vmem_shared>> -> memref<256x64xf32, #tpu.memory_space<vmem_shared>>
      %dma_wait3A_72 = arith.constant 0 : i32
      %dma_wait3A_73 = tpu.memref_slice %arg7[%add3A_46, %dma_wait3A_72] : memref<10112x64xf32, #tpu.memory_space<vmem_shared>> -> memref<256x64xf32, #tpu.memory_space<vmem_shared>>
      %dma_wait3A_74 = arith.constant 0 : i32
      %dma_wait3A_75 = arith.constant 0 : i32
      %dma_wait3A_76 = tpu.memref_slice %run_scoped3A_2[%dma_wait3A_74, %dma_wait3A_75] : memref<256x64xf32, #tpu.memory_space<vmem>> -> memref<256x64xf32, #tpu.memory_space<vmem>>
      tpu.wait_dma2 semaphore(%arg8 : memref<!tpu.dma_semaphore, #tpu.memory_space<semaphore_mem>>) src(%dma_wait3A_76 : memref<256x64xf32, #tpu.memory_space<vmem>>) dst(%dma_wait3A_73 : memref<256x64xf32, #tpu.memory_space<vmem_shared>>)
      %dma_wait3A_77 = arith.constant 0 : i32
      %dma_wait3A_78 = arith.constant 0 : i32
      %dma_wait3A_79 = tpu.memref_slice %run_scoped3A_2[%dma_wait3A_77, %dma_wait3A_78] : memref<256x64xf32, #tpu.memory_space<vmem>> -> memref<256x64xf32, #tpu.memory_space<vmem>>
      %dma_wait3A_80 = arith.constant 0 : i32
      %dma_wait3A_81 = tpu.memref_slice %arg6[%add3A_46, %dma_wait3A_80] : memref<10112x64xf32, #tpu.memory_space<vmem_shared>> -> memref<256x64xf32, #tpu.memory_space<vmem_shared>>
      %dma_wait3A_82 = arith.constant 0 : i32
      %dma_wait3A_83 = tpu.memref_slice %arg6[%add3A_46, %dma_wait3A_82] : memref<10112x64xf32, #tpu.memory_space<vmem_shared>> -> memref<256x64xf32, #tpu.memory_space<vmem_shared>>
      %dma_wait3A_84 = arith.constant 0 : i32
      %dma_wait3A_85 = arith.constant 0 : i32
      %dma_wait3A_86 = tpu.memref_slice %run_scoped3A_2[%dma_wait3A_84, %dma_wait3A_85] : memref<256x64xf32, #tpu.memory_space<vmem>> -> memref<256x64xf32, #tpu.memory_space<vmem>>
      tpu.wait_dma2 semaphore(%arg10 : memref<!tpu.dma_semaphore, #tpu.memory_space<semaphore_mem>>) src(%dma_wait3A_86 : memref<256x64xf32, #tpu.memory_space<vmem>>) dst(%dma_wait3A_83 : memref<256x64xf32, #tpu.memory_space<vmem_shared>>)
      %mul3A_87 = arith.constant 632 : i32
      %mul3A_88 = arith.muli %arg1, %mul3A_87 : i32
      %add3A_89 = arith.constant 512 : i32
      %add3A_90 = arith.addi %mul3A_88, %add3A_89 : i32
      "tpu.region"() ({
        %run_scoped3A_401 = tpu.sem_alloc : memref<!tpu.dma_semaphore, #tpu.memory_space<semaphore_mem>>
        %dma_start3A_402 = arith.constant 0 : i32
        %dma_start3A_403 = arith.constant 0 : i32
        %dma_start3A_404 = tpu.memref_slice %run_scoped3A_2[%dma_start3A_402, %dma_start3A_403] : memref<256x64xf32, #tpu.memory_space<vmem>> -> memref<120x64xf32, #tpu.memory_space<vmem>>
        %dma_start3A_405 = arith.constant 0 : i32
        %dma_start3A_406 = arith.constant 0 : i32
        %dma_start3A_407 = tpu.memref_slice %arg2[%arg0, %dma_start3A_405, %dma_start3A_406] : memref<2x10112x64xf32, #tpu.memory_space<hbm>> -> memref<1x10112x64xf32, #tpu.memory_space<hbm>>
        %dma_start3A_408 = tpu.memref_squeeze %dma_start3A_407 : memref<1x10112x64xf32, #tpu.memory_space<hbm>> -> memref<10112x64xf32, #tpu.memory_space<hbm>>
        %dma_start3A_409 = arith.constant 0 : i32
        %dma_start3A_410 = tpu.memref_slice %dma_start3A_408[%add3A_90, %dma_start3A_409] : memref<10112x64xf32, #tpu.memory_space<hbm>> -> memref<120x64xf32, #tpu.memory_space<hbm>>
        %dma_start3A_411 = arith.constant 0 : i32
        %dma_start3A_412 = arith.constant 0 : i32
        %dma_start3A_413 = tpu.memref_slice %run_scoped3A_2[%dma_start3A_411, %dma_start3A_412] : memref<256x64xf32, #tpu.memory_space<vmem>> -> memref<120x64xf32, #tpu.memory_space<vmem>>
        %dma_start3A_414 = arith.constant 0 : i32
        %dma_start3A_415 = arith.constant 0 : i32
        %dma_start3A_416 = tpu.memref_slice %arg2[%arg0, %dma_start3A_414, %dma_start3A_415] : memref<2x10112x64xf32, #tpu.memory_space<hbm>> -> memref<1x10112x64xf32, #tpu.memory_space<hbm>>
        %dma_start3A_417 = tpu.memref_squeeze %dma_start3A_416 : memref<1x10112x64xf32, #tpu.memory_space<hbm>> -> memref<10112x64xf32, #tpu.memory_space<hbm>>
        %dma_start3A_418 = arith.constant 0 : i32
        %dma_start3A_419 = tpu.memref_slice %dma_start3A_417[%add3A_90, %dma_start3A_418] : memref<10112x64xf32, #tpu.memory_space<hbm>> -> memref<120x64xf32, #tpu.memory_space<hbm>>
        tpu.enqueue_dma source(%dma_start3A_419 : memref<120x64xf32, #tpu.memory_space<hbm>>) target(%dma_start3A_413 : memref<120x64xf32, #tpu.memory_space<vmem>>) target_semaphore(%run_scoped3A_401 : memref<!tpu.dma_semaphore, #tpu.memory_space<semaphore_mem>>)
        %dma_wait3A_420 = arith.constant 0 : i32
        %dma_wait3A_421 = arith.constant 0 : i32
        %dma_wait3A_422 = tpu.memref_slice %run_scoped3A_2[%dma_wait3A_420, %dma_wait3A_421] : memref<256x64xf32, #tpu.memory_space<vmem>> -> memref<120x64xf32, #tpu.memory_space<vmem>>
        %dma_wait3A_423 = arith.constant 0 : i32
        %dma_wait3A_424 = arith.constant 0 : i32
        %dma_wait3A_425 = tpu.memref_slice %arg2[%arg0, %dma_wait3A_423, %dma_wait3A_424] : memref<2x10112x64xf32, #tpu.memory_space<hbm>> -> memref<1x10112x64xf32, #tpu.memory_space<hbm>>
        %dma_wait3A_426 = tpu.memref_squeeze %dma_wait3A_425 : memref<1x10112x64xf32, #tpu.memory_space<hbm>> -> memref<10112x64xf32, #tpu.memory_space<hbm>>
        %dma_wait3A_427 = arith.constant 0 : i32
        %dma_wait3A_428 = tpu.memref_slice %dma_wait3A_426[%add3A_90, %dma_wait3A_427] : memref<10112x64xf32, #tpu.memory_space<hbm>> -> memref<120x64xf32, #tpu.memory_space<hbm>>
        %dma_wait3A_429 = arith.constant 0 : i32
        %dma_wait3A_430 = arith.constant 0 : i32
        %dma_wait3A_431 = tpu.memref_slice %run_scoped3A_2[%dma_wait3A_429, %dma_wait3A_430] : memref<256x64xf32, #tpu.memory_space<vmem>> -> memref<120x64xf32, #tpu.memory_space<vmem>>
        %dma_wait3A_432 = arith.constant 0 : i32
        %dma_wait3A_433 = arith.constant 0 : i32
        %dma_wait3A_434 = tpu.memref_slice %arg2[%arg0, %dma_wait3A_432, %dma_wait3A_433] : memref<2x10112x64xf32, #tpu.memory_space<hbm>> -> memref<1x10112x64xf32, #tpu.memory_space<hbm>>
        %dma_wait3A_435 = tpu.memref_squeeze %dma_wait3A_434 : memref<1x10112x64xf32, #tpu.memory_space<hbm>> -> memref<10112x64xf32, #tpu.memory_space<hbm>>
        %dma_wait3A_436 = arith.constant 0 : i32
        %dma_wait3A_437 = tpu.memref_slice %dma_wait3A_435[%add3A_90, %dma_wait3A_436] : memref<10112x64xf32, #tpu.memory_space<hbm>> -> memref<120x64xf32, #tpu.memory_space<hbm>>
        tpu.wait_dma2 semaphore(%run_scoped3A_401 : memref<!tpu.dma_semaphore, #tpu.memory_space<semaphore_mem>>) src(%dma_wait3A_437 : memref<120x64xf32, #tpu.memory_space<hbm>>) dst(%dma_wait3A_431 : memref<120x64xf32, #tpu.memory_space<vmem>>)
        tpu.yield
      }) : () -> ()
      %dma_start3A_91 = arith.constant 0 : i32
      %dma_start3A_92 = arith.constant 0 : i32
      %dma_start3A_93 = tpu.memref_slice %run_scoped3A_2[%dma_start3A_91, %dma_start3A_92] : memref<256x64xf32, #tpu.memory_space<vmem>> -> memref<120x64xf32, #tpu.memory_space<vmem>>
      %dma_start3A_94 = arith.constant 0 : i32
      %dma_start3A_95 = tpu.memref_slice %arg7[%add3A_90, %dma_start3A_94] : memref<10112x64xf32, #tpu.memory_space<vmem_shared>> -> memref<120x64xf32, #tpu.memory_space<vmem_shared>>
      %dma_start3A_96 = arith.constant 0 : i32
      %dma_start3A_97 = tpu.memref_slice %arg7[%add3A_90, %dma_start3A_96] : memref<10112x64xf32, #tpu.memory_space<vmem_shared>> -> memref<120x64xf32, #tpu.memory_space<vmem_shared>>
      %dma_start3A_98 = arith.constant 0 : i32
      %dma_start3A_99 = arith.constant 0 : i32
      %dma_start3A_100 = tpu.memref_slice %run_scoped3A_2[%dma_start3A_98, %dma_start3A_99] : memref<256x64xf32, #tpu.memory_space<vmem>> -> memref<120x64xf32, #tpu.memory_space<vmem>>
      tpu.enqueue_dma source(%dma_start3A_100 : memref<120x64xf32, #tpu.memory_space<vmem>>) target(%dma_start3A_97 : memref<120x64xf32, #tpu.memory_space<vmem_shared>>) target_semaphore(%arg8 : memref<!tpu.dma_semaphore, #tpu.memory_space<semaphore_mem>>)
      %dma_start3A_101 = arith.constant 0 : i32
      %dma_start3A_102 = arith.constant 0 : i32
      %dma_start3A_103 = tpu.memref_slice %run_scoped3A_2[%dma_start3A_101, %dma_start3A_102] : memref<256x64xf32, #tpu.memory_space<vmem>> -> memref<120x64xf32, #tpu.memory_space<vmem>>
      %dma_start3A_104 = arith.constant 0 : i32
      %dma_start3A_105 = tpu.memref_slice %arg6[%add3A_90, %dma_start3A_104] : memref<10112x64xf32, #tpu.memory_space<vmem_shared>> -> memref<120x64xf32, #tpu.memory_space<vmem_shared>>
      %dma_start3A_106 = arith.constant 0 : i32
      %dma_start3A_107 = tpu.memref_slice %arg6[%add3A_90, %dma_start3A_106] : memref<10112x64xf32, #tpu.memory_space<vmem_shared>> -> memref<120x64xf32, #tpu.memory_space<vmem_shared>>
      %dma_start3A_108 = arith.constant 0 : i32
      %dma_start3A_109 = arith.constant 0 : i32
      %dma_start3A_110 = tpu.memref_slice %run_scoped3A_2[%dma_start3A_108, %dma_start3A_109] : memref<256x64xf32, #tpu.memory_space<vmem>> -> memref<120x64xf32, #tpu.memory_space<vmem>>
      tpu.enqueue_dma source(%dma_start3A_110 : memref<120x64xf32, #tpu.memory_space<vmem>>) target(%dma_start3A_107 : memref<120x64xf32, #tpu.memory_space<vmem_shared>>) target_semaphore(%arg10 : memref<!tpu.dma_semaphore, #tpu.memory_space<semaphore_mem>>)
      %dma_wait3A_111 = arith.constant 0 : i32
      %dma_wait3A_112 = arith.constant 0 : i32
      %dma_wait3A_113 = tpu.memref_slice %run_scoped3A_2[%dma_wait3A_111, %dma_wait3A_112] : memref<256x64xf32, #tpu.memory_space<vmem>> -> memref<120x64xf32, #tpu.memory_space<vmem>>
      %dma_wait3A_114 = arith.constant 0 : i32
      %dma_wait3A_115 = tpu.memref_slice %arg7[%add3A_90, %dma_wait3A_114] : memref<10112x64xf32, #tpu.memory_space<vmem_shared>> -> memref<120x64xf32, #tpu.memory_space<vmem_shared>>
      %dma_wait3A_116 = arith.constant 0 : i32
      %dma_wait3A_117 = tpu.memref_slice %arg7[%add3A_90, %dma_wait3A_116] : memref<10112x64xf32, #tpu.memory_space<vmem_shared>> -> memref<120x64xf32, #tpu.memory_space<vmem_shared>>
      %dma_wait3A_118 = arith.constant 0 : i32
      %dma_wait3A_119 = arith.constant 0 : i32
      %dma_wait3A_120 = tpu.memref_slice %run_scoped3A_2[%dma_wait3A_118, %dma_wait3A_119] : memref<256x64xf32, #tpu.memory_space<vmem>> -> memref<120x64xf32, #tpu.memory_space<vmem>>
      tpu.wait_dma2 semaphore(%arg8 : memref<!tpu.dma_semaphore, #tpu.memory_space<semaphore_mem>>) src(%dma_wait3A_120 : memref<120x64xf32, #tpu.memory_space<vmem>>) dst(%dma_wait3A_117 : memref<120x64xf32, #tpu.memory_space<vmem_shared>>)
      %dma_wait3A_121 = arith.constant 0 : i32
      %dma_wait3A_122 = arith.constant 0 : i32
      %dma_wait3A_123 = tpu.memref_slice %run_scoped3A_2[%dma_wait3A_121, %dma_wait3A_122] : memref<256x64xf32, #tpu.memory_space<vmem>> -> memref<120x64xf32, #tpu.memory_space<vmem>>
      %dma_wait3A_124 = arith.constant 0 : i32
      %dma_wait3A_125 = tpu.memref_slice %arg6[%add3A_90, %dma_wait3A_124] : memref<10112x64xf32, #tpu.memory_space<vmem_shared>> -> memref<120x64xf32, #tpu.memory_space<vmem_shared>>
      %dma_wait3A_126 = arith.constant 0 : i32
      %dma_wait3A_127 = tpu.memref_slice %arg6[%add3A_90, %dma_wait3A_126] : memref<10112x64xf32, #tpu.memory_space<vmem_shared>> -> memref<120x64xf32, #tpu.memory_space<vmem_shared>>
      %dma_wait3A_128 = arith.constant 0 : i32
      %dma_wait3A_129 = arith.constant 0 : i32
      %dma_wait3A_130 = tpu.memref_slice %run_scoped3A_2[%dma_wait3A_128, %dma_wait3A_129] : memref<256x64xf32, #tpu.memory_space<vmem>> -> memref<120x64xf32, #tpu.memory_space<vmem>>
      tpu.wait_dma2 semaphore(%arg10 : memref<!tpu.dma_semaphore, #tpu.memory_space<semaphore_mem>>) src(%dma_wait3A_130 : memref<120x64xf32, #tpu.memory_space<vmem>>) dst(%dma_wait3A_127 : memref<120x64xf32, #tpu.memory_space<vmem_shared>>)
      %barrier3A = arith.constant 0 : index
      tpu.barrier barrier_id(%barrier3A)
      %dma_start3A_131 = arith.constant 0 : i32
      %dma_start3A_132 = arith.constant 0 : i32
      %dma_start3A_133 = arith.constant 0 : i32
      %dma_start3A_134 = tpu.memref_slice %run_scoped3A_0[%dma_start3A_131, %dma_start3A_132, %dma_start3A_133] : memref<2x2x128xi32, #tpu.memory_space<vmem>> -> memref<1x2x128xi32, #tpu.memory_space<vmem>>
      %dma_start3A_135 = tpu.memref_squeeze %dma_start3A_134 : memref<1x2x128xi32, #tpu.memory_space<vmem>> -> memref<2x128xi32, #tpu.memory_space<vmem>>
      %dma_start3A_136 = arith.constant 0 : i32
      %dma_start3A_137 = arith.constant 0 : i32
      %dma_start3A_138 = tpu.memref_slice %arg3[%arg1, %dma_start3A_136, %dma_start3A_137] : memref<16x160x128xi32, #tpu.memory_space<hbm>> -> memref<1x2x128xi32, #tpu.memory_space<hbm>>
      %dma_start3A_139 = tpu.memref_squeeze %dma_start3A_138 : memref<1x2x128xi32, #tpu.memory_space<hbm>> -> memref<2x128xi32, #tpu.memory_space<hbm>>
      %dma_start3A_140 = arith.constant 0 : i32
      %dma_start3A_141 = arith.constant 0 : i32
      %dma_start3A_142 = tpu.memref_slice %run_scoped3A_0[%dma_start3A_131, %dma_start3A_140, %dma_start3A_141] : memref<2x2x128xi32, #tpu.memory_space<vmem>> -> memref<1x2x128xi32, #tpu.memory_space<vmem>>
      %dma_start3A_143 = tpu.memref_squeeze %dma_start3A_142 : memref<1x2x128xi32, #tpu.memory_space<vmem>> -> memref<2x128xi32, #tpu.memory_space<vmem>>
      %dma_start3A_144 = arith.constant 0 : i32
      %dma_start3A_145 = arith.constant 0 : i32
      %dma_start3A_146 = tpu.memref_slice %arg3[%arg1, %dma_start3A_144, %dma_start3A_145] : memref<16x160x128xi32, #tpu.memory_space<hbm>> -> memref<1x2x128xi32, #tpu.memory_space<hbm>>
      %dma_start3A_147 = tpu.memref_squeeze %dma_start3A_146 : memref<1x2x128xi32, #tpu.memory_space<hbm>> -> memref<2x128xi32, #tpu.memory_space<hbm>>
      tpu.enqueue_dma source(%dma_start3A_147 : memref<2x128xi32, #tpu.memory_space<hbm>>) target(%dma_start3A_143 : memref<2x128xi32, #tpu.memory_space<vmem>>) target_semaphore(%arg12 : memref<!tpu.dma_semaphore, #tpu.memory_space<semaphore_mem>>)
      %dma_wait3A_148 = arith.constant 0 : i32
      %dma_wait3A_149 = arith.constant 0 : i32
      %dma_wait3A_150 = arith.constant 0 : i32
      %dma_wait3A_151 = tpu.memref_slice %run_scoped3A_0[%dma_wait3A_148, %dma_wait3A_149, %dma_wait3A_150] : memref<2x2x128xi32, #tpu.memory_space<vmem>> -> memref<1x2x128xi32, #tpu.memory_space<vmem>>
      %dma_wait3A_152 = tpu.memref_squeeze %dma_wait3A_151 : memref<1x2x128xi32, #tpu.memory_space<vmem>> -> memref<2x128xi32, #tpu.memory_space<vmem>>
      %dma_wait3A_153 = arith.constant 0 : i32
      %dma_wait3A_154 = arith.constant 0 : i32
      %dma_wait3A_155 = tpu.memref_slice %arg3[%arg1, %dma_wait3A_153, %dma_wait3A_154] : memref<16x160x128xi32, #tpu.memory_space<hbm>> -> memref<1x2x128xi32, #tpu.memory_space<hbm>>
      %dma_wait3A_156 = tpu.memref_squeeze %dma_wait3A_155 : memref<1x2x128xi32, #tpu.memory_space<hbm>> -> memref<2x128xi32, #tpu.memory_space<hbm>>
      %dma_wait3A_157 = arith.constant 0 : i32
      %dma_wait3A_158 = arith.constant 0 : i32
      %dma_wait3A_159 = tpu.memref_slice %run_scoped3A_0[%dma_wait3A_148, %dma_wait3A_157, %dma_wait3A_158] : memref<2x2x128xi32, #tpu.memory_space<vmem>> -> memref<1x2x128xi32, #tpu.memory_space<vmem>>
      %dma_wait3A_160 = tpu.memref_squeeze %dma_wait3A_159 : memref<1x2x128xi32, #tpu.memory_space<vmem>> -> memref<2x128xi32, #tpu.memory_space<vmem>>
      %dma_wait3A_161 = arith.constant 0 : i32
      %dma_wait3A_162 = arith.constant 0 : i32
      %dma_wait3A_163 = tpu.memref_slice %arg3[%arg1, %dma_wait3A_161, %dma_wait3A_162] : memref<16x160x128xi32, #tpu.memory_space<hbm>> -> memref<1x2x128xi32, #tpu.memory_space<hbm>>
      %dma_wait3A_164 = tpu.memref_squeeze %dma_wait3A_163 : memref<1x2x128xi32, #tpu.memory_space<hbm>> -> memref<2x128xi32, #tpu.memory_space<hbm>>
      tpu.wait_dma2 semaphore(%arg12 : memref<!tpu.dma_semaphore, #tpu.memory_space<semaphore_mem>>) src(%dma_wait3A_164 : memref<2x128xi32, #tpu.memory_space<hbm>>) dst(%dma_wait3A_160 : memref<2x128xi32, #tpu.memory_space<vmem>>)
      %dma_start3A_165 = arith.constant 0 : i32
      %dma_start3A_166 = arith.constant 0 : i32
      %dma_start3A_167 = arith.constant 0 : i32
      %dma_start3A_168 = tpu.memref_slice %run_scoped3A_1[%dma_start3A_165, %dma_start3A_166, %dma_start3A_167] : memref<2x2x128xi32, #tpu.memory_space<vmem>> -> memref<1x2x128xi32, #tpu.memory_space<vmem>>
      %dma_start3A_169 = tpu.memref_squeeze %dma_start3A_168 : memref<1x2x128xi32, #tpu.memory_space<vmem>> -> memref<2x128xi32, #tpu.memory_space<vmem>>
      %dma_start3A_170 = arith.constant 0 : i32
      %dma_start3A_171 = arith.constant 0 : i32
      %dma_start3A_172 = tpu.memref_slice %arg4[%arg1, %dma_start3A_170, %dma_start3A_171] : memref<16x160x128xi32, #tpu.memory_space<hbm>> -> memref<1x2x128xi32, #tpu.memory_space<hbm>>
      %dma_start3A_173 = tpu.memref_squeeze %dma_start3A_172 : memref<1x2x128xi32, #tpu.memory_space<hbm>> -> memref<2x128xi32, #tpu.memory_space<hbm>>
      %dma_start3A_174 = arith.constant 0 : i32
      %dma_start3A_175 = arith.constant 0 : i32
      %dma_start3A_176 = tpu.memref_slice %run_scoped3A_1[%dma_start3A_165, %dma_start3A_174, %dma_start3A_175] : memref<2x2x128xi32, #tpu.memory_space<vmem>> -> memref<1x2x128xi32, #tpu.memory_space<vmem>>
      %dma_start3A_177 = tpu.memref_squeeze %dma_start3A_176 : memref<1x2x128xi32, #tpu.memory_space<vmem>> -> memref<2x128xi32, #tpu.memory_space<vmem>>
      %dma_start3A_178 = arith.constant 0 : i32
      %dma_start3A_179 = arith.constant 0 : i32
      %dma_start3A_180 = tpu.memref_slice %arg4[%arg1, %dma_start3A_178, %dma_start3A_179] : memref<16x160x128xi32, #tpu.memory_space<hbm>> -> memref<1x2x128xi32, #tpu.memory_space<hbm>>
      %dma_start3A_181 = tpu.memref_squeeze %dma_start3A_180 : memref<1x2x128xi32, #tpu.memory_space<hbm>> -> memref<2x128xi32, #tpu.memory_space<hbm>>
      tpu.enqueue_dma source(%dma_start3A_181 : memref<2x128xi32, #tpu.memory_space<hbm>>) target(%dma_start3A_177 : memref<2x128xi32, #tpu.memory_space<vmem>>) target_semaphore(%arg13 : memref<!tpu.dma_semaphore, #tpu.memory_space<semaphore_mem>>)
      %dma_start3A_182 = arith.constant 0 : i32
      %dma_start3A_183 = arith.constant 0 : i32
      %dma_start3A_184 = arith.constant 0 : i32
      %dma_start3A_185 = arith.constant 0 : i32
      %dma_start3A_186 = arith.constant 0 : i32
      %dma_start3A_187 = arith.constant 0 : i32
      %dma_start3A_188 = tpu.memref_slice %run_scoped3A[%dma_start3A_184, %dma_start3A_185, %dma_start3A_186, %dma_start3A_187] : memref<2x2x128x64xf32, #tpu.memory_space<vmem>> -> memref<1x1x128x64xf32, #tpu.memory_space<vmem>>
      %dma_start3A_189 = tpu.memref_squeeze %dma_start3A_188 : memref<1x1x128x64xf32, #tpu.memory_space<vmem>> -> memref<128x64xf32, #tpu.memory_space<vmem>>
      %dma_start3A_190 = arith.constant 0 : i32
      %dma_start3A_191 = tpu.memref_slice %run_scoped3A_0[%dma_start3A_182, %dma_start3A_183, %dma_start3A_190] : memref<2x2x128xi32, #tpu.memory_space<vmem>> -> memref<1x1x128xi32, #tpu.memory_space<vmem>>
      %dma_start3A_192 = tpu.memref_squeeze %dma_start3A_191 : memref<1x1x128xi32, #tpu.memory_space<vmem>> -> memref<128xi32, #tpu.memory_space<vmem>>
      %dma_start3A_193 = arith.constant 0 : i32
      %dma_start3A_194 = arith.constant 0 : i32
      %dma_start3A_195 = tpu.memref_slice %arg7[%dma_start3A_193, %dma_start3A_194] : memref<10112x64xf32, #tpu.memory_space<vmem_shared>> -> memref<10112x64xf32, #tpu.memory_space<vmem_shared>>
      tpu.enqueue_indirect_dma source(%dma_start3A_195 : memref<10112x64xf32, #tpu.memory_space<vmem_shared>>) target(%dma_start3A_189 : memref<128x64xf32, #tpu.memory_space<vmem>>) offsets(%dma_start3A_192 : memref<128xi32, #tpu.memory_space<vmem>>) semaphore(%arg8 : memref<!tpu.dma_semaphore, #tpu.memory_space<semaphore_mem>>)
      %dma_start3A_196 = arith.constant 0 : i32
      %dma_start3A_197 = arith.constant 1 : i32
      %dma_start3A_198 = arith.constant 0 : i32
      %dma_start3A_199 = arith.constant 1 : i32
      %dma_start3A_200 = arith.constant 0 : i32
      %dma_start3A_201 = arith.constant 0 : i32
      %dma_start3A_202 = tpu.memref_slice %run_scoped3A[%dma_start3A_198, %dma_start3A_199, %dma_start3A_200, %dma_start3A_201] : memref<2x2x128x64xf32, #tpu.memory_space<vmem>> -> memref<1x1x128x64xf32, #tpu.memory_space<vmem>>
      %dma_start3A_203 = tpu.memref_squeeze %dma_start3A_202 : memref<1x1x128x64xf32, #tpu.memory_space<vmem>> -> memref<128x64xf32, #tpu.memory_space<vmem>>
      %dma_start3A_204 = arith.constant 0 : i32
      %dma_start3A_205 = tpu.memref_slice %run_scoped3A_0[%dma_start3A_196, %dma_start3A_197, %dma_start3A_204] : memref<2x2x128xi32, #tpu.memory_space<vmem>> -> memref<1x1x128xi32, #tpu.memory_space<vmem>>
      %dma_start3A_206 = tpu.memref_squeeze %dma_start3A_205 : memref<1x1x128xi32, #tpu.memory_space<vmem>> -> memref<128xi32, #tpu.memory_space<vmem>>
      %dma_start3A_207 = arith.constant 0 : i32
      %dma_start3A_208 = arith.constant 0 : i32
      %dma_start3A_209 = tpu.memref_slice %arg7[%dma_start3A_207, %dma_start3A_208] : memref<10112x64xf32, #tpu.memory_space<vmem_shared>> -> memref<10112x64xf32, #tpu.memory_space<vmem_shared>>
      tpu.enqueue_indirect_dma source(%dma_start3A_209 : memref<10112x64xf32, #tpu.memory_space<vmem_shared>>) target(%dma_start3A_203 : memref<128x64xf32, #tpu.memory_space<vmem>>) offsets(%dma_start3A_206 : memref<128xi32, #tpu.memory_space<vmem>>) semaphore(%arg8 : memref<!tpu.dma_semaphore, #tpu.memory_space<semaphore_mem>>)
      %dma_start3A_210 = arith.constant 1 : i32
      %dma_start3A_211 = arith.constant 0 : i32
      %dma_start3A_212 = arith.constant 0 : i32
      %dma_start3A_213 = tpu.memref_slice %run_scoped3A_0[%dma_start3A_210, %dma_start3A_211, %dma_start3A_212] : memref<2x2x128xi32, #tpu.memory_space<vmem>> -> memref<1x2x128xi32, #tpu.memory_space<vmem>>
      %dma_start3A_214 = tpu.memref_squeeze %dma_start3A_213 : memref<1x2x128xi32, #tpu.memory_space<vmem>> -> memref<2x128xi32, #tpu.memory_space<vmem>>
      %dma_start3A_215 = arith.constant 2 : i32
      %dma_start3A_216 = arith.constant 0 : i32
      %dma_start3A_217 = tpu.memref_slice %arg3[%arg1, %dma_start3A_215, %dma_start3A_216] : memref<16x160x128xi32, #tpu.memory_space<hbm>> -> memref<1x2x128xi32, #tpu.memory_space<hbm>>
      %dma_start3A_218 = tpu.memref_squeeze %dma_start3A_217 : memref<1x2x128xi32, #tpu.memory_space<hbm>> -> memref<2x128xi32, #tpu.memory_space<hbm>>
      %dma_start3A_219 = arith.constant 0 : i32
      %dma_start3A_220 = arith.constant 0 : i32
      %dma_start3A_221 = tpu.memref_slice %run_scoped3A_0[%dma_start3A_210, %dma_start3A_219, %dma_start3A_220] : memref<2x2x128xi32, #tpu.memory_space<vmem>> -> memref<1x2x128xi32, #tpu.memory_space<vmem>>
      %dma_start3A_222 = tpu.memref_squeeze %dma_start3A_221 : memref<1x2x128xi32, #tpu.memory_space<vmem>> -> memref<2x128xi32, #tpu.memory_space<vmem>>
      %dma_start3A_223 = arith.constant 2 : i32
      %dma_start3A_224 = arith.constant 0 : i32
      %dma_start3A_225 = tpu.memref_slice %arg3[%arg1, %dma_start3A_223, %dma_start3A_224] : memref<16x160x128xi32, #tpu.memory_space<hbm>> -> memref<1x2x128xi32, #tpu.memory_space<hbm>>
      %dma_start3A_226 = tpu.memref_squeeze %dma_start3A_225 : memref<1x2x128xi32, #tpu.memory_space<hbm>> -> memref<2x128xi32, #tpu.memory_space<hbm>>
      tpu.enqueue_dma source(%dma_start3A_226 : memref<2x128xi32, #tpu.memory_space<hbm>>) target(%dma_start3A_222 : memref<2x128xi32, #tpu.memory_space<vmem>>) target_semaphore(%arg12 : memref<!tpu.dma_semaphore, #tpu.memory_space<semaphore_mem>>)
      %scan3A = arith.constant 0 : i32
      %scan3A_227 = arith.constant 0 : i32
      %scan3A_228 = arith.constant 40 : i32
      %scan3A_229 = arith.addi %scan3A_227, %scan3A_228 : i32
      %scan3A_230 = arith.constant 1 : i32
      scf.for %scan3A_401 = %scan3A_227 to %scan3A_229 step %scan3A_230  : i32 {
        %mul3A_402 = arith.constant 2 : i32
        %mul3A_403 = arith.muli %mul3A_402, %scan3A_401 : i32
        %ge3A = arith.constant 1 : i32
        %ge3A_404 = arith.cmpi sge, %mul3A_403, %ge3A : i32
        %convert_element_type3A = arith.extui %ge3A_404 : i1 to i32
        %cond3A = arith.constant 0 : i32
        %cond3A_405 = arith.cmpi ne, %convert_element_type3A, %cond3A : i32
        scf.if %cond3A_405 {
          %dma_wait3A_628 = arith.constant 1 : i32
          %dma_wait3A_629 = arith.constant 0 : i32
          %dma_wait3A_630 = arith.constant 0 : i32
          %dma_wait3A_631 = arith.constant 0 : i32
          %dma_wait3A_632 = tpu.memref_slice %run_scoped3A[%dma_wait3A_628, %dma_wait3A_629, %dma_wait3A_630, %dma_wait3A_631] : memref<2x2x128x64xf32, #tpu.memory_space<vmem>> -> memref<1x1x128x64xf32, #tpu.memory_space<vmem>>
          %dma_wait3A_633 = tpu.memref_squeeze %dma_wait3A_632 : memref<1x1x128x64xf32, #tpu.memory_space<vmem>> -> memref<128x64xf32, #tpu.memory_space<vmem>>
          %dma_wait3A_634 = arith.constant 0 : i32
          %dma_wait3A_635 = arith.constant 0 : i32
          %dma_wait3A_636 = tpu.memref_slice %arg2[%arg0, %dma_wait3A_634, %dma_wait3A_635] : memref<2x10112x64xf32, #tpu.memory_space<hbm>> -> memref<1x10112x64xf32, #tpu.memory_space<hbm>>
          %dma_wait3A_637 = tpu.memref_squeeze %dma_wait3A_636 : memref<1x10112x64xf32, #tpu.memory_space<hbm>> -> memref<10112x64xf32, #tpu.memory_space<hbm>>
          %dma_wait3A_638 = arith.constant 0 : i32
          %dma_wait3A_639 = arith.constant 0 : i32
          %dma_wait3A_640 = tpu.memref_slice %dma_wait3A_637[%dma_wait3A_638, %dma_wait3A_639] : memref<10112x64xf32, #tpu.memory_space<hbm>> -> memref<128x64xf32, #tpu.memory_space<hbm>>
          %dma_wait3A_641 = arith.constant 0 : i32
          %dma_wait3A_642 = arith.constant 0 : i32
          %dma_wait3A_643 = tpu.memref_slice %run_scoped3A[%dma_wait3A_628, %dma_wait3A_629, %dma_wait3A_641, %dma_wait3A_642] : memref<2x2x128x64xf32, #tpu.memory_space<vmem>> -> memref<1x1x128x64xf32, #tpu.memory_space<vmem>>
          %dma_wait3A_644 = tpu.memref_squeeze %dma_wait3A_643 : memref<1x1x128x64xf32, #tpu.memory_space<vmem>> -> memref<128x64xf32, #tpu.memory_space<vmem>>
          %dma_wait3A_645 = arith.constant 0 : i32
          %dma_wait3A_646 = arith.constant 0 : i32
          %dma_wait3A_647 = tpu.memref_slice %arg2[%arg0, %dma_wait3A_645, %dma_wait3A_646] : memref<2x10112x64xf32, #tpu.memory_space<hbm>> -> memref<1x10112x64xf32, #tpu.memory_space<hbm>>
          %dma_wait3A_648 = tpu.memref_squeeze %dma_wait3A_647 : memref<1x10112x64xf32, #tpu.memory_space<hbm>> -> memref<10112x64xf32, #tpu.memory_space<hbm>>
          %dma_wait3A_649 = arith.constant 0 : i32
          %dma_wait3A_650 = arith.constant 0 : i32
          %dma_wait3A_651 = tpu.memref_slice %dma_wait3A_648[%dma_wait3A_649, %dma_wait3A_650] : memref<10112x64xf32, #tpu.memory_space<hbm>> -> memref<128x64xf32, #tpu.memory_space<hbm>>
          tpu.wait_dma2 semaphore(%arg11 : memref<!tpu.dma_semaphore, #tpu.memory_space<semaphore_mem>>) src(%dma_wait3A_651 : memref<128x64xf32, #tpu.memory_space<hbm>>) dst(%dma_wait3A_644 : memref<128x64xf32, #tpu.memory_space<vmem>>)
          %dma_wait3A_652 = arith.constant 1 : i32
          %dma_wait3A_653 = arith.constant 1 : i32
          %dma_wait3A_654 = arith.constant 0 : i32
          %dma_wait3A_655 = arith.constant 0 : i32
          %dma_wait3A_656 = tpu.memref_slice %run_scoped3A[%dma_wait3A_652, %dma_wait3A_653, %dma_wait3A_654, %dma_wait3A_655] : memref<2x2x128x64xf32, #tpu.memory_space<vmem>> -> memref<1x1x128x64xf32, #tpu.memory_space<vmem>>
          %dma_wait3A_657 = tpu.memref_squeeze %dma_wait3A_656 : memref<1x1x128x64xf32, #tpu.memory_space<vmem>> -> memref<128x64xf32, #tpu.memory_space<vmem>>
          %dma_wait3A_658 = arith.constant 0 : i32
          %dma_wait3A_659 = arith.constant 0 : i32
          %dma_wait3A_660 = tpu.memref_slice %arg2[%arg0, %dma_wait3A_658, %dma_wait3A_659] : memref<2x10112x64xf32, #tpu.memory_space<hbm>> -> memref<1x10112x64xf32, #tpu.memory_space<hbm>>
          %dma_wait3A_661 = tpu.memref_squeeze %dma_wait3A_660 : memref<1x10112x64xf32, #tpu.memory_space<hbm>> -> memref<10112x64xf32, #tpu.memory_space<hbm>>
          %dma_wait3A_662 = arith.constant 0 : i32
          %dma_wait3A_663 = arith.constant 0 : i32
          %dma_wait3A_664 = tpu.memref_slice %dma_wait3A_661[%dma_wait3A_662, %dma_wait3A_663] : memref<10112x64xf32, #tpu.memory_space<hbm>> -> memref<128x64xf32, #tpu.memory_space<hbm>>
          %dma_wait3A_665 = arith.constant 0 : i32
          %dma_wait3A_666 = arith.constant 0 : i32
          %dma_wait3A_667 = tpu.memref_slice %run_scoped3A[%dma_wait3A_652, %dma_wait3A_653, %dma_wait3A_665, %dma_wait3A_666] : memref<2x2x128x64xf32, #tpu.memory_space<vmem>> -> memref<1x1x128x64xf32, #tpu.memory_space<vmem>>
          %dma_wait3A_668 = tpu.memref_squeeze %dma_wait3A_667 : memref<1x1x128x64xf32, #tpu.memory_space<vmem>> -> memref<128x64xf32, #tpu.memory_space<vmem>>
          %dma_wait3A_669 = arith.constant 0 : i32
          %dma_wait3A_670 = arith.constant 0 : i32
          %dma_wait3A_671 = tpu.memref_slice %arg2[%arg0, %dma_wait3A_669, %dma_wait3A_670] : memref<2x10112x64xf32, #tpu.memory_space<hbm>> -> memref<1x10112x64xf32, #tpu.memory_space<hbm>>
          %dma_wait3A_672 = tpu.memref_squeeze %dma_wait3A_671 : memref<1x10112x64xf32, #tpu.memory_space<hbm>> -> memref<10112x64xf32, #tpu.memory_space<hbm>>
          %dma_wait3A_673 = arith.constant 0 : i32
          %dma_wait3A_674 = arith.constant 0 : i32
          %dma_wait3A_675 = tpu.memref_slice %dma_wait3A_672[%dma_wait3A_673, %dma_wait3A_674] : memref<10112x64xf32, #tpu.memory_space<hbm>> -> memref<128x64xf32, #tpu.memory_space<hbm>>
          tpu.wait_dma2 semaphore(%arg11 : memref<!tpu.dma_semaphore, #tpu.memory_space<semaphore_mem>>) src(%dma_wait3A_675 : memref<128x64xf32, #tpu.memory_space<hbm>>) dst(%dma_wait3A_668 : memref<128x64xf32, #tpu.memory_space<vmem>>)
        } else {
        }
        %dma_wait3A_406 = arith.constant 0 : i32
        %dma_wait3A_407 = arith.constant 0 : i32
        %dma_wait3A_408 = arith.constant 0 : i32
        %dma_wait3A_409 = arith.constant 0 : i32
        %dma_wait3A_410 = tpu.memref_slice %run_scoped3A[%dma_wait3A_406, %dma_wait3A_407, %dma_wait3A_408, %dma_wait3A_409] : memref<2x2x128x64xf32, #tpu.memory_space<vmem>> -> memref<1x1x128x64xf32, #tpu.memory_space<vmem>>
        %dma_wait3A_411 = tpu.memref_squeeze %dma_wait3A_410 : memref<1x1x128x64xf32, #tpu.memory_space<vmem>> -> memref<128x64xf32, #tpu.memory_space<vmem>>
        %dma_wait3A_412 = arith.constant 0 : i32
        %dma_wait3A_413 = arith.constant 0 : i32
        %dma_wait3A_414 = tpu.memref_slice %arg2[%arg0, %dma_wait3A_412, %dma_wait3A_413] : memref<2x10112x64xf32, #tpu.memory_space<hbm>> -> memref<1x10112x64xf32, #tpu.memory_space<hbm>>
        %dma_wait3A_415 = tpu.memref_squeeze %dma_wait3A_414 : memref<1x10112x64xf32, #tpu.memory_space<hbm>> -> memref<10112x64xf32, #tpu.memory_space<hbm>>
        %dma_wait3A_416 = arith.constant 0 : i32
        %dma_wait3A_417 = arith.constant 0 : i32
        %dma_wait3A_418 = tpu.memref_slice %dma_wait3A_415[%dma_wait3A_416, %dma_wait3A_417] : memref<10112x64xf32, #tpu.memory_space<hbm>> -> memref<128x64xf32, #tpu.memory_space<hbm>>
        %dma_wait3A_419 = arith.constant 0 : i32
        %dma_wait3A_420 = arith.constant 0 : i32
        %dma_wait3A_421 = tpu.memref_slice %run_scoped3A[%dma_wait3A_406, %dma_wait3A_407, %dma_wait3A_419, %dma_wait3A_420] : memref<2x2x128x64xf32, #tpu.memory_space<vmem>> -> memref<1x1x128x64xf32, #tpu.memory_space<vmem>>
        %dma_wait3A_422 = tpu.memref_squeeze %dma_wait3A_421 : memref<1x1x128x64xf32, #tpu.memory_space<vmem>> -> memref<128x64xf32, #tpu.memory_space<vmem>>
        %dma_wait3A_423 = arith.constant 0 : i32
        %dma_wait3A_424 = arith.constant 0 : i32
        %dma_wait3A_425 = tpu.memref_slice %arg2[%arg0, %dma_wait3A_423, %dma_wait3A_424] : memref<2x10112x64xf32, #tpu.memory_space<hbm>> -> memref<1x10112x64xf32, #tpu.memory_space<hbm>>
        %dma_wait3A_426 = tpu.memref_squeeze %dma_wait3A_425 : memref<1x10112x64xf32, #tpu.memory_space<hbm>> -> memref<10112x64xf32, #tpu.memory_space<hbm>>
        %dma_wait3A_427 = arith.constant 0 : i32
        %dma_wait3A_428 = arith.constant 0 : i32
        %dma_wait3A_429 = tpu.memref_slice %dma_wait3A_426[%dma_wait3A_427, %dma_wait3A_428] : memref<10112x64xf32, #tpu.memory_space<hbm>> -> memref<128x64xf32, #tpu.memory_space<hbm>>
        tpu.wait_dma2 semaphore(%arg8 : memref<!tpu.dma_semaphore, #tpu.memory_space<semaphore_mem>>) src(%dma_wait3A_429 : memref<128x64xf32, #tpu.memory_space<hbm>>) dst(%dma_wait3A_422 : memref<128x64xf32, #tpu.memory_space<vmem>>)
        %dma_wait3A_430 = arith.constant 0 : i32
        %dma_wait3A_431 = arith.constant 1 : i32
        %dma_wait3A_432 = arith.constant 0 : i32
        %dma_wait3A_433 = arith.constant 0 : i32
        %dma_wait3A_434 = tpu.memref_slice %run_scoped3A[%dma_wait3A_430, %dma_wait3A_431, %dma_wait3A_432, %dma_wait3A_433] : memref<2x2x128x64xf32, #tpu.memory_space<vmem>> -> memref<1x1x128x64xf32, #tpu.memory_space<vmem>>
        %dma_wait3A_435 = tpu.memref_squeeze %dma_wait3A_434 : memref<1x1x128x64xf32, #tpu.memory_space<vmem>> -> memref<128x64xf32, #tpu.memory_space<vmem>>
        %dma_wait3A_436 = arith.constant 0 : i32
        %dma_wait3A_437 = arith.constant 0 : i32
        %dma_wait3A_438 = tpu.memref_slice %arg2[%arg0, %dma_wait3A_436, %dma_wait3A_437] : memref<2x10112x64xf32, #tpu.memory_space<hbm>> -> memref<1x10112x64xf32, #tpu.memory_space<hbm>>
        %dma_wait3A_439 = tpu.memref_squeeze %dma_wait3A_438 : memref<1x10112x64xf32, #tpu.memory_space<hbm>> -> memref<10112x64xf32, #tpu.memory_space<hbm>>
        %dma_wait3A_440 = arith.constant 0 : i32
        %dma_wait3A_441 = arith.constant 0 : i32
        %dma_wait3A_442 = tpu.memref_slice %dma_wait3A_439[%dma_wait3A_440, %dma_wait3A_441] : memref<10112x64xf32, #tpu.memory_space<hbm>> -> memref<128x64xf32, #tpu.memory_space<hbm>>
        %dma_wait3A_443 = arith.constant 0 : i32
        %dma_wait3A_444 = arith.constant 0 : i32
        %dma_wait3A_445 = tpu.memref_slice %run_scoped3A[%dma_wait3A_430, %dma_wait3A_431, %dma_wait3A_443, %dma_wait3A_444] : memref<2x2x128x64xf32, #tpu.memory_space<vmem>> -> memref<1x1x128x64xf32, #tpu.memory_space<vmem>>
        %dma_wait3A_446 = tpu.memref_squeeze %dma_wait3A_445 : memref<1x1x128x64xf32, #tpu.memory_space<vmem>> -> memref<128x64xf32, #tpu.memory_space<vmem>>
        %dma_wait3A_447 = arith.constant 0 : i32
        %dma_wait3A_448 = arith.constant 0 : i32
        %dma_wait3A_449 = tpu.memref_slice %arg2[%arg0, %dma_wait3A_447, %dma_wait3A_448] : memref<2x10112x64xf32, #tpu.memory_space<hbm>> -> memref<1x10112x64xf32, #tpu.memory_space<hbm>>
        %dma_wait3A_450 = tpu.memref_squeeze %dma_wait3A_449 : memref<1x10112x64xf32, #tpu.memory_space<hbm>> -> memref<10112x64xf32, #tpu.memory_space<hbm>>
        %dma_wait3A_451 = arith.constant 0 : i32
        %dma_wait3A_452 = arith.constant 0 : i32
        %dma_wait3A_453 = tpu.memref_slice %dma_wait3A_450[%dma_wait3A_451, %dma_wait3A_452] : memref<10112x64xf32, #tpu.memory_space<hbm>> -> memref<128x64xf32, #tpu.memory_space<hbm>>
        tpu.wait_dma2 semaphore(%arg8 : memref<!tpu.dma_semaphore, #tpu.memory_space<semaphore_mem>>) src(%dma_wait3A_453 : memref<128x64xf32, #tpu.memory_space<hbm>>) dst(%dma_wait3A_446 : memref<128x64xf32, #tpu.memory_space<vmem>>)
        %dma_wait3A_454 = arith.constant 0 : i32
        %dma_wait3A_455 = arith.constant 0 : i32
        %dma_wait3A_456 = arith.constant 0 : i32
        %dma_wait3A_457 = tpu.memref_slice %run_scoped3A_1[%dma_wait3A_454, %dma_wait3A_455, %dma_wait3A_456] : memref<2x2x128xi32, #tpu.memory_space<vmem>> -> memref<1x2x128xi32, #tpu.memory_space<vmem>>
        %dma_wait3A_458 = tpu.memref_squeeze %dma_wait3A_457 : memref<1x2x128xi32, #tpu.memory_space<vmem>> -> memref<2x128xi32, #tpu.memory_space<vmem>>
        %dma_wait3A_459 = arith.constant 0 : i32
        %dma_wait3A_460 = arith.constant 0 : i32
        %dma_wait3A_461 = tpu.memref_slice %arg3[%arg1, %dma_wait3A_459, %dma_wait3A_460] : memref<16x160x128xi32, #tpu.memory_space<hbm>> -> memref<1x2x128xi32, #tpu.memory_space<hbm>>
        %dma_wait3A_462 = tpu.memref_squeeze %dma_wait3A_461 : memref<1x2x128xi32, #tpu.memory_space<hbm>> -> memref<2x128xi32, #tpu.memory_space<hbm>>
        %dma_wait3A_463 = arith.constant 0 : i32
        %dma_wait3A_464 = arith.constant 0 : i32
        %dma_wait3A_465 = tpu.memref_slice %run_scoped3A_1[%dma_wait3A_454, %dma_wait3A_463, %dma_wait3A_464] : memref<2x2x128xi32, #tpu.memory_space<vmem>> -> memref<1x2x128xi32, #tpu.memory_space<vmem>>
        %dma_wait3A_466 = tpu.memref_squeeze %dma_wait3A_465 : memref<1x2x128xi32, #tpu.memory_space<vmem>> -> memref<2x128xi32, #tpu.memory_space<vmem>>
        %dma_wait3A_467 = arith.constant 0 : i32
        %dma_wait3A_468 = arith.constant 0 : i32
        %dma_wait3A_469 = tpu.memref_slice %arg3[%arg1, %dma_wait3A_467, %dma_wait3A_468] : memref<16x160x128xi32, #tpu.memory_space<hbm>> -> memref<1x2x128xi32, #tpu.memory_space<hbm>>
        %dma_wait3A_470 = tpu.memref_squeeze %dma_wait3A_469 : memref<1x2x128xi32, #tpu.memory_space<hbm>> -> memref<2x128xi32, #tpu.memory_space<hbm>>
        tpu.wait_dma2 semaphore(%arg13 : memref<!tpu.dma_semaphore, #tpu.memory_space<semaphore_mem>>) src(%dma_wait3A_470 : memref<2x128xi32, #tpu.memory_space<hbm>>) dst(%dma_wait3A_466 : memref<2x128xi32, #tpu.memory_space<vmem>>)
        %dma_start3A_471 = arith.constant 0 : i32
        %dma_start3A_472 = arith.constant 0 : i32
        %dma_start3A_473 = arith.constant 0 : i32
        %dma_start3A_474 = arith.constant 0 : i32
        %dma_start3A_475 = arith.constant 0 : i32
        %dma_start3A_476 = arith.constant 0 : i32
        %dma_start3A_477 = tpu.memref_slice %run_scoped3A[%dma_start3A_471, %dma_start3A_472, %dma_start3A_475, %dma_start3A_476] : memref<2x2x128x64xf32, #tpu.memory_space<vmem>> -> memref<1x1x128x64xf32, #tpu.memory_space<vmem>>
        %dma_start3A_478 = tpu.memref_squeeze %dma_start3A_477 : memref<1x1x128x64xf32, #tpu.memory_space<vmem>> -> memref<128x64xf32, #tpu.memory_space<vmem>>
        %dma_start3A_479 = arith.constant 0 : i32
        %dma_start3A_480 = tpu.memref_slice %run_scoped3A_1[%dma_start3A_473, %dma_start3A_474, %dma_start3A_479] : memref<2x2x128xi32, #tpu.memory_space<vmem>> -> memref<1x1x128xi32, #tpu.memory_space<vmem>>
        %dma_start3A_481 = tpu.memref_squeeze %dma_start3A_480 : memref<1x1x128xi32, #tpu.memory_space<vmem>> -> memref<128xi32, #tpu.memory_space<vmem>>
        %dma_start3A_482 = arith.constant 0 : i32
        %dma_start3A_483 = arith.constant 0 : i32
        %dma_start3A_484 = tpu.memref_slice %arg6[%dma_start3A_482, %dma_start3A_483] : memref<10112x64xf32, #tpu.memory_space<vmem_shared>> -> memref<10112x64xf32, #tpu.memory_space<vmem_shared>>
        tpu.enqueue_indirect_dma source(%dma_start3A_478 : memref<128x64xf32, #tpu.memory_space<vmem>>) target(%dma_start3A_484 : memref<10112x64xf32, #tpu.memory_space<vmem_shared>>) offsets(%dma_start3A_481 : memref<128xi32, #tpu.memory_space<vmem>>) semaphore(%arg10 : memref<!tpu.dma_semaphore, #tpu.memory_space<semaphore_mem>>) {add = true}
        %dma_start3A_485 = arith.constant 0 : i32
        %dma_start3A_486 = arith.constant 1 : i32
        %dma_start3A_487 = arith.constant 0 : i32
        %dma_start3A_488 = arith.constant 1 : i32
        %dma_start3A_489 = arith.constant 0 : i32
        %dma_start3A_490 = arith.constant 0 : i32
        %dma_start3A_491 = tpu.memref_slice %run_scoped3A[%dma_start3A_485, %dma_start3A_486, %dma_start3A_489, %dma_start3A_490] : memref<2x2x128x64xf32, #tpu.memory_space<vmem>> -> memref<1x1x128x64xf32, #tpu.memory_space<vmem>>
        %dma_start3A_492 = tpu.memref_squeeze %dma_start3A_491 : memref<1x1x128x64xf32, #tpu.memory_space<vmem>> -> memref<128x64xf32, #tpu.memory_space<vmem>>
        %dma_start3A_493 = arith.constant 0 : i32
        %dma_start3A_494 = tpu.memref_slice %run_scoped3A_1[%dma_start3A_487, %dma_start3A_488, %dma_start3A_493] : memref<2x2x128xi32, #tpu.memory_space<vmem>> -> memref<1x1x128xi32, #tpu.memory_space<vmem>>
        %dma_start3A_495 = tpu.memref_squeeze %dma_start3A_494 : memref<1x1x128xi32, #tpu.memory_space<vmem>> -> memref<128xi32, #tpu.memory_space<vmem>>
        %dma_start3A_496 = arith.constant 0 : i32
        %dma_start3A_497 = arith.constant 0 : i32
        %dma_start3A_498 = tpu.memref_slice %arg6[%dma_start3A_496, %dma_start3A_497] : memref<10112x64xf32, #tpu.memory_space<vmem_shared>> -> memref<10112x64xf32, #tpu.memory_space<vmem_shared>>
        tpu.enqueue_indirect_dma source(%dma_start3A_492 : memref<128x64xf32, #tpu.memory_space<vmem>>) target(%dma_start3A_498 : memref<10112x64xf32, #tpu.memory_space<vmem_shared>>) offsets(%dma_start3A_495 : memref<128xi32, #tpu.memory_space<vmem>>) semaphore(%arg10 : memref<!tpu.dma_semaphore, #tpu.memory_space<semaphore_mem>>) {add = true}
        %add3A_499 = arith.constant 1 : i32
        %add3A_500 = arith.addi %mul3A_403, %add3A_499 : i32
        %lt3A = arith.constant 80 : i32
        %lt3A_501 = arith.cmpi slt, %add3A_500, %lt3A : i32
        %convert_element_type3A_502 = arith.extui %lt3A_501 : i1 to i32
        %cond3A_503 = arith.constant 0 : i32
        %cond3A_504 = arith.cmpi ne, %convert_element_type3A_502, %cond3A_503 : i32
        scf.if %cond3A_504 {
          %add3A_628 = arith.constant 1 : i32
          %add3A_629 = arith.addi %mul3A_403, %add3A_628 : i32
          %mul3A_630 = arith.constant 2 : i32
          %mul3A_631 = arith.muli %add3A_629, %mul3A_630 : i32
          %dma_start3A_632 = arith.constant 1 : i32
          %dma_start3A_633 = arith.constant 0 : i32
          %dma_start3A_634 = arith.constant 0 : i32
          %dma_start3A_635 = tpu.memref_slice %run_scoped3A_1[%dma_start3A_632, %dma_start3A_633, %dma_start3A_634] : memref<2x2x128xi32, #tpu.memory_space<vmem>> -> memref<1x2x128xi32, #tpu.memory_space<vmem>>
          %dma_start3A_636 = tpu.memref_squeeze %dma_start3A_635 : memref<1x2x128xi32, #tpu.memory_space<vmem>> -> memref<2x128xi32, #tpu.memory_space<vmem>>
          %dma_start3A_637 = arith.constant 0 : i32
          %dma_start3A_638 = tpu.memref_slice %arg4[%arg1, %mul3A_631, %dma_start3A_637] : memref<16x160x128xi32, #tpu.memory_space<hbm>> -> memref<1x2x128xi32, #tpu.memory_space<hbm>>
          %dma_start3A_639 = tpu.memref_squeeze %dma_start3A_638 : memref<1x2x128xi32, #tpu.memory_space<hbm>> -> memref<2x128xi32, #tpu.memory_space<hbm>>
          %dma_start3A_640 = arith.constant 0 : i32
          %dma_start3A_641 = arith.constant 0 : i32
          %dma_start3A_642 = tpu.memref_slice %run_scoped3A_1[%dma_start3A_632, %dma_start3A_640, %dma_start3A_641] : memref<2x2x128xi32, #tpu.memory_space<vmem>> -> memref<1x2x128xi32, #tpu.memory_space<vmem>>
          %dma_start3A_643 = tpu.memref_squeeze %dma_start3A_642 : memref<1x2x128xi32, #tpu.memory_space<vmem>> -> memref<2x128xi32, #tpu.memory_space<vmem>>
          %dma_start3A_644 = arith.constant 0 : i32
          %dma_start3A_645 = tpu.memref_slice %arg4[%arg1, %mul3A_631, %dma_start3A_644] : memref<16x160x128xi32, #tpu.memory_space<hbm>> -> memref<1x2x128xi32, #tpu.memory_space<hbm>>
          %dma_start3A_646 = tpu.memref_squeeze %dma_start3A_645 : memref<1x2x128xi32, #tpu.memory_space<hbm>> -> memref<2x128xi32, #tpu.memory_space<hbm>>
          tpu.enqueue_dma source(%dma_start3A_646 : memref<2x128xi32, #tpu.memory_space<hbm>>) target(%dma_start3A_643 : memref<2x128xi32, #tpu.memory_space<vmem>>) target_semaphore(%arg13 : memref<!tpu.dma_semaphore, #tpu.memory_space<semaphore_mem>>)
          %dma_wait3A_647 = arith.constant 1 : i32
          %dma_wait3A_648 = arith.constant 0 : i32
          %dma_wait3A_649 = arith.constant 0 : i32
          %dma_wait3A_650 = tpu.memref_slice %run_scoped3A_0[%dma_wait3A_647, %dma_wait3A_648, %dma_wait3A_649] : memref<2x2x128xi32, #tpu.memory_space<vmem>> -> memref<1x2x128xi32, #tpu.memory_space<vmem>>
          %dma_wait3A_651 = tpu.memref_squeeze %dma_wait3A_650 : memref<1x2x128xi32, #tpu.memory_space<vmem>> -> memref<2x128xi32, #tpu.memory_space<vmem>>
          %dma_wait3A_652 = arith.constant 0 : i32
          %dma_wait3A_653 = arith.constant 0 : i32
          %dma_wait3A_654 = tpu.memref_slice %arg3[%arg1, %dma_wait3A_652, %dma_wait3A_653] : memref<16x160x128xi32, #tpu.memory_space<hbm>> -> memref<1x2x128xi32, #tpu.memory_space<hbm>>
          %dma_wait3A_655 = tpu.memref_squeeze %dma_wait3A_654 : memref<1x2x128xi32, #tpu.memory_space<hbm>> -> memref<2x128xi32, #tpu.memory_space<hbm>>
          %dma_wait3A_656 = arith.constant 0 : i32
          %dma_wait3A_657 = arith.constant 0 : i32
          %dma_wait3A_658 = tpu.memref_slice %run_scoped3A_0[%dma_wait3A_647, %dma_wait3A_656, %dma_wait3A_657] : memref<2x2x128xi32, #tpu.memory_space<vmem>> -> memref<1x2x128xi32, #tpu.memory_space<vmem>>
          %dma_wait3A_659 = tpu.memref_squeeze %dma_wait3A_658 : memref<1x2x128xi32, #tpu.memory_space<vmem>> -> memref<2x128xi32, #tpu.memory_space<vmem>>
          %dma_wait3A_660 = arith.constant 0 : i32
          %dma_wait3A_661 = arith.constant 0 : i32
          %dma_wait3A_662 = tpu.memref_slice %arg3[%arg1, %dma_wait3A_660, %dma_wait3A_661] : memref<16x160x128xi32, #tpu.memory_space<hbm>> -> memref<1x2x128xi32, #tpu.memory_space<hbm>>
          %dma_wait3A_663 = tpu.memref_squeeze %dma_wait3A_662 : memref<1x2x128xi32, #tpu.memory_space<hbm>> -> memref<2x128xi32, #tpu.memory_space<hbm>>
          tpu.wait_dma2 semaphore(%arg12 : memref<!tpu.dma_semaphore, #tpu.memory_space<semaphore_mem>>) src(%dma_wait3A_663 : memref<2x128xi32, #tpu.memory_space<hbm>>) dst(%dma_wait3A_659 : memref<2x128xi32, #tpu.memory_space<vmem>>)
          %add3A_664 = arith.constant 1 : i32
          %add3A_665 = arith.addi %mul3A_403, %add3A_664 : i32
          %dma_start3A_666 = arith.constant 1 : i32
          %dma_start3A_667 = arith.constant 0 : i32
          %dma_start3A_668 = arith.constant 1 : i32
          %dma_start3A_669 = arith.constant 0 : i32
          %dma_start3A_670 = arith.constant 0 : i32
          %dma_start3A_671 = arith.constant 0 : i32
          %dma_start3A_672 = tpu.memref_slice %run_scoped3A[%dma_start3A_668, %dma_start3A_669, %dma_start3A_670, %dma_start3A_671] : memref<2x2x128x64xf32, #tpu.memory_space<vmem>> -> memref<1x1x128x64xf32, #tpu.memory_space<vmem>>
          %dma_start3A_673 = tpu.memref_squeeze %dma_start3A_672 : memref<1x1x128x64xf32, #tpu.memory_space<vmem>> -> memref<128x64xf32, #tpu.memory_space<vmem>>
          %dma_start3A_674 = arith.constant 0 : i32
          %dma_start3A_675 = tpu.memref_slice %run_scoped3A_0[%dma_start3A_666, %dma_start3A_667, %dma_start3A_674] : memref<2x2x128xi32, #tpu.memory_space<vmem>> -> memref<1x1x128xi32, #tpu.memory_space<vmem>>
          %dma_start3A_676 = tpu.memref_squeeze %dma_start3A_675 : memref<1x1x128xi32, #tpu.memory_space<vmem>> -> memref<128xi32, #tpu.memory_space<vmem>>
          %dma_start3A_677 = arith.constant 0 : i32
          %dma_start3A_678 = arith.constant 0 : i32
          %dma_start3A_679 = tpu.memref_slice %arg7[%dma_start3A_677, %dma_start3A_678] : memref<10112x64xf32, #tpu.memory_space<vmem_shared>> -> memref<10112x64xf32, #tpu.memory_space<vmem_shared>>
          tpu.enqueue_indirect_dma source(%dma_start3A_679 : memref<10112x64xf32, #tpu.memory_space<vmem_shared>>) target(%dma_start3A_673 : memref<128x64xf32, #tpu.memory_space<vmem>>) offsets(%dma_start3A_676 : memref<128xi32, #tpu.memory_space<vmem>>) semaphore(%arg9 : memref<!tpu.dma_semaphore, #tpu.memory_space<semaphore_mem>>)
          %dma_start3A_680 = arith.constant 1 : i32
          %dma_start3A_681 = arith.constant 1 : i32
          %dma_start3A_682 = arith.constant 1 : i32
          %dma_start3A_683 = arith.constant 1 : i32
          %dma_start3A_684 = arith.constant 0 : i32
          %dma_start3A_685 = arith.constant 0 : i32
          %dma_start3A_686 = tpu.memref_slice %run_scoped3A[%dma_start3A_682, %dma_start3A_683, %dma_start3A_684, %dma_start3A_685] : memref<2x2x128x64xf32, #tpu.memory_space<vmem>> -> memref<1x1x128x64xf32, #tpu.memory_space<vmem>>
          %dma_start3A_687 = tpu.memref_squeeze %dma_start3A_686 : memref<1x1x128x64xf32, #tpu.memory_space<vmem>> -> memref<128x64xf32, #tpu.memory_space<vmem>>
          %dma_start3A_688 = arith.constant 0 : i32
          %dma_start3A_689 = tpu.memref_slice %run_scoped3A_0[%dma_start3A_680, %dma_start3A_681, %dma_start3A_688] : memref<2x2x128xi32, #tpu.memory_space<vmem>> -> memref<1x1x128xi32, #tpu.memory_space<vmem>>
          %dma_start3A_690 = tpu.memref_squeeze %dma_start3A_689 : memref<1x1x128xi32, #tpu.memory_space<vmem>> -> memref<128xi32, #tpu.memory_space<vmem>>
          %dma_start3A_691 = arith.constant 0 : i32
          %dma_start3A_692 = arith.constant 0 : i32
          %dma_start3A_693 = tpu.memref_slice %arg7[%dma_start3A_691, %dma_start3A_692] : memref<10112x64xf32, #tpu.memory_space<vmem_shared>> -> memref<10112x64xf32, #tpu.memory_space<vmem_shared>>
          tpu.enqueue_indirect_dma source(%dma_start3A_693 : memref<10112x64xf32, #tpu.memory_space<vmem_shared>>) target(%dma_start3A_687 : memref<128x64xf32, #tpu.memory_space<vmem>>) offsets(%dma_start3A_690 : memref<128xi32, #tpu.memory_space<vmem>>) semaphore(%arg9 : memref<!tpu.dma_semaphore, #tpu.memory_space<semaphore_mem>>)
        } else {
        }
        %add3A_505 = arith.constant 2 : i32
        %add3A_506 = arith.addi %mul3A_403, %add3A_505 : i32
        %lt3A_507 = arith.constant 80 : i32
        %lt3A_508 = arith.cmpi slt, %add3A_506, %lt3A_507 : i32
        %convert_element_type3A_509 = arith.extui %lt3A_508 : i1 to i32
        %cond3A_510 = arith.constant 0 : i32
        %cond3A_511 = arith.cmpi ne, %convert_element_type3A_509, %cond3A_510 : i32
        scf.if %cond3A_511 {
          %add3A_628 = arith.constant 2 : i32
          %add3A_629 = arith.addi %mul3A_403, %add3A_628 : i32
          %mul3A_630 = arith.constant 2 : i32
          %mul3A_631 = arith.muli %add3A_629, %mul3A_630 : i32
          %dma_start3A_632 = arith.constant 0 : i32
          %dma_start3A_633 = arith.constant 0 : i32
          %dma_start3A_634 = arith.constant 0 : i32
          %dma_start3A_635 = tpu.memref_slice %run_scoped3A_0[%dma_start3A_632, %dma_start3A_633, %dma_start3A_634] : memref<2x2x128xi32, #tpu.memory_space<vmem>> -> memref<1x2x128xi32, #tpu.memory_space<vmem>>
          %dma_start3A_636 = tpu.memref_squeeze %dma_start3A_635 : memref<1x2x128xi32, #tpu.memory_space<vmem>> -> memref<2x128xi32, #tpu.memory_space<vmem>>
          %dma_start3A_637 = arith.constant 0 : i32
          %dma_start3A_638 = tpu.memref_slice %arg3[%arg1, %mul3A_631, %dma_start3A_637] : memref<16x160x128xi32, #tpu.memory_space<hbm>> -> memref<1x2x128xi32, #tpu.memory_space<hbm>>
          %dma_start3A_639 = tpu.memref_squeeze %dma_start3A_638 : memref<1x2x128xi32, #tpu.memory_space<hbm>> -> memref<2x128xi32, #tpu.memory_space<hbm>>
          %dma_start3A_640 = arith.constant 0 : i32
          %dma_start3A_641 = arith.constant 0 : i32
          %dma_start3A_642 = tpu.memref_slice %run_scoped3A_0[%dma_start3A_632, %dma_start3A_640, %dma_start3A_641] : memref<2x2x128xi32, #tpu.memory_space<vmem>> -> memref<1x2x128xi32, #tpu.memory_space<vmem>>
          %dma_start3A_643 = tpu.memref_squeeze %dma_start3A_642 : memref<1x2x128xi32, #tpu.memory_space<vmem>> -> memref<2x128xi32, #tpu.memory_space<vmem>>
          %dma_start3A_644 = arith.constant 0 : i32
          %dma_start3A_645 = tpu.memref_slice %arg3[%arg1, %mul3A_631, %dma_start3A_644] : memref<16x160x128xi32, #tpu.memory_space<hbm>> -> memref<1x2x128xi32, #tpu.memory_space<hbm>>
          %dma_start3A_646 = tpu.memref_squeeze %dma_start3A_645 : memref<1x2x128xi32, #tpu.memory_space<hbm>> -> memref<2x128xi32, #tpu.memory_space<hbm>>
          tpu.enqueue_dma source(%dma_start3A_646 : memref<2x128xi32, #tpu.memory_space<hbm>>) target(%dma_start3A_643 : memref<2x128xi32, #tpu.memory_space<vmem>>) target_semaphore(%arg12 : memref<!tpu.dma_semaphore, #tpu.memory_space<semaphore_mem>>)
        } else {
        }
        %mul3A_512 = arith.constant 2 : i32
        %mul3A_513 = arith.muli %mul3A_512, %scan3A_401 : i32
        %add3A_514 = arith.constant 1 : i32
        %add3A_515 = arith.addi %mul3A_513, %add3A_514 : i32
        %ge3A_516 = arith.constant 1 : i32
        %ge3A_517 = arith.cmpi sge, %add3A_515, %ge3A_516 : i32
        %convert_element_type3A_518 = arith.extui %ge3A_517 : i1 to i32
        %cond3A_519 = arith.constant 0 : i32
        %cond3A_520 = arith.cmpi ne, %convert_element_type3A_518, %cond3A_519 : i32
        scf.if %cond3A_520 {
          %dma_wait3A_628 = arith.constant 0 : i32
          %dma_wait3A_629 = arith.constant 0 : i32
          %dma_wait3A_630 = arith.constant 0 : i32
          %dma_wait3A_631 = arith.constant 0 : i32
          %dma_wait3A_632 = tpu.memref_slice %run_scoped3A[%dma_wait3A_628, %dma_wait3A_629, %dma_wait3A_630, %dma_wait3A_631] : memref<2x2x128x64xf32, #tpu.memory_space<vmem>> -> memref<1x1x128x64xf32, #tpu.memory_space<vmem>>
          %dma_wait3A_633 = tpu.memref_squeeze %dma_wait3A_632 : memref<1x1x128x64xf32, #tpu.memory_space<vmem>> -> memref<128x64xf32, #tpu.memory_space<vmem>>
          %dma_wait3A_634 = arith.constant 0 : i32
          %dma_wait3A_635 = arith.constant 0 : i32
          %dma_wait3A_636 = tpu.memref_slice %arg2[%arg0, %dma_wait3A_634, %dma_wait3A_635] : memref<2x10112x64xf32, #tpu.memory_space<hbm>> -> memref<1x10112x64xf32, #tpu.memory_space<hbm>>
          %dma_wait3A_637 = tpu.memref_squeeze %dma_wait3A_636 : memref<1x10112x64xf32, #tpu.memory_space<hbm>> -> memref<10112x64xf32, #tpu.memory_space<hbm>>
          %dma_wait3A_638 = arith.constant 0 : i32
          %dma_wait3A_639 = arith.constant 0 : i32
          %dma_wait3A_640 = tpu.memref_slice %dma_wait3A_637[%dma_wait3A_638, %dma_wait3A_639] : memref<10112x64xf32, #tpu.memory_space<hbm>> -> memref<128x64xf32, #tpu.memory_space<hbm>>
          %dma_wait3A_641 = arith.constant 0 : i32
          %dma_wait3A_642 = arith.constant 0 : i32
          %dma_wait3A_643 = tpu.memref_slice %run_scoped3A[%dma_wait3A_628, %dma_wait3A_629, %dma_wait3A_641, %dma_wait3A_642] : memref<2x2x128x64xf32, #tpu.memory_space<vmem>> -> memref<1x1x128x64xf32, #tpu.memory_space<vmem>>
          %dma_wait3A_644 = tpu.memref_squeeze %dma_wait3A_643 : memref<1x1x128x64xf32, #tpu.memory_space<vmem>> -> memref<128x64xf32, #tpu.memory_space<vmem>>
          %dma_wait3A_645 = arith.constant 0 : i32
          %dma_wait3A_646 = arith.constant 0 : i32
          %dma_wait3A_647 = tpu.memref_slice %arg2[%arg0, %dma_wait3A_645, %dma_wait3A_646] : memref<2x10112x64xf32, #tpu.memory_space<hbm>> -> memref<1x10112x64xf32, #tpu.memory_space<hbm>>
          %dma_wait3A_648 = tpu.memref_squeeze %dma_wait3A_647 : memref<1x10112x64xf32, #tpu.memory_space<hbm>> -> memref<10112x64xf32, #tpu.memory_space<hbm>>
          %dma_wait3A_649 = arith.constant 0 : i32
          %dma_wait3A_650 = arith.constant 0 : i32
          %dma_wait3A_651 = tpu.memref_slice %dma_wait3A_648[%dma_wait3A_649, %dma_wait3A_650] : memref<10112x64xf32, #tpu.memory_space<hbm>> -> memref<128x64xf32, #tpu.memory_space<hbm>>
          tpu.wait_dma2 semaphore(%arg10 : memref<!tpu.dma_semaphore, #tpu.memory_space<semaphore_mem>>) src(%dma_wait3A_651 : memref<128x64xf32, #tpu.memory_space<hbm>>) dst(%dma_wait3A_644 : memref<128x64xf32, #tpu.memory_space<vmem>>)
          %dma_wait3A_652 = arith.constant 0 : i32
          %dma_wait3A_653 = arith.constant 1 : i32
          %dma_wait3A_654 = arith.constant 0 : i32
          %dma_wait3A_655 = arith.constant 0 : i32
          %dma_wait3A_656 = tpu.memref_slice %run_scoped3A[%dma_wait3A_652, %dma_wait3A_653, %dma_wait3A_654, %dma_wait3A_655] : memref<2x2x128x64xf32, #tpu.memory_space<vmem>> -> memref<1x1x128x64xf32, #tpu.memory_space<vmem>>
          %dma_wait3A_657 = tpu.memref_squeeze %dma_wait3A_656 : memref<1x1x128x64xf32, #tpu.memory_space<vmem>> -> memref<128x64xf32, #tpu.memory_space<vmem>>
          %dma_wait3A_658 = arith.constant 0 : i32
          %dma_wait3A_659 = arith.constant 0 : i32
          %dma_wait3A_660 = tpu.memref_slice %arg2[%arg0, %dma_wait3A_658, %dma_wait3A_659] : memref<2x10112x64xf32, #tpu.memory_space<hbm>> -> memref<1x10112x64xf32, #tpu.memory_space<hbm>>
          %dma_wait3A_661 = tpu.memref_squeeze %dma_wait3A_660 : memref<1x10112x64xf32, #tpu.memory_space<hbm>> -> memref<10112x64xf32, #tpu.memory_space<hbm>>
          %dma_wait3A_662 = arith.constant 0 : i32
          %dma_wait3A_663 = arith.constant 0 : i32
          %dma_wait3A_664 = tpu.memref_slice %dma_wait3A_661[%dma_wait3A_662, %dma_wait3A_663] : memref<10112x64xf32, #tpu.memory_space<hbm>> -> memref<128x64xf32, #tpu.memory_space<hbm>>
          %dma_wait3A_665 = arith.constant 0 : i32
          %dma_wait3A_666 = arith.constant 0 : i32
          %dma_wait3A_667 = tpu.memref_slice %run_scoped3A[%dma_wait3A_652, %dma_wait3A_653, %dma_wait3A_665, %dma_wait3A_666] : memref<2x2x128x64xf32, #tpu.memory_space<vmem>> -> memref<1x1x128x64xf32, #tpu.memory_space<vmem>>
          %dma_wait3A_668 = tpu.memref_squeeze %dma_wait3A_667 : memref<1x1x128x64xf32, #tpu.memory_space<vmem>> -> memref<128x64xf32, #tpu.memory_space<vmem>>
          %dma_wait3A_669 = arith.constant 0 : i32
          %dma_wait3A_670 = arith.constant 0 : i32
          %dma_wait3A_671 = tpu.memref_slice %arg2[%arg0, %dma_wait3A_669, %dma_wait3A_670] : memref<2x10112x64xf32, #tpu.memory_space<hbm>> -> memref<1x10112x64xf32, #tpu.memory_space<hbm>>
          %dma_wait3A_672 = tpu.memref_squeeze %dma_wait3A_671 : memref<1x10112x64xf32, #tpu.memory_space<hbm>> -> memref<10112x64xf32, #tpu.memory_space<hbm>>
          %dma_wait3A_673 = arith.constant 0 : i32
          %dma_wait3A_674 = arith.constant 0 : i32
          %dma_wait3A_675 = tpu.memref_slice %dma_wait3A_672[%dma_wait3A_673, %dma_wait3A_674] : memref<10112x64xf32, #tpu.memory_space<hbm>> -> memref<128x64xf32, #tpu.memory_space<hbm>>
          tpu.wait_dma2 semaphore(%arg10 : memref<!tpu.dma_semaphore, #tpu.memory_space<semaphore_mem>>) src(%dma_wait3A_675 : memref<128x64xf32, #tpu.memory_space<hbm>>) dst(%dma_wait3A_668 : memref<128x64xf32, #tpu.memory_space<vmem>>)
        } else {
        }
        %dma_wait3A_521 = arith.constant 1 : i32
        %dma_wait3A_522 = arith.constant 0 : i32
        %dma_wait3A_523 = arith.constant 0 : i32
        %dma_wait3A_524 = arith.constant 0 : i32
        %dma_wait3A_525 = tpu.memref_slice %run_scoped3A[%dma_wait3A_521, %dma_wait3A_522, %dma_wait3A_523, %dma_wait3A_524] : memref<2x2x128x64xf32, #tpu.memory_space<vmem>> -> memref<1x1x128x64xf32, #tpu.memory_space<vmem>>
        %dma_wait3A_526 = tpu.memref_squeeze %dma_wait3A_525 : memref<1x1x128x64xf32, #tpu.memory_space<vmem>> -> memref<128x64xf32, #tpu.memory_space<vmem>>
        %dma_wait3A_527 = arith.constant 0 : i32
        %dma_wait3A_528 = arith.constant 0 : i32
        %dma_wait3A_529 = tpu.memref_slice %arg2[%arg0, %dma_wait3A_527, %dma_wait3A_528] : memref<2x10112x64xf32, #tpu.memory_space<hbm>> -> memref<1x10112x64xf32, #tpu.memory_space<hbm>>
        %dma_wait3A_530 = tpu.memref_squeeze %dma_wait3A_529 : memref<1x10112x64xf32, #tpu.memory_space<hbm>> -> memref<10112x64xf32, #tpu.memory_space<hbm>>
        %dma_wait3A_531 = arith.constant 0 : i32
        %dma_wait3A_532 = arith.constant 0 : i32
        %dma_wait3A_533 = tpu.memref_slice %dma_wait3A_530[%dma_wait3A_531, %dma_wait3A_532] : memref<10112x64xf32, #tpu.memory_space<hbm>> -> memref<128x64xf32, #tpu.memory_space<hbm>>
        %dma_wait3A_534 = arith.constant 0 : i32
        %dma_wait3A_535 = arith.constant 0 : i32
        %dma_wait3A_536 = tpu.memref_slice %run_scoped3A[%dma_wait3A_521, %dma_wait3A_522, %dma_wait3A_534, %dma_wait3A_535] : memref<2x2x128x64xf32, #tpu.memory_space<vmem>> -> memref<1x1x128x64xf32, #tpu.memory_space<vmem>>
        %dma_wait3A_537 = tpu.memref_squeeze %dma_wait3A_536 : memref<1x1x128x64xf32, #tpu.memory_space<vmem>> -> memref<128x64xf32, #tpu.memory_space<vmem>>
        %dma_wait3A_538 = arith.constant 0 : i32
        %dma_wait3A_539 = arith.constant 0 : i32
        %dma_wait3A_540 = tpu.memref_slice %arg2[%arg0, %dma_wait3A_538, %dma_wait3A_539] : memref<2x10112x64xf32, #tpu.memory_space<hbm>> -> memref<1x10112x64xf32, #tpu.memory_space<hbm>>
        %dma_wait3A_541 = tpu.memref_squeeze %dma_wait3A_540 : memref<1x10112x64xf32, #tpu.memory_space<hbm>> -> memref<10112x64xf32, #tpu.memory_space<hbm>>
        %dma_wait3A_542 = arith.constant 0 : i32
        %dma_wait3A_543 = arith.constant 0 : i32
        %dma_wait3A_544 = tpu.memref_slice %dma_wait3A_541[%dma_wait3A_542, %dma_wait3A_543] : memref<10112x64xf32, #tpu.memory_space<hbm>> -> memref<128x64xf32, #tpu.memory_space<hbm>>
        tpu.wait_dma2 semaphore(%arg9 : memref<!tpu.dma_semaphore, #tpu.memory_space<semaphore_mem>>) src(%dma_wait3A_544 : memref<128x64xf32, #tpu.memory_space<hbm>>) dst(%dma_wait3A_537 : memref<128x64xf32, #tpu.memory_space<vmem>>)
        %dma_wait3A_545 = arith.constant 1 : i32
        %dma_wait3A_546 = arith.constant 1 : i32
        %dma_wait3A_547 = arith.constant 0 : i32
        %dma_wait3A_548 = arith.constant 0 : i32
        %dma_wait3A_549 = tpu.memref_slice %run_scoped3A[%dma_wait3A_545, %dma_wait3A_546, %dma_wait3A_547, %dma_wait3A_548] : memref<2x2x128x64xf32, #tpu.memory_space<vmem>> -> memref<1x1x128x64xf32, #tpu.memory_space<vmem>>
        %dma_wait3A_550 = tpu.memref_squeeze %dma_wait3A_549 : memref<1x1x128x64xf32, #tpu.memory_space<vmem>> -> memref<128x64xf32, #tpu.memory_space<vmem>>
        %dma_wait3A_551 = arith.constant 0 : i32
        %dma_wait3A_552 = arith.constant 0 : i32
        %dma_wait3A_553 = tpu.memref_slice %arg2[%arg0, %dma_wait3A_551, %dma_wait3A_552] : memref<2x10112x64xf32, #tpu.memory_space<hbm>> -> memref<1x10112x64xf32, #tpu.memory_space<hbm>>
        %dma_wait3A_554 = tpu.memref_squeeze %dma_wait3A_553 : memref<1x10112x64xf32, #tpu.memory_space<hbm>> -> memref<10112x64xf32, #tpu.memory_space<hbm>>
        %dma_wait3A_555 = arith.constant 0 : i32
        %dma_wait3A_556 = arith.constant 0 : i32
        %dma_wait3A_557 = tpu.memref_slice %dma_wait3A_554[%dma_wait3A_555, %dma_wait3A_556] : memref<10112x64xf32, #tpu.memory_space<hbm>> -> memref<128x64xf32, #tpu.memory_space<hbm>>
        %dma_wait3A_558 = arith.constant 0 : i32
        %dma_wait3A_559 = arith.constant 0 : i32
        %dma_wait3A_560 = tpu.memref_slice %run_scoped3A[%dma_wait3A_545, %dma_wait3A_546, %dma_wait3A_558, %dma_wait3A_559] : memref<2x2x128x64xf32, #tpu.memory_space<vmem>> -> memref<1x1x128x64xf32, #tpu.memory_space<vmem>>
        %dma_wait3A_561 = tpu.memref_squeeze %dma_wait3A_560 : memref<1x1x128x64xf32, #tpu.memory_space<vmem>> -> memref<128x64xf32, #tpu.memory_space<vmem>>
        %dma_wait3A_562 = arith.constant 0 : i32
        %dma_wait3A_563 = arith.constant 0 : i32
        %dma_wait3A_564 = tpu.memref_slice %arg2[%arg0, %dma_wait3A_562, %dma_wait3A_563] : memref<2x10112x64xf32, #tpu.memory_space<hbm>> -> memref<1x10112x64xf32, #tpu.memory_space<hbm>>
        %dma_wait3A_565 = tpu.memref_squeeze %dma_wait3A_564 : memref<1x10112x64xf32, #tpu.memory_space<hbm>> -> memref<10112x64xf32, #tpu.memory_space<hbm>>
        %dma_wait3A_566 = arith.constant 0 : i32
        %dma_wait3A_567 = arith.constant 0 : i32
        %dma_wait3A_568 = tpu.memref_slice %dma_wait3A_565[%dma_wait3A_566, %dma_wait3A_567] : memref<10112x64xf32, #tpu.memory_space<hbm>> -> memref<128x64xf32, #tpu.memory_space<hbm>>
        tpu.wait_dma2 semaphore(%arg9 : memref<!tpu.dma_semaphore, #tpu.memory_space<semaphore_mem>>) src(%dma_wait3A_568 : memref<128x64xf32, #tpu.memory_space<hbm>>) dst(%dma_wait3A_561 : memref<128x64xf32, #tpu.memory_space<vmem>>)
        %dma_wait3A_569 = arith.constant 1 : i32
        %dma_wait3A_570 = arith.constant 0 : i32
        %dma_wait3A_571 = arith.constant 0 : i32
        %dma_wait3A_572 = tpu.memref_slice %run_scoped3A_1[%dma_wait3A_569, %dma_wait3A_570, %dma_wait3A_571] : memref<2x2x128xi32, #tpu.memory_space<vmem>> -> memref<1x2x128xi32, #tpu.memory_space<vmem>>
        %dma_wait3A_573 = tpu.memref_squeeze %dma_wait3A_572 : memref<1x2x128xi32, #tpu.memory_space<vmem>> -> memref<2x128xi32, #tpu.memory_space<vmem>>
        %dma_wait3A_574 = arith.constant 0 : i32
        %dma_wait3A_575 = arith.constant 0 : i32
        %dma_wait3A_576 = tpu.memref_slice %arg3[%arg1, %dma_wait3A_574, %dma_wait3A_575] : memref<16x160x128xi32, #tpu.memory_space<hbm>> -> memref<1x2x128xi32, #tpu.memory_space<hbm>>
        %dma_wait3A_577 = tpu.memref_squeeze %dma_wait3A_576 : memref<1x2x128xi32, #tpu.memory_space<hbm>> -> memref<2x128xi32, #tpu.memory_space<hbm>>
        %dma_wait3A_578 = arith.constant 0 : i32
        %dma_wait3A_579 = arith.constant 0 : i32
        %dma_wait3A_580 = tpu.memref_slice %run_scoped3A_1[%dma_wait3A_569, %dma_wait3A_578, %dma_wait3A_579] : memref<2x2x128xi32, #tpu.memory_space<vmem>> -> memref<1x2x128xi32, #tpu.memory_space<vmem>>
        %dma_wait3A_581 = tpu.memref_squeeze %dma_wait3A_580 : memref<1x2x128xi32, #tpu.memory_space<vmem>> -> memref<2x128xi32, #tpu.memory_space<vmem>>
        %dma_wait3A_582 = arith.constant 0 : i32
        %dma_wait3A_583 = arith.constant 0 : i32
        %dma_wait3A_584 = tpu.memref_slice %arg3[%arg1, %dma_wait3A_582, %dma_wait3A_583] : memref<16x160x128xi32, #tpu.memory_space<hbm>> -> memref<1x2x128xi32, #tpu.memory_space<hbm>>
        %dma_wait3A_585 = tpu.memref_squeeze %dma_wait3A_584 : memref<1x2x128xi32, #tpu.memory_space<hbm>> -> memref<2x128xi32, #tpu.memory_space<hbm>>
        tpu.wait_dma2 semaphore(%arg13 : memref<!tpu.dma_semaphore, #tpu.memory_space<semaphore_mem>>) src(%dma_wait3A_585 : memref<2x128xi32, #tpu.memory_space<hbm>>) dst(%dma_wait3A_581 : memref<2x128xi32, #tpu.memory_space<vmem>>)
        %dma_start3A_586 = arith.constant 1 : i32
        %dma_start3A_587 = arith.constant 0 : i32
        %dma_start3A_588 = arith.constant 1 : i32
        %dma_start3A_589 = arith.constant 0 : i32
        %dma_start3A_590 = arith.constant 0 : i32
        %dma_start3A_591 = arith.constant 0 : i32
        %dma_start3A_592 = tpu.memref_slice %run_scoped3A[%dma_start3A_586, %dma_start3A_587, %dma_start3A_590, %dma_start3A_591] : memref<2x2x128x64xf32, #tpu.memory_space<vmem>> -> memref<1x1x128x64xf32, #tpu.memory_space<vmem>>
        %dma_start3A_593 = tpu.memref_squeeze %dma_start3A_592 : memref<1x1x128x64xf32, #tpu.memory_space<vmem>> -> memref<128x64xf32, #tpu.memory_space<vmem>>
        %dma_start3A_594 = arith.constant 0 : i32
        %dma_start3A_595 = tpu.memref_slice %run_scoped3A_1[%dma_start3A_588, %dma_start3A_589, %dma_start3A_594] : memref<2x2x128xi32, #tpu.memory_space<vmem>> -> memref<1x1x128xi32, #tpu.memory_space<vmem>>
        %dma_start3A_596 = tpu.memref_squeeze %dma_start3A_595 : memref<1x1x128xi32, #tpu.memory_space<vmem>> -> memref<128xi32, #tpu.memory_space<vmem>>
        %dma_start3A_597 = arith.constant 0 : i32
        %dma_start3A_598 = arith.constant 0 : i32
        %dma_start3A_599 = tpu.memref_slice %arg6[%dma_start3A_597, %dma_start3A_598] : memref<10112x64xf32, #tpu.memory_space<vmem_shared>> -> memref<10112x64xf32, #tpu.memory_space<vmem_shared>>
        tpu.enqueue_indirect_dma source(%dma_start3A_593 : memref<128x64xf32, #tpu.memory_space<vmem>>) target(%dma_start3A_599 : memref<10112x64xf32, #tpu.memory_space<vmem_shared>>) offsets(%dma_start3A_596 : memref<128xi32, #tpu.memory_space<vmem>>) semaphore(%arg11 : memref<!tpu.dma_semaphore, #tpu.memory_space<semaphore_mem>>) {add = true}
        %dma_start3A_600 = arith.constant 1 : i32
        %dma_start3A_601 = arith.constant 1 : i32
        %dma_start3A_602 = arith.constant 1 : i32
        %dma_start3A_603 = arith.constant 1 : i32
        %dma_start3A_604 = arith.constant 0 : i32
        %dma_start3A_605 = arith.constant 0 : i32
        %dma_start3A_606 = tpu.memref_slice %run_scoped3A[%dma_start3A_600, %dma_start3A_601, %dma_start3A_604, %dma_start3A_605] : memref<2x2x128x64xf32, #tpu.memory_space<vmem>> -> memref<1x1x128x64xf32, #tpu.memory_space<vmem>>
        %dma_start3A_607 = tpu.memref_squeeze %dma_start3A_606 : memref<1x1x128x64xf32, #tpu.memory_space<vmem>> -> memref<128x64xf32, #tpu.memory_space<vmem>>
        %dma_start3A_608 = arith.constant 0 : i32
        %dma_start3A_609 = tpu.memref_slice %run_scoped3A_1[%dma_start3A_602, %dma_start3A_603, %dma_start3A_608] : memref<2x2x128xi32, #tpu.memory_space<vmem>> -> memref<1x1x128xi32, #tpu.memory_space<vmem>>
        %dma_start3A_610 = tpu.memref_squeeze %dma_start3A_609 : memref<1x1x128xi32, #tpu.memory_space<vmem>> -> memref<128xi32, #tpu.memory_space<vmem>>
        %dma_start3A_611 = arith.constant 0 : i32
        %dma_start3A_612 = arith.constant 0 : i32
        %dma_start3A_613 = tpu.memref_slice %arg6[%dma_start3A_611, %dma_start3A_612] : memref<10112x64xf32, #tpu.memory_space<vmem_shared>> -> memref<10112x64xf32, #tpu.memory_space<vmem_shared>>
        tpu.enqueue_indirect_dma source(%dma_start3A_607 : memref<128x64xf32, #tpu.memory_space<vmem>>) target(%dma_start3A_613 : memref<10112x64xf32, #tpu.memory_space<vmem_shared>>) offsets(%dma_start3A_610 : memref<128xi32, #tpu.memory_space<vmem>>) semaphore(%arg11 : memref<!tpu.dma_semaphore, #tpu.memory_space<semaphore_mem>>) {add = true}
        %add3A_614 = arith.constant 1 : i32
        %add3A_615 = arith.addi %add3A_515, %add3A_614 : i32
        %lt3A_616 = arith.constant 80 : i32
        %lt3A_617 = arith.cmpi slt, %add3A_615, %lt3A_616 : i32
        %convert_element_type3A_618 = arith.extui %lt3A_617 : i1 to i32
        %cond3A_619 = arith.constant 0 : i32
        %cond3A_620 = arith.cmpi ne, %convert_element_type3A_618, %cond3A_619 : i32
        scf.if %cond3A_620 {
          %add3A_628 = arith.constant 1 : i32
          %add3A_629 = arith.addi %add3A_515, %add3A_628 : i32
          %mul3A_630 = arith.constant 2 : i32
          %mul3A_631 = arith.muli %add3A_629, %mul3A_630 : i32
          %dma_start3A_632 = arith.constant 0 : i32
          %dma_start3A_633 = arith.constant 0 : i32
          %dma_start3A_634 = arith.constant 0 : i32
          %dma_start3A_635 = tpu.memref_slice %run_scoped3A_1[%dma_start3A_632, %dma_start3A_633, %dma_start3A_634] : memref<2x2x128xi32, #tpu.memory_space<vmem>> -> memref<1x2x128xi32, #tpu.memory_space<vmem>>
          %dma_start3A_636 = tpu.memref_squeeze %dma_start3A_635 : memref<1x2x128xi32, #tpu.memory_space<vmem>> -> memref<2x128xi32, #tpu.memory_space<vmem>>
          %dma_start3A_637 = arith.constant 0 : i32
          %dma_start3A_638 = tpu.memref_slice %arg4[%arg1, %mul3A_631, %dma_start3A_637] : memref<16x160x128xi32, #tpu.memory_space<hbm>> -> memref<1x2x128xi32, #tpu.memory_space<hbm>>
          %dma_start3A_639 = tpu.memref_squeeze %dma_start3A_638 : memref<1x2x128xi32, #tpu.memory_space<hbm>> -> memref<2x128xi32, #tpu.memory_space<hbm>>
          %dma_start3A_640 = arith.constant 0 : i32
          %dma_start3A_641 = arith.constant 0 : i32
          %dma_start3A_642 = tpu.memref_slice %run_scoped3A_1[%dma_start3A_632, %dma_start3A_640, %dma_start3A_641] : memref<2x2x128xi32, #tpu.memory_space<vmem>> -> memref<1x2x128xi32, #tpu.memory_space<vmem>>
          %dma_start3A_643 = tpu.memref_squeeze %dma_start3A_642 : memref<1x2x128xi32, #tpu.memory_space<vmem>> -> memref<2x128xi32, #tpu.memory_space<vmem>>
          %dma_start3A_644 = arith.constant 0 : i32
          %dma_start3A_645 = tpu.memref_slice %arg4[%arg1, %mul3A_631, %dma_start3A_644] : memref<16x160x128xi32, #tpu.memory_space<hbm>> -> memref<1x2x128xi32, #tpu.memory_space<hbm>>
          %dma_start3A_646 = tpu.memref_squeeze %dma_start3A_645 : memref<1x2x128xi32, #tpu.memory_space<hbm>> -> memref<2x128xi32, #tpu.memory_space<hbm>>
          tpu.enqueue_dma source(%dma_start3A_646 : memref<2x128xi32, #tpu.memory_space<hbm>>) target(%dma_start3A_643 : memref<2x128xi32, #tpu.memory_space<vmem>>) target_semaphore(%arg13 : memref<!tpu.dma_semaphore, #tpu.memory_space<semaphore_mem>>)
          %dma_wait3A_647 = arith.constant 0 : i32
          %dma_wait3A_648 = arith.constant 0 : i32
          %dma_wait3A_649 = arith.constant 0 : i32
          %dma_wait3A_650 = tpu.memref_slice %run_scoped3A_0[%dma_wait3A_647, %dma_wait3A_648, %dma_wait3A_649] : memref<2x2x128xi32, #tpu.memory_space<vmem>> -> memref<1x2x128xi32, #tpu.memory_space<vmem>>
          %dma_wait3A_651 = tpu.memref_squeeze %dma_wait3A_650 : memref<1x2x128xi32, #tpu.memory_space<vmem>> -> memref<2x128xi32, #tpu.memory_space<vmem>>
          %dma_wait3A_652 = arith.constant 0 : i32
          %dma_wait3A_653 = arith.constant 0 : i32
          %dma_wait3A_654 = tpu.memref_slice %arg3[%arg1, %dma_wait3A_652, %dma_wait3A_653] : memref<16x160x128xi32, #tpu.memory_space<hbm>> -> memref<1x2x128xi32, #tpu.memory_space<hbm>>
          %dma_wait3A_655 = tpu.memref_squeeze %dma_wait3A_654 : memref<1x2x128xi32, #tpu.memory_space<hbm>> -> memref<2x128xi32, #tpu.memory_space<hbm>>
          %dma_wait3A_656 = arith.constant 0 : i32
          %dma_wait3A_657 = arith.constant 0 : i32
          %dma_wait3A_658 = tpu.memref_slice %run_scoped3A_0[%dma_wait3A_647, %dma_wait3A_656, %dma_wait3A_657] : memref<2x2x128xi32, #tpu.memory_space<vmem>> -> memref<1x2x128xi32, #tpu.memory_space<vmem>>
          %dma_wait3A_659 = tpu.memref_squeeze %dma_wait3A_658 : memref<1x2x128xi32, #tpu.memory_space<vmem>> -> memref<2x128xi32, #tpu.memory_space<vmem>>
          %dma_wait3A_660 = arith.constant 0 : i32
          %dma_wait3A_661 = arith.constant 0 : i32
          %dma_wait3A_662 = tpu.memref_slice %arg3[%arg1, %dma_wait3A_660, %dma_wait3A_661] : memref<16x160x128xi32, #tpu.memory_space<hbm>> -> memref<1x2x128xi32, #tpu.memory_space<hbm>>
          %dma_wait3A_663 = tpu.memref_squeeze %dma_wait3A_662 : memref<1x2x128xi32, #tpu.memory_space<hbm>> -> memref<2x128xi32, #tpu.memory_space<hbm>>
          tpu.wait_dma2 semaphore(%arg12 : memref<!tpu.dma_semaphore, #tpu.memory_space<semaphore_mem>>) src(%dma_wait3A_663 : memref<2x128xi32, #tpu.memory_space<hbm>>) dst(%dma_wait3A_659 : memref<2x128xi32, #tpu.memory_space<vmem>>)
          %add3A_664 = arith.constant 1 : i32
          %add3A_665 = arith.addi %add3A_515, %add3A_664 : i32
          %dma_start3A_666 = arith.constant 0 : i32
          %dma_start3A_667 = arith.constant 0 : i32
          %dma_start3A_668 = arith.constant 0 : i32
          %dma_start3A_669 = arith.constant 0 : i32
          %dma_start3A_670 = arith.constant 0 : i32
          %dma_start3A_671 = arith.constant 0 : i32
          %dma_start3A_672 = tpu.memref_slice %run_scoped3A[%dma_start3A_668, %dma_start3A_669, %dma_start3A_670, %dma_start3A_671] : memref<2x2x128x64xf32, #tpu.memory_space<vmem>> -> memref<1x1x128x64xf32, #tpu.memory_space<vmem>>
          %dma_start3A_673 = tpu.memref_squeeze %dma_start3A_672 : memref<1x1x128x64xf32, #tpu.memory_space<vmem>> -> memref<128x64xf32, #tpu.memory_space<vmem>>
          %dma_start3A_674 = arith.constant 0 : i32
          %dma_start3A_675 = tpu.memref_slice %run_scoped3A_0[%dma_start3A_666, %dma_start3A_667, %dma_start3A_674] : memref<2x2x128xi32, #tpu.memory_space<vmem>> -> memref<1x1x128xi32, #tpu.memory_space<vmem>>
          %dma_start3A_676 = tpu.memref_squeeze %dma_start3A_675 : memref<1x1x128xi32, #tpu.memory_space<vmem>> -> memref<128xi32, #tpu.memory_space<vmem>>
          %dma_start3A_677 = arith.constant 0 : i32
          %dma_start3A_678 = arith.constant 0 : i32
          %dma_start3A_679 = tpu.memref_slice %arg7[%dma_start3A_677, %dma_start3A_678] : memref<10112x64xf32, #tpu.memory_space<vmem_shared>> -> memref<10112x64xf32, #tpu.memory_space<vmem_shared>>
          tpu.enqueue_indirect_dma source(%dma_start3A_679 : memref<10112x64xf32, #tpu.memory_space<vmem_shared>>) target(%dma_start3A_673 : memref<128x64xf32, #tpu.memory_space<vmem>>) offsets(%dma_start3A_676 : memref<128xi32, #tpu.memory_space<vmem>>) semaphore(%arg8 : memref<!tpu.dma_semaphore, #tpu.memory_space<semaphore_mem>>)
          %dma_start3A_680 = arith.constant 0 : i32
          %dma_start3A_681 = arith.constant 1 : i32
          %dma_start3A_682 = arith.constant 0 : i32
          %dma_start3A_683 = arith.constant 1 : i32
          %dma_start3A_684 = arith.constant 0 : i32
          %dma_start3A_685 = arith.constant 0 : i32
          %dma_start3A_686 = tpu.memref_slice %run_scoped3A[%dma_start3A_682, %dma_start3A_683, %dma_start3A_684, %dma_start3A_685] : memref<2x2x128x64xf32, #tpu.memory_space<vmem>> -> memref<1x1x128x64xf32, #tpu.memory_space<vmem>>
          %dma_start3A_687 = tpu.memref_squeeze %dma_start3A_686 : memref<1x1x128x64xf32, #tpu.memory_space<vmem>> -> memref<128x64xf32, #tpu.memory_space<vmem>>
          %dma_start3A_688 = arith.constant 0 : i32
          %dma_start3A_689 = tpu.memref_slice %run_scoped3A_0[%dma_start3A_680, %dma_start3A_681, %dma_start3A_688] : memref<2x2x128xi32, #tpu.memory_space<vmem>> -> memref<1x1x128xi32, #tpu.memory_space<vmem>>
          %dma_start3A_690 = tpu.memref_squeeze %dma_start3A_689 : memref<1x1x128xi32, #tpu.memory_space<vmem>> -> memref<128xi32, #tpu.memory_space<vmem>>
          %dma_start3A_691 = arith.constant 0 : i32
          %dma_start3A_692 = arith.constant 0 : i32
          %dma_start3A_693 = tpu.memref_slice %arg7[%dma_start3A_691, %dma_start3A_692] : memref<10112x64xf32, #tpu.memory_space<vmem_shared>> -> memref<10112x64xf32, #tpu.memory_space<vmem_shared>>
          tpu.enqueue_indirect_dma source(%dma_start3A_693 : memref<10112x64xf32, #tpu.memory_space<vmem_shared>>) target(%dma_start3A_687 : memref<128x64xf32, #tpu.memory_space<vmem>>) offsets(%dma_start3A_690 : memref<128xi32, #tpu.memory_space<vmem>>) semaphore(%arg8 : memref<!tpu.dma_semaphore, #tpu.memory_space<semaphore_mem>>)
        } else {
        }
        %add3A_621 = arith.constant 2 : i32
        %add3A_622 = arith.addi %add3A_515, %add3A_621 : i32
        %lt3A_623 = arith.constant 80 : i32
        %lt3A_624 = arith.cmpi slt, %add3A_622, %lt3A_623 : i32
        %convert_element_type3A_625 = arith.extui %lt3A_624 : i1 to i32
        %cond3A_626 = arith.constant 0 : i32
        %cond3A_627 = arith.cmpi ne, %convert_element_type3A_625, %cond3A_626 : i32
        scf.if %cond3A_627 {
          %add3A_628 = arith.constant 2 : i32
          %add3A_629 = arith.addi %add3A_515, %add3A_628 : i32
          %mul3A_630 = arith.constant 2 : i32
          %mul3A_631 = arith.muli %add3A_629, %mul3A_630 : i32
          %dma_start3A_632 = arith.constant 1 : i32
          %dma_start3A_633 = arith.constant 0 : i32
          %dma_start3A_634 = arith.constant 0 : i32
          %dma_start3A_635 = tpu.memref_slice %run_scoped3A_0[%dma_start3A_632, %dma_start3A_633, %dma_start3A_634] : memref<2x2x128xi32, #tpu.memory_space<vmem>> -> memref<1x2x128xi32, #tpu.memory_space<vmem>>
          %dma_start3A_636 = tpu.memref_squeeze %dma_start3A_635 : memref<1x2x128xi32, #tpu.memory_space<vmem>> -> memref<2x128xi32, #tpu.memory_space<vmem>>
          %dma_start3A_637 = arith.constant 0 : i32
          %dma_start3A_638 = tpu.memref_slice %arg3[%arg1, %mul3A_631, %dma_start3A_637] : memref<16x160x128xi32, #tpu.memory_space<hbm>> -> memref<1x2x128xi32, #tpu.memory_space<hbm>>
          %dma_start3A_639 = tpu.memref_squeeze %dma_start3A_638 : memref<1x2x128xi32, #tpu.memory_space<hbm>> -> memref<2x128xi32, #tpu.memory_space<hbm>>
          %dma_start3A_640 = arith.constant 0 : i32
          %dma_start3A_641 = arith.constant 0 : i32
          %dma_start3A_642 = tpu.memref_slice %run_scoped3A_0[%dma_start3A_632, %dma_start3A_640, %dma_start3A_641] : memref<2x2x128xi32, #tpu.memory_space<vmem>> -> memref<1x2x128xi32, #tpu.memory_space<vmem>>
          %dma_start3A_643 = tpu.memref_squeeze %dma_start3A_642 : memref<1x2x128xi32, #tpu.memory_space<vmem>> -> memref<2x128xi32, #tpu.memory_space<vmem>>
          %dma_start3A_644 = arith.constant 0 : i32
          %dma_start3A_645 = tpu.memref_slice %arg3[%arg1, %mul3A_631, %dma_start3A_644] : memref<16x160x128xi32, #tpu.memory_space<hbm>> -> memref<1x2x128xi32, #tpu.memory_space<hbm>>
          %dma_start3A_646 = tpu.memref_squeeze %dma_start3A_645 : memref<1x2x128xi32, #tpu.memory_space<hbm>> -> memref<2x128xi32, #tpu.memory_space<hbm>>
          tpu.enqueue_dma source(%dma_start3A_646 : memref<2x128xi32, #tpu.memory_space<hbm>>) target(%dma_start3A_643 : memref<2x128xi32, #tpu.memory_space<vmem>>) target_semaphore(%arg12 : memref<!tpu.dma_semaphore, #tpu.memory_space<semaphore_mem>>)
        } else {
        }
      }
      %scan3A_231 = arith.constant 40 : i32
      %dma_wait3A_232 = arith.constant 1 : i32
      %dma_wait3A_233 = arith.constant 0 : i32
      %dma_wait3A_234 = arith.constant 0 : i32
      %dma_wait3A_235 = arith.constant 0 : i32
      %dma_wait3A_236 = tpu.memref_slice %run_scoped3A[%dma_wait3A_232, %dma_wait3A_233, %dma_wait3A_234, %dma_wait3A_235] : memref<2x2x128x64xf32, #tpu.memory_space<vmem>> -> memref<1x1x128x64xf32, #tpu.memory_space<vmem>>
      %dma_wait3A_237 = tpu.memref_squeeze %dma_wait3A_236 : memref<1x1x128x64xf32, #tpu.memory_space<vmem>> -> memref<128x64xf32, #tpu.memory_space<vmem>>
      %dma_wait3A_238 = arith.constant 0 : i32
      %dma_wait3A_239 = arith.constant 0 : i32
      %dma_wait3A_240 = tpu.memref_slice %arg2[%arg0, %dma_wait3A_238, %dma_wait3A_239] : memref<2x10112x64xf32, #tpu.memory_space<hbm>> -> memref<1x10112x64xf32, #tpu.memory_space<hbm>>
      %dma_wait3A_241 = tpu.memref_squeeze %dma_wait3A_240 : memref<1x10112x64xf32, #tpu.memory_space<hbm>> -> memref<10112x64xf32, #tpu.memory_space<hbm>>
      %dma_wait3A_242 = arith.constant 0 : i32
      %dma_wait3A_243 = arith.constant 0 : i32
      %dma_wait3A_244 = tpu.memref_slice %dma_wait3A_241[%dma_wait3A_242, %dma_wait3A_243] : memref<10112x64xf32, #tpu.memory_space<hbm>> -> memref<128x64xf32, #tpu.memory_space<hbm>>
      %dma_wait3A_245 = arith.constant 0 : i32
      %dma_wait3A_246 = arith.constant 0 : i32
      %dma_wait3A_247 = tpu.memref_slice %run_scoped3A[%dma_wait3A_232, %dma_wait3A_233, %dma_wait3A_245, %dma_wait3A_246] : memref<2x2x128x64xf32, #tpu.memory_space<vmem>> -> memref<1x1x128x64xf32, #tpu.memory_space<vmem>>
      %dma_wait3A_248 = tpu.memref_squeeze %dma_wait3A_247 : memref<1x1x128x64xf32, #tpu.memory_space<vmem>> -> memref<128x64xf32, #tpu.memory_space<vmem>>
      %dma_wait3A_249 = arith.constant 0 : i32
      %dma_wait3A_250 = arith.constant 0 : i32
      %dma_wait3A_251 = tpu.memref_slice %arg2[%arg0, %dma_wait3A_249, %dma_wait3A_250] : memref<2x10112x64xf32, #tpu.memory_space<hbm>> -> memref<1x10112x64xf32, #tpu.memory_space<hbm>>
      %dma_wait3A_252 = tpu.memref_squeeze %dma_wait3A_251 : memref<1x10112x64xf32, #tpu.memory_space<hbm>> -> memref<10112x64xf32, #tpu.memory_space<hbm>>
      %dma_wait3A_253 = arith.constant 0 : i32
      %dma_wait3A_254 = arith.constant 0 : i32
      %dma_wait3A_255 = tpu.memref_slice %dma_wait3A_252[%dma_wait3A_253, %dma_wait3A_254] : memref<10112x64xf32, #tpu.memory_space<hbm>> -> memref<128x64xf32, #tpu.memory_space<hbm>>
      tpu.wait_dma2 semaphore(%arg11 : memref<!tpu.dma_semaphore, #tpu.memory_space<semaphore_mem>>) src(%dma_wait3A_255 : memref<128x64xf32, #tpu.memory_space<hbm>>) dst(%dma_wait3A_248 : memref<128x64xf32, #tpu.memory_space<vmem>>)
      %dma_wait3A_256 = arith.constant 1 : i32
      %dma_wait3A_257 = arith.constant 1 : i32
      %dma_wait3A_258 = arith.constant 0 : i32
      %dma_wait3A_259 = arith.constant 0 : i32
      %dma_wait3A_260 = tpu.memref_slice %run_scoped3A[%dma_wait3A_256, %dma_wait3A_257, %dma_wait3A_258, %dma_wait3A_259] : memref<2x2x128x64xf32, #tpu.memory_space<vmem>> -> memref<1x1x128x64xf32, #tpu.memory_space<vmem>>
      %dma_wait3A_261 = tpu.memref_squeeze %dma_wait3A_260 : memref<1x1x128x64xf32, #tpu.memory_space<vmem>> -> memref<128x64xf32, #tpu.memory_space<vmem>>
      %dma_wait3A_262 = arith.constant 0 : i32
      %dma_wait3A_263 = arith.constant 0 : i32
      %dma_wait3A_264 = tpu.memref_slice %arg2[%arg0, %dma_wait3A_262, %dma_wait3A_263] : memref<2x10112x64xf32, #tpu.memory_space<hbm>> -> memref<1x10112x64xf32, #tpu.memory_space<hbm>>
      %dma_wait3A_265 = tpu.memref_squeeze %dma_wait3A_264 : memref<1x10112x64xf32, #tpu.memory_space<hbm>> -> memref<10112x64xf32, #tpu.memory_space<hbm>>
      %dma_wait3A_266 = arith.constant 0 : i32
      %dma_wait3A_267 = arith.constant 0 : i32
      %dma_wait3A_268 = tpu.memref_slice %dma_wait3A_265[%dma_wait3A_266, %dma_wait3A_267] : memref<10112x64xf32, #tpu.memory_space<hbm>> -> memref<128x64xf32, #tpu.memory_space<hbm>>
      %dma_wait3A_269 = arith.constant 0 : i32
      %dma_wait3A_270 = arith.constant 0 : i32
      %dma_wait3A_271 = tpu.memref_slice %run_scoped3A[%dma_wait3A_256, %dma_wait3A_257, %dma_wait3A_269, %dma_wait3A_270] : memref<2x2x128x64xf32, #tpu.memory_space<vmem>> -> memref<1x1x128x64xf32, #tpu.memory_space<vmem>>
      %dma_wait3A_272 = tpu.memref_squeeze %dma_wait3A_271 : memref<1x1x128x64xf32, #tpu.memory_space<vmem>> -> memref<128x64xf32, #tpu.memory_space<vmem>>
      %dma_wait3A_273 = arith.constant 0 : i32
      %dma_wait3A_274 = arith.constant 0 : i32
      %dma_wait3A_275 = tpu.memref_slice %arg2[%arg0, %dma_wait3A_273, %dma_wait3A_274] : memref<2x10112x64xf32, #tpu.memory_space<hbm>> -> memref<1x10112x64xf32, #tpu.memory_space<hbm>>
      %dma_wait3A_276 = tpu.memref_squeeze %dma_wait3A_275 : memref<1x10112x64xf32, #tpu.memory_space<hbm>> -> memref<10112x64xf32, #tpu.memory_space<hbm>>
      %dma_wait3A_277 = arith.constant 0 : i32
      %dma_wait3A_278 = arith.constant 0 : i32
      %dma_wait3A_279 = tpu.memref_slice %dma_wait3A_276[%dma_wait3A_277, %dma_wait3A_278] : memref<10112x64xf32, #tpu.memory_space<hbm>> -> memref<128x64xf32, #tpu.memory_space<hbm>>
      tpu.wait_dma2 semaphore(%arg11 : memref<!tpu.dma_semaphore, #tpu.memory_space<semaphore_mem>>) src(%dma_wait3A_279 : memref<128x64xf32, #tpu.memory_space<hbm>>) dst(%dma_wait3A_272 : memref<128x64xf32, #tpu.memory_space<vmem>>)
      %barrier3A_280 = arith.constant 0 : index
      tpu.barrier barrier_id(%barrier3A_280)
      %mul3A_281 = arith.constant 632 : i32
      %mul3A_282 = arith.muli %arg1, %mul3A_281 : i32
      %add3A_283 = arith.constant 0 : i32
      %add3A_284 = arith.addi %mul3A_282, %add3A_283 : i32
      "tpu.region"() ({
        %run_scoped3A_401 = tpu.sem_alloc : memref<!tpu.dma_semaphore, #tpu.memory_space<semaphore_mem>>
        %dma_start3A_402 = arith.constant 0 : i32
        %dma_start3A_403 = arith.constant 0 : i32
        %dma_start3A_404 = tpu.memref_slice %run_scoped3A_2[%dma_start3A_402, %dma_start3A_403] : memref<256x64xf32, #tpu.memory_space<vmem>> -> memref<256x64xf32, #tpu.memory_space<vmem>>
        %dma_start3A_405 = arith.constant 0 : i32
        %dma_start3A_406 = tpu.memref_slice %arg6[%add3A_284, %dma_start3A_405] : memref<10112x64xf32, #tpu.memory_space<vmem_shared>> -> memref<256x64xf32, #tpu.memory_space<vmem_shared>>
        %dma_start3A_407 = arith.constant 0 : i32
        %dma_start3A_408 = arith.constant 0 : i32
        %dma_start3A_409 = tpu.memref_slice %run_scoped3A_2[%dma_start3A_407, %dma_start3A_408] : memref<256x64xf32, #tpu.memory_space<vmem>> -> memref<256x64xf32, #tpu.memory_space<vmem>>
        %dma_start3A_410 = arith.constant 0 : i32
        %dma_start3A_411 = tpu.memref_slice %arg6[%add3A_284, %dma_start3A_410] : memref<10112x64xf32, #tpu.memory_space<vmem_shared>> -> memref<256x64xf32, #tpu.memory_space<vmem_shared>>
        tpu.enqueue_dma source(%dma_start3A_411 : memref<256x64xf32, #tpu.memory_space<vmem_shared>>) target(%dma_start3A_409 : memref<256x64xf32, #tpu.memory_space<vmem>>) target_semaphore(%run_scoped3A_401 : memref<!tpu.dma_semaphore, #tpu.memory_space<semaphore_mem>>)
        %dma_wait3A_412 = arith.constant 0 : i32
        %dma_wait3A_413 = arith.constant 0 : i32
        %dma_wait3A_414 = tpu.memref_slice %run_scoped3A_2[%dma_wait3A_412, %dma_wait3A_413] : memref<256x64xf32, #tpu.memory_space<vmem>> -> memref<256x64xf32, #tpu.memory_space<vmem>>
        %dma_wait3A_415 = arith.constant 0 : i32
        %dma_wait3A_416 = tpu.memref_slice %arg6[%add3A_284, %dma_wait3A_415] : memref<10112x64xf32, #tpu.memory_space<vmem_shared>> -> memref<256x64xf32, #tpu.memory_space<vmem_shared>>
        %dma_wait3A_417 = arith.constant 0 : i32
        %dma_wait3A_418 = arith.constant 0 : i32
        %dma_wait3A_419 = tpu.memref_slice %run_scoped3A_2[%dma_wait3A_417, %dma_wait3A_418] : memref<256x64xf32, #tpu.memory_space<vmem>> -> memref<256x64xf32, #tpu.memory_space<vmem>>
        %dma_wait3A_420 = arith.constant 0 : i32
        %dma_wait3A_421 = tpu.memref_slice %arg6[%add3A_284, %dma_wait3A_420] : memref<10112x64xf32, #tpu.memory_space<vmem_shared>> -> memref<256x64xf32, #tpu.memory_space<vmem_shared>>
        tpu.wait_dma2 semaphore(%run_scoped3A_401 : memref<!tpu.dma_semaphore, #tpu.memory_space<semaphore_mem>>) src(%dma_wait3A_421 : memref<256x64xf32, #tpu.memory_space<vmem_shared>>) dst(%dma_wait3A_419 : memref<256x64xf32, #tpu.memory_space<vmem>>)
        tpu.yield
      }) : () -> ()
      %dma_start3A_285 = arith.constant 0 : i32
      %dma_start3A_286 = arith.constant 0 : i32
      %dma_start3A_287 = tpu.memref_slice %run_scoped3A_2[%dma_start3A_285, %dma_start3A_286] : memref<256x64xf32, #tpu.memory_space<vmem>> -> memref<256x64xf32, #tpu.memory_space<vmem>>
      %dma_start3A_288 = arith.constant 0 : i32
      %dma_start3A_289 = arith.constant 0 : i32
      %dma_start3A_290 = tpu.memref_slice %arg5[%arg0, %dma_start3A_288, %dma_start3A_289] : memref<2x10112x64xf32, #tpu.memory_space<hbm>> -> memref<1x10112x64xf32, #tpu.memory_space<hbm>>
      %dma_start3A_291 = tpu.memref_squeeze %dma_start3A_290 : memref<1x10112x64xf32, #tpu.memory_space<hbm>> -> memref<10112x64xf32, #tpu.memory_space<hbm>>
      %dma_start3A_292 = arith.constant 0 : i32
      %dma_start3A_293 = tpu.memref_slice %dma_start3A_291[%add3A_284, %dma_start3A_292] : memref<10112x64xf32, #tpu.memory_space<hbm>> -> memref<256x64xf32, #tpu.memory_space<hbm>>
      %dma_start3A_294 = arith.constant 0 : i32
      %dma_start3A_295 = arith.constant 0 : i32
      %dma_start3A_296 = tpu.memref_slice %arg5[%arg0, %dma_start3A_294, %dma_start3A_295] : memref<2x10112x64xf32, #tpu.memory_space<hbm>> -> memref<1x10112x64xf32, #tpu.memory_space<hbm>>
      %dma_start3A_297 = tpu.memref_squeeze %dma_start3A_296 : memref<1x10112x64xf32, #tpu.memory_space<hbm>> -> memref<10112x64xf32, #tpu.memory_space<hbm>>
      %dma_start3A_298 = arith.constant 0 : i32
      %dma_start3A_299 = tpu.memref_slice %dma_start3A_297[%add3A_284, %dma_start3A_298] : memref<10112x64xf32, #tpu.memory_space<hbm>> -> memref<256x64xf32, #tpu.memory_space<hbm>>
      %dma_start3A_300 = arith.constant 0 : i32
      %dma_start3A_301 = arith.constant 0 : i32
      %dma_start3A_302 = tpu.memref_slice %run_scoped3A_2[%dma_start3A_300, %dma_start3A_301] : memref<256x64xf32, #tpu.memory_space<vmem>> -> memref<256x64xf32, #tpu.memory_space<vmem>>
      tpu.enqueue_dma source(%dma_start3A_302 : memref<256x64xf32, #tpu.memory_space<vmem>>) target(%dma_start3A_299 : memref<256x64xf32, #tpu.memory_space<hbm>>) target_semaphore(%arg9 : memref<!tpu.dma_semaphore, #tpu.memory_space<semaphore_mem>>)
      %dma_wait3A_303 = arith.constant 0 : i32
      %dma_wait3A_304 = arith.constant 0 : i32
      %dma_wait3A_305 = tpu.memref_slice %run_scoped3A_2[%dma_wait3A_303, %dma_wait3A_304] : memref<256x64xf32, #tpu.memory_space<vmem>> -> memref<256x64xf32, #tpu.memory_space<vmem>>
      %dma_wait3A_306 = arith.constant 0 : i32
      %dma_wait3A_307 = arith.constant 0 : i32
      %dma_wait3A_308 = tpu.memref_slice %arg5[%arg0, %dma_wait3A_306, %dma_wait3A_307] : memref<2x10112x64xf32, #tpu.memory_space<hbm>> -> memref<1x10112x64xf32, #tpu.memory_space<hbm>>
      %dma_wait3A_309 = tpu.memref_squeeze %dma_wait3A_308 : memref<1x10112x64xf32, #tpu.memory_space<hbm>> -> memref<10112x64xf32, #tpu.memory_space<hbm>>
      %dma_wait3A_310 = arith.constant 0 : i32
      %dma_wait3A_311 = tpu.memref_slice %dma_wait3A_309[%add3A_284, %dma_wait3A_310] : memref<10112x64xf32, #tpu.memory_space<hbm>> -> memref<256x64xf32, #tpu.memory_space<hbm>>
      %dma_wait3A_312 = arith.constant 0 : i32
      %dma_wait3A_313 = arith.constant 0 : i32
      %dma_wait3A_314 = tpu.memref_slice %arg5[%arg0, %dma_wait3A_312, %dma_wait3A_313] : memref<2x10112x64xf32, #tpu.memory_space<hbm>> -> memref<1x10112x64xf32, #tpu.memory_space<hbm>>
      %dma_wait3A_315 = tpu.memref_squeeze %dma_wait3A_314 : memref<1x10112x64xf32, #tpu.memory_space<hbm>> -> memref<10112x64xf32, #tpu.memory_space<hbm>>
      %dma_wait3A_316 = arith.constant 0 : i32
      %dma_wait3A_317 = tpu.memref_slice %dma_wait3A_315[%add3A_284, %dma_wait3A_316] : memref<10112x64xf32, #tpu.memory_space<hbm>> -> memref<256x64xf32, #tpu.memory_space<hbm>>
      %dma_wait3A_318 = arith.constant 0 : i32
      %dma_wait3A_319 = arith.constant 0 : i32
      %dma_wait3A_320 = tpu.memref_slice %run_scoped3A_2[%dma_wait3A_318, %dma_wait3A_319] : memref<256x64xf32, #tpu.memory_space<vmem>> -> memref<256x64xf32, #tpu.memory_space<vmem>>
      tpu.wait_dma2 semaphore(%arg9 : memref<!tpu.dma_semaphore, #tpu.memory_space<semaphore_mem>>) src(%dma_wait3A_320 : memref<256x64xf32, #tpu.memory_space<vmem>>) dst(%dma_wait3A_317 : memref<256x64xf32, #tpu.memory_space<hbm>>)
      %mul3A_321 = arith.constant 632 : i32
      %mul3A_322 = arith.muli %arg1, %mul3A_321 : i32
      %add3A_323 = arith.constant 256 : i32
      %add3A_324 = arith.addi %mul3A_322, %add3A_323 : i32
      "tpu.region"() ({
        %run_scoped3A_401 = tpu.sem_alloc : memref<!tpu.dma_semaphore, #tpu.memory_space<semaphore_mem>>
        %dma_start3A_402 = arith.constant 0 : i32
        %dma_start3A_403 = arith.constant 0 : i32
        %dma_start3A_404 = tpu.memref_slice %run_scoped3A_2[%dma_start3A_402, %dma_start3A_403] : memref<256x64xf32, #tpu.memory_space<vmem>> -> memref<256x64xf32, #tpu.memory_space<vmem>>
        %dma_start3A_405 = arith.constant 0 : i32
        %dma_start3A_406 = tpu.memref_slice %arg6[%add3A_324, %dma_start3A_405] : memref<10112x64xf32, #tpu.memory_space<vmem_shared>> -> memref<256x64xf32, #tpu.memory_space<vmem_shared>>
        %dma_start3A_407 = arith.constant 0 : i32
        %dma_start3A_408 = arith.constant 0 : i32
        %dma_start3A_409 = tpu.memref_slice %run_scoped3A_2[%dma_start3A_407, %dma_start3A_408] : memref<256x64xf32, #tpu.memory_space<vmem>> -> memref<256x64xf32, #tpu.memory_space<vmem>>
        %dma_start3A_410 = arith.constant 0 : i32
        %dma_start3A_411 = tpu.memref_slice %arg6[%add3A_324, %dma_start3A_410] : memref<10112x64xf32, #tpu.memory_space<vmem_shared>> -> memref<256x64xf32, #tpu.memory_space<vmem_shared>>
        tpu.enqueue_dma source(%dma_start3A_411 : memref<256x64xf32, #tpu.memory_space<vmem_shared>>) target(%dma_start3A_409 : memref<256x64xf32, #tpu.memory_space<vmem>>) target_semaphore(%run_scoped3A_401 : memref<!tpu.dma_semaphore, #tpu.memory_space<semaphore_mem>>)
        %dma_wait3A_412 = arith.constant 0 : i32
        %dma_wait3A_413 = arith.constant 0 : i32
        %dma_wait3A_414 = tpu.memref_slice %run_scoped3A_2[%dma_wait3A_412, %dma_wait3A_413] : memref<256x64xf32, #tpu.memory_space<vmem>> -> memref<256x64xf32, #tpu.memory_space<vmem>>
        %dma_wait3A_415 = arith.constant 0 : i32
        %dma_wait3A_416 = tpu.memref_slice %arg6[%add3A_324, %dma_wait3A_415] : memref<10112x64xf32, #tpu.memory_space<vmem_shared>> -> memref<256x64xf32, #tpu.memory_space<vmem_shared>>
        %dma_wait3A_417 = arith.constant 0 : i32
        %dma_wait3A_418 = arith.constant 0 : i32
        %dma_wait3A_419 = tpu.memref_slice %run_scoped3A_2[%dma_wait3A_417, %dma_wait3A_418] : memref<256x64xf32, #tpu.memory_space<vmem>> -> memref<256x64xf32, #tpu.memory_space<vmem>>
        %dma_wait3A_420 = arith.constant 0 : i32
        %dma_wait3A_421 = tpu.memref_slice %arg6[%add3A_324, %dma_wait3A_420] : memref<10112x64xf32, #tpu.memory_space<vmem_shared>> -> memref<256x64xf32, #tpu.memory_space<vmem_shared>>
        tpu.wait_dma2 semaphore(%run_scoped3A_401 : memref<!tpu.dma_semaphore, #tpu.memory_space<semaphore_mem>>) src(%dma_wait3A_421 : memref<256x64xf32, #tpu.memory_space<vmem_shared>>) dst(%dma_wait3A_419 : memref<256x64xf32, #tpu.memory_space<vmem>>)
        tpu.yield
      }) : () -> ()
      %dma_start3A_325 = arith.constant 0 : i32
      %dma_start3A_326 = arith.constant 0 : i32
      %dma_start3A_327 = tpu.memref_slice %run_scoped3A_2[%dma_start3A_325, %dma_start3A_326] : memref<256x64xf32, #tpu.memory_space<vmem>> -> memref<256x64xf32, #tpu.memory_space<vmem>>
      %dma_start3A_328 = arith.constant 0 : i32
      %dma_start3A_329 = arith.constant 0 : i32
      %dma_start3A_330 = tpu.memref_slice %arg5[%arg0, %dma_start3A_328, %dma_start3A_329] : memref<2x10112x64xf32, #tpu.memory_space<hbm>> -> memref<1x10112x64xf32, #tpu.memory_space<hbm>>
      %dma_start3A_331 = tpu.memref_squeeze %dma_start3A_330 : memref<1x10112x64xf32, #tpu.memory_space<hbm>> -> memref<10112x64xf32, #tpu.memory_space<hbm>>
      %dma_start3A_332 = arith.constant 0 : i32
      %dma_start3A_333 = tpu.memref_slice %dma_start3A_331[%add3A_324, %dma_start3A_332] : memref<10112x64xf32, #tpu.memory_space<hbm>> -> memref<256x64xf32, #tpu.memory_space<hbm>>
      %dma_start3A_334 = arith.constant 0 : i32
      %dma_start3A_335 = arith.constant 0 : i32
      %dma_start3A_336 = tpu.memref_slice %arg5[%arg0, %dma_start3A_334, %dma_start3A_335] : memref<2x10112x64xf32, #tpu.memory_space<hbm>> -> memref<1x10112x64xf32, #tpu.memory_space<hbm>>
      %dma_start3A_337 = tpu.memref_squeeze %dma_start3A_336 : memref<1x10112x64xf32, #tpu.memory_space<hbm>> -> memref<10112x64xf32, #tpu.memory_space<hbm>>
      %dma_start3A_338 = arith.constant 0 : i32
      %dma_start3A_339 = tpu.memref_slice %dma_start3A_337[%add3A_324, %dma_start3A_338] : memref<10112x64xf32, #tpu.memory_space<hbm>> -> memref<256x64xf32, #tpu.memory_space<hbm>>
      %dma_start3A_340 = arith.constant 0 : i32
      %dma_start3A_341 = arith.constant 0 : i32
      %dma_start3A_342 = tpu.memref_slice %run_scoped3A_2[%dma_start3A_340, %dma_start3A_341] : memref<256x64xf32, #tpu.memory_space<vmem>> -> memref<256x64xf32, #tpu.memory_space<vmem>>
      tpu.enqueue_dma source(%dma_start3A_342 : memref<256x64xf32, #tpu.memory_space<vmem>>) target(%dma_start3A_339 : memref<256x64xf32, #tpu.memory_space<hbm>>) target_semaphore(%arg9 : memref<!tpu.dma_semaphore, #tpu.memory_space<semaphore_mem>>)
      %dma_wait3A_343 = arith.constant 0 : i32
      %dma_wait3A_344 = arith.constant 0 : i32
      %dma_wait3A_345 = tpu.memref_slice %run_scoped3A_2[%dma_wait3A_343, %dma_wait3A_344] : memref<256x64xf32, #tpu.memory_space<vmem>> -> memref<256x64xf32, #tpu.memory_space<vmem>>
      %dma_wait3A_346 = arith.constant 0 : i32
      %dma_wait3A_347 = arith.constant 0 : i32
      %dma_wait3A_348 = tpu.memref_slice %arg5[%arg0, %dma_wait3A_346, %dma_wait3A_347] : memref<2x10112x64xf32, #tpu.memory_space<hbm>> -> memref<1x10112x64xf32, #tpu.memory_space<hbm>>
      %dma_wait3A_349 = tpu.memref_squeeze %dma_wait3A_348 : memref<1x10112x64xf32, #tpu.memory_space<hbm>> -> memref<10112x64xf32, #tpu.memory_space<hbm>>
      %dma_wait3A_350 = arith.constant 0 : i32
      %dma_wait3A_351 = tpu.memref_slice %dma_wait3A_349[%add3A_324, %dma_wait3A_350] : memref<10112x64xf32, #tpu.memory_space<hbm>> -> memref<256x64xf32, #tpu.memory_space<hbm>>
      %dma_wait3A_352 = arith.constant 0 : i32
      %dma_wait3A_353 = arith.constant 0 : i32
      %dma_wait3A_354 = tpu.memref_slice %arg5[%arg0, %dma_wait3A_352, %dma_wait3A_353] : memref<2x10112x64xf32, #tpu.memory_space<hbm>> -> memref<1x10112x64xf32, #tpu.memory_space<hbm>>
      %dma_wait3A_355 = tpu.memref_squeeze %dma_wait3A_354 : memref<1x10112x64xf32, #tpu.memory_space<hbm>> -> memref<10112x64xf32, #tpu.memory_space<hbm>>
      %dma_wait3A_356 = arith.constant 0 : i32
      %dma_wait3A_357 = tpu.memref_slice %dma_wait3A_355[%add3A_324, %dma_wait3A_356] : memref<10112x64xf32, #tpu.memory_space<hbm>> -> memref<256x64xf32, #tpu.memory_space<hbm>>
      %dma_wait3A_358 = arith.constant 0 : i32
      %dma_wait3A_359 = arith.constant 0 : i32
      %dma_wait3A_360 = tpu.memref_slice %run_scoped3A_2[%dma_wait3A_358, %dma_wait3A_359] : memref<256x64xf32, #tpu.memory_space<vmem>> -> memref<256x64xf32, #tpu.memory_space<vmem>>
      tpu.wait_dma2 semaphore(%arg9 : memref<!tpu.dma_semaphore, #tpu.memory_space<semaphore_mem>>) src(%dma_wait3A_360 : memref<256x64xf32, #tpu.memory_space<vmem>>) dst(%dma_wait3A_357 : memref<256x64xf32, #tpu.memory_space<hbm>>)
      %mul3A_361 = arith.constant 632 : i32
      %mul3A_362 = arith.muli %arg1, %mul3A_361 : i32
      %add3A_363 = arith.constant 512 : i32
      %add3A_364 = arith.addi %mul3A_362, %add3A_363 : i32
      "tpu.region"() ({
        %run_scoped3A_401 = tpu.sem_alloc : memref<!tpu.dma_semaphore, #tpu.memory_space<semaphore_mem>>
        %dma_start3A_402 = arith.constant 0 : i32
        %dma_start3A_403 = arith.constant 0 : i32
        %dma_start3A_404 = tpu.memref_slice %run_scoped3A_2[%dma_start3A_402, %dma_start3A_403] : memref<256x64xf32, #tpu.memory_space<vmem>> -> memref<120x64xf32, #tpu.memory_space<vmem>>
        %dma_start3A_405 = arith.constant 0 : i32
        %dma_start3A_406 = tpu.memref_slice %arg6[%add3A_364, %dma_start3A_405] : memref<10112x64xf32, #tpu.memory_space<vmem_shared>> -> memref<120x64xf32, #tpu.memory_space<vmem_shared>>
        %dma_start3A_407 = arith.constant 0 : i32
        %dma_start3A_408 = arith.constant 0 : i32
        %dma_start3A_409 = tpu.memref_slice %run_scoped3A_2[%dma_start3A_407, %dma_start3A_408] : memref<256x64xf32, #tpu.memory_space<vmem>> -> memref<120x64xf32, #tpu.memory_space<vmem>>
        %dma_start3A_410 = arith.constant 0 : i32
        %dma_start3A_411 = tpu.memref_slice %arg6[%add3A_364, %dma_start3A_410] : memref<10112x64xf32, #tpu.memory_space<vmem_shared>> -> memref<120x64xf32, #tpu.memory_space<vmem_shared>>
        tpu.enqueue_dma source(%dma_start3A_411 : memref<120x64xf32, #tpu.memory_space<vmem_shared>>) target(%dma_start3A_409 : memref<120x64xf32, #tpu.memory_space<vmem>>) target_semaphore(%run_scoped3A_401 : memref<!tpu.dma_semaphore, #tpu.memory_space<semaphore_mem>>)
        %dma_wait3A_412 = arith.constant 0 : i32
        %dma_wait3A_413 = arith.constant 0 : i32
        %dma_wait3A_414 = tpu.memref_slice %run_scoped3A_2[%dma_wait3A_412, %dma_wait3A_413] : memref<256x64xf32, #tpu.memory_space<vmem>> -> memref<120x64xf32, #tpu.memory_space<vmem>>
        %dma_wait3A_415 = arith.constant 0 : i32
        %dma_wait3A_416 = tpu.memref_slice %arg6[%add3A_364, %dma_wait3A_415] : memref<10112x64xf32, #tpu.memory_space<vmem_shared>> -> memref<120x64xf32, #tpu.memory_space<vmem_shared>>
        %dma_wait3A_417 = arith.constant 0 : i32
        %dma_wait3A_418 = arith.constant 0 : i32
        %dma_wait3A_419 = tpu.memref_slice %run_scoped3A_2[%dma_wait3A_417, %dma_wait3A_418] : memref<256x64xf32, #tpu.memory_space<vmem>> -> memref<120x64xf32, #tpu.memory_space<vmem>>
        %dma_wait3A_420 = arith.constant 0 : i32
        %dma_wait3A_421 = tpu.memref_slice %arg6[%add3A_364, %dma_wait3A_420] : memref<10112x64xf32, #tpu.memory_space<vmem_shared>> -> memref<120x64xf32, #tpu.memory_space<vmem_shared>>
        tpu.wait_dma2 semaphore(%run_scoped3A_401 : memref<!tpu.dma_semaphore, #tpu.memory_space<semaphore_mem>>) src(%dma_wait3A_421 : memref<120x64xf32, #tpu.memory_space<vmem_shared>>) dst(%dma_wait3A_419 : memref<120x64xf32, #tpu.memory_space<vmem>>)
        tpu.yield
      }) : () -> ()
      %dma_start3A_365 = arith.constant 0 : i32
      %dma_start3A_366 = arith.constant 0 : i32
      %dma_start3A_367 = tpu.memref_slice %run_scoped3A_2[%dma_start3A_365, %dma_start3A_366] : memref<256x64xf32, #tpu.memory_space<vmem>> -> memref<120x64xf32, #tpu.memory_space<vmem>>
      %dma_start3A_368 = arith.constant 0 : i32
      %dma_start3A_369 = arith.constant 0 : i32
      %dma_start3A_370 = tpu.memref_slice %arg5[%arg0, %dma_start3A_368, %dma_start3A_369] : memref<2x10112x64xf32, #tpu.memory_space<hbm>> -> memref<1x10112x64xf32, #tpu.memory_space<hbm>>
      %dma_start3A_371 = tpu.memref_squeeze %dma_start3A_370 : memref<1x10112x64xf32, #tpu.memory_space<hbm>> -> memref<10112x64xf32, #tpu.memory_space<hbm>>
      %dma_start3A_372 = arith.constant 0 : i32
      %dma_start3A_373 = tpu.memref_slice %dma_start3A_371[%add3A_364, %dma_start3A_372] : memref<10112x64xf32, #tpu.memory_space<hbm>> -> memref<120x64xf32, #tpu.memory_space<hbm>>
      %dma_start3A_374 = arith.constant 0 : i32
      %dma_start3A_375 = arith.constant 0 : i32
      %dma_start3A_376 = tpu.memref_slice %arg5[%arg0, %dma_start3A_374, %dma_start3A_375] : memref<2x10112x64xf32, #tpu.memory_space<hbm>> -> memref<1x10112x64xf32, #tpu.memory_space<hbm>>
      %dma_start3A_377 = tpu.memref_squeeze %dma_start3A_376 : memref<1x10112x64xf32, #tpu.memory_space<hbm>> -> memref<10112x64xf32, #tpu.memory_space<hbm>>
      %dma_start3A_378 = arith.constant 0 : i32
      %dma_start3A_379 = tpu.memref_slice %dma_start3A_377[%add3A_364, %dma_start3A_378] : memref<10112x64xf32, #tpu.memory_space<hbm>> -> memref<120x64xf32, #tpu.memory_space<hbm>>
      %dma_start3A_380 = arith.constant 0 : i32
      %dma_start3A_381 = arith.constant 0 : i32
      %dma_start3A_382 = tpu.memref_slice %run_scoped3A_2[%dma_start3A_380, %dma_start3A_381] : memref<256x64xf32, #tpu.memory_space<vmem>> -> memref<120x64xf32, #tpu.memory_space<vmem>>
      tpu.enqueue_dma source(%dma_start3A_382 : memref<120x64xf32, #tpu.memory_space<vmem>>) target(%dma_start3A_379 : memref<120x64xf32, #tpu.memory_space<hbm>>) target_semaphore(%arg9 : memref<!tpu.dma_semaphore, #tpu.memory_space<semaphore_mem>>)
      %dma_wait3A_383 = arith.constant 0 : i32
      %dma_wait3A_384 = arith.constant 0 : i32
      %dma_wait3A_385 = tpu.memref_slice %run_scoped3A_2[%dma_wait3A_383, %dma_wait3A_384] : memref<256x64xf32, #tpu.memory_space<vmem>> -> memref<120x64xf32, #tpu.memory_space<vmem>>
      %dma_wait3A_386 = arith.constant 0 : i32
      %dma_wait3A_387 = arith.constant 0 : i32
      %dma_wait3A_388 = tpu.memref_slice %arg5[%arg0, %dma_wait3A_386, %dma_wait3A_387] : memref<2x10112x64xf32, #tpu.memory_space<hbm>> -> memref<1x10112x64xf32, #tpu.memory_space<hbm>>
      %dma_wait3A_389 = tpu.memref_squeeze %dma_wait3A_388 : memref<1x10112x64xf32, #tpu.memory_space<hbm>> -> memref<10112x64xf32, #tpu.memory_space<hbm>>
      %dma_wait3A_390 = arith.constant 0 : i32
      %dma_wait3A_391 = tpu.memref_slice %dma_wait3A_389[%add3A_364, %dma_wait3A_390] : memref<10112x64xf32, #tpu.memory_space<hbm>> -> memref<120x64xf32, #tpu.memory_space<hbm>>
      %dma_wait3A_392 = arith.constant 0 : i32
      %dma_wait3A_393 = arith.constant 0 : i32
      %dma_wait3A_394 = tpu.memref_slice %arg5[%arg0, %dma_wait3A_392, %dma_wait3A_393] : memref<2x10112x64xf32, #tpu.memory_space<hbm>> -> memref<1x10112x64xf32, #tpu.memory_space<hbm>>
      %dma_wait3A_395 = tpu.memref_squeeze %dma_wait3A_394 : memref<1x10112x64xf32, #tpu.memory_space<hbm>> -> memref<10112x64xf32, #tpu.memory_space<hbm>>
      %dma_wait3A_396 = arith.constant 0 : i32
      %dma_wait3A_397 = tpu.memref_slice %dma_wait3A_395[%add3A_364, %dma_wait3A_396] : memref<10112x64xf32, #tpu.memory_space<hbm>> -> memref<120x64xf32, #tpu.memory_space<hbm>>
      %dma_wait3A_398 = arith.constant 0 : i32
      %dma_wait3A_399 = arith.constant 0 : i32
      %dma_wait3A_400 = tpu.memref_slice %run_scoped3A_2[%dma_wait3A_398, %dma_wait3A_399] : memref<256x64xf32, #tpu.memory_space<vmem>> -> memref<120x64xf32, #tpu.memory_space<vmem>>
      tpu.wait_dma2 semaphore(%arg9 : memref<!tpu.dma_semaphore, #tpu.memory_space<semaphore_mem>>) src(%dma_wait3A_400 : memref<120x64xf32, #tpu.memory_space<vmem>>) dst(%dma_wait3A_397 : memref<120x64xf32, #tpu.memory_space<hbm>>)
      tpu.yield
    }) : () -> ()
    return
  }
}

#map = affine_map<(d0, d1) -> (0, 0, 0)>
module attributes {stable_mosaic.version = 14 : i64} {
  func.func @_sc_agg_body(%arg0: i32, %arg1: i32, %arg2: memref<2x10112x64xf32, #tpu.memory_space<hbm>>, %arg3: memref<16x160x128xi32, #tpu.memory_space<hbm>>, %arg4: memref<16x160x128xi32, #tpu.memory_space<hbm>>, %arg5: memref<2x10112x64xf32, #tpu.memory_space<hbm>>, %arg6: memref<10112x64xf32, #tpu.memory_space<vmem_shared>>, %arg7: memref<10112x64xf32, #tpu.memory_space<vmem_shared>>, %arg8: memref<!tpu.dma_semaphore, #tpu.memory_space<semaphore_mem>>, %arg9: memref<!tpu.dma_semaphore, #tpu.memory_space<semaphore_mem>>, %arg10: memref<!tpu.dma_semaphore, #tpu.memory_space<semaphore_mem>>, %arg11: memref<!tpu.dma_semaphore, #tpu.memory_space<semaphore_mem>>, %arg12: memref<!tpu.dma_semaphore, #tpu.memory_space<semaphore_mem>>, %arg13: memref<!tpu.dma_semaphore, #tpu.memory_space<semaphore_mem>>) attributes {dimension_semantics = [#tpu.dimension_semantics<core_parallel>, #tpu.dimension_semantics<subcore_parallel>], iteration_bounds = array<i64: 2, 16>, scalar_prefetch = 0 : i64, scratch_operands = 8 : i64, tpu.core_type = #tpu.core_type<sc_vector_subcore>, window_params = [{transform_indices = #map}, {transform_indices = #map}, {transform_indices = #map}, {transform_indices = #map}]} {
    "tpu.region"() ({
      %run_scoped3A = memref.alloca() : memref<2x2x128x64xf32, #tpu.memory_space<vmem>>
      %run_scoped3A_0 = memref.alloca() : memref<2x2x128xi32, #tpu.memory_space<vmem>>
      %run_scoped3A_1 = memref.alloca() : memref<2x2x128xi32, #tpu.memory_space<vmem>>
      %run_scoped3A_2 = memref.alloca() : memref<256x64xf32, #tpu.memory_space<vmem>>
      %mul3A = arith.constant 632 : i32
      %mul3A_3 = arith.muli %arg1, %mul3A : i32
      %add3A = arith.constant 0 : i32
      %add3A_4 = arith.addi %mul3A_3, %add3A : i32
      "tpu.region"() ({
        %run_scoped3A_401 = tpu.sem_alloc : memref<!tpu.dma_semaphore, #tpu.memory_space<semaphore_mem>>
        %dma_start3A_402 = arith.constant 0 : i32
        %dma_start3A_403 = arith.constant 0 : i32
        %dma_start3A_404 = tpu.memref_slice %run_scoped3A_2[%dma_start3A_402, %dma_start3A_403] : memref<256x64xf32, #tpu.memory_space<vmem>> -> memref<256x64xf32, #tpu.memory_space<vmem>>
        %dma_start3A_405 = arith.constant 0 : i32
        %dma_start3A_406 = arith.constant 0 : i32
        %dma_start3A_407 = tpu.memref_slice %arg2[%arg0, %dma_start3A_405, %dma_start3A_406] : memref<2x10112x64xf32, #tpu.memory_space<hbm>> -> memref<1x10112x64xf32, #tpu.memory_space<hbm>>
        %dma_start3A_408 = tpu.memref_squeeze %dma_start3A_407 : memref<1x10112x64xf32, #tpu.memory_space<hbm>> -> memref<10112x64xf32, #tpu.memory_space<hbm>>
        %dma_start3A_409 = arith.constant 0 : i32
        %dma_start3A_410 = tpu.memref_slice %dma_start3A_408[%add3A_4, %dma_start3A_409] : memref<10112x64xf32, #tpu.memory_space<hbm>> -> memref<256x64xf32, #tpu.memory_space<hbm>>
        %dma_start3A_411 = arith.constant 0 : i32
        %dma_start3A_412 = arith.constant 0 : i32
        %dma_start3A_413 = tpu.memref_slice %run_scoped3A_2[%dma_start3A_411, %dma_start3A_412] : memref<256x64xf32, #tpu.memory_space<vmem>> -> memref<256x64xf32, #tpu.memory_space<vmem>>
        %dma_start3A_414 = arith.constant 0 : i32
        %dma_start3A_415 = arith.constant 0 : i32
        %dma_start3A_416 = tpu.memref_slice %arg2[%arg0, %dma_start3A_414, %dma_start3A_415] : memref<2x10112x64xf32, #tpu.memory_space<hbm>> -> memref<1x10112x64xf32, #tpu.memory_space<hbm>>
        %dma_start3A_417 = tpu.memref_squeeze %dma_start3A_416 : memref<1x10112x64xf32, #tpu.memory_space<hbm>> -> memref<10112x64xf32, #tpu.memory_space<hbm>>
        %dma_start3A_418 = arith.constant 0 : i32
        %dma_start3A_419 = tpu.memref_slice %dma_start3A_417[%add3A_4, %dma_start3A_418] : memref<10112x64xf32, #tpu.memory_space<hbm>> -> memref<256x64xf32, #tpu.memory_space<hbm>>
        tpu.enqueue_dma source(%dma_start3A_419 : memref<256x64xf32, #tpu.memory_space<hbm>>) target(%dma_start3A_413 : memref<256x64xf32, #tpu.memory_space<vmem>>) target_semaphore(%run_scoped3A_401 : memref<!tpu.dma_semaphore, #tpu.memory_space<semaphore_mem>>)
        %dma_wait3A_420 = arith.constant 0 : i32
        %dma_wait3A_421 = arith.constant 0 : i32
        %dma_wait3A_422 = tpu.memref_slice %run_scoped3A_2[%dma_wait3A_420, %dma_wait3A_421] : memref<256x64xf32, #tpu.memory_space<vmem>> -> memref<256x64xf32, #tpu.memory_space<vmem>>
        %dma_wait3A_423 = arith.constant 0 : i32
        %dma_wait3A_424 = arith.constant 0 : i32
        %dma_wait3A_425 = tpu.memref_slice %arg2[%arg0, %dma_wait3A_423, %dma_wait3A_424] : memref<2x10112x64xf32, #tpu.memory_space<hbm>> -> memref<1x10112x64xf32, #tpu.memory_space<hbm>>
        %dma_wait3A_426 = tpu.memref_squeeze %dma_wait3A_425 : memref<1x10112x64xf32, #tpu.memory_space<hbm>> -> memref<10112x64xf32, #tpu.memory_space<hbm>>
        %dma_wait3A_427 = arith.constant 0 : i32
        %dma_wait3A_428 = tpu.memref_slice %dma_wait3A_426[%add3A_4, %dma_wait3A_427] : memref<10112x64xf32, #tpu.memory_space<hbm>> -> memref<256x64xf32, #tpu.memory_space<hbm>>
        %dma_wait3A_429 = arith.constant 0 : i32
        %dma_wait3A_430 = arith.constant 0 : i32
        %dma_wait3A_431 = tpu.memref_slice %run_scoped3A_2[%dma_wait3A_429, %dma_wait3A_430] : memref<256x64xf32, #tpu.memory_space<vmem>> -> memref<256x64xf32, #tpu.memory_space<vmem>>
        %dma_wait3A_432 = arith.constant 0 : i32
        %dma_wait3A_433 = arith.constant 0 : i32
        %dma_wait3A_434 = tpu.memref_slice %arg2[%arg0, %dma_wait3A_432, %dma_wait3A_433] : memref<2x10112x64xf32, #tpu.memory_space<hbm>> -> memref<1x10112x64xf32, #tpu.memory_space<hbm>>
        %dma_wait3A_435 = tpu.memref_squeeze %dma_wait3A_434 : memref<1x10112x64xf32, #tpu.memory_space<hbm>> -> memref<10112x64xf32, #tpu.memory_space<hbm>>
        %dma_wait3A_436 = arith.constant 0 : i32
        %dma_wait3A_437 = tpu.memref_slice %dma_wait3A_435[%add3A_4, %dma_wait3A_436] : memref<10112x64xf32, #tpu.memory_space<hbm>> -> memref<256x64xf32, #tpu.memory_space<hbm>>
        tpu.wait_dma2 semaphore(%run_scoped3A_401 : memref<!tpu.dma_semaphore, #tpu.memory_space<semaphore_mem>>) src(%dma_wait3A_437 : memref<256x64xf32, #tpu.memory_space<hbm>>) dst(%dma_wait3A_431 : memref<256x64xf32, #tpu.memory_space<vmem>>)
        tpu.yield
      }) : () -> ()
      %dma_start3A = arith.constant 0 : i32
      %dma_start3A_5 = arith.constant 0 : i32
      %dma_start3A_6 = tpu.memref_slice %run_scoped3A_2[%dma_start3A, %dma_start3A_5] : memref<256x64xf32, #tpu.memory_space<vmem>> -> memref<256x64xf32, #tpu.memory_space<vmem>>
      %dma_start3A_7 = arith.constant 0 : i32
      %dma_start3A_8 = tpu.memref_slice %arg7[%add3A_4, %dma_start3A_7] : memref<10112x64xf32, #tpu.memory_space<vmem_shared>> -> memref<256x64xf32, #tpu.memory_space<vmem_shared>>
      %dma_start3A_9 = arith.constant 0 : i32
      %dma_start3A_10 = tpu.memref_slice %arg7[%add3A_4, %dma_start3A_9] : memref<10112x64xf32, #tpu.memory_space<vmem_shared>> -> memref<256x64xf32, #tpu.memory_space<vmem_shared>>
      %dma_start3A_11 = arith.constant 0 : i32
      %dma_start3A_12 = arith.constant 0 : i32
      %dma_start3A_13 = tpu.memref_slice %run_scoped3A_2[%dma_start3A_11, %dma_start3A_12] : memref<256x64xf32, #tpu.memory_space<vmem>> -> memref<256x64xf32, #tpu.memory_space<vmem>>
      tpu.enqueue_dma source(%dma_start3A_13 : memref<256x64xf32, #tpu.memory_space<vmem>>) target(%dma_start3A_10 : memref<256x64xf32, #tpu.memory_space<vmem_shared>>) target_semaphore(%arg8 : memref<!tpu.dma_semaphore, #tpu.memory_space<semaphore_mem>>)
      %dma_start3A_14 = arith.constant 0 : i32
      %dma_start3A_15 = arith.constant 0 : i32
      %dma_start3A_16 = tpu.memref_slice %run_scoped3A_2[%dma_start3A_14, %dma_start3A_15] : memref<256x64xf32, #tpu.memory_space<vmem>> -> memref<256x64xf32, #tpu.memory_space<vmem>>
      %dma_start3A_17 = arith.constant 0 : i32
      %dma_start3A_18 = tpu.memref_slice %arg6[%add3A_4, %dma_start3A_17] : memref<10112x64xf32, #tpu.memory_space<vmem_shared>> -> memref<256x64xf32, #tpu.memory_space<vmem_shared>>
      %dma_start3A_19 = arith.constant 0 : i32
      %dma_start3A_20 = tpu.memref_slice %arg6[%add3A_4, %dma_start3A_19] : memref<10112x64xf32, #tpu.memory_space<vmem_shared>> -> memref<256x64xf32, #tpu.memory_space<vmem_shared>>
      %dma_start3A_21 = arith.constant 0 : i32
      %dma_start3A_22 = arith.constant 0 : i32
      %dma_start3A_23 = tpu.memref_slice %run_scoped3A_2[%dma_start3A_21, %dma_start3A_22] : memref<256x64xf32, #tpu.memory_space<vmem>> -> memref<256x64xf32, #tpu.memory_space<vmem>>
      tpu.enqueue_dma source(%dma_start3A_23 : memref<256x64xf32, #tpu.memory_space<vmem>>) target(%dma_start3A_20 : memref<256x64xf32, #tpu.memory_space<vmem_shared>>) target_semaphore(%arg10 : memref<!tpu.dma_semaphore, #tpu.memory_space<semaphore_mem>>)
      %dma_wait3A = arith.constant 0 : i32
      %dma_wait3A_24 = arith.constant 0 : i32
      %dma_wait3A_25 = tpu.memref_slice %run_scoped3A_2[%dma_wait3A, %dma_wait3A_24] : memref<256x64xf32, #tpu.memory_space<vmem>> -> memref<256x64xf32, #tpu.memory_space<vmem>>
      %dma_wait3A_26 = arith.constant 0 : i32
      %dma_wait3A_27 = tpu.memref_slice %arg7[%add3A_4, %dma_wait3A_26] : memref<10112x64xf32, #tpu.memory_space<vmem_shared>> -> memref<256x64xf32, #tpu.memory_space<vmem_shared>>
      %dma_wait3A_28 = arith.constant 0 : i32
      %dma_wait3A_29 = tpu.memref_slice %arg7[%add3A_4, %dma_wait3A_28] : memref<10112x64xf32, #tpu.memory_space<vmem_shared>> -> memref<256x64xf32, #tpu.memory_space<vmem_shared>>
      %dma_wait3A_30 = arith.constant 0 : i32
      %dma_wait3A_31 = arith.constant 0 : i32
      %dma_wait3A_32 = tpu.memref_slice %run_scoped3A_2[%dma_wait3A_30, %dma_wait3A_31] : memref<256x64xf32, #tpu.memory_space<vmem>> -> memref<256x64xf32, #tpu.memory_space<vmem>>
      tpu.wait_dma2 semaphore(%arg8 : memref<!tpu.dma_semaphore, #tpu.memory_space<semaphore_mem>>) src(%dma_wait3A_32 : memref<256x64xf32, #tpu.memory_space<vmem>>) dst(%dma_wait3A_29 : memref<256x64xf32, #tpu.memory_space<vmem_shared>>)
      %dma_wait3A_33 = arith.constant 0 : i32
      %dma_wait3A_34 = arith.constant 0 : i32
      %dma_wait3A_35 = tpu.memref_slice %run_scoped3A_2[%dma_wait3A_33, %dma_wait3A_34] : memref<256x64xf32, #tpu.memory_space<vmem>> -> memref<256x64xf32, #tpu.memory_space<vmem>>
      %dma_wait3A_36 = arith.constant 0 : i32
      %dma_wait3A_37 = tpu.memref_slice %arg6[%add3A_4, %dma_wait3A_36] : memref<10112x64xf32, #tpu.memory_space<vmem_shared>> -> memref<256x64xf32, #tpu.memory_space<vmem_shared>>
      %dma_wait3A_38 = arith.constant 0 : i32
      %dma_wait3A_39 = tpu.memref_slice %arg6[%add3A_4, %dma_wait3A_38] : memref<10112x64xf32, #tpu.memory_space<vmem_shared>> -> memref<256x64xf32, #tpu.memory_space<vmem_shared>>
      %dma_wait3A_40 = arith.constant 0 : i32
      %dma_wait3A_41 = arith.constant 0 : i32
      %dma_wait3A_42 = tpu.memref_slice %run_scoped3A_2[%dma_wait3A_40, %dma_wait3A_41] : memref<256x64xf32, #tpu.memory_space<vmem>> -> memref<256x64xf32, #tpu.memory_space<vmem>>
      tpu.wait_dma2 semaphore(%arg10 : memref<!tpu.dma_semaphore, #tpu.memory_space<semaphore_mem>>) src(%dma_wait3A_42 : memref<256x64xf32, #tpu.memory_space<vmem>>) dst(%dma_wait3A_39 : memref<256x64xf32, #tpu.memory_space<vmem_shared>>)
      %mul3A_43 = arith.constant 632 : i32
      %mul3A_44 = arith.muli %arg1, %mul3A_43 : i32
      %add3A_45 = arith.constant 256 : i32
      %add3A_46 = arith.addi %mul3A_44, %add3A_45 : i32
      "tpu.region"() ({
        %run_scoped3A_401 = tpu.sem_alloc : memref<!tpu.dma_semaphore, #tpu.memory_space<semaphore_mem>>
        %dma_start3A_402 = arith.constant 0 : i32
        %dma_start3A_403 = arith.constant 0 : i32
        %dma_start3A_404 = tpu.memref_slice %run_scoped3A_2[%dma_start3A_402, %dma_start3A_403] : memref<256x64xf32, #tpu.memory_space<vmem>> -> memref<256x64xf32, #tpu.memory_space<vmem>>
        %dma_start3A_405 = arith.constant 0 : i32
        %dma_start3A_406 = arith.constant 0 : i32
        %dma_start3A_407 = tpu.memref_slice %arg2[%arg0, %dma_start3A_405, %dma_start3A_406] : memref<2x10112x64xf32, #tpu.memory_space<hbm>> -> memref<1x10112x64xf32, #tpu.memory_space<hbm>>
        %dma_start3A_408 = tpu.memref_squeeze %dma_start3A_407 : memref<1x10112x64xf32, #tpu.memory_space<hbm>> -> memref<10112x64xf32, #tpu.memory_space<hbm>>
        %dma_start3A_409 = arith.constant 0 : i32
        %dma_start3A_410 = tpu.memref_slice %dma_start3A_408[%add3A_46, %dma_start3A_409] : memref<10112x64xf32, #tpu.memory_space<hbm>> -> memref<256x64xf32, #tpu.memory_space<hbm>>
        %dma_start3A_411 = arith.constant 0 : i32
        %dma_start3A_412 = arith.constant 0 : i32
        %dma_start3A_413 = tpu.memref_slice %run_scoped3A_2[%dma_start3A_411, %dma_start3A_412] : memref<256x64xf32, #tpu.memory_space<vmem>> -> memref<256x64xf32, #tpu.memory_space<vmem>>
        %dma_start3A_414 = arith.constant 0 : i32
        %dma_start3A_415 = arith.constant 0 : i32
        %dma_start3A_416 = tpu.memref_slice %arg2[%arg0, %dma_start3A_414, %dma_start3A_415] : memref<2x10112x64xf32, #tpu.memory_space<hbm>> -> memref<1x10112x64xf32, #tpu.memory_space<hbm>>
        %dma_start3A_417 = tpu.memref_squeeze %dma_start3A_416 : memref<1x10112x64xf32, #tpu.memory_space<hbm>> -> memref<10112x64xf32, #tpu.memory_space<hbm>>
        %dma_start3A_418 = arith.constant 0 : i32
        %dma_start3A_419 = tpu.memref_slice %dma_start3A_417[%add3A_46, %dma_start3A_418] : memref<10112x64xf32, #tpu.memory_space<hbm>> -> memref<256x64xf32, #tpu.memory_space<hbm>>
        tpu.enqueue_dma source(%dma_start3A_419 : memref<256x64xf32, #tpu.memory_space<hbm>>) target(%dma_start3A_413 : memref<256x64xf32, #tpu.memory_space<vmem>>) target_semaphore(%run_scoped3A_401 : memref<!tpu.dma_semaphore, #tpu.memory_space<semaphore_mem>>)
        %dma_wait3A_420 = arith.constant 0 : i32
        %dma_wait3A_421 = arith.constant 0 : i32
        %dma_wait3A_422 = tpu.memref_slice %run_scoped3A_2[%dma_wait3A_420, %dma_wait3A_421] : memref<256x64xf32, #tpu.memory_space<vmem>> -> memref<256x64xf32, #tpu.memory_space<vmem>>
        %dma_wait3A_423 = arith.constant 0 : i32
        %dma_wait3A_424 = arith.constant 0 : i32
        %dma_wait3A_425 = tpu.memref_slice %arg2[%arg0, %dma_wait3A_423, %dma_wait3A_424] : memref<2x10112x64xf32, #tpu.memory_space<hbm>> -> memref<1x10112x64xf32, #tpu.memory_space<hbm>>
        %dma_wait3A_426 = tpu.memref_squeeze %dma_wait3A_425 : memref<1x10112x64xf32, #tpu.memory_space<hbm>> -> memref<10112x64xf32, #tpu.memory_space<hbm>>
        %dma_wait3A_427 = arith.constant 0 : i32
        %dma_wait3A_428 = tpu.memref_slice %dma_wait3A_426[%add3A_46, %dma_wait3A_427] : memref<10112x64xf32, #tpu.memory_space<hbm>> -> memref<256x64xf32, #tpu.memory_space<hbm>>
        %dma_wait3A_429 = arith.constant 0 : i32
        %dma_wait3A_430 = arith.constant 0 : i32
        %dma_wait3A_431 = tpu.memref_slice %run_scoped3A_2[%dma_wait3A_429, %dma_wait3A_430] : memref<256x64xf32, #tpu.memory_space<vmem>> -> memref<256x64xf32, #tpu.memory_space<vmem>>
        %dma_wait3A_432 = arith.constant 0 : i32
        %dma_wait3A_433 = arith.constant 0 : i32
        %dma_wait3A_434 = tpu.memref_slice %arg2[%arg0, %dma_wait3A_432, %dma_wait3A_433] : memref<2x10112x64xf32, #tpu.memory_space<hbm>> -> memref<1x10112x64xf32, #tpu.memory_space<hbm>>
        %dma_wait3A_435 = tpu.memref_squeeze %dma_wait3A_434 : memref<1x10112x64xf32, #tpu.memory_space<hbm>> -> memref<10112x64xf32, #tpu.memory_space<hbm>>
        %dma_wait3A_436 = arith.constant 0 : i32
        %dma_wait3A_437 = tpu.memref_slice %dma_wait3A_435[%add3A_46, %dma_wait3A_436] : memref<10112x64xf32, #tpu.memory_space<hbm>> -> memref<256x64xf32, #tpu.memory_space<hbm>>
        tpu.wait_dma2 semaphore(%run_scoped3A_401 : memref<!tpu.dma_semaphore, #tpu.memory_space<semaphore_mem>>) src(%dma_wait3A_437 : memref<256x64xf32, #tpu.memory_space<hbm>>) dst(%dma_wait3A_431 : memref<256x64xf32, #tpu.memory_space<vmem>>)
        tpu.yield
      }) : () -> ()
      %dma_start3A_47 = arith.constant 0 : i32
      %dma_start3A_48 = arith.constant 0 : i32
      %dma_start3A_49 = tpu.memref_slice %run_scoped3A_2[%dma_start3A_47, %dma_start3A_48] : memref<256x64xf32, #tpu.memory_space<vmem>> -> memref<256x64xf32, #tpu.memory_space<vmem>>
      %dma_start3A_50 = arith.constant 0 : i32
      %dma_start3A_51 = tpu.memref_slice %arg7[%add3A_46, %dma_start3A_50] : memref<10112x64xf32, #tpu.memory_space<vmem_shared>> -> memref<256x64xf32, #tpu.memory_space<vmem_shared>>
      %dma_start3A_52 = arith.constant 0 : i32
      %dma_start3A_53 = tpu.memref_slice %arg7[%add3A_46, %dma_start3A_52] : memref<10112x64xf32, #tpu.memory_space<vmem_shared>> -> memref<256x64xf32, #tpu.memory_space<vmem_shared>>
      %dma_start3A_54 = arith.constant 0 : i32
      %dma_start3A_55 = arith.constant 0 : i32
      %dma_start3A_56 = tpu.memref_slice %run_scoped3A_2[%dma_start3A_54, %dma_start3A_55] : memref<256x64xf32, #tpu.memory_space<vmem>> -> memref<256x64xf32, #tpu.memory_space<vmem>>
      tpu.enqueue_dma source(%dma_start3A_56 : memref<256x64xf32, #tpu.memory_space<vmem>>) target(%dma_start3A_53 : memref<256x64xf32, #tpu.memory_space<vmem_shared>>) target_semaphore(%arg8 : memref<!tpu.dma_semaphore, #tpu.memory_space<semaphore_mem>>)
      %dma_start3A_57 = arith.constant 0 : i32
      %dma_start3A_58 = arith.constant 0 : i32
      %dma_start3A_59 = tpu.memref_slice %run_scoped3A_2[%dma_start3A_57, %dma_start3A_58] : memref<256x64xf32, #tpu.memory_space<vmem>> -> memref<256x64xf32, #tpu.memory_space<vmem>>
      %dma_start3A_60 = arith.constant 0 : i32
      %dma_start3A_61 = tpu.memref_slice %arg6[%add3A_46, %dma_start3A_60] : memref<10112x64xf32, #tpu.memory_space<vmem_shared>> -> memref<256x64xf32, #tpu.memory_space<vmem_shared>>
      %dma_start3A_62 = arith.constant 0 : i32
      %dma_start3A_63 = tpu.memref_slice %arg6[%add3A_46, %dma_start3A_62] : memref<10112x64xf32, #tpu.memory_space<vmem_shared>> -> memref<256x64xf32, #tpu.memory_space<vmem_shared>>
      %dma_start3A_64 = arith.constant 0 : i32
      %dma_start3A_65 = arith.constant 0 : i32
      %dma_start3A_66 = tpu.memref_slice %run_scoped3A_2[%dma_start3A_64, %dma_start3A_65] : memref<256x64xf32, #tpu.memory_space<vmem>> -> memref<256x64xf32, #tpu.memory_space<vmem>>
      tpu.enqueue_dma source(%dma_start3A_66 : memref<256x64xf32, #tpu.memory_space<vmem>>) target(%dma_start3A_63 : memref<256x64xf32, #tpu.memory_space<vmem_shared>>) target_semaphore(%arg10 : memref<!tpu.dma_semaphore, #tpu.memory_space<semaphore_mem>>)
      %dma_wait3A_67 = arith.constant 0 : i32
      %dma_wait3A_68 = arith.constant 0 : i32
      %dma_wait3A_69 = tpu.memref_slice %run_scoped3A_2[%dma_wait3A_67, %dma_wait3A_68] : memref<256x64xf32, #tpu.memory_space<vmem>> -> memref<256x64xf32, #tpu.memory_space<vmem>>
      %dma_wait3A_70 = arith.constant 0 : i32
      %dma_wait3A_71 = tpu.memref_slice %arg7[%add3A_46, %dma_wait3A_70] : memref<10112x64xf32, #tpu.memory_space<vmem_shared>> -> memref<256x64xf32, #tpu.memory_space<vmem_shared>>
      %dma_wait3A_72 = arith.constant 0 : i32
      %dma_wait3A_73 = tpu.memref_slice %arg7[%add3A_46, %dma_wait3A_72] : memref<10112x64xf32, #tpu.memory_space<vmem_shared>> -> memref<256x64xf32, #tpu.memory_space<vmem_shared>>
      %dma_wait3A_74 = arith.constant 0 : i32
      %dma_wait3A_75 = arith.constant 0 : i32
      %dma_wait3A_76 = tpu.memref_slice %run_scoped3A_2[%dma_wait3A_74, %dma_wait3A_75] : memref<256x64xf32, #tpu.memory_space<vmem>> -> memref<256x64xf32, #tpu.memory_space<vmem>>
      tpu.wait_dma2 semaphore(%arg8 : memref<!tpu.dma_semaphore, #tpu.memory_space<semaphore_mem>>) src(%dma_wait3A_76 : memref<256x64xf32, #tpu.memory_space<vmem>>) dst(%dma_wait3A_73 : memref<256x64xf32, #tpu.memory_space<vmem_shared>>)
      %dma_wait3A_77 = arith.constant 0 : i32
      %dma_wait3A_78 = arith.constant 0 : i32
      %dma_wait3A_79 = tpu.memref_slice %run_scoped3A_2[%dma_wait3A_77, %dma_wait3A_78] : memref<256x64xf32, #tpu.memory_space<vmem>> -> memref<256x64xf32, #tpu.memory_space<vmem>>
      %dma_wait3A_80 = arith.constant 0 : i32
      %dma_wait3A_81 = tpu.memref_slice %arg6[%add3A_46, %dma_wait3A_80] : memref<10112x64xf32, #tpu.memory_space<vmem_shared>> -> memref<256x64xf32, #tpu.memory_space<vmem_shared>>
      %dma_wait3A_82 = arith.constant 0 : i32
      %dma_wait3A_83 = tpu.memref_slice %arg6[%add3A_46, %dma_wait3A_82] : memref<10112x64xf32, #tpu.memory_space<vmem_shared>> -> memref<256x64xf32, #tpu.memory_space<vmem_shared>>
      %dma_wait3A_84 = arith.constant 0 : i32
      %dma_wait3A_85 = arith.constant 0 : i32
      %dma_wait3A_86 = tpu.memref_slice %run_scoped3A_2[%dma_wait3A_84, %dma_wait3A_85] : memref<256x64xf32, #tpu.memory_space<vmem>> -> memref<256x64xf32, #tpu.memory_space<vmem>>
      tpu.wait_dma2 semaphore(%arg10 : memref<!tpu.dma_semaphore, #tpu.memory_space<semaphore_mem>>) src(%dma_wait3A_86 : memref<256x64xf32, #tpu.memory_space<vmem>>) dst(%dma_wait3A_83 : memref<256x64xf32, #tpu.memory_space<vmem_shared>>)
      %mul3A_87 = arith.constant 632 : i32
      %mul3A_88 = arith.muli %arg1, %mul3A_87 : i32
      %add3A_89 = arith.constant 512 : i32
      %add3A_90 = arith.addi %mul3A_88, %add3A_89 : i32
      "tpu.region"() ({
        %run_scoped3A_401 = tpu.sem_alloc : memref<!tpu.dma_semaphore, #tpu.memory_space<semaphore_mem>>
        %dma_start3A_402 = arith.constant 0 : i32
        %dma_start3A_403 = arith.constant 0 : i32
        %dma_start3A_404 = tpu.memref_slice %run_scoped3A_2[%dma_start3A_402, %dma_start3A_403] : memref<256x64xf32, #tpu.memory_space<vmem>> -> memref<120x64xf32, #tpu.memory_space<vmem>>
        %dma_start3A_405 = arith.constant 0 : i32
        %dma_start3A_406 = arith.constant 0 : i32
        %dma_start3A_407 = tpu.memref_slice %arg2[%arg0, %dma_start3A_405, %dma_start3A_406] : memref<2x10112x64xf32, #tpu.memory_space<hbm>> -> memref<1x10112x64xf32, #tpu.memory_space<hbm>>
        %dma_start3A_408 = tpu.memref_squeeze %dma_start3A_407 : memref<1x10112x64xf32, #tpu.memory_space<hbm>> -> memref<10112x64xf32, #tpu.memory_space<hbm>>
        %dma_start3A_409 = arith.constant 0 : i32
        %dma_start3A_410 = tpu.memref_slice %dma_start3A_408[%add3A_90, %dma_start3A_409] : memref<10112x64xf32, #tpu.memory_space<hbm>> -> memref<120x64xf32, #tpu.memory_space<hbm>>
        %dma_start3A_411 = arith.constant 0 : i32
        %dma_start3A_412 = arith.constant 0 : i32
        %dma_start3A_413 = tpu.memref_slice %run_scoped3A_2[%dma_start3A_411, %dma_start3A_412] : memref<256x64xf32, #tpu.memory_space<vmem>> -> memref<120x64xf32, #tpu.memory_space<vmem>>
        %dma_start3A_414 = arith.constant 0 : i32
        %dma_start3A_415 = arith.constant 0 : i32
        %dma_start3A_416 = tpu.memref_slice %arg2[%arg0, %dma_start3A_414, %dma_start3A_415] : memref<2x10112x64xf32, #tpu.memory_space<hbm>> -> memref<1x10112x64xf32, #tpu.memory_space<hbm>>
        %dma_start3A_417 = tpu.memref_squeeze %dma_start3A_416 : memref<1x10112x64xf32, #tpu.memory_space<hbm>> -> memref<10112x64xf32, #tpu.memory_space<hbm>>
        %dma_start3A_418 = arith.constant 0 : i32
        %dma_start3A_419 = tpu.memref_slice %dma_start3A_417[%add3A_90, %dma_start3A_418] : memref<10112x64xf32, #tpu.memory_space<hbm>> -> memref<120x64xf32, #tpu.memory_space<hbm>>
        tpu.enqueue_dma source(%dma_start3A_419 : memref<120x64xf32, #tpu.memory_space<hbm>>) target(%dma_start3A_413 : memref<120x64xf32, #tpu.memory_space<vmem>>) target_semaphore(%run_scoped3A_401 : memref<!tpu.dma_semaphore, #tpu.memory_space<semaphore_mem>>)
        %dma_wait3A_420 = arith.constant 0 : i32
        %dma_wait3A_421 = arith.constant 0 : i32
        %dma_wait3A_422 = tpu.memref_slice %run_scoped3A_2[%dma_wait3A_420, %dma_wait3A_421] : memref<256x64xf32, #tpu.memory_space<vmem>> -> memref<120x64xf32, #tpu.memory_space<vmem>>
        %dma_wait3A_423 = arith.constant 0 : i32
        %dma_wait3A_424 = arith.constant 0 : i32
        %dma_wait3A_425 = tpu.memref_slice %arg2[%arg0, %dma_wait3A_423, %dma_wait3A_424] : memref<2x10112x64xf32, #tpu.memory_space<hbm>> -> memref<1x10112x64xf32, #tpu.memory_space<hbm>>
        %dma_wait3A_426 = tpu.memref_squeeze %dma_wait3A_425 : memref<1x10112x64xf32, #tpu.memory_space<hbm>> -> memref<10112x64xf32, #tpu.memory_space<hbm>>
        %dma_wait3A_427 = arith.constant 0 : i32
        %dma_wait3A_428 = tpu.memref_slice %dma_wait3A_426[%add3A_90, %dma_wait3A_427] : memref<10112x64xf32, #tpu.memory_space<hbm>> -> memref<120x64xf32, #tpu.memory_space<hbm>>
        %dma_wait3A_429 = arith.constant 0 : i32
        %dma_wait3A_430 = arith.constant 0 : i32
        %dma_wait3A_431 = tpu.memref_slice %run_scoped3A_2[%dma_wait3A_429, %dma_wait3A_430] : memref<256x64xf32, #tpu.memory_space<vmem>> -> memref<120x64xf32, #tpu.memory_space<vmem>>
        %dma_wait3A_432 = arith.constant 0 : i32
        %dma_wait3A_433 = arith.constant 0 : i32
        %dma_wait3A_434 = tpu.memref_slice %arg2[%arg0, %dma_wait3A_432, %dma_wait3A_433] : memref<2x10112x64xf32, #tpu.memory_space<hbm>> -> memref<1x10112x64xf32, #tpu.memory_space<hbm>>
        %dma_wait3A_435 = tpu.memref_squeeze %dma_wait3A_434 : memref<1x10112x64xf32, #tpu.memory_space<hbm>> -> memref<10112x64xf32, #tpu.memory_space<hbm>>
        %dma_wait3A_436 = arith.constant 0 : i32
        %dma_wait3A_437 = tpu.memref_slice %dma_wait3A_435[%add3A_90, %dma_wait3A_436] : memref<10112x64xf32, #tpu.memory_space<hbm>> -> memref<120x64xf32, #tpu.memory_space<hbm>>
        tpu.wait_dma2 semaphore(%run_scoped3A_401 : memref<!tpu.dma_semaphore, #tpu.memory_space<semaphore_mem>>) src(%dma_wait3A_437 : memref<120x64xf32, #tpu.memory_space<hbm>>) dst(%dma_wait3A_431 : memref<120x64xf32, #tpu.memory_space<vmem>>)
        tpu.yield
      }) : () -> ()
      %dma_start3A_91 = arith.constant 0 : i32
      %dma_start3A_92 = arith.constant 0 : i32
      %dma_start3A_93 = tpu.memref_slice %run_scoped3A_2[%dma_start3A_91, %dma_start3A_92] : memref<256x64xf32, #tpu.memory_space<vmem>> -> memref<120x64xf32, #tpu.memory_space<vmem>>
      %dma_start3A_94 = arith.constant 0 : i32
      %dma_start3A_95 = tpu.memref_slice %arg7[%add3A_90, %dma_start3A_94] : memref<10112x64xf32, #tpu.memory_space<vmem_shared>> -> memref<120x64xf32, #tpu.memory_space<vmem_shared>>
      %dma_start3A_96 = arith.constant 0 : i32
      %dma_start3A_97 = tpu.memref_slice %arg7[%add3A_90, %dma_start3A_96] : memref<10112x64xf32, #tpu.memory_space<vmem_shared>> -> memref<120x64xf32, #tpu.memory_space<vmem_shared>>
      %dma_start3A_98 = arith.constant 0 : i32
      %dma_start3A_99 = arith.constant 0 : i32
      %dma_start3A_100 = tpu.memref_slice %run_scoped3A_2[%dma_start3A_98, %dma_start3A_99] : memref<256x64xf32, #tpu.memory_space<vmem>> -> memref<120x64xf32, #tpu.memory_space<vmem>>
      tpu.enqueue_dma source(%dma_start3A_100 : memref<120x64xf32, #tpu.memory_space<vmem>>) target(%dma_start3A_97 : memref<120x64xf32, #tpu.memory_space<vmem_shared>>) target_semaphore(%arg8 : memref<!tpu.dma_semaphore, #tpu.memory_space<semaphore_mem>>)
      %dma_start3A_101 = arith.constant 0 : i32
      %dma_start3A_102 = arith.constant 0 : i32
      %dma_start3A_103 = tpu.memref_slice %run_scoped3A_2[%dma_start3A_101, %dma_start3A_102] : memref<256x64xf32, #tpu.memory_space<vmem>> -> memref<120x64xf32, #tpu.memory_space<vmem>>
      %dma_start3A_104 = arith.constant 0 : i32
      %dma_start3A_105 = tpu.memref_slice %arg6[%add3A_90, %dma_start3A_104] : memref<10112x64xf32, #tpu.memory_space<vmem_shared>> -> memref<120x64xf32, #tpu.memory_space<vmem_shared>>
      %dma_start3A_106 = arith.constant 0 : i32
      %dma_start3A_107 = tpu.memref_slice %arg6[%add3A_90, %dma_start3A_106] : memref<10112x64xf32, #tpu.memory_space<vmem_shared>> -> memref<120x64xf32, #tpu.memory_space<vmem_shared>>
      %dma_start3A_108 = arith.constant 0 : i32
      %dma_start3A_109 = arith.constant 0 : i32
      %dma_start3A_110 = tpu.memref_slice %run_scoped3A_2[%dma_start3A_108, %dma_start3A_109] : memref<256x64xf32, #tpu.memory_space<vmem>> -> memref<120x64xf32, #tpu.memory_space<vmem>>
      tpu.enqueue_dma source(%dma_start3A_110 : memref<120x64xf32, #tpu.memory_space<vmem>>) target(%dma_start3A_107 : memref<120x64xf32, #tpu.memory_space<vmem_shared>>) target_semaphore(%arg10 : memref<!tpu.dma_semaphore, #tpu.memory_space<semaphore_mem>>)
      %dma_wait3A_111 = arith.constant 0 : i32
      %dma_wait3A_112 = arith.constant 0 : i32
      %dma_wait3A_113 = tpu.memref_slice %run_scoped3A_2[%dma_wait3A_111, %dma_wait3A_112] : memref<256x64xf32, #tpu.memory_space<vmem>> -> memref<120x64xf32, #tpu.memory_space<vmem>>
      %dma_wait3A_114 = arith.constant 0 : i32
      %dma_wait3A_115 = tpu.memref_slice %arg7[%add3A_90, %dma_wait3A_114] : memref<10112x64xf32, #tpu.memory_space<vmem_shared>> -> memref<120x64xf32, #tpu.memory_space<vmem_shared>>
      %dma_wait3A_116 = arith.constant 0 : i32
      %dma_wait3A_117 = tpu.memref_slice %arg7[%add3A_90, %dma_wait3A_116] : memref<10112x64xf32, #tpu.memory_space<vmem_shared>> -> memref<120x64xf32, #tpu.memory_space<vmem_shared>>
      %dma_wait3A_118 = arith.constant 0 : i32
      %dma_wait3A_119 = arith.constant 0 : i32
      %dma_wait3A_120 = tpu.memref_slice %run_scoped3A_2[%dma_wait3A_118, %dma_wait3A_119] : memref<256x64xf32, #tpu.memory_space<vmem>> -> memref<120x64xf32, #tpu.memory_space<vmem>>
      tpu.wait_dma2 semaphore(%arg8 : memref<!tpu.dma_semaphore, #tpu.memory_space<semaphore_mem>>) src(%dma_wait3A_120 : memref<120x64xf32, #tpu.memory_space<vmem>>) dst(%dma_wait3A_117 : memref<120x64xf32, #tpu.memory_space<vmem_shared>>)
      %dma_wait3A_121 = arith.constant 0 : i32
      %dma_wait3A_122 = arith.constant 0 : i32
      %dma_wait3A_123 = tpu.memref_slice %run_scoped3A_2[%dma_wait3A_121, %dma_wait3A_122] : memref<256x64xf32, #tpu.memory_space<vmem>> -> memref<120x64xf32, #tpu.memory_space<vmem>>
      %dma_wait3A_124 = arith.constant 0 : i32
      %dma_wait3A_125 = tpu.memref_slice %arg6[%add3A_90, %dma_wait3A_124] : memref<10112x64xf32, #tpu.memory_space<vmem_shared>> -> memref<120x64xf32, #tpu.memory_space<vmem_shared>>
      %dma_wait3A_126 = arith.constant 0 : i32
      %dma_wait3A_127 = tpu.memref_slice %arg6[%add3A_90, %dma_wait3A_126] : memref<10112x64xf32, #tpu.memory_space<vmem_shared>> -> memref<120x64xf32, #tpu.memory_space<vmem_shared>>
      %dma_wait3A_128 = arith.constant 0 : i32
      %dma_wait3A_129 = arith.constant 0 : i32
      %dma_wait3A_130 = tpu.memref_slice %run_scoped3A_2[%dma_wait3A_128, %dma_wait3A_129] : memref<256x64xf32, #tpu.memory_space<vmem>> -> memref<120x64xf32, #tpu.memory_space<vmem>>
      tpu.wait_dma2 semaphore(%arg10 : memref<!tpu.dma_semaphore, #tpu.memory_space<semaphore_mem>>) src(%dma_wait3A_130 : memref<120x64xf32, #tpu.memory_space<vmem>>) dst(%dma_wait3A_127 : memref<120x64xf32, #tpu.memory_space<vmem_shared>>)
      %barrier3A = arith.constant 0 : index
      tpu.barrier barrier_id(%barrier3A)
      %dma_start3A_131 = arith.constant 0 : i32
      %dma_start3A_132 = arith.constant 0 : i32
      %dma_start3A_133 = arith.constant 0 : i32
      %dma_start3A_134 = tpu.memref_slice %run_scoped3A_0[%dma_start3A_131, %dma_start3A_132, %dma_start3A_133] : memref<2x2x128xi32, #tpu.memory_space<vmem>> -> memref<1x2x128xi32, #tpu.memory_space<vmem>>
      %dma_start3A_135 = tpu.memref_squeeze %dma_start3A_134 : memref<1x2x128xi32, #tpu.memory_space<vmem>> -> memref<2x128xi32, #tpu.memory_space<vmem>>
      %dma_start3A_136 = arith.constant 0 : i32
      %dma_start3A_137 = arith.constant 0 : i32
      %dma_start3A_138 = tpu.memref_slice %arg3[%arg1, %dma_start3A_136, %dma_start3A_137] : memref<16x160x128xi32, #tpu.memory_space<hbm>> -> memref<1x2x128xi32, #tpu.memory_space<hbm>>
      %dma_start3A_139 = tpu.memref_squeeze %dma_start3A_138 : memref<1x2x128xi32, #tpu.memory_space<hbm>> -> memref<2x128xi32, #tpu.memory_space<hbm>>
      %dma_start3A_140 = arith.constant 0 : i32
      %dma_start3A_141 = arith.constant 0 : i32
      %dma_start3A_142 = tpu.memref_slice %run_scoped3A_0[%dma_start3A_131, %dma_start3A_140, %dma_start3A_141] : memref<2x2x128xi32, #tpu.memory_space<vmem>> -> memref<1x2x128xi32, #tpu.memory_space<vmem>>
      %dma_start3A_143 = tpu.memref_squeeze %dma_start3A_142 : memref<1x2x128xi32, #tpu.memory_space<vmem>> -> memref<2x128xi32, #tpu.memory_space<vmem>>
      %dma_start3A_144 = arith.constant 0 : i32
      %dma_start3A_145 = arith.constant 0 : i32
      %dma_start3A_146 = tpu.memref_slice %arg3[%arg1, %dma_start3A_144, %dma_start3A_145] : memref<16x160x128xi32, #tpu.memory_space<hbm>> -> memref<1x2x128xi32, #tpu.memory_space<hbm>>
      %dma_start3A_147 = tpu.memref_squeeze %dma_start3A_146 : memref<1x2x128xi32, #tpu.memory_space<hbm>> -> memref<2x128xi32, #tpu.memory_space<hbm>>
      tpu.enqueue_dma source(%dma_start3A_147 : memref<2x128xi32, #tpu.memory_space<hbm>>) target(%dma_start3A_143 : memref<2x128xi32, #tpu.memory_space<vmem>>) target_semaphore(%arg12 : memref<!tpu.dma_semaphore, #tpu.memory_space<semaphore_mem>>)
      %dma_wait3A_148 = arith.constant 0 : i32
      %dma_wait3A_149 = arith.constant 0 : i32
      %dma_wait3A_150 = arith.constant 0 : i32
      %dma_wait3A_151 = tpu.memref_slice %run_scoped3A_0[%dma_wait3A_148, %dma_wait3A_149, %dma_wait3A_150] : memref<2x2x128xi32, #tpu.memory_space<vmem>> -> memref<1x2x128xi32, #tpu.memory_space<vmem>>
      %dma_wait3A_152 = tpu.memref_squeeze %dma_wait3A_151 : memref<1x2x128xi32, #tpu.memory_space<vmem>> -> memref<2x128xi32, #tpu.memory_space<vmem>>
      %dma_wait3A_153 = arith.constant 0 : i32
      %dma_wait3A_154 = arith.constant 0 : i32
      %dma_wait3A_155 = tpu.memref_slice %arg3[%arg1, %dma_wait3A_153, %dma_wait3A_154] : memref<16x160x128xi32, #tpu.memory_space<hbm>> -> memref<1x2x128xi32, #tpu.memory_space<hbm>>
      %dma_wait3A_156 = tpu.memref_squeeze %dma_wait3A_155 : memref<1x2x128xi32, #tpu.memory_space<hbm>> -> memref<2x128xi32, #tpu.memory_space<hbm>>
      %dma_wait3A_157 = arith.constant 0 : i32
      %dma_wait3A_158 = arith.constant 0 : i32
      %dma_wait3A_159 = tpu.memref_slice %run_scoped3A_0[%dma_wait3A_148, %dma_wait3A_157, %dma_wait3A_158] : memref<2x2x128xi32, #tpu.memory_space<vmem>> -> memref<1x2x128xi32, #tpu.memory_space<vmem>>
      %dma_wait3A_160 = tpu.memref_squeeze %dma_wait3A_159 : memref<1x2x128xi32, #tpu.memory_space<vmem>> -> memref<2x128xi32, #tpu.memory_space<vmem>>
      %dma_wait3A_161 = arith.constant 0 : i32
      %dma_wait3A_162 = arith.constant 0 : i32
      %dma_wait3A_163 = tpu.memref_slice %arg3[%arg1, %dma_wait3A_161, %dma_wait3A_162] : memref<16x160x128xi32, #tpu.memory_space<hbm>> -> memref<1x2x128xi32, #tpu.memory_space<hbm>>
      %dma_wait3A_164 = tpu.memref_squeeze %dma_wait3A_163 : memref<1x2x128xi32, #tpu.memory_space<hbm>> -> memref<2x128xi32, #tpu.memory_space<hbm>>
      tpu.wait_dma2 semaphore(%arg12 : memref<!tpu.dma_semaphore, #tpu.memory_space<semaphore_mem>>) src(%dma_wait3A_164 : memref<2x128xi32, #tpu.memory_space<hbm>>) dst(%dma_wait3A_160 : memref<2x128xi32, #tpu.memory_space<vmem>>)
      %dma_start3A_165 = arith.constant 0 : i32
      %dma_start3A_166 = arith.constant 0 : i32
      %dma_start3A_167 = arith.constant 0 : i32
      %dma_start3A_168 = tpu.memref_slice %run_scoped3A_1[%dma_start3A_165, %dma_start3A_166, %dma_start3A_167] : memref<2x2x128xi32, #tpu.memory_space<vmem>> -> memref<1x2x128xi32, #tpu.memory_space<vmem>>
      %dma_start3A_169 = tpu.memref_squeeze %dma_start3A_168 : memref<1x2x128xi32, #tpu.memory_space<vmem>> -> memref<2x128xi32, #tpu.memory_space<vmem>>
      %dma_start3A_170 = arith.constant 0 : i32
      %dma_start3A_171 = arith.constant 0 : i32
      %dma_start3A_172 = tpu.memref_slice %arg4[%arg1, %dma_start3A_170, %dma_start3A_171] : memref<16x160x128xi32, #tpu.memory_space<hbm>> -> memref<1x2x128xi32, #tpu.memory_space<hbm>>
      %dma_start3A_173 = tpu.memref_squeeze %dma_start3A_172 : memref<1x2x128xi32, #tpu.memory_space<hbm>> -> memref<2x128xi32, #tpu.memory_space<hbm>>
      %dma_start3A_174 = arith.constant 0 : i32
      %dma_start3A_175 = arith.constant 0 : i32
      %dma_start3A_176 = tpu.memref_slice %run_scoped3A_1[%dma_start3A_165, %dma_start3A_174, %dma_start3A_175] : memref<2x2x128xi32, #tpu.memory_space<vmem>> -> memref<1x2x128xi32, #tpu.memory_space<vmem>>
      %dma_start3A_177 = tpu.memref_squeeze %dma_start3A_176 : memref<1x2x128xi32, #tpu.memory_space<vmem>> -> memref<2x128xi32, #tpu.memory_space<vmem>>
      %dma_start3A_178 = arith.constant 0 : i32
      %dma_start3A_179 = arith.constant 0 : i32
      %dma_start3A_180 = tpu.memref_slice %arg4[%arg1, %dma_start3A_178, %dma_start3A_179] : memref<16x160x128xi32, #tpu.memory_space<hbm>> -> memref<1x2x128xi32, #tpu.memory_space<hbm>>
      %dma_start3A_181 = tpu.memref_squeeze %dma_start3A_180 : memref<1x2x128xi32, #tpu.memory_space<hbm>> -> memref<2x128xi32, #tpu.memory_space<hbm>>
      tpu.enqueue_dma source(%dma_start3A_181 : memref<2x128xi32, #tpu.memory_space<hbm>>) target(%dma_start3A_177 : memref<2x128xi32, #tpu.memory_space<vmem>>) target_semaphore(%arg13 : memref<!tpu.dma_semaphore, #tpu.memory_space<semaphore_mem>>)
      %dma_start3A_182 = arith.constant 0 : i32
      %dma_start3A_183 = arith.constant 0 : i32
      %dma_start3A_184 = arith.constant 0 : i32
      %dma_start3A_185 = arith.constant 0 : i32
      %dma_start3A_186 = arith.constant 0 : i32
      %dma_start3A_187 = arith.constant 0 : i32
      %dma_start3A_188 = tpu.memref_slice %run_scoped3A[%dma_start3A_184, %dma_start3A_185, %dma_start3A_186, %dma_start3A_187] : memref<2x2x128x64xf32, #tpu.memory_space<vmem>> -> memref<1x1x128x64xf32, #tpu.memory_space<vmem>>
      %dma_start3A_189 = tpu.memref_squeeze %dma_start3A_188 : memref<1x1x128x64xf32, #tpu.memory_space<vmem>> -> memref<128x64xf32, #tpu.memory_space<vmem>>
      %dma_start3A_190 = arith.constant 0 : i32
      %dma_start3A_191 = tpu.memref_slice %run_scoped3A_0[%dma_start3A_182, %dma_start3A_183, %dma_start3A_190] : memref<2x2x128xi32, #tpu.memory_space<vmem>> -> memref<1x1x128xi32, #tpu.memory_space<vmem>>
      %dma_start3A_192 = tpu.memref_squeeze %dma_start3A_191 : memref<1x1x128xi32, #tpu.memory_space<vmem>> -> memref<128xi32, #tpu.memory_space<vmem>>
      %dma_start3A_193 = arith.constant 0 : i32
      %dma_start3A_194 = arith.constant 0 : i32
      %dma_start3A_195 = tpu.memref_slice %arg7[%dma_start3A_193, %dma_start3A_194] : memref<10112x64xf32, #tpu.memory_space<vmem_shared>> -> memref<10112x64xf32, #tpu.memory_space<vmem_shared>>
      tpu.enqueue_indirect_dma source(%dma_start3A_195 : memref<10112x64xf32, #tpu.memory_space<vmem_shared>>) target(%dma_start3A_189 : memref<128x64xf32, #tpu.memory_space<vmem>>) offsets(%dma_start3A_192 : memref<128xi32, #tpu.memory_space<vmem>>) semaphore(%arg8 : memref<!tpu.dma_semaphore, #tpu.memory_space<semaphore_mem>>)
      %dma_start3A_196 = arith.constant 0 : i32
      %dma_start3A_197 = arith.constant 1 : i32
      %dma_start3A_198 = arith.constant 0 : i32
      %dma_start3A_199 = arith.constant 1 : i32
      %dma_start3A_200 = arith.constant 0 : i32
      %dma_start3A_201 = arith.constant 0 : i32
      %dma_start3A_202 = tpu.memref_slice %run_scoped3A[%dma_start3A_198, %dma_start3A_199, %dma_start3A_200, %dma_start3A_201] : memref<2x2x128x64xf32, #tpu.memory_space<vmem>> -> memref<1x1x128x64xf32, #tpu.memory_space<vmem>>
      %dma_start3A_203 = tpu.memref_squeeze %dma_start3A_202 : memref<1x1x128x64xf32, #tpu.memory_space<vmem>> -> memref<128x64xf32, #tpu.memory_space<vmem>>
      %dma_start3A_204 = arith.constant 0 : i32
      %dma_start3A_205 = tpu.memref_slice %run_scoped3A_0[%dma_start3A_196, %dma_start3A_197, %dma_start3A_204] : memref<2x2x128xi32, #tpu.memory_space<vmem>> -> memref<1x1x128xi32, #tpu.memory_space<vmem>>
      %dma_start3A_206 = tpu.memref_squeeze %dma_start3A_205 : memref<1x1x128xi32, #tpu.memory_space<vmem>> -> memref<128xi32, #tpu.memory_space<vmem>>
      %dma_start3A_207 = arith.constant 0 : i32
      %dma_start3A_208 = arith.constant 0 : i32
      %dma_start3A_209 = tpu.memref_slice %arg7[%dma_start3A_207, %dma_start3A_208] : memref<10112x64xf32, #tpu.memory_space<vmem_shared>> -> memref<10112x64xf32, #tpu.memory_space<vmem_shared>>
      tpu.enqueue_indirect_dma source(%dma_start3A_209 : memref<10112x64xf32, #tpu.memory_space<vmem_shared>>) target(%dma_start3A_203 : memref<128x64xf32, #tpu.memory_space<vmem>>) offsets(%dma_start3A_206 : memref<128xi32, #tpu.memory_space<vmem>>) semaphore(%arg8 : memref<!tpu.dma_semaphore, #tpu.memory_space<semaphore_mem>>)
      %dma_start3A_210 = arith.constant 1 : i32
      %dma_start3A_211 = arith.constant 0 : i32
      %dma_start3A_212 = arith.constant 0 : i32
      %dma_start3A_213 = tpu.memref_slice %run_scoped3A_0[%dma_start3A_210, %dma_start3A_211, %dma_start3A_212] : memref<2x2x128xi32, #tpu.memory_space<vmem>> -> memref<1x2x128xi32, #tpu.memory_space<vmem>>
      %dma_start3A_214 = tpu.memref_squeeze %dma_start3A_213 : memref<1x2x128xi32, #tpu.memory_space<vmem>> -> memref<2x128xi32, #tpu.memory_space<vmem>>
      %dma_start3A_215 = arith.constant 2 : i32
      %dma_start3A_216 = arith.constant 0 : i32
      %dma_start3A_217 = tpu.memref_slice %arg3[%arg1, %dma_start3A_215, %dma_start3A_216] : memref<16x160x128xi32, #tpu.memory_space<hbm>> -> memref<1x2x128xi32, #tpu.memory_space<hbm>>
      %dma_start3A_218 = tpu.memref_squeeze %dma_start3A_217 : memref<1x2x128xi32, #tpu.memory_space<hbm>> -> memref<2x128xi32, #tpu.memory_space<hbm>>
      %dma_start3A_219 = arith.constant 0 : i32
      %dma_start3A_220 = arith.constant 0 : i32
      %dma_start3A_221 = tpu.memref_slice %run_scoped3A_0[%dma_start3A_210, %dma_start3A_219, %dma_start3A_220] : memref<2x2x128xi32, #tpu.memory_space<vmem>> -> memref<1x2x128xi32, #tpu.memory_space<vmem>>
      %dma_start3A_222 = tpu.memref_squeeze %dma_start3A_221 : memref<1x2x128xi32, #tpu.memory_space<vmem>> -> memref<2x128xi32, #tpu.memory_space<vmem>>
      %dma_start3A_223 = arith.constant 2 : i32
      %dma_start3A_224 = arith.constant 0 : i32
      %dma_start3A_225 = tpu.memref_slice %arg3[%arg1, %dma_start3A_223, %dma_start3A_224] : memref<16x160x128xi32, #tpu.memory_space<hbm>> -> memref<1x2x128xi32, #tpu.memory_space<hbm>>
      %dma_start3A_226 = tpu.memref_squeeze %dma_start3A_225 : memref<1x2x128xi32, #tpu.memory_space<hbm>> -> memref<2x128xi32, #tpu.memory_space<hbm>>
      tpu.enqueue_dma source(%dma_start3A_226 : memref<2x128xi32, #tpu.memory_space<hbm>>) target(%dma_start3A_222 : memref<2x128xi32, #tpu.memory_space<vmem>>) target_semaphore(%arg12 : memref<!tpu.dma_semaphore, #tpu.memory_space<semaphore_mem>>)
      %scan3A = arith.constant 0 : i32
      %scan3A_227 = arith.constant 0 : i32
      %scan3A_228 = arith.constant 40 : i32
      %scan3A_229 = arith.addi %scan3A_227, %scan3A_228 : i32
      %scan3A_230 = arith.constant 1 : i32
      scf.for %scan3A_401 = %scan3A_227 to %scan3A_229 step %scan3A_230  : i32 {
        %mul3A_402 = arith.constant 2 : i32
        %mul3A_403 = arith.muli %mul3A_402, %scan3A_401 : i32
        %ge3A = arith.constant 1 : i32
        %ge3A_404 = arith.cmpi sge, %mul3A_403, %ge3A : i32
        %convert_element_type3A = arith.extui %ge3A_404 : i1 to i32
        %cond3A = arith.constant 0 : i32
        %cond3A_405 = arith.cmpi ne, %convert_element_type3A, %cond3A : i32
        scf.if %cond3A_405 {
          %dma_wait3A_628 = arith.constant 1 : i32
          %dma_wait3A_629 = arith.constant 0 : i32
          %dma_wait3A_630 = arith.constant 0 : i32
          %dma_wait3A_631 = arith.constant 0 : i32
          %dma_wait3A_632 = tpu.memref_slice %run_scoped3A[%dma_wait3A_628, %dma_wait3A_629, %dma_wait3A_630, %dma_wait3A_631] : memref<2x2x128x64xf32, #tpu.memory_space<vmem>> -> memref<1x1x128x64xf32, #tpu.memory_space<vmem>>
          %dma_wait3A_633 = tpu.memref_squeeze %dma_wait3A_632 : memref<1x1x128x64xf32, #tpu.memory_space<vmem>> -> memref<128x64xf32, #tpu.memory_space<vmem>>
          %dma_wait3A_634 = arith.constant 0 : i32
          %dma_wait3A_635 = arith.constant 0 : i32
          %dma_wait3A_636 = tpu.memref_slice %arg2[%arg0, %dma_wait3A_634, %dma_wait3A_635] : memref<2x10112x64xf32, #tpu.memory_space<hbm>> -> memref<1x10112x64xf32, #tpu.memory_space<hbm>>
          %dma_wait3A_637 = tpu.memref_squeeze %dma_wait3A_636 : memref<1x10112x64xf32, #tpu.memory_space<hbm>> -> memref<10112x64xf32, #tpu.memory_space<hbm>>
          %dma_wait3A_638 = arith.constant 0 : i32
          %dma_wait3A_639 = arith.constant 0 : i32
          %dma_wait3A_640 = tpu.memref_slice %dma_wait3A_637[%dma_wait3A_638, %dma_wait3A_639] : memref<10112x64xf32, #tpu.memory_space<hbm>> -> memref<128x64xf32, #tpu.memory_space<hbm>>
          %dma_wait3A_641 = arith.constant 0 : i32
          %dma_wait3A_642 = arith.constant 0 : i32
          %dma_wait3A_643 = tpu.memref_slice %run_scoped3A[%dma_wait3A_628, %dma_wait3A_629, %dma_wait3A_641, %dma_wait3A_642] : memref<2x2x128x64xf32, #tpu.memory_space<vmem>> -> memref<1x1x128x64xf32, #tpu.memory_space<vmem>>
          %dma_wait3A_644 = tpu.memref_squeeze %dma_wait3A_643 : memref<1x1x128x64xf32, #tpu.memory_space<vmem>> -> memref<128x64xf32, #tpu.memory_space<vmem>>
          %dma_wait3A_645 = arith.constant 0 : i32
          %dma_wait3A_646 = arith.constant 0 : i32
          %dma_wait3A_647 = tpu.memref_slice %arg2[%arg0, %dma_wait3A_645, %dma_wait3A_646] : memref<2x10112x64xf32, #tpu.memory_space<hbm>> -> memref<1x10112x64xf32, #tpu.memory_space<hbm>>
          %dma_wait3A_648 = tpu.memref_squeeze %dma_wait3A_647 : memref<1x10112x64xf32, #tpu.memory_space<hbm>> -> memref<10112x64xf32, #tpu.memory_space<hbm>>
          %dma_wait3A_649 = arith.constant 0 : i32
          %dma_wait3A_650 = arith.constant 0 : i32
          %dma_wait3A_651 = tpu.memref_slice %dma_wait3A_648[%dma_wait3A_649, %dma_wait3A_650] : memref<10112x64xf32, #tpu.memory_space<hbm>> -> memref<128x64xf32, #tpu.memory_space<hbm>>
          tpu.wait_dma2 semaphore(%arg11 : memref<!tpu.dma_semaphore, #tpu.memory_space<semaphore_mem>>) src(%dma_wait3A_651 : memref<128x64xf32, #tpu.memory_space<hbm>>) dst(%dma_wait3A_644 : memref<128x64xf32, #tpu.memory_space<vmem>>)
          %dma_wait3A_652 = arith.constant 1 : i32
          %dma_wait3A_653 = arith.constant 1 : i32
          %dma_wait3A_654 = arith.constant 0 : i32
          %dma_wait3A_655 = arith.constant 0 : i32
          %dma_wait3A_656 = tpu.memref_slice %run_scoped3A[%dma_wait3A_652, %dma_wait3A_653, %dma_wait3A_654, %dma_wait3A_655] : memref<2x2x128x64xf32, #tpu.memory_space<vmem>> -> memref<1x1x128x64xf32, #tpu.memory_space<vmem>>
          %dma_wait3A_657 = tpu.memref_squeeze %dma_wait3A_656 : memref<1x1x128x64xf32, #tpu.memory_space<vmem>> -> memref<128x64xf32, #tpu.memory_space<vmem>>
          %dma_wait3A_658 = arith.constant 0 : i32
          %dma_wait3A_659 = arith.constant 0 : i32
          %dma_wait3A_660 = tpu.memref_slice %arg2[%arg0, %dma_wait3A_658, %dma_wait3A_659] : memref<2x10112x64xf32, #tpu.memory_space<hbm>> -> memref<1x10112x64xf32, #tpu.memory_space<hbm>>
          %dma_wait3A_661 = tpu.memref_squeeze %dma_wait3A_660 : memref<1x10112x64xf32, #tpu.memory_space<hbm>> -> memref<10112x64xf32, #tpu.memory_space<hbm>>
          %dma_wait3A_662 = arith.constant 0 : i32
          %dma_wait3A_663 = arith.constant 0 : i32
          %dma_wait3A_664 = tpu.memref_slice %dma_wait3A_661[%dma_wait3A_662, %dma_wait3A_663] : memref<10112x64xf32, #tpu.memory_space<hbm>> -> memref<128x64xf32, #tpu.memory_space<hbm>>
          %dma_wait3A_665 = arith.constant 0 : i32
          %dma_wait3A_666 = arith.constant 0 : i32
          %dma_wait3A_667 = tpu.memref_slice %run_scoped3A[%dma_wait3A_652, %dma_wait3A_653, %dma_wait3A_665, %dma_wait3A_666] : memref<2x2x128x64xf32, #tpu.memory_space<vmem>> -> memref<1x1x128x64xf32, #tpu.memory_space<vmem>>
          %dma_wait3A_668 = tpu.memref_squeeze %dma_wait3A_667 : memref<1x1x128x64xf32, #tpu.memory_space<vmem>> -> memref<128x64xf32, #tpu.memory_space<vmem>>
          %dma_wait3A_669 = arith.constant 0 : i32
          %dma_wait3A_670 = arith.constant 0 : i32
          %dma_wait3A_671 = tpu.memref_slice %arg2[%arg0, %dma_wait3A_669, %dma_wait3A_670] : memref<2x10112x64xf32, #tpu.memory_space<hbm>> -> memref<1x10112x64xf32, #tpu.memory_space<hbm>>
          %dma_wait3A_672 = tpu.memref_squeeze %dma_wait3A_671 : memref<1x10112x64xf32, #tpu.memory_space<hbm>> -> memref<10112x64xf32, #tpu.memory_space<hbm>>
          %dma_wait3A_673 = arith.constant 0 : i32
          %dma_wait3A_674 = arith.constant 0 : i32
          %dma_wait3A_675 = tpu.memref_slice %dma_wait3A_672[%dma_wait3A_673, %dma_wait3A_674] : memref<10112x64xf32, #tpu.memory_space<hbm>> -> memref<128x64xf32, #tpu.memory_space<hbm>>
          tpu.wait_dma2 semaphore(%arg11 : memref<!tpu.dma_semaphore, #tpu.memory_space<semaphore_mem>>) src(%dma_wait3A_675 : memref<128x64xf32, #tpu.memory_space<hbm>>) dst(%dma_wait3A_668 : memref<128x64xf32, #tpu.memory_space<vmem>>)
        } else {
        }
        %dma_wait3A_406 = arith.constant 0 : i32
        %dma_wait3A_407 = arith.constant 0 : i32
        %dma_wait3A_408 = arith.constant 0 : i32
        %dma_wait3A_409 = arith.constant 0 : i32
        %dma_wait3A_410 = tpu.memref_slice %run_scoped3A[%dma_wait3A_406, %dma_wait3A_407, %dma_wait3A_408, %dma_wait3A_409] : memref<2x2x128x64xf32, #tpu.memory_space<vmem>> -> memref<1x1x128x64xf32, #tpu.memory_space<vmem>>
        %dma_wait3A_411 = tpu.memref_squeeze %dma_wait3A_410 : memref<1x1x128x64xf32, #tpu.memory_space<vmem>> -> memref<128x64xf32, #tpu.memory_space<vmem>>
        %dma_wait3A_412 = arith.constant 0 : i32
        %dma_wait3A_413 = arith.constant 0 : i32
        %dma_wait3A_414 = tpu.memref_slice %arg2[%arg0, %dma_wait3A_412, %dma_wait3A_413] : memref<2x10112x64xf32, #tpu.memory_space<hbm>> -> memref<1x10112x64xf32, #tpu.memory_space<hbm>>
        %dma_wait3A_415 = tpu.memref_squeeze %dma_wait3A_414 : memref<1x10112x64xf32, #tpu.memory_space<hbm>> -> memref<10112x64xf32, #tpu.memory_space<hbm>>
        %dma_wait3A_416 = arith.constant 0 : i32
        %dma_wait3A_417 = arith.constant 0 : i32
        %dma_wait3A_418 = tpu.memref_slice %dma_wait3A_415[%dma_wait3A_416, %dma_wait3A_417] : memref<10112x64xf32, #tpu.memory_space<hbm>> -> memref<128x64xf32, #tpu.memory_space<hbm>>
        %dma_wait3A_419 = arith.constant 0 : i32
        %dma_wait3A_420 = arith.constant 0 : i32
        %dma_wait3A_421 = tpu.memref_slice %run_scoped3A[%dma_wait3A_406, %dma_wait3A_407, %dma_wait3A_419, %dma_wait3A_420] : memref<2x2x128x64xf32, #tpu.memory_space<vmem>> -> memref<1x1x128x64xf32, #tpu.memory_space<vmem>>
        %dma_wait3A_422 = tpu.memref_squeeze %dma_wait3A_421 : memref<1x1x128x64xf32, #tpu.memory_space<vmem>> -> memref<128x64xf32, #tpu.memory_space<vmem>>
        %dma_wait3A_423 = arith.constant 0 : i32
        %dma_wait3A_424 = arith.constant 0 : i32
        %dma_wait3A_425 = tpu.memref_slice %arg2[%arg0, %dma_wait3A_423, %dma_wait3A_424] : memref<2x10112x64xf32, #tpu.memory_space<hbm>> -> memref<1x10112x64xf32, #tpu.memory_space<hbm>>
        %dma_wait3A_426 = tpu.memref_squeeze %dma_wait3A_425 : memref<1x10112x64xf32, #tpu.memory_space<hbm>> -> memref<10112x64xf32, #tpu.memory_space<hbm>>
        %dma_wait3A_427 = arith.constant 0 : i32
        %dma_wait3A_428 = arith.constant 0 : i32
        %dma_wait3A_429 = tpu.memref_slice %dma_wait3A_426[%dma_wait3A_427, %dma_wait3A_428] : memref<10112x64xf32, #tpu.memory_space<hbm>> -> memref<128x64xf32, #tpu.memory_space<hbm>>
        tpu.wait_dma2 semaphore(%arg8 : memref<!tpu.dma_semaphore, #tpu.memory_space<semaphore_mem>>) src(%dma_wait3A_429 : memref<128x64xf32, #tpu.memory_space<hbm>>) dst(%dma_wait3A_422 : memref<128x64xf32, #tpu.memory_space<vmem>>)
        %dma_wait3A_430 = arith.constant 0 : i32
        %dma_wait3A_431 = arith.constant 1 : i32
        %dma_wait3A_432 = arith.constant 0 : i32
        %dma_wait3A_433 = arith.constant 0 : i32
        %dma_wait3A_434 = tpu.memref_slice %run_scoped3A[%dma_wait3A_430, %dma_wait3A_431, %dma_wait3A_432, %dma_wait3A_433] : memref<2x2x128x64xf32, #tpu.memory_space<vmem>> -> memref<1x1x128x64xf32, #tpu.memory_space<vmem>>
        %dma_wait3A_435 = tpu.memref_squeeze %dma_wait3A_434 : memref<1x1x128x64xf32, #tpu.memory_space<vmem>> -> memref<128x64xf32, #tpu.memory_space<vmem>>
        %dma_wait3A_436 = arith.constant 0 : i32
        %dma_wait3A_437 = arith.constant 0 : i32
        %dma_wait3A_438 = tpu.memref_slice %arg2[%arg0, %dma_wait3A_436, %dma_wait3A_437] : memref<2x10112x64xf32, #tpu.memory_space<hbm>> -> memref<1x10112x64xf32, #tpu.memory_space<hbm>>
        %dma_wait3A_439 = tpu.memref_squeeze %dma_wait3A_438 : memref<1x10112x64xf32, #tpu.memory_space<hbm>> -> memref<10112x64xf32, #tpu.memory_space<hbm>>
        %dma_wait3A_440 = arith.constant 0 : i32
        %dma_wait3A_441 = arith.constant 0 : i32
        %dma_wait3A_442 = tpu.memref_slice %dma_wait3A_439[%dma_wait3A_440, %dma_wait3A_441] : memref<10112x64xf32, #tpu.memory_space<hbm>> -> memref<128x64xf32, #tpu.memory_space<hbm>>
        %dma_wait3A_443 = arith.constant 0 : i32
        %dma_wait3A_444 = arith.constant 0 : i32
        %dma_wait3A_445 = tpu.memref_slice %run_scoped3A[%dma_wait3A_430, %dma_wait3A_431, %dma_wait3A_443, %dma_wait3A_444] : memref<2x2x128x64xf32, #tpu.memory_space<vmem>> -> memref<1x1x128x64xf32, #tpu.memory_space<vmem>>
        %dma_wait3A_446 = tpu.memref_squeeze %dma_wait3A_445 : memref<1x1x128x64xf32, #tpu.memory_space<vmem>> -> memref<128x64xf32, #tpu.memory_space<vmem>>
        %dma_wait3A_447 = arith.constant 0 : i32
        %dma_wait3A_448 = arith.constant 0 : i32
        %dma_wait3A_449 = tpu.memref_slice %arg2[%arg0, %dma_wait3A_447, %dma_wait3A_448] : memref<2x10112x64xf32, #tpu.memory_space<hbm>> -> memref<1x10112x64xf32, #tpu.memory_space<hbm>>
        %dma_wait3A_450 = tpu.memref_squeeze %dma_wait3A_449 : memref<1x10112x64xf32, #tpu.memory_space<hbm>> -> memref<10112x64xf32, #tpu.memory_space<hbm>>
        %dma_wait3A_451 = arith.constant 0 : i32
        %dma_wait3A_452 = arith.constant 0 : i32
        %dma_wait3A_453 = tpu.memref_slice %dma_wait3A_450[%dma_wait3A_451, %dma_wait3A_452] : memref<10112x64xf32, #tpu.memory_space<hbm>> -> memref<128x64xf32, #tpu.memory_space<hbm>>
        tpu.wait_dma2 semaphore(%arg8 : memref<!tpu.dma_semaphore, #tpu.memory_space<semaphore_mem>>) src(%dma_wait3A_453 : memref<128x64xf32, #tpu.memory_space<hbm>>) dst(%dma_wait3A_446 : memref<128x64xf32, #tpu.memory_space<vmem>>)
        %dma_wait3A_454 = arith.constant 0 : i32
        %dma_wait3A_455 = arith.constant 0 : i32
        %dma_wait3A_456 = arith.constant 0 : i32
        %dma_wait3A_457 = tpu.memref_slice %run_scoped3A_1[%dma_wait3A_454, %dma_wait3A_455, %dma_wait3A_456] : memref<2x2x128xi32, #tpu.memory_space<vmem>> -> memref<1x2x128xi32, #tpu.memory_space<vmem>>
        %dma_wait3A_458 = tpu.memref_squeeze %dma_wait3A_457 : memref<1x2x128xi32, #tpu.memory_space<vmem>> -> memref<2x128xi32, #tpu.memory_space<vmem>>
        %dma_wait3A_459 = arith.constant 0 : i32
        %dma_wait3A_460 = arith.constant 0 : i32
        %dma_wait3A_461 = tpu.memref_slice %arg3[%arg1, %dma_wait3A_459, %dma_wait3A_460] : memref<16x160x128xi32, #tpu.memory_space<hbm>> -> memref<1x2x128xi32, #tpu.memory_space<hbm>>
        %dma_wait3A_462 = tpu.memref_squeeze %dma_wait3A_461 : memref<1x2x128xi32, #tpu.memory_space<hbm>> -> memref<2x128xi32, #tpu.memory_space<hbm>>
        %dma_wait3A_463 = arith.constant 0 : i32
        %dma_wait3A_464 = arith.constant 0 : i32
        %dma_wait3A_465 = tpu.memref_slice %run_scoped3A_1[%dma_wait3A_454, %dma_wait3A_463, %dma_wait3A_464] : memref<2x2x128xi32, #tpu.memory_space<vmem>> -> memref<1x2x128xi32, #tpu.memory_space<vmem>>
        %dma_wait3A_466 = tpu.memref_squeeze %dma_wait3A_465 : memref<1x2x128xi32, #tpu.memory_space<vmem>> -> memref<2x128xi32, #tpu.memory_space<vmem>>
        %dma_wait3A_467 = arith.constant 0 : i32
        %dma_wait3A_468 = arith.constant 0 : i32
        %dma_wait3A_469 = tpu.memref_slice %arg3[%arg1, %dma_wait3A_467, %dma_wait3A_468] : memref<16x160x128xi32, #tpu.memory_space<hbm>> -> memref<1x2x128xi32, #tpu.memory_space<hbm>>
        %dma_wait3A_470 = tpu.memref_squeeze %dma_wait3A_469 : memref<1x2x128xi32, #tpu.memory_space<hbm>> -> memref<2x128xi32, #tpu.memory_space<hbm>>
        tpu.wait_dma2 semaphore(%arg13 : memref<!tpu.dma_semaphore, #tpu.memory_space<semaphore_mem>>) src(%dma_wait3A_470 : memref<2x128xi32, #tpu.memory_space<hbm>>) dst(%dma_wait3A_466 : memref<2x128xi32, #tpu.memory_space<vmem>>)
        %dma_start3A_471 = arith.constant 0 : i32
        %dma_start3A_472 = arith.constant 0 : i32
        %dma_start3A_473 = arith.constant 0 : i32
        %dma_start3A_474 = arith.constant 0 : i32
        %dma_start3A_475 = arith.constant 0 : i32
        %dma_start3A_476 = arith.constant 0 : i32
        %dma_start3A_477 = tpu.memref_slice %run_scoped3A[%dma_start3A_471, %dma_start3A_472, %dma_start3A_475, %dma_start3A_476] : memref<2x2x128x64xf32, #tpu.memory_space<vmem>> -> memref<1x1x128x64xf32, #tpu.memory_space<vmem>>
        %dma_start3A_478 = tpu.memref_squeeze %dma_start3A_477 : memref<1x1x128x64xf32, #tpu.memory_space<vmem>> -> memref<128x64xf32, #tpu.memory_space<vmem>>
        %dma_start3A_479 = arith.constant 0 : i32
        %dma_start3A_480 = tpu.memref_slice %run_scoped3A_1[%dma_start3A_473, %dma_start3A_474, %dma_start3A_479] : memref<2x2x128xi32, #tpu.memory_space<vmem>> -> memref<1x1x128xi32, #tpu.memory_space<vmem>>
        %dma_start3A_481 = tpu.memref_squeeze %dma_start3A_480 : memref<1x1x128xi32, #tpu.memory_space<vmem>> -> memref<128xi32, #tpu.memory_space<vmem>>
        %dma_start3A_482 = arith.constant 0 : i32
        %dma_start3A_483 = arith.constant 0 : i32
        %dma_start3A_484 = tpu.memref_slice %arg6[%dma_start3A_482, %dma_start3A_483] : memref<10112x64xf32, #tpu.memory_space<vmem_shared>> -> memref<10112x64xf32, #tpu.memory_space<vmem_shared>>
        tpu.enqueue_indirect_dma source(%dma_start3A_478 : memref<128x64xf32, #tpu.memory_space<vmem>>) target(%dma_start3A_484 : memref<10112x64xf32, #tpu.memory_space<vmem_shared>>) offsets(%dma_start3A_481 : memref<128xi32, #tpu.memory_space<vmem>>) semaphore(%arg10 : memref<!tpu.dma_semaphore, #tpu.memory_space<semaphore_mem>>) {add = true}
        %dma_start3A_485 = arith.constant 0 : i32
        %dma_start3A_486 = arith.constant 1 : i32
        %dma_start3A_487 = arith.constant 0 : i32
        %dma_start3A_488 = arith.constant 1 : i32
        %dma_start3A_489 = arith.constant 0 : i32
        %dma_start3A_490 = arith.constant 0 : i32
        %dma_start3A_491 = tpu.memref_slice %run_scoped3A[%dma_start3A_485, %dma_start3A_486, %dma_start3A_489, %dma_start3A_490] : memref<2x2x128x64xf32, #tpu.memory_space<vmem>> -> memref<1x1x128x64xf32, #tpu.memory_space<vmem>>
        %dma_start3A_492 = tpu.memref_squeeze %dma_start3A_491 : memref<1x1x128x64xf32, #tpu.memory_space<vmem>> -> memref<128x64xf32, #tpu.memory_space<vmem>>
        %dma_start3A_493 = arith.constant 0 : i32
        %dma_start3A_494 = tpu.memref_slice %run_scoped3A_1[%dma_start3A_487, %dma_start3A_488, %dma_start3A_493] : memref<2x2x128xi32, #tpu.memory_space<vmem>> -> memref<1x1x128xi32, #tpu.memory_space<vmem>>
        %dma_start3A_495 = tpu.memref_squeeze %dma_start3A_494 : memref<1x1x128xi32, #tpu.memory_space<vmem>> -> memref<128xi32, #tpu.memory_space<vmem>>
        %dma_start3A_496 = arith.constant 0 : i32
        %dma_start3A_497 = arith.constant 0 : i32
        %dma_start3A_498 = tpu.memref_slice %arg6[%dma_start3A_496, %dma_start3A_497] : memref<10112x64xf32, #tpu.memory_space<vmem_shared>> -> memref<10112x64xf32, #tpu.memory_space<vmem_shared>>
        tpu.enqueue_indirect_dma source(%dma_start3A_492 : memref<128x64xf32, #tpu.memory_space<vmem>>) target(%dma_start3A_498 : memref<10112x64xf32, #tpu.memory_space<vmem_shared>>) offsets(%dma_start3A_495 : memref<128xi32, #tpu.memory_space<vmem>>) semaphore(%arg10 : memref<!tpu.dma_semaphore, #tpu.memory_space<semaphore_mem>>) {add = true}
        %add3A_499 = arith.constant 1 : i32
        %add3A_500 = arith.addi %mul3A_403, %add3A_499 : i32
        %lt3A = arith.constant 80 : i32
        %lt3A_501 = arith.cmpi slt, %add3A_500, %lt3A : i32
        %convert_element_type3A_502 = arith.extui %lt3A_501 : i1 to i32
        %cond3A_503 = arith.constant 0 : i32
        %cond3A_504 = arith.cmpi ne, %convert_element_type3A_502, %cond3A_503 : i32
        scf.if %cond3A_504 {
          %add3A_628 = arith.constant 1 : i32
          %add3A_629 = arith.addi %mul3A_403, %add3A_628 : i32
          %mul3A_630 = arith.constant 2 : i32
          %mul3A_631 = arith.muli %add3A_629, %mul3A_630 : i32
          %dma_start3A_632 = arith.constant 1 : i32
          %dma_start3A_633 = arith.constant 0 : i32
          %dma_start3A_634 = arith.constant 0 : i32
          %dma_start3A_635 = tpu.memref_slice %run_scoped3A_1[%dma_start3A_632, %dma_start3A_633, %dma_start3A_634] : memref<2x2x128xi32, #tpu.memory_space<vmem>> -> memref<1x2x128xi32, #tpu.memory_space<vmem>>
          %dma_start3A_636 = tpu.memref_squeeze %dma_start3A_635 : memref<1x2x128xi32, #tpu.memory_space<vmem>> -> memref<2x128xi32, #tpu.memory_space<vmem>>
          %dma_start3A_637 = arith.constant 0 : i32
          %dma_start3A_638 = tpu.memref_slice %arg4[%arg1, %mul3A_631, %dma_start3A_637] : memref<16x160x128xi32, #tpu.memory_space<hbm>> -> memref<1x2x128xi32, #tpu.memory_space<hbm>>
          %dma_start3A_639 = tpu.memref_squeeze %dma_start3A_638 : memref<1x2x128xi32, #tpu.memory_space<hbm>> -> memref<2x128xi32, #tpu.memory_space<hbm>>
          %dma_start3A_640 = arith.constant 0 : i32
          %dma_start3A_641 = arith.constant 0 : i32
          %dma_start3A_642 = tpu.memref_slice %run_scoped3A_1[%dma_start3A_632, %dma_start3A_640, %dma_start3A_641] : memref<2x2x128xi32, #tpu.memory_space<vmem>> -> memref<1x2x128xi32, #tpu.memory_space<vmem>>
          %dma_start3A_643 = tpu.memref_squeeze %dma_start3A_642 : memref<1x2x128xi32, #tpu.memory_space<vmem>> -> memref<2x128xi32, #tpu.memory_space<vmem>>
          %dma_start3A_644 = arith.constant 0 : i32
          %dma_start3A_645 = tpu.memref_slice %arg4[%arg1, %mul3A_631, %dma_start3A_644] : memref<16x160x128xi32, #tpu.memory_space<hbm>> -> memref<1x2x128xi32, #tpu.memory_space<hbm>>
          %dma_start3A_646 = tpu.memref_squeeze %dma_start3A_645 : memref<1x2x128xi32, #tpu.memory_space<hbm>> -> memref<2x128xi32, #tpu.memory_space<hbm>>
          tpu.enqueue_dma source(%dma_start3A_646 : memref<2x128xi32, #tpu.memory_space<hbm>>) target(%dma_start3A_643 : memref<2x128xi32, #tpu.memory_space<vmem>>) target_semaphore(%arg13 : memref<!tpu.dma_semaphore, #tpu.memory_space<semaphore_mem>>)
          %dma_wait3A_647 = arith.constant 1 : i32
          %dma_wait3A_648 = arith.constant 0 : i32
          %dma_wait3A_649 = arith.constant 0 : i32
          %dma_wait3A_650 = tpu.memref_slice %run_scoped3A_0[%dma_wait3A_647, %dma_wait3A_648, %dma_wait3A_649] : memref<2x2x128xi32, #tpu.memory_space<vmem>> -> memref<1x2x128xi32, #tpu.memory_space<vmem>>
          %dma_wait3A_651 = tpu.memref_squeeze %dma_wait3A_650 : memref<1x2x128xi32, #tpu.memory_space<vmem>> -> memref<2x128xi32, #tpu.memory_space<vmem>>
          %dma_wait3A_652 = arith.constant 0 : i32
          %dma_wait3A_653 = arith.constant 0 : i32
          %dma_wait3A_654 = tpu.memref_slice %arg3[%arg1, %dma_wait3A_652, %dma_wait3A_653] : memref<16x160x128xi32, #tpu.memory_space<hbm>> -> memref<1x2x128xi32, #tpu.memory_space<hbm>>
          %dma_wait3A_655 = tpu.memref_squeeze %dma_wait3A_654 : memref<1x2x128xi32, #tpu.memory_space<hbm>> -> memref<2x128xi32, #tpu.memory_space<hbm>>
          %dma_wait3A_656 = arith.constant 0 : i32
          %dma_wait3A_657 = arith.constant 0 : i32
          %dma_wait3A_658 = tpu.memref_slice %run_scoped3A_0[%dma_wait3A_647, %dma_wait3A_656, %dma_wait3A_657] : memref<2x2x128xi32, #tpu.memory_space<vmem>> -> memref<1x2x128xi32, #tpu.memory_space<vmem>>
          %dma_wait3A_659 = tpu.memref_squeeze %dma_wait3A_658 : memref<1x2x128xi32, #tpu.memory_space<vmem>> -> memref<2x128xi32, #tpu.memory_space<vmem>>
          %dma_wait3A_660 = arith.constant 0 : i32
          %dma_wait3A_661 = arith.constant 0 : i32
          %dma_wait3A_662 = tpu.memref_slice %arg3[%arg1, %dma_wait3A_660, %dma_wait3A_661] : memref<16x160x128xi32, #tpu.memory_space<hbm>> -> memref<1x2x128xi32, #tpu.memory_space<hbm>>
          %dma_wait3A_663 = tpu.memref_squeeze %dma_wait3A_662 : memref<1x2x128xi32, #tpu.memory_space<hbm>> -> memref<2x128xi32, #tpu.memory_space<hbm>>
          tpu.wait_dma2 semaphore(%arg12 : memref<!tpu.dma_semaphore, #tpu.memory_space<semaphore_mem>>) src(%dma_wait3A_663 : memref<2x128xi32, #tpu.memory_space<hbm>>) dst(%dma_wait3A_659 : memref<2x128xi32, #tpu.memory_space<vmem>>)
          %add3A_664 = arith.constant 1 : i32
          %add3A_665 = arith.addi %mul3A_403, %add3A_664 : i32
          %dma_start3A_666 = arith.constant 1 : i32
          %dma_start3A_667 = arith.constant 0 : i32
          %dma_start3A_668 = arith.constant 1 : i32
          %dma_start3A_669 = arith.constant 0 : i32
          %dma_start3A_670 = arith.constant 0 : i32
          %dma_start3A_671 = arith.constant 0 : i32
          %dma_start3A_672 = tpu.memref_slice %run_scoped3A[%dma_start3A_668, %dma_start3A_669, %dma_start3A_670, %dma_start3A_671] : memref<2x2x128x64xf32, #tpu.memory_space<vmem>> -> memref<1x1x128x64xf32, #tpu.memory_space<vmem>>
          %dma_start3A_673 = tpu.memref_squeeze %dma_start3A_672 : memref<1x1x128x64xf32, #tpu.memory_space<vmem>> -> memref<128x64xf32, #tpu.memory_space<vmem>>
          %dma_start3A_674 = arith.constant 0 : i32
          %dma_start3A_675 = tpu.memref_slice %run_scoped3A_0[%dma_start3A_666, %dma_start3A_667, %dma_start3A_674] : memref<2x2x128xi32, #tpu.memory_space<vmem>> -> memref<1x1x128xi32, #tpu.memory_space<vmem>>
          %dma_start3A_676 = tpu.memref_squeeze %dma_start3A_675 : memref<1x1x128xi32, #tpu.memory_space<vmem>> -> memref<128xi32, #tpu.memory_space<vmem>>
          %dma_start3A_677 = arith.constant 0 : i32
          %dma_start3A_678 = arith.constant 0 : i32
          %dma_start3A_679 = tpu.memref_slice %arg7[%dma_start3A_677, %dma_start3A_678] : memref<10112x64xf32, #tpu.memory_space<vmem_shared>> -> memref<10112x64xf32, #tpu.memory_space<vmem_shared>>
          tpu.enqueue_indirect_dma source(%dma_start3A_679 : memref<10112x64xf32, #tpu.memory_space<vmem_shared>>) target(%dma_start3A_673 : memref<128x64xf32, #tpu.memory_space<vmem>>) offsets(%dma_start3A_676 : memref<128xi32, #tpu.memory_space<vmem>>) semaphore(%arg9 : memref<!tpu.dma_semaphore, #tpu.memory_space<semaphore_mem>>)
          %dma_start3A_680 = arith.constant 1 : i32
          %dma_start3A_681 = arith.constant 1 : i32
          %dma_start3A_682 = arith.constant 1 : i32
          %dma_start3A_683 = arith.constant 1 : i32
          %dma_start3A_684 = arith.constant 0 : i32
          %dma_start3A_685 = arith.constant 0 : i32
          %dma_start3A_686 = tpu.memref_slice %run_scoped3A[%dma_start3A_682, %dma_start3A_683, %dma_start3A_684, %dma_start3A_685] : memref<2x2x128x64xf32, #tpu.memory_space<vmem>> -> memref<1x1x128x64xf32, #tpu.memory_space<vmem>>
          %dma_start3A_687 = tpu.memref_squeeze %dma_start3A_686 : memref<1x1x128x64xf32, #tpu.memory_space<vmem>> -> memref<128x64xf32, #tpu.memory_space<vmem>>
          %dma_start3A_688 = arith.constant 0 : i32
          %dma_start3A_689 = tpu.memref_slice %run_scoped3A_0[%dma_start3A_680, %dma_start3A_681, %dma_start3A_688] : memref<2x2x128xi32, #tpu.memory_space<vmem>> -> memref<1x1x128xi32, #tpu.memory_space<vmem>>
          %dma_start3A_690 = tpu.memref_squeeze %dma_start3A_689 : memref<1x1x128xi32, #tpu.memory_space<vmem>> -> memref<128xi32, #tpu.memory_space<vmem>>
          %dma_start3A_691 = arith.constant 0 : i32
          %dma_start3A_692 = arith.constant 0 : i32
          %dma_start3A_693 = tpu.memref_slice %arg7[%dma_start3A_691, %dma_start3A_692] : memref<10112x64xf32, #tpu.memory_space<vmem_shared>> -> memref<10112x64xf32, #tpu.memory_space<vmem_shared>>
          tpu.enqueue_indirect_dma source(%dma_start3A_693 : memref<10112x64xf32, #tpu.memory_space<vmem_shared>>) target(%dma_start3A_687 : memref<128x64xf32, #tpu.memory_space<vmem>>) offsets(%dma_start3A_690 : memref<128xi32, #tpu.memory_space<vmem>>) semaphore(%arg9 : memref<!tpu.dma_semaphore, #tpu.memory_space<semaphore_mem>>)
        } else {
        }
        %add3A_505 = arith.constant 2 : i32
        %add3A_506 = arith.addi %mul3A_403, %add3A_505 : i32
        %lt3A_507 = arith.constant 80 : i32
        %lt3A_508 = arith.cmpi slt, %add3A_506, %lt3A_507 : i32
        %convert_element_type3A_509 = arith.extui %lt3A_508 : i1 to i32
        %cond3A_510 = arith.constant 0 : i32
        %cond3A_511 = arith.cmpi ne, %convert_element_type3A_509, %cond3A_510 : i32
        scf.if %cond3A_511 {
          %add3A_628 = arith.constant 2 : i32
          %add3A_629 = arith.addi %mul3A_403, %add3A_628 : i32
          %mul3A_630 = arith.constant 2 : i32
          %mul3A_631 = arith.muli %add3A_629, %mul3A_630 : i32
          %dma_start3A_632 = arith.constant 0 : i32
          %dma_start3A_633 = arith.constant 0 : i32
          %dma_start3A_634 = arith.constant 0 : i32
          %dma_start3A_635 = tpu.memref_slice %run_scoped3A_0[%dma_start3A_632, %dma_start3A_633, %dma_start3A_634] : memref<2x2x128xi32, #tpu.memory_space<vmem>> -> memref<1x2x128xi32, #tpu.memory_space<vmem>>
          %dma_start3A_636 = tpu.memref_squeeze %dma_start3A_635 : memref<1x2x128xi32, #tpu.memory_space<vmem>> -> memref<2x128xi32, #tpu.memory_space<vmem>>
          %dma_start3A_637 = arith.constant 0 : i32
          %dma_start3A_638 = tpu.memref_slice %arg3[%arg1, %mul3A_631, %dma_start3A_637] : memref<16x160x128xi32, #tpu.memory_space<hbm>> -> memref<1x2x128xi32, #tpu.memory_space<hbm>>
          %dma_start3A_639 = tpu.memref_squeeze %dma_start3A_638 : memref<1x2x128xi32, #tpu.memory_space<hbm>> -> memref<2x128xi32, #tpu.memory_space<hbm>>
          %dma_start3A_640 = arith.constant 0 : i32
          %dma_start3A_641 = arith.constant 0 : i32
          %dma_start3A_642 = tpu.memref_slice %run_scoped3A_0[%dma_start3A_632, %dma_start3A_640, %dma_start3A_641] : memref<2x2x128xi32, #tpu.memory_space<vmem>> -> memref<1x2x128xi32, #tpu.memory_space<vmem>>
          %dma_start3A_643 = tpu.memref_squeeze %dma_start3A_642 : memref<1x2x128xi32, #tpu.memory_space<vmem>> -> memref<2x128xi32, #tpu.memory_space<vmem>>
          %dma_start3A_644 = arith.constant 0 : i32
          %dma_start3A_645 = tpu.memref_slice %arg3[%arg1, %mul3A_631, %dma_start3A_644] : memref<16x160x128xi32, #tpu.memory_space<hbm>> -> memref<1x2x128xi32, #tpu.memory_space<hbm>>
          %dma_start3A_646 = tpu.memref_squeeze %dma_start3A_645 : memref<1x2x128xi32, #tpu.memory_space<hbm>> -> memref<2x128xi32, #tpu.memory_space<hbm>>
          tpu.enqueue_dma source(%dma_start3A_646 : memref<2x128xi32, #tpu.memory_space<hbm>>) target(%dma_start3A_643 : memref<2x128xi32, #tpu.memory_space<vmem>>) target_semaphore(%arg12 : memref<!tpu.dma_semaphore, #tpu.memory_space<semaphore_mem>>)
        } else {
        }
        %mul3A_512 = arith.constant 2 : i32
        %mul3A_513 = arith.muli %mul3A_512, %scan3A_401 : i32
        %add3A_514 = arith.constant 1 : i32
        %add3A_515 = arith.addi %mul3A_513, %add3A_514 : i32
        %ge3A_516 = arith.constant 1 : i32
        %ge3A_517 = arith.cmpi sge, %add3A_515, %ge3A_516 : i32
        %convert_element_type3A_518 = arith.extui %ge3A_517 : i1 to i32
        %cond3A_519 = arith.constant 0 : i32
        %cond3A_520 = arith.cmpi ne, %convert_element_type3A_518, %cond3A_519 : i32
        scf.if %cond3A_520 {
          %dma_wait3A_628 = arith.constant 0 : i32
          %dma_wait3A_629 = arith.constant 0 : i32
          %dma_wait3A_630 = arith.constant 0 : i32
          %dma_wait3A_631 = arith.constant 0 : i32
          %dma_wait3A_632 = tpu.memref_slice %run_scoped3A[%dma_wait3A_628, %dma_wait3A_629, %dma_wait3A_630, %dma_wait3A_631] : memref<2x2x128x64xf32, #tpu.memory_space<vmem>> -> memref<1x1x128x64xf32, #tpu.memory_space<vmem>>
          %dma_wait3A_633 = tpu.memref_squeeze %dma_wait3A_632 : memref<1x1x128x64xf32, #tpu.memory_space<vmem>> -> memref<128x64xf32, #tpu.memory_space<vmem>>
          %dma_wait3A_634 = arith.constant 0 : i32
          %dma_wait3A_635 = arith.constant 0 : i32
          %dma_wait3A_636 = tpu.memref_slice %arg2[%arg0, %dma_wait3A_634, %dma_wait3A_635] : memref<2x10112x64xf32, #tpu.memory_space<hbm>> -> memref<1x10112x64xf32, #tpu.memory_space<hbm>>
          %dma_wait3A_637 = tpu.memref_squeeze %dma_wait3A_636 : memref<1x10112x64xf32, #tpu.memory_space<hbm>> -> memref<10112x64xf32, #tpu.memory_space<hbm>>
          %dma_wait3A_638 = arith.constant 0 : i32
          %dma_wait3A_639 = arith.constant 0 : i32
          %dma_wait3A_640 = tpu.memref_slice %dma_wait3A_637[%dma_wait3A_638, %dma_wait3A_639] : memref<10112x64xf32, #tpu.memory_space<hbm>> -> memref<128x64xf32, #tpu.memory_space<hbm>>
          %dma_wait3A_641 = arith.constant 0 : i32
          %dma_wait3A_642 = arith.constant 0 : i32
          %dma_wait3A_643 = tpu.memref_slice %run_scoped3A[%dma_wait3A_628, %dma_wait3A_629, %dma_wait3A_641, %dma_wait3A_642] : memref<2x2x128x64xf32, #tpu.memory_space<vmem>> -> memref<1x1x128x64xf32, #tpu.memory_space<vmem>>
          %dma_wait3A_644 = tpu.memref_squeeze %dma_wait3A_643 : memref<1x1x128x64xf32, #tpu.memory_space<vmem>> -> memref<128x64xf32, #tpu.memory_space<vmem>>
          %dma_wait3A_645 = arith.constant 0 : i32
          %dma_wait3A_646 = arith.constant 0 : i32
          %dma_wait3A_647 = tpu.memref_slice %arg2[%arg0, %dma_wait3A_645, %dma_wait3A_646] : memref<2x10112x64xf32, #tpu.memory_space<hbm>> -> memref<1x10112x64xf32, #tpu.memory_space<hbm>>
          %dma_wait3A_648 = tpu.memref_squeeze %dma_wait3A_647 : memref<1x10112x64xf32, #tpu.memory_space<hbm>> -> memref<10112x64xf32, #tpu.memory_space<hbm>>
          %dma_wait3A_649 = arith.constant 0 : i32
          %dma_wait3A_650 = arith.constant 0 : i32
          %dma_wait3A_651 = tpu.memref_slice %dma_wait3A_648[%dma_wait3A_649, %dma_wait3A_650] : memref<10112x64xf32, #tpu.memory_space<hbm>> -> memref<128x64xf32, #tpu.memory_space<hbm>>
          tpu.wait_dma2 semaphore(%arg10 : memref<!tpu.dma_semaphore, #tpu.memory_space<semaphore_mem>>) src(%dma_wait3A_651 : memref<128x64xf32, #tpu.memory_space<hbm>>) dst(%dma_wait3A_644 : memref<128x64xf32, #tpu.memory_space<vmem>>)
          %dma_wait3A_652 = arith.constant 0 : i32
          %dma_wait3A_653 = arith.constant 1 : i32
          %dma_wait3A_654 = arith.constant 0 : i32
          %dma_wait3A_655 = arith.constant 0 : i32
          %dma_wait3A_656 = tpu.memref_slice %run_scoped3A[%dma_wait3A_652, %dma_wait3A_653, %dma_wait3A_654, %dma_wait3A_655] : memref<2x2x128x64xf32, #tpu.memory_space<vmem>> -> memref<1x1x128x64xf32, #tpu.memory_space<vmem>>
          %dma_wait3A_657 = tpu.memref_squeeze %dma_wait3A_656 : memref<1x1x128x64xf32, #tpu.memory_space<vmem>> -> memref<128x64xf32, #tpu.memory_space<vmem>>
          %dma_wait3A_658 = arith.constant 0 : i32
          %dma_wait3A_659 = arith.constant 0 : i32
          %dma_wait3A_660 = tpu.memref_slice %arg2[%arg0, %dma_wait3A_658, %dma_wait3A_659] : memref<2x10112x64xf32, #tpu.memory_space<hbm>> -> memref<1x10112x64xf32, #tpu.memory_space<hbm>>
          %dma_wait3A_661 = tpu.memref_squeeze %dma_wait3A_660 : memref<1x10112x64xf32, #tpu.memory_space<hbm>> -> memref<10112x64xf32, #tpu.memory_space<hbm>>
          %dma_wait3A_662 = arith.constant 0 : i32
          %dma_wait3A_663 = arith.constant 0 : i32
          %dma_wait3A_664 = tpu.memref_slice %dma_wait3A_661[%dma_wait3A_662, %dma_wait3A_663] : memref<10112x64xf32, #tpu.memory_space<hbm>> -> memref<128x64xf32, #tpu.memory_space<hbm>>
          %dma_wait3A_665 = arith.constant 0 : i32
          %dma_wait3A_666 = arith.constant 0 : i32
          %dma_wait3A_667 = tpu.memref_slice %run_scoped3A[%dma_wait3A_652, %dma_wait3A_653, %dma_wait3A_665, %dma_wait3A_666] : memref<2x2x128x64xf32, #tpu.memory_space<vmem>> -> memref<1x1x128x64xf32, #tpu.memory_space<vmem>>
          %dma_wait3A_668 = tpu.memref_squeeze %dma_wait3A_667 : memref<1x1x128x64xf32, #tpu.memory_space<vmem>> -> memref<128x64xf32, #tpu.memory_space<vmem>>
          %dma_wait3A_669 = arith.constant 0 : i32
          %dma_wait3A_670 = arith.constant 0 : i32
          %dma_wait3A_671 = tpu.memref_slice %arg2[%arg0, %dma_wait3A_669, %dma_wait3A_670] : memref<2x10112x64xf32, #tpu.memory_space<hbm>> -> memref<1x10112x64xf32, #tpu.memory_space<hbm>>
          %dma_wait3A_672 = tpu.memref_squeeze %dma_wait3A_671 : memref<1x10112x64xf32, #tpu.memory_space<hbm>> -> memref<10112x64xf32, #tpu.memory_space<hbm>>
          %dma_wait3A_673 = arith.constant 0 : i32
          %dma_wait3A_674 = arith.constant 0 : i32
          %dma_wait3A_675 = tpu.memref_slice %dma_wait3A_672[%dma_wait3A_673, %dma_wait3A_674] : memref<10112x64xf32, #tpu.memory_space<hbm>> -> memref<128x64xf32, #tpu.memory_space<hbm>>
          tpu.wait_dma2 semaphore(%arg10 : memref<!tpu.dma_semaphore, #tpu.memory_space<semaphore_mem>>) src(%dma_wait3A_675 : memref<128x64xf32, #tpu.memory_space<hbm>>) dst(%dma_wait3A_668 : memref<128x64xf32, #tpu.memory_space<vmem>>)
        } else {
        }
        %dma_wait3A_521 = arith.constant 1 : i32
        %dma_wait3A_522 = arith.constant 0 : i32
        %dma_wait3A_523 = arith.constant 0 : i32
        %dma_wait3A_524 = arith.constant 0 : i32
        %dma_wait3A_525 = tpu.memref_slice %run_scoped3A[%dma_wait3A_521, %dma_wait3A_522, %dma_wait3A_523, %dma_wait3A_524] : memref<2x2x128x64xf32, #tpu.memory_space<vmem>> -> memref<1x1x128x64xf32, #tpu.memory_space<vmem>>
        %dma_wait3A_526 = tpu.memref_squeeze %dma_wait3A_525 : memref<1x1x128x64xf32, #tpu.memory_space<vmem>> -> memref<128x64xf32, #tpu.memory_space<vmem>>
        %dma_wait3A_527 = arith.constant 0 : i32
        %dma_wait3A_528 = arith.constant 0 : i32
        %dma_wait3A_529 = tpu.memref_slice %arg2[%arg0, %dma_wait3A_527, %dma_wait3A_528] : memref<2x10112x64xf32, #tpu.memory_space<hbm>> -> memref<1x10112x64xf32, #tpu.memory_space<hbm>>
        %dma_wait3A_530 = tpu.memref_squeeze %dma_wait3A_529 : memref<1x10112x64xf32, #tpu.memory_space<hbm>> -> memref<10112x64xf32, #tpu.memory_space<hbm>>
        %dma_wait3A_531 = arith.constant 0 : i32
        %dma_wait3A_532 = arith.constant 0 : i32
        %dma_wait3A_533 = tpu.memref_slice %dma_wait3A_530[%dma_wait3A_531, %dma_wait3A_532] : memref<10112x64xf32, #tpu.memory_space<hbm>> -> memref<128x64xf32, #tpu.memory_space<hbm>>
        %dma_wait3A_534 = arith.constant 0 : i32
        %dma_wait3A_535 = arith.constant 0 : i32
        %dma_wait3A_536 = tpu.memref_slice %run_scoped3A[%dma_wait3A_521, %dma_wait3A_522, %dma_wait3A_534, %dma_wait3A_535] : memref<2x2x128x64xf32, #tpu.memory_space<vmem>> -> memref<1x1x128x64xf32, #tpu.memory_space<vmem>>
        %dma_wait3A_537 = tpu.memref_squeeze %dma_wait3A_536 : memref<1x1x128x64xf32, #tpu.memory_space<vmem>> -> memref<128x64xf32, #tpu.memory_space<vmem>>
        %dma_wait3A_538 = arith.constant 0 : i32
        %dma_wait3A_539 = arith.constant 0 : i32
        %dma_wait3A_540 = tpu.memref_slice %arg2[%arg0, %dma_wait3A_538, %dma_wait3A_539] : memref<2x10112x64xf32, #tpu.memory_space<hbm>> -> memref<1x10112x64xf32, #tpu.memory_space<hbm>>
        %dma_wait3A_541 = tpu.memref_squeeze %dma_wait3A_540 : memref<1x10112x64xf32, #tpu.memory_space<hbm>> -> memref<10112x64xf32, #tpu.memory_space<hbm>>
        %dma_wait3A_542 = arith.constant 0 : i32
        %dma_wait3A_543 = arith.constant 0 : i32
        %dma_wait3A_544 = tpu.memref_slice %dma_wait3A_541[%dma_wait3A_542, %dma_wait3A_543] : memref<10112x64xf32, #tpu.memory_space<hbm>> -> memref<128x64xf32, #tpu.memory_space<hbm>>
        tpu.wait_dma2 semaphore(%arg9 : memref<!tpu.dma_semaphore, #tpu.memory_space<semaphore_mem>>) src(%dma_wait3A_544 : memref<128x64xf32, #tpu.memory_space<hbm>>) dst(%dma_wait3A_537 : memref<128x64xf32, #tpu.memory_space<vmem>>)
        %dma_wait3A_545 = arith.constant 1 : i32
        %dma_wait3A_546 = arith.constant 1 : i32
        %dma_wait3A_547 = arith.constant 0 : i32
        %dma_wait3A_548 = arith.constant 0 : i32
        %dma_wait3A_549 = tpu.memref_slice %run_scoped3A[%dma_wait3A_545, %dma_wait3A_546, %dma_wait3A_547, %dma_wait3A_548] : memref<2x2x128x64xf32, #tpu.memory_space<vmem>> -> memref<1x1x128x64xf32, #tpu.memory_space<vmem>>
        %dma_wait3A_550 = tpu.memref_squeeze %dma_wait3A_549 : memref<1x1x128x64xf32, #tpu.memory_space<vmem>> -> memref<128x64xf32, #tpu.memory_space<vmem>>
        %dma_wait3A_551 = arith.constant 0 : i32
        %dma_wait3A_552 = arith.constant 0 : i32
        %dma_wait3A_553 = tpu.memref_slice %arg2[%arg0, %dma_wait3A_551, %dma_wait3A_552] : memref<2x10112x64xf32, #tpu.memory_space<hbm>> -> memref<1x10112x64xf32, #tpu.memory_space<hbm>>
        %dma_wait3A_554 = tpu.memref_squeeze %dma_wait3A_553 : memref<1x10112x64xf32, #tpu.memory_space<hbm>> -> memref<10112x64xf32, #tpu.memory_space<hbm>>
        %dma_wait3A_555 = arith.constant 0 : i32
        %dma_wait3A_556 = arith.constant 0 : i32
        %dma_wait3A_557 = tpu.memref_slice %dma_wait3A_554[%dma_wait3A_555, %dma_wait3A_556] : memref<10112x64xf32, #tpu.memory_space<hbm>> -> memref<128x64xf32, #tpu.memory_space<hbm>>
        %dma_wait3A_558 = arith.constant 0 : i32
        %dma_wait3A_559 = arith.constant 0 : i32
        %dma_wait3A_560 = tpu.memref_slice %run_scoped3A[%dma_wait3A_545, %dma_wait3A_546, %dma_wait3A_558, %dma_wait3A_559] : memref<2x2x128x64xf32, #tpu.memory_space<vmem>> -> memref<1x1x128x64xf32, #tpu.memory_space<vmem>>
        %dma_wait3A_561 = tpu.memref_squeeze %dma_wait3A_560 : memref<1x1x128x64xf32, #tpu.memory_space<vmem>> -> memref<128x64xf32, #tpu.memory_space<vmem>>
        %dma_wait3A_562 = arith.constant 0 : i32
        %dma_wait3A_563 = arith.constant 0 : i32
        %dma_wait3A_564 = tpu.memref_slice %arg2[%arg0, %dma_wait3A_562, %dma_wait3A_563] : memref<2x10112x64xf32, #tpu.memory_space<hbm>> -> memref<1x10112x64xf32, #tpu.memory_space<hbm>>
        %dma_wait3A_565 = tpu.memref_squeeze %dma_wait3A_564 : memref<1x10112x64xf32, #tpu.memory_space<hbm>> -> memref<10112x64xf32, #tpu.memory_space<hbm>>
        %dma_wait3A_566 = arith.constant 0 : i32
        %dma_wait3A_567 = arith.constant 0 : i32
        %dma_wait3A_568 = tpu.memref_slice %dma_wait3A_565[%dma_wait3A_566, %dma_wait3A_567] : memref<10112x64xf32, #tpu.memory_space<hbm>> -> memref<128x64xf32, #tpu.memory_space<hbm>>
        tpu.wait_dma2 semaphore(%arg9 : memref<!tpu.dma_semaphore, #tpu.memory_space<semaphore_mem>>) src(%dma_wait3A_568 : memref<128x64xf32, #tpu.memory_space<hbm>>) dst(%dma_wait3A_561 : memref<128x64xf32, #tpu.memory_space<vmem>>)
        %dma_wait3A_569 = arith.constant 1 : i32
        %dma_wait3A_570 = arith.constant 0 : i32
        %dma_wait3A_571 = arith.constant 0 : i32
        %dma_wait3A_572 = tpu.memref_slice %run_scoped3A_1[%dma_wait3A_569, %dma_wait3A_570, %dma_wait3A_571] : memref<2x2x128xi32, #tpu.memory_space<vmem>> -> memref<1x2x128xi32, #tpu.memory_space<vmem>>
        %dma_wait3A_573 = tpu.memref_squeeze %dma_wait3A_572 : memref<1x2x128xi32, #tpu.memory_space<vmem>> -> memref<2x128xi32, #tpu.memory_space<vmem>>
        %dma_wait3A_574 = arith.constant 0 : i32
        %dma_wait3A_575 = arith.constant 0 : i32
        %dma_wait3A_576 = tpu.memref_slice %arg3[%arg1, %dma_wait3A_574, %dma_wait3A_575] : memref<16x160x128xi32, #tpu.memory_space<hbm>> -> memref<1x2x128xi32, #tpu.memory_space<hbm>>
        %dma_wait3A_577 = tpu.memref_squeeze %dma_wait3A_576 : memref<1x2x128xi32, #tpu.memory_space<hbm>> -> memref<2x128xi32, #tpu.memory_space<hbm>>
        %dma_wait3A_578 = arith.constant 0 : i32
        %dma_wait3A_579 = arith.constant 0 : i32
        %dma_wait3A_580 = tpu.memref_slice %run_scoped3A_1[%dma_wait3A_569, %dma_wait3A_578, %dma_wait3A_579] : memref<2x2x128xi32, #tpu.memory_space<vmem>> -> memref<1x2x128xi32, #tpu.memory_space<vmem>>
        %dma_wait3A_581 = tpu.memref_squeeze %dma_wait3A_580 : memref<1x2x128xi32, #tpu.memory_space<vmem>> -> memref<2x128xi32, #tpu.memory_space<vmem>>
        %dma_wait3A_582 = arith.constant 0 : i32
        %dma_wait3A_583 = arith.constant 0 : i32
        %dma_wait3A_584 = tpu.memref_slice %arg3[%arg1, %dma_wait3A_582, %dma_wait3A_583] : memref<16x160x128xi32, #tpu.memory_space<hbm>> -> memref<1x2x128xi32, #tpu.memory_space<hbm>>
        %dma_wait3A_585 = tpu.memref_squeeze %dma_wait3A_584 : memref<1x2x128xi32, #tpu.memory_space<hbm>> -> memref<2x128xi32, #tpu.memory_space<hbm>>
        tpu.wait_dma2 semaphore(%arg13 : memref<!tpu.dma_semaphore, #tpu.memory_space<semaphore_mem>>) src(%dma_wait3A_585 : memref<2x128xi32, #tpu.memory_space<hbm>>) dst(%dma_wait3A_581 : memref<2x128xi32, #tpu.memory_space<vmem>>)
        %dma_start3A_586 = arith.constant 1 : i32
        %dma_start3A_587 = arith.constant 0 : i32
        %dma_start3A_588 = arith.constant 1 : i32
        %dma_start3A_589 = arith.constant 0 : i32
        %dma_start3A_590 = arith.constant 0 : i32
        %dma_start3A_591 = arith.constant 0 : i32
        %dma_start3A_592 = tpu.memref_slice %run_scoped3A[%dma_start3A_586, %dma_start3A_587, %dma_start3A_590, %dma_start3A_591] : memref<2x2x128x64xf32, #tpu.memory_space<vmem>> -> memref<1x1x128x64xf32, #tpu.memory_space<vmem>>
        %dma_start3A_593 = tpu.memref_squeeze %dma_start3A_592 : memref<1x1x128x64xf32, #tpu.memory_space<vmem>> -> memref<128x64xf32, #tpu.memory_space<vmem>>
        %dma_start3A_594 = arith.constant 0 : i32
        %dma_start3A_595 = tpu.memref_slice %run_scoped3A_1[%dma_start3A_588, %dma_start3A_589, %dma_start3A_594] : memref<2x2x128xi32, #tpu.memory_space<vmem>> -> memref<1x1x128xi32, #tpu.memory_space<vmem>>
        %dma_start3A_596 = tpu.memref_squeeze %dma_start3A_595 : memref<1x1x128xi32, #tpu.memory_space<vmem>> -> memref<128xi32, #tpu.memory_space<vmem>>
        %dma_start3A_597 = arith.constant 0 : i32
        %dma_start3A_598 = arith.constant 0 : i32
        %dma_start3A_599 = tpu.memref_slice %arg6[%dma_start3A_597, %dma_start3A_598] : memref<10112x64xf32, #tpu.memory_space<vmem_shared>> -> memref<10112x64xf32, #tpu.memory_space<vmem_shared>>
        tpu.enqueue_indirect_dma source(%dma_start3A_593 : memref<128x64xf32, #tpu.memory_space<vmem>>) target(%dma_start3A_599 : memref<10112x64xf32, #tpu.memory_space<vmem_shared>>) offsets(%dma_start3A_596 : memref<128xi32, #tpu.memory_space<vmem>>) semaphore(%arg11 : memref<!tpu.dma_semaphore, #tpu.memory_space<semaphore_mem>>) {add = true}
        %dma_start3A_600 = arith.constant 1 : i32
        %dma_start3A_601 = arith.constant 1 : i32
        %dma_start3A_602 = arith.constant 1 : i32
        %dma_start3A_603 = arith.constant 1 : i32
        %dma_start3A_604 = arith.constant 0 : i32
        %dma_start3A_605 = arith.constant 0 : i32
        %dma_start3A_606 = tpu.memref_slice %run_scoped3A[%dma_start3A_600, %dma_start3A_601, %dma_start3A_604, %dma_start3A_605] : memref<2x2x128x64xf32, #tpu.memory_space<vmem>> -> memref<1x1x128x64xf32, #tpu.memory_space<vmem>>
        %dma_start3A_607 = tpu.memref_squeeze %dma_start3A_606 : memref<1x1x128x64xf32, #tpu.memory_space<vmem>> -> memref<128x64xf32, #tpu.memory_space<vmem>>
        %dma_start3A_608 = arith.constant 0 : i32
        %dma_start3A_609 = tpu.memref_slice %run_scoped3A_1[%dma_start3A_602, %dma_start3A_603, %dma_start3A_608] : memref<2x2x128xi32, #tpu.memory_space<vmem>> -> memref<1x1x128xi32, #tpu.memory_space<vmem>>
        %dma_start3A_610 = tpu.memref_squeeze %dma_start3A_609 : memref<1x1x128xi32, #tpu.memory_space<vmem>> -> memref<128xi32, #tpu.memory_space<vmem>>
        %dma_start3A_611 = arith.constant 0 : i32
        %dma_start3A_612 = arith.constant 0 : i32
        %dma_start3A_613 = tpu.memref_slice %arg6[%dma_start3A_611, %dma_start3A_612] : memref<10112x64xf32, #tpu.memory_space<vmem_shared>> -> memref<10112x64xf32, #tpu.memory_space<vmem_shared>>
        tpu.enqueue_indirect_dma source(%dma_start3A_607 : memref<128x64xf32, #tpu.memory_space<vmem>>) target(%dma_start3A_613 : memref<10112x64xf32, #tpu.memory_space<vmem_shared>>) offsets(%dma_start3A_610 : memref<128xi32, #tpu.memory_space<vmem>>) semaphore(%arg11 : memref<!tpu.dma_semaphore, #tpu.memory_space<semaphore_mem>>) {add = true}
        %add3A_614 = arith.constant 1 : i32
        %add3A_615 = arith.addi %add3A_515, %add3A_614 : i32
        %lt3A_616 = arith.constant 80 : i32
        %lt3A_617 = arith.cmpi slt, %add3A_615, %lt3A_616 : i32
        %convert_element_type3A_618 = arith.extui %lt3A_617 : i1 to i32
        %cond3A_619 = arith.constant 0 : i32
        %cond3A_620 = arith.cmpi ne, %convert_element_type3A_618, %cond3A_619 : i32
        scf.if %cond3A_620 {
          %add3A_628 = arith.constant 1 : i32
          %add3A_629 = arith.addi %add3A_515, %add3A_628 : i32
          %mul3A_630 = arith.constant 2 : i32
          %mul3A_631 = arith.muli %add3A_629, %mul3A_630 : i32
          %dma_start3A_632 = arith.constant 0 : i32
          %dma_start3A_633 = arith.constant 0 : i32
          %dma_start3A_634 = arith.constant 0 : i32
          %dma_start3A_635 = tpu.memref_slice %run_scoped3A_1[%dma_start3A_632, %dma_start3A_633, %dma_start3A_634] : memref<2x2x128xi32, #tpu.memory_space<vmem>> -> memref<1x2x128xi32, #tpu.memory_space<vmem>>
          %dma_start3A_636 = tpu.memref_squeeze %dma_start3A_635 : memref<1x2x128xi32, #tpu.memory_space<vmem>> -> memref<2x128xi32, #tpu.memory_space<vmem>>
          %dma_start3A_637 = arith.constant 0 : i32
          %dma_start3A_638 = tpu.memref_slice %arg4[%arg1, %mul3A_631, %dma_start3A_637] : memref<16x160x128xi32, #tpu.memory_space<hbm>> -> memref<1x2x128xi32, #tpu.memory_space<hbm>>
          %dma_start3A_639 = tpu.memref_squeeze %dma_start3A_638 : memref<1x2x128xi32, #tpu.memory_space<hbm>> -> memref<2x128xi32, #tpu.memory_space<hbm>>
          %dma_start3A_640 = arith.constant 0 : i32
          %dma_start3A_641 = arith.constant 0 : i32
          %dma_start3A_642 = tpu.memref_slice %run_scoped3A_1[%dma_start3A_632, %dma_start3A_640, %dma_start3A_641] : memref<2x2x128xi32, #tpu.memory_space<vmem>> -> memref<1x2x128xi32, #tpu.memory_space<vmem>>
          %dma_start3A_643 = tpu.memref_squeeze %dma_start3A_642 : memref<1x2x128xi32, #tpu.memory_space<vmem>> -> memref<2x128xi32, #tpu.memory_space<vmem>>
          %dma_start3A_644 = arith.constant 0 : i32
          %dma_start3A_645 = tpu.memref_slice %arg4[%arg1, %mul3A_631, %dma_start3A_644] : memref<16x160x128xi32, #tpu.memory_space<hbm>> -> memref<1x2x128xi32, #tpu.memory_space<hbm>>
          %dma_start3A_646 = tpu.memref_squeeze %dma_start3A_645 : memref<1x2x128xi32, #tpu.memory_space<hbm>> -> memref<2x128xi32, #tpu.memory_space<hbm>>
          tpu.enqueue_dma source(%dma_start3A_646 : memref<2x128xi32, #tpu.memory_space<hbm>>) target(%dma_start3A_643 : memref<2x128xi32, #tpu.memory_space<vmem>>) target_semaphore(%arg13 : memref<!tpu.dma_semaphore, #tpu.memory_space<semaphore_mem>>)
          %dma_wait3A_647 = arith.constant 0 : i32
          %dma_wait3A_648 = arith.constant 0 : i32
          %dma_wait3A_649 = arith.constant 0 : i32
          %dma_wait3A_650 = tpu.memref_slice %run_scoped3A_0[%dma_wait3A_647, %dma_wait3A_648, %dma_wait3A_649] : memref<2x2x128xi32, #tpu.memory_space<vmem>> -> memref<1x2x128xi32, #tpu.memory_space<vmem>>
          %dma_wait3A_651 = tpu.memref_squeeze %dma_wait3A_650 : memref<1x2x128xi32, #tpu.memory_space<vmem>> -> memref<2x128xi32, #tpu.memory_space<vmem>>
          %dma_wait3A_652 = arith.constant 0 : i32
          %dma_wait3A_653 = arith.constant 0 : i32
          %dma_wait3A_654 = tpu.memref_slice %arg3[%arg1, %dma_wait3A_652, %dma_wait3A_653] : memref<16x160x128xi32, #tpu.memory_space<hbm>> -> memref<1x2x128xi32, #tpu.memory_space<hbm>>
          %dma_wait3A_655 = tpu.memref_squeeze %dma_wait3A_654 : memref<1x2x128xi32, #tpu.memory_space<hbm>> -> memref<2x128xi32, #tpu.memory_space<hbm>>
          %dma_wait3A_656 = arith.constant 0 : i32
          %dma_wait3A_657 = arith.constant 0 : i32
          %dma_wait3A_658 = tpu.memref_slice %run_scoped3A_0[%dma_wait3A_647, %dma_wait3A_656, %dma_wait3A_657] : memref<2x2x128xi32, #tpu.memory_space<vmem>> -> memref<1x2x128xi32, #tpu.memory_space<vmem>>
          %dma_wait3A_659 = tpu.memref_squeeze %dma_wait3A_658 : memref<1x2x128xi32, #tpu.memory_space<vmem>> -> memref<2x128xi32, #tpu.memory_space<vmem>>
          %dma_wait3A_660 = arith.constant 0 : i32
          %dma_wait3A_661 = arith.constant 0 : i32
          %dma_wait3A_662 = tpu.memref_slice %arg3[%arg1, %dma_wait3A_660, %dma_wait3A_661] : memref<16x160x128xi32, #tpu.memory_space<hbm>> -> memref<1x2x128xi32, #tpu.memory_space<hbm>>
          %dma_wait3A_663 = tpu.memref_squeeze %dma_wait3A_662 : memref<1x2x128xi32, #tpu.memory_space<hbm>> -> memref<2x128xi32, #tpu.memory_space<hbm>>
          tpu.wait_dma2 semaphore(%arg12 : memref<!tpu.dma_semaphore, #tpu.memory_space<semaphore_mem>>) src(%dma_wait3A_663 : memref<2x128xi32, #tpu.memory_space<hbm>>) dst(%dma_wait3A_659 : memref<2x128xi32, #tpu.memory_space<vmem>>)
          %add3A_664 = arith.constant 1 : i32
          %add3A_665 = arith.addi %add3A_515, %add3A_664 : i32
          %dma_start3A_666 = arith.constant 0 : i32
          %dma_start3A_667 = arith.constant 0 : i32
          %dma_start3A_668 = arith.constant 0 : i32
          %dma_start3A_669 = arith.constant 0 : i32
          %dma_start3A_670 = arith.constant 0 : i32
          %dma_start3A_671 = arith.constant 0 : i32
          %dma_start3A_672 = tpu.memref_slice %run_scoped3A[%dma_start3A_668, %dma_start3A_669, %dma_start3A_670, %dma_start3A_671] : memref<2x2x128x64xf32, #tpu.memory_space<vmem>> -> memref<1x1x128x64xf32, #tpu.memory_space<vmem>>
          %dma_start3A_673 = tpu.memref_squeeze %dma_start3A_672 : memref<1x1x128x64xf32, #tpu.memory_space<vmem>> -> memref<128x64xf32, #tpu.memory_space<vmem>>
          %dma_start3A_674 = arith.constant 0 : i32
          %dma_start3A_675 = tpu.memref_slice %run_scoped3A_0[%dma_start3A_666, %dma_start3A_667, %dma_start3A_674] : memref<2x2x128xi32, #tpu.memory_space<vmem>> -> memref<1x1x128xi32, #tpu.memory_space<vmem>>
          %dma_start3A_676 = tpu.memref_squeeze %dma_start3A_675 : memref<1x1x128xi32, #tpu.memory_space<vmem>> -> memref<128xi32, #tpu.memory_space<vmem>>
          %dma_start3A_677 = arith.constant 0 : i32
          %dma_start3A_678 = arith.constant 0 : i32
          %dma_start3A_679 = tpu.memref_slice %arg7[%dma_start3A_677, %dma_start3A_678] : memref<10112x64xf32, #tpu.memory_space<vmem_shared>> -> memref<10112x64xf32, #tpu.memory_space<vmem_shared>>
          tpu.enqueue_indirect_dma source(%dma_start3A_679 : memref<10112x64xf32, #tpu.memory_space<vmem_shared>>) target(%dma_start3A_673 : memref<128x64xf32, #tpu.memory_space<vmem>>) offsets(%dma_start3A_676 : memref<128xi32, #tpu.memory_space<vmem>>) semaphore(%arg8 : memref<!tpu.dma_semaphore, #tpu.memory_space<semaphore_mem>>)
          %dma_start3A_680 = arith.constant 0 : i32
          %dma_start3A_681 = arith.constant 1 : i32
          %dma_start3A_682 = arith.constant 0 : i32
          %dma_start3A_683 = arith.constant 1 : i32
          %dma_start3A_684 = arith.constant 0 : i32
          %dma_start3A_685 = arith.constant 0 : i32
          %dma_start3A_686 = tpu.memref_slice %run_scoped3A[%dma_start3A_682, %dma_start3A_683, %dma_start3A_684, %dma_start3A_685] : memref<2x2x128x64xf32, #tpu.memory_space<vmem>> -> memref<1x1x128x64xf32, #tpu.memory_space<vmem>>
          %dma_start3A_687 = tpu.memref_squeeze %dma_start3A_686 : memref<1x1x128x64xf32, #tpu.memory_space<vmem>> -> memref<128x64xf32, #tpu.memory_space<vmem>>
          %dma_start3A_688 = arith.constant 0 : i32
          %dma_start3A_689 = tpu.memref_slice %run_scoped3A_0[%dma_start3A_680, %dma_start3A_681, %dma_start3A_688] : memref<2x2x128xi32, #tpu.memory_space<vmem>> -> memref<1x1x128xi32, #tpu.memory_space<vmem>>
          %dma_start3A_690 = tpu.memref_squeeze %dma_start3A_689 : memref<1x1x128xi32, #tpu.memory_space<vmem>> -> memref<128xi32, #tpu.memory_space<vmem>>
          %dma_start3A_691 = arith.constant 0 : i32
          %dma_start3A_692 = arith.constant 0 : i32
          %dma_start3A_693 = tpu.memref_slice %arg7[%dma_start3A_691, %dma_start3A_692] : memref<10112x64xf32, #tpu.memory_space<vmem_shared>> -> memref<10112x64xf32, #tpu.memory_space<vmem_shared>>
          tpu.enqueue_indirect_dma source(%dma_start3A_693 : memref<10112x64xf32, #tpu.memory_space<vmem_shared>>) target(%dma_start3A_687 : memref<128x64xf32, #tpu.memory_space<vmem>>) offsets(%dma_start3A_690 : memref<128xi32, #tpu.memory_space<vmem>>) semaphore(%arg8 : memref<!tpu.dma_semaphore, #tpu.memory_space<semaphore_mem>>)
        } else {
        }
        %add3A_621 = arith.constant 2 : i32
        %add3A_622 = arith.addi %add3A_515, %add3A_621 : i32
        %lt3A_623 = arith.constant 80 : i32
        %lt3A_624 = arith.cmpi slt, %add3A_622, %lt3A_623 : i32
        %convert_element_type3A_625 = arith.extui %lt3A_624 : i1 to i32
        %cond3A_626 = arith.constant 0 : i32
        %cond3A_627 = arith.cmpi ne, %convert_element_type3A_625, %cond3A_626 : i32
        scf.if %cond3A_627 {
          %add3A_628 = arith.constant 2 : i32
          %add3A_629 = arith.addi %add3A_515, %add3A_628 : i32
          %mul3A_630 = arith.constant 2 : i32
          %mul3A_631 = arith.muli %add3A_629, %mul3A_630 : i32
          %dma_start3A_632 = arith.constant 1 : i32
          %dma_start3A_633 = arith.constant 0 : i32
          %dma_start3A_634 = arith.constant 0 : i32
          %dma_start3A_635 = tpu.memref_slice %run_scoped3A_0[%dma_start3A_632, %dma_start3A_633, %dma_start3A_634] : memref<2x2x128xi32, #tpu.memory_space<vmem>> -> memref<1x2x128xi32, #tpu.memory_space<vmem>>
          %dma_start3A_636 = tpu.memref_squeeze %dma_start3A_635 : memref<1x2x128xi32, #tpu.memory_space<vmem>> -> memref<2x128xi32, #tpu.memory_space<vmem>>
          %dma_start3A_637 = arith.constant 0 : i32
          %dma_start3A_638 = tpu.memref_slice %arg3[%arg1, %mul3A_631, %dma_start3A_637] : memref<16x160x128xi32, #tpu.memory_space<hbm>> -> memref<1x2x128xi32, #tpu.memory_space<hbm>>
          %dma_start3A_639 = tpu.memref_squeeze %dma_start3A_638 : memref<1x2x128xi32, #tpu.memory_space<hbm>> -> memref<2x128xi32, #tpu.memory_space<hbm>>
          %dma_start3A_640 = arith.constant 0 : i32
          %dma_start3A_641 = arith.constant 0 : i32
          %dma_start3A_642 = tpu.memref_slice %run_scoped3A_0[%dma_start3A_632, %dma_start3A_640, %dma_start3A_641] : memref<2x2x128xi32, #tpu.memory_space<vmem>> -> memref<1x2x128xi32, #tpu.memory_space<vmem>>
          %dma_start3A_643 = tpu.memref_squeeze %dma_start3A_642 : memref<1x2x128xi32, #tpu.memory_space<vmem>> -> memref<2x128xi32, #tpu.memory_space<vmem>>
          %dma_start3A_644 = arith.constant 0 : i32
          %dma_start3A_645 = tpu.memref_slice %arg3[%arg1, %mul3A_631, %dma_start3A_644] : memref<16x160x128xi32, #tpu.memory_space<hbm>> -> memref<1x2x128xi32, #tpu.memory_space<hbm>>
          %dma_start3A_646 = tpu.memref_squeeze %dma_start3A_645 : memref<1x2x128xi32, #tpu.memory_space<hbm>> -> memref<2x128xi32, #tpu.memory_space<hbm>>
          tpu.enqueue_dma source(%dma_start3A_646 : memref<2x128xi32, #tpu.memory_space<hbm>>) target(%dma_start3A_643 : memref<2x128xi32, #tpu.memory_space<vmem>>) target_semaphore(%arg12 : memref<!tpu.dma_semaphore, #tpu.memory_space<semaphore_mem>>)
        } else {
        }
      }
      %scan3A_231 = arith.constant 40 : i32
      %dma_wait3A_232 = arith.constant 1 : i32
      %dma_wait3A_233 = arith.constant 0 : i32
      %dma_wait3A_234 = arith.constant 0 : i32
      %dma_wait3A_235 = arith.constant 0 : i32
      %dma_wait3A_236 = tpu.memref_slice %run_scoped3A[%dma_wait3A_232, %dma_wait3A_233, %dma_wait3A_234, %dma_wait3A_235] : memref<2x2x128x64xf32, #tpu.memory_space<vmem>> -> memref<1x1x128x64xf32, #tpu.memory_space<vmem>>
      %dma_wait3A_237 = tpu.memref_squeeze %dma_wait3A_236 : memref<1x1x128x64xf32, #tpu.memory_space<vmem>> -> memref<128x64xf32, #tpu.memory_space<vmem>>
      %dma_wait3A_238 = arith.constant 0 : i32
      %dma_wait3A_239 = arith.constant 0 : i32
      %dma_wait3A_240 = tpu.memref_slice %arg2[%arg0, %dma_wait3A_238, %dma_wait3A_239] : memref<2x10112x64xf32, #tpu.memory_space<hbm>> -> memref<1x10112x64xf32, #tpu.memory_space<hbm>>
      %dma_wait3A_241 = tpu.memref_squeeze %dma_wait3A_240 : memref<1x10112x64xf32, #tpu.memory_space<hbm>> -> memref<10112x64xf32, #tpu.memory_space<hbm>>
      %dma_wait3A_242 = arith.constant 0 : i32
      %dma_wait3A_243 = arith.constant 0 : i32
      %dma_wait3A_244 = tpu.memref_slice %dma_wait3A_241[%dma_wait3A_242, %dma_wait3A_243] : memref<10112x64xf32, #tpu.memory_space<hbm>> -> memref<128x64xf32, #tpu.memory_space<hbm>>
      %dma_wait3A_245 = arith.constant 0 : i32
      %dma_wait3A_246 = arith.constant 0 : i32
      %dma_wait3A_247 = tpu.memref_slice %run_scoped3A[%dma_wait3A_232, %dma_wait3A_233, %dma_wait3A_245, %dma_wait3A_246] : memref<2x2x128x64xf32, #tpu.memory_space<vmem>> -> memref<1x1x128x64xf32, #tpu.memory_space<vmem>>
      %dma_wait3A_248 = tpu.memref_squeeze %dma_wait3A_247 : memref<1x1x128x64xf32, #tpu.memory_space<vmem>> -> memref<128x64xf32, #tpu.memory_space<vmem>>
      %dma_wait3A_249 = arith.constant 0 : i32
      %dma_wait3A_250 = arith.constant 0 : i32
      %dma_wait3A_251 = tpu.memref_slice %arg2[%arg0, %dma_wait3A_249, %dma_wait3A_250] : memref<2x10112x64xf32, #tpu.memory_space<hbm>> -> memref<1x10112x64xf32, #tpu.memory_space<hbm>>
      %dma_wait3A_252 = tpu.memref_squeeze %dma_wait3A_251 : memref<1x10112x64xf32, #tpu.memory_space<hbm>> -> memref<10112x64xf32, #tpu.memory_space<hbm>>
      %dma_wait3A_253 = arith.constant 0 : i32
      %dma_wait3A_254 = arith.constant 0 : i32
      %dma_wait3A_255 = tpu.memref_slice %dma_wait3A_252[%dma_wait3A_253, %dma_wait3A_254] : memref<10112x64xf32, #tpu.memory_space<hbm>> -> memref<128x64xf32, #tpu.memory_space<hbm>>
      tpu.wait_dma2 semaphore(%arg11 : memref<!tpu.dma_semaphore, #tpu.memory_space<semaphore_mem>>) src(%dma_wait3A_255 : memref<128x64xf32, #tpu.memory_space<hbm>>) dst(%dma_wait3A_248 : memref<128x64xf32, #tpu.memory_space<vmem>>)
      %dma_wait3A_256 = arith.constant 1 : i32
      %dma_wait3A_257 = arith.constant 1 : i32
      %dma_wait3A_258 = arith.constant 0 : i32
      %dma_wait3A_259 = arith.constant 0 : i32
      %dma_wait3A_260 = tpu.memref_slice %run_scoped3A[%dma_wait3A_256, %dma_wait3A_257, %dma_wait3A_258, %dma_wait3A_259] : memref<2x2x128x64xf32, #tpu.memory_space<vmem>> -> memref<1x1x128x64xf32, #tpu.memory_space<vmem>>
      %dma_wait3A_261 = tpu.memref_squeeze %dma_wait3A_260 : memref<1x1x128x64xf32, #tpu.memory_space<vmem>> -> memref<128x64xf32, #tpu.memory_space<vmem>>
      %dma_wait3A_262 = arith.constant 0 : i32
      %dma_wait3A_263 = arith.constant 0 : i32
      %dma_wait3A_264 = tpu.memref_slice %arg2[%arg0, %dma_wait3A_262, %dma_wait3A_263] : memref<2x10112x64xf32, #tpu.memory_space<hbm>> -> memref<1x10112x64xf32, #tpu.memory_space<hbm>>
      %dma_wait3A_265 = tpu.memref_squeeze %dma_wait3A_264 : memref<1x10112x64xf32, #tpu.memory_space<hbm>> -> memref<10112x64xf32, #tpu.memory_space<hbm>>
      %dma_wait3A_266 = arith.constant 0 : i32
      %dma_wait3A_267 = arith.constant 0 : i32
      %dma_wait3A_268 = tpu.memref_slice %dma_wait3A_265[%dma_wait3A_266, %dma_wait3A_267] : memref<10112x64xf32, #tpu.memory_space<hbm>> -> memref<128x64xf32, #tpu.memory_space<hbm>>
      %dma_wait3A_269 = arith.constant 0 : i32
      %dma_wait3A_270 = arith.constant 0 : i32
      %dma_wait3A_271 = tpu.memref_slice %run_scoped3A[%dma_wait3A_256, %dma_wait3A_257, %dma_wait3A_269, %dma_wait3A_270] : memref<2x2x128x64xf32, #tpu.memory_space<vmem>> -> memref<1x1x128x64xf32, #tpu.memory_space<vmem>>
      %dma_wait3A_272 = tpu.memref_squeeze %dma_wait3A_271 : memref<1x1x128x64xf32, #tpu.memory_space<vmem>> -> memref<128x64xf32, #tpu.memory_space<vmem>>
      %dma_wait3A_273 = arith.constant 0 : i32
      %dma_wait3A_274 = arith.constant 0 : i32
      %dma_wait3A_275 = tpu.memref_slice %arg2[%arg0, %dma_wait3A_273, %dma_wait3A_274] : memref<2x10112x64xf32, #tpu.memory_space<hbm>> -> memref<1x10112x64xf32, #tpu.memory_space<hbm>>
      %dma_wait3A_276 = tpu.memref_squeeze %dma_wait3A_275 : memref<1x10112x64xf32, #tpu.memory_space<hbm>> -> memref<10112x64xf32, #tpu.memory_space<hbm>>
      %dma_wait3A_277 = arith.constant 0 : i32
      %dma_wait3A_278 = arith.constant 0 : i32
      %dma_wait3A_279 = tpu.memref_slice %dma_wait3A_276[%dma_wait3A_277, %dma_wait3A_278] : memref<10112x64xf32, #tpu.memory_space<hbm>> -> memref<128x64xf32, #tpu.memory_space<hbm>>
      tpu.wait_dma2 semaphore(%arg11 : memref<!tpu.dma_semaphore, #tpu.memory_space<semaphore_mem>>) src(%dma_wait3A_279 : memref<128x64xf32, #tpu.memory_space<hbm>>) dst(%dma_wait3A_272 : memref<128x64xf32, #tpu.memory_space<vmem>>)
      %barrier3A_280 = arith.constant 0 : index
      tpu.barrier barrier_id(%barrier3A_280)
      %mul3A_281 = arith.constant 632 : i32
      %mul3A_282 = arith.muli %arg1, %mul3A_281 : i32
      %add3A_283 = arith.constant 0 : i32
      %add3A_284 = arith.addi %mul3A_282, %add3A_283 : i32
      "tpu.region"() ({
        %run_scoped3A_401 = tpu.sem_alloc : memref<!tpu.dma_semaphore, #tpu.memory_space<semaphore_mem>>
        %dma_start3A_402 = arith.constant 0 : i32
        %dma_start3A_403 = arith.constant 0 : i32
        %dma_start3A_404 = tpu.memref_slice %run_scoped3A_2[%dma_start3A_402, %dma_start3A_403] : memref<256x64xf32, #tpu.memory_space<vmem>> -> memref<256x64xf32, #tpu.memory_space<vmem>>
        %dma_start3A_405 = arith.constant 0 : i32
        %dma_start3A_406 = tpu.memref_slice %arg6[%add3A_284, %dma_start3A_405] : memref<10112x64xf32, #tpu.memory_space<vmem_shared>> -> memref<256x64xf32, #tpu.memory_space<vmem_shared>>
        %dma_start3A_407 = arith.constant 0 : i32
        %dma_start3A_408 = arith.constant 0 : i32
        %dma_start3A_409 = tpu.memref_slice %run_scoped3A_2[%dma_start3A_407, %dma_start3A_408] : memref<256x64xf32, #tpu.memory_space<vmem>> -> memref<256x64xf32, #tpu.memory_space<vmem>>
        %dma_start3A_410 = arith.constant 0 : i32
        %dma_start3A_411 = tpu.memref_slice %arg6[%add3A_284, %dma_start3A_410] : memref<10112x64xf32, #tpu.memory_space<vmem_shared>> -> memref<256x64xf32, #tpu.memory_space<vmem_shared>>
        tpu.enqueue_dma source(%dma_start3A_411 : memref<256x64xf32, #tpu.memory_space<vmem_shared>>) target(%dma_start3A_409 : memref<256x64xf32, #tpu.memory_space<vmem>>) target_semaphore(%run_scoped3A_401 : memref<!tpu.dma_semaphore, #tpu.memory_space<semaphore_mem>>)
        %dma_wait3A_412 = arith.constant 0 : i32
        %dma_wait3A_413 = arith.constant 0 : i32
        %dma_wait3A_414 = tpu.memref_slice %run_scoped3A_2[%dma_wait3A_412, %dma_wait3A_413] : memref<256x64xf32, #tpu.memory_space<vmem>> -> memref<256x64xf32, #tpu.memory_space<vmem>>
        %dma_wait3A_415 = arith.constant 0 : i32
        %dma_wait3A_416 = tpu.memref_slice %arg6[%add3A_284, %dma_wait3A_415] : memref<10112x64xf32, #tpu.memory_space<vmem_shared>> -> memref<256x64xf32, #tpu.memory_space<vmem_shared>>
        %dma_wait3A_417 = arith.constant 0 : i32
        %dma_wait3A_418 = arith.constant 0 : i32
        %dma_wait3A_419 = tpu.memref_slice %run_scoped3A_2[%dma_wait3A_417, %dma_wait3A_418] : memref<256x64xf32, #tpu.memory_space<vmem>> -> memref<256x64xf32, #tpu.memory_space<vmem>>
        %dma_wait3A_420 = arith.constant 0 : i32
        %dma_wait3A_421 = tpu.memref_slice %arg6[%add3A_284, %dma_wait3A_420] : memref<10112x64xf32, #tpu.memory_space<vmem_shared>> -> memref<256x64xf32, #tpu.memory_space<vmem_shared>>
        tpu.wait_dma2 semaphore(%run_scoped3A_401 : memref<!tpu.dma_semaphore, #tpu.memory_space<semaphore_mem>>) src(%dma_wait3A_421 : memref<256x64xf32, #tpu.memory_space<vmem_shared>>) dst(%dma_wait3A_419 : memref<256x64xf32, #tpu.memory_space<vmem>>)
        tpu.yield
      }) : () -> ()
      %dma_start3A_285 = arith.constant 0 : i32
      %dma_start3A_286 = arith.constant 0 : i32
      %dma_start3A_287 = tpu.memref_slice %run_scoped3A_2[%dma_start3A_285, %dma_start3A_286] : memref<256x64xf32, #tpu.memory_space<vmem>> -> memref<256x64xf32, #tpu.memory_space<vmem>>
      %dma_start3A_288 = arith.constant 0 : i32
      %dma_start3A_289 = arith.constant 0 : i32
      %dma_start3A_290 = tpu.memref_slice %arg5[%arg0, %dma_start3A_288, %dma_start3A_289] : memref<2x10112x64xf32, #tpu.memory_space<hbm>> -> memref<1x10112x64xf32, #tpu.memory_space<hbm>>
      %dma_start3A_291 = tpu.memref_squeeze %dma_start3A_290 : memref<1x10112x64xf32, #tpu.memory_space<hbm>> -> memref<10112x64xf32, #tpu.memory_space<hbm>>
      %dma_start3A_292 = arith.constant 0 : i32
      %dma_start3A_293 = tpu.memref_slice %dma_start3A_291[%add3A_284, %dma_start3A_292] : memref<10112x64xf32, #tpu.memory_space<hbm>> -> memref<256x64xf32, #tpu.memory_space<hbm>>
      %dma_start3A_294 = arith.constant 0 : i32
      %dma_start3A_295 = arith.constant 0 : i32
      %dma_start3A_296 = tpu.memref_slice %arg5[%arg0, %dma_start3A_294, %dma_start3A_295] : memref<2x10112x64xf32, #tpu.memory_space<hbm>> -> memref<1x10112x64xf32, #tpu.memory_space<hbm>>
      %dma_start3A_297 = tpu.memref_squeeze %dma_start3A_296 : memref<1x10112x64xf32, #tpu.memory_space<hbm>> -> memref<10112x64xf32, #tpu.memory_space<hbm>>
      %dma_start3A_298 = arith.constant 0 : i32
      %dma_start3A_299 = tpu.memref_slice %dma_start3A_297[%add3A_284, %dma_start3A_298] : memref<10112x64xf32, #tpu.memory_space<hbm>> -> memref<256x64xf32, #tpu.memory_space<hbm>>
      %dma_start3A_300 = arith.constant 0 : i32
      %dma_start3A_301 = arith.constant 0 : i32
      %dma_start3A_302 = tpu.memref_slice %run_scoped3A_2[%dma_start3A_300, %dma_start3A_301] : memref<256x64xf32, #tpu.memory_space<vmem>> -> memref<256x64xf32, #tpu.memory_space<vmem>>
      tpu.enqueue_dma source(%dma_start3A_302 : memref<256x64xf32, #tpu.memory_space<vmem>>) target(%dma_start3A_299 : memref<256x64xf32, #tpu.memory_space<hbm>>) target_semaphore(%arg9 : memref<!tpu.dma_semaphore, #tpu.memory_space<semaphore_mem>>)
      %dma_wait3A_303 = arith.constant 0 : i32
      %dma_wait3A_304 = arith.constant 0 : i32
      %dma_wait3A_305 = tpu.memref_slice %run_scoped3A_2[%dma_wait3A_303, %dma_wait3A_304] : memref<256x64xf32, #tpu.memory_space<vmem>> -> memref<256x64xf32, #tpu.memory_space<vmem>>
      %dma_wait3A_306 = arith.constant 0 : i32
      %dma_wait3A_307 = arith.constant 0 : i32
      %dma_wait3A_308 = tpu.memref_slice %arg5[%arg0, %dma_wait3A_306, %dma_wait3A_307] : memref<2x10112x64xf32, #tpu.memory_space<hbm>> -> memref<1x10112x64xf32, #tpu.memory_space<hbm>>
      %dma_wait3A_309 = tpu.memref_squeeze %dma_wait3A_308 : memref<1x10112x64xf32, #tpu.memory_space<hbm>> -> memref<10112x64xf32, #tpu.memory_space<hbm>>
      %dma_wait3A_310 = arith.constant 0 : i32
      %dma_wait3A_311 = tpu.memref_slice %dma_wait3A_309[%add3A_284, %dma_wait3A_310] : memref<10112x64xf32, #tpu.memory_space<hbm>> -> memref<256x64xf32, #tpu.memory_space<hbm>>
      %dma_wait3A_312 = arith.constant 0 : i32
      %dma_wait3A_313 = arith.constant 0 : i32
      %dma_wait3A_314 = tpu.memref_slice %arg5[%arg0, %dma_wait3A_312, %dma_wait3A_313] : memref<2x10112x64xf32, #tpu.memory_space<hbm>> -> memref<1x10112x64xf32, #tpu.memory_space<hbm>>
      %dma_wait3A_315 = tpu.memref_squeeze %dma_wait3A_314 : memref<1x10112x64xf32, #tpu.memory_space<hbm>> -> memref<10112x64xf32, #tpu.memory_space<hbm>>
      %dma_wait3A_316 = arith.constant 0 : i32
      %dma_wait3A_317 = tpu.memref_slice %dma_wait3A_315[%add3A_284, %dma_wait3A_316] : memref<10112x64xf32, #tpu.memory_space<hbm>> -> memref<256x64xf32, #tpu.memory_space<hbm>>
      %dma_wait3A_318 = arith.constant 0 : i32
      %dma_wait3A_319 = arith.constant 0 : i32
      %dma_wait3A_320 = tpu.memref_slice %run_scoped3A_2[%dma_wait3A_318, %dma_wait3A_319] : memref<256x64xf32, #tpu.memory_space<vmem>> -> memref<256x64xf32, #tpu.memory_space<vmem>>
      tpu.wait_dma2 semaphore(%arg9 : memref<!tpu.dma_semaphore, #tpu.memory_space<semaphore_mem>>) src(%dma_wait3A_320 : memref<256x64xf32, #tpu.memory_space<vmem>>) dst(%dma_wait3A_317 : memref<256x64xf32, #tpu.memory_space<hbm>>)
      %mul3A_321 = arith.constant 632 : i32
      %mul3A_322 = arith.muli %arg1, %mul3A_321 : i32
      %add3A_323 = arith.constant 256 : i32
      %add3A_324 = arith.addi %mul3A_322, %add3A_323 : i32
      "tpu.region"() ({
        %run_scoped3A_401 = tpu.sem_alloc : memref<!tpu.dma_semaphore, #tpu.memory_space<semaphore_mem>>
        %dma_start3A_402 = arith.constant 0 : i32
        %dma_start3A_403 = arith.constant 0 : i32
        %dma_start3A_404 = tpu.memref_slice %run_scoped3A_2[%dma_start3A_402, %dma_start3A_403] : memref<256x64xf32, #tpu.memory_space<vmem>> -> memref<256x64xf32, #tpu.memory_space<vmem>>
        %dma_start3A_405 = arith.constant 0 : i32
        %dma_start3A_406 = tpu.memref_slice %arg6[%add3A_324, %dma_start3A_405] : memref<10112x64xf32, #tpu.memory_space<vmem_shared>> -> memref<256x64xf32, #tpu.memory_space<vmem_shared>>
        %dma_start3A_407 = arith.constant 0 : i32
        %dma_start3A_408 = arith.constant 0 : i32
        %dma_start3A_409 = tpu.memref_slice %run_scoped3A_2[%dma_start3A_407, %dma_start3A_408] : memref<256x64xf32, #tpu.memory_space<vmem>> -> memref<256x64xf32, #tpu.memory_space<vmem>>
        %dma_start3A_410 = arith.constant 0 : i32
        %dma_start3A_411 = tpu.memref_slice %arg6[%add3A_324, %dma_start3A_410] : memref<10112x64xf32, #tpu.memory_space<vmem_shared>> -> memref<256x64xf32, #tpu.memory_space<vmem_shared>>
        tpu.enqueue_dma source(%dma_start3A_411 : memref<256x64xf32, #tpu.memory_space<vmem_shared>>) target(%dma_start3A_409 : memref<256x64xf32, #tpu.memory_space<vmem>>) target_semaphore(%run_scoped3A_401 : memref<!tpu.dma_semaphore, #tpu.memory_space<semaphore_mem>>)
        %dma_wait3A_412 = arith.constant 0 : i32
        %dma_wait3A_413 = arith.constant 0 : i32
        %dma_wait3A_414 = tpu.memref_slice %run_scoped3A_2[%dma_wait3A_412, %dma_wait3A_413] : memref<256x64xf32, #tpu.memory_space<vmem>> -> memref<256x64xf32, #tpu.memory_space<vmem>>
        %dma_wait3A_415 = arith.constant 0 : i32
        %dma_wait3A_416 = tpu.memref_slice %arg6[%add3A_324, %dma_wait3A_415] : memref<10112x64xf32, #tpu.memory_space<vmem_shared>> -> memref<256x64xf32, #tpu.memory_space<vmem_shared>>
        %dma_wait3A_417 = arith.constant 0 : i32
        %dma_wait3A_418 = arith.constant 0 : i32
        %dma_wait3A_419 = tpu.memref_slice %run_scoped3A_2[%dma_wait3A_417, %dma_wait3A_418] : memref<256x64xf32, #tpu.memory_space<vmem>> -> memref<256x64xf32, #tpu.memory_space<vmem>>
        %dma_wait3A_420 = arith.constant 0 : i32
        %dma_wait3A_421 = tpu.memref_slice %arg6[%add3A_324, %dma_wait3A_420] : memref<10112x64xf32, #tpu.memory_space<vmem_shared>> -> memref<256x64xf32, #tpu.memory_space<vmem_shared>>
        tpu.wait_dma2 semaphore(%run_scoped3A_401 : memref<!tpu.dma_semaphore, #tpu.memory_space<semaphore_mem>>) src(%dma_wait3A_421 : memref<256x64xf32, #tpu.memory_space<vmem_shared>>) dst(%dma_wait3A_419 : memref<256x64xf32, #tpu.memory_space<vmem>>)
        tpu.yield
      }) : () -> ()
      %dma_start3A_325 = arith.constant 0 : i32
      %dma_start3A_326 = arith.constant 0 : i32
      %dma_start3A_327 = tpu.memref_slice %run_scoped3A_2[%dma_start3A_325, %dma_start3A_326] : memref<256x64xf32, #tpu.memory_space<vmem>> -> memref<256x64xf32, #tpu.memory_space<vmem>>
      %dma_start3A_328 = arith.constant 0 : i32
      %dma_start3A_329 = arith.constant 0 : i32
      %dma_start3A_330 = tpu.memref_slice %arg5[%arg0, %dma_start3A_328, %dma_start3A_329] : memref<2x10112x64xf32, #tpu.memory_space<hbm>> -> memref<1x10112x64xf32, #tpu.memory_space<hbm>>
      %dma_start3A_331 = tpu.memref_squeeze %dma_start3A_330 : memref<1x10112x64xf32, #tpu.memory_space<hbm>> -> memref<10112x64xf32, #tpu.memory_space<hbm>>
      %dma_start3A_332 = arith.constant 0 : i32
      %dma_start3A_333 = tpu.memref_slice %dma_start3A_331[%add3A_324, %dma_start3A_332] : memref<10112x64xf32, #tpu.memory_space<hbm>> -> memref<256x64xf32, #tpu.memory_space<hbm>>
      %dma_start3A_334 = arith.constant 0 : i32
      %dma_start3A_335 = arith.constant 0 : i32
      %dma_start3A_336 = tpu.memref_slice %arg5[%arg0, %dma_start3A_334, %dma_start3A_335] : memref<2x10112x64xf32, #tpu.memory_space<hbm>> -> memref<1x10112x64xf32, #tpu.memory_space<hbm>>
      %dma_start3A_337 = tpu.memref_squeeze %dma_start3A_336 : memref<1x10112x64xf32, #tpu.memory_space<hbm>> -> memref<10112x64xf32, #tpu.memory_space<hbm>>
      %dma_start3A_338 = arith.constant 0 : i32
      %dma_start3A_339 = tpu.memref_slice %dma_start3A_337[%add3A_324, %dma_start3A_338] : memref<10112x64xf32, #tpu.memory_space<hbm>> -> memref<256x64xf32, #tpu.memory_space<hbm>>
      %dma_start3A_340 = arith.constant 0 : i32
      %dma_start3A_341 = arith.constant 0 : i32
      %dma_start3A_342 = tpu.memref_slice %run_scoped3A_2[%dma_start3A_340, %dma_start3A_341] : memref<256x64xf32, #tpu.memory_space<vmem>> -> memref<256x64xf32, #tpu.memory_space<vmem>>
      tpu.enqueue_dma source(%dma_start3A_342 : memref<256x64xf32, #tpu.memory_space<vmem>>) target(%dma_start3A_339 : memref<256x64xf32, #tpu.memory_space<hbm>>) target_semaphore(%arg9 : memref<!tpu.dma_semaphore, #tpu.memory_space<semaphore_mem>>)
      %dma_wait3A_343 = arith.constant 0 : i32
      %dma_wait3A_344 = arith.constant 0 : i32
      %dma_wait3A_345 = tpu.memref_slice %run_scoped3A_2[%dma_wait3A_343, %dma_wait3A_344] : memref<256x64xf32, #tpu.memory_space<vmem>> -> memref<256x64xf32, #tpu.memory_space<vmem>>
      %dma_wait3A_346 = arith.constant 0 : i32
      %dma_wait3A_347 = arith.constant 0 : i32
      %dma_wait3A_348 = tpu.memref_slice %arg5[%arg0, %dma_wait3A_346, %dma_wait3A_347] : memref<2x10112x64xf32, #tpu.memory_space<hbm>> -> memref<1x10112x64xf32, #tpu.memory_space<hbm>>
      %dma_wait3A_349 = tpu.memref_squeeze %dma_wait3A_348 : memref<1x10112x64xf32, #tpu.memory_space<hbm>> -> memref<10112x64xf32, #tpu.memory_space<hbm>>
      %dma_wait3A_350 = arith.constant 0 : i32
      %dma_wait3A_351 = tpu.memref_slice %dma_wait3A_349[%add3A_324, %dma_wait3A_350] : memref<10112x64xf32, #tpu.memory_space<hbm>> -> memref<256x64xf32, #tpu.memory_space<hbm>>
      %dma_wait3A_352 = arith.constant 0 : i32
      %dma_wait3A_353 = arith.constant 0 : i32
      %dma_wait3A_354 = tpu.memref_slice %arg5[%arg0, %dma_wait3A_352, %dma_wait3A_353] : memref<2x10112x64xf32, #tpu.memory_space<hbm>> -> memref<1x10112x64xf32, #tpu.memory_space<hbm>>
      %dma_wait3A_355 = tpu.memref_squeeze %dma_wait3A_354 : memref<1x10112x64xf32, #tpu.memory_space<hbm>> -> memref<10112x64xf32, #tpu.memory_space<hbm>>
      %dma_wait3A_356 = arith.constant 0 : i32
      %dma_wait3A_357 = tpu.memref_slice %dma_wait3A_355[%add3A_324, %dma_wait3A_356] : memref<10112x64xf32, #tpu.memory_space<hbm>> -> memref<256x64xf32, #tpu.memory_space<hbm>>
      %dma_wait3A_358 = arith.constant 0 : i32
      %dma_wait3A_359 = arith.constant 0 : i32
      %dma_wait3A_360 = tpu.memref_slice %run_scoped3A_2[%dma_wait3A_358, %dma_wait3A_359] : memref<256x64xf32, #tpu.memory_space<vmem>> -> memref<256x64xf32, #tpu.memory_space<vmem>>
      tpu.wait_dma2 semaphore(%arg9 : memref<!tpu.dma_semaphore, #tpu.memory_space<semaphore_mem>>) src(%dma_wait3A_360 : memref<256x64xf32, #tpu.memory_space<vmem>>) dst(%dma_wait3A_357 : memref<256x64xf32, #tpu.memory_space<hbm>>)
      %mul3A_361 = arith.constant 632 : i32
      %mul3A_362 = arith.muli %arg1, %mul3A_361 : i32
      %add3A_363 = arith.constant 512 : i32
      %add3A_364 = arith.addi %mul3A_362, %add3A_363 : i32
      "tpu.region"() ({
        %run_scoped3A_401 = tpu.sem_alloc : memref<!tpu.dma_semaphore, #tpu.memory_space<semaphore_mem>>
        %dma_start3A_402 = arith.constant 0 : i32
        %dma_start3A_403 = arith.constant 0 : i32
        %dma_start3A_404 = tpu.memref_slice %run_scoped3A_2[%dma_start3A_402, %dma_start3A_403] : memref<256x64xf32, #tpu.memory_space<vmem>> -> memref<120x64xf32, #tpu.memory_space<vmem>>
        %dma_start3A_405 = arith.constant 0 : i32
        %dma_start3A_406 = tpu.memref_slice %arg6[%add3A_364, %dma_start3A_405] : memref<10112x64xf32, #tpu.memory_space<vmem_shared>> -> memref<120x64xf32, #tpu.memory_space<vmem_shared>>
        %dma_start3A_407 = arith.constant 0 : i32
        %dma_start3A_408 = arith.constant 0 : i32
        %dma_start3A_409 = tpu.memref_slice %run_scoped3A_2[%dma_start3A_407, %dma_start3A_408] : memref<256x64xf32, #tpu.memory_space<vmem>> -> memref<120x64xf32, #tpu.memory_space<vmem>>
        %dma_start3A_410 = arith.constant 0 : i32
        %dma_start3A_411 = tpu.memref_slice %arg6[%add3A_364, %dma_start3A_410] : memref<10112x64xf32, #tpu.memory_space<vmem_shared>> -> memref<120x64xf32, #tpu.memory_space<vmem_shared>>
        tpu.enqueue_dma source(%dma_start3A_411 : memref<120x64xf32, #tpu.memory_space<vmem_shared>>) target(%dma_start3A_409 : memref<120x64xf32, #tpu.memory_space<vmem>>) target_semaphore(%run_scoped3A_401 : memref<!tpu.dma_semaphore, #tpu.memory_space<semaphore_mem>>)
        %dma_wait3A_412 = arith.constant 0 : i32
        %dma_wait3A_413 = arith.constant 0 : i32
        %dma_wait3A_414 = tpu.memref_slice %run_scoped3A_2[%dma_wait3A_412, %dma_wait3A_413] : memref<256x64xf32, #tpu.memory_space<vmem>> -> memref<120x64xf32, #tpu.memory_space<vmem>>
        %dma_wait3A_415 = arith.constant 0 : i32
        %dma_wait3A_416 = tpu.memref_slice %arg6[%add3A_364, %dma_wait3A_415] : memref<10112x64xf32, #tpu.memory_space<vmem_shared>> -> memref<120x64xf32, #tpu.memory_space<vmem_shared>>
        %dma_wait3A_417 = arith.constant 0 : i32
        %dma_wait3A_418 = arith.constant 0 : i32
        %dma_wait3A_419 = tpu.memref_slice %run_scoped3A_2[%dma_wait3A_417, %dma_wait3A_418] : memref<256x64xf32, #tpu.memory_space<vmem>> -> memref<120x64xf32, #tpu.memory_space<vmem>>
        %dma_wait3A_420 = arith.constant 0 : i32
        %dma_wait3A_421 = tpu.memref_slice %arg6[%add3A_364, %dma_wait3A_420] : memref<10112x64xf32, #tpu.memory_space<vmem_shared>> -> memref<120x64xf32, #tpu.memory_space<vmem_shared>>
        tpu.wait_dma2 semaphore(%run_scoped3A_401 : memref<!tpu.dma_semaphore, #tpu.memory_space<semaphore_mem>>) src(%dma_wait3A_421 : memref<120x64xf32, #tpu.memory_space<vmem_shared>>) dst(%dma_wait3A_419 : memref<120x64xf32, #tpu.memory_space<vmem>>)
        tpu.yield
      }) : () -> ()
      %dma_start3A_365 = arith.constant 0 : i32
      %dma_start3A_366 = arith.constant 0 : i32
      %dma_start3A_367 = tpu.memref_slice %run_scoped3A_2[%dma_start3A_365, %dma_start3A_366] : memref<256x64xf32, #tpu.memory_space<vmem>> -> memref<120x64xf32, #tpu.memory_space<vmem>>
      %dma_start3A_368 = arith.constant 0 : i32
      %dma_start3A_369 = arith.constant 0 : i32
      %dma_start3A_370 = tpu.memref_slice %arg5[%arg0, %dma_start3A_368, %dma_start3A_369] : memref<2x10112x64xf32, #tpu.memory_space<hbm>> -> memref<1x10112x64xf32, #tpu.memory_space<hbm>>
      %dma_start3A_371 = tpu.memref_squeeze %dma_start3A_370 : memref<1x10112x64xf32, #tpu.memory_space<hbm>> -> memref<10112x64xf32, #tpu.memory_space<hbm>>
      %dma_start3A_372 = arith.constant 0 : i32
      %dma_start3A_373 = tpu.memref_slice %dma_start3A_371[%add3A_364, %dma_start3A_372] : memref<10112x64xf32, #tpu.memory_space<hbm>> -> memref<120x64xf32, #tpu.memory_space<hbm>>
      %dma_start3A_374 = arith.constant 0 : i32
      %dma_start3A_375 = arith.constant 0 : i32
      %dma_start3A_376 = tpu.memref_slice %arg5[%arg0, %dma_start3A_374, %dma_start3A_375] : memref<2x10112x64xf32, #tpu.memory_space<hbm>> -> memref<1x10112x64xf32, #tpu.memory_space<hbm>>
      %dma_start3A_377 = tpu.memref_squeeze %dma_start3A_376 : memref<1x10112x64xf32, #tpu.memory_space<hbm>> -> memref<10112x64xf32, #tpu.memory_space<hbm>>
      %dma_start3A_378 = arith.constant 0 : i32
      %dma_start3A_379 = tpu.memref_slice %dma_start3A_377[%add3A_364, %dma_start3A_378] : memref<10112x64xf32, #tpu.memory_space<hbm>> -> memref<120x64xf32, #tpu.memory_space<hbm>>
      %dma_start3A_380 = arith.constant 0 : i32
      %dma_start3A_381 = arith.constant 0 : i32
      %dma_start3A_382 = tpu.memref_slice %run_scoped3A_2[%dma_start3A_380, %dma_start3A_381] : memref<256x64xf32, #tpu.memory_space<vmem>> -> memref<120x64xf32, #tpu.memory_space<vmem>>
      tpu.enqueue_dma source(%dma_start3A_382 : memref<120x64xf32, #tpu.memory_space<vmem>>) target(%dma_start3A_379 : memref<120x64xf32, #tpu.memory_space<hbm>>) target_semaphore(%arg9 : memref<!tpu.dma_semaphore, #tpu.memory_space<semaphore_mem>>)
      %dma_wait3A_383 = arith.constant 0 : i32
      %dma_wait3A_384 = arith.constant 0 : i32
      %dma_wait3A_385 = tpu.memref_slice %run_scoped3A_2[%dma_wait3A_383, %dma_wait3A_384] : memref<256x64xf32, #tpu.memory_space<vmem>> -> memref<120x64xf32, #tpu.memory_space<vmem>>
      %dma_wait3A_386 = arith.constant 0 : i32
      %dma_wait3A_387 = arith.constant 0 : i32
      %dma_wait3A_388 = tpu.memref_slice %arg5[%arg0, %dma_wait3A_386, %dma_wait3A_387] : memref<2x10112x64xf32, #tpu.memory_space<hbm>> -> memref<1x10112x64xf32, #tpu.memory_space<hbm>>
      %dma_wait3A_389 = tpu.memref_squeeze %dma_wait3A_388 : memref<1x10112x64xf32, #tpu.memory_space<hbm>> -> memref<10112x64xf32, #tpu.memory_space<hbm>>
      %dma_wait3A_390 = arith.constant 0 : i32
      %dma_wait3A_391 = tpu.memref_slice %dma_wait3A_389[%add3A_364, %dma_wait3A_390] : memref<10112x64xf32, #tpu.memory_space<hbm>> -> memref<120x64xf32, #tpu.memory_space<hbm>>
      %dma_wait3A_392 = arith.constant 0 : i32
      %dma_wait3A_393 = arith.constant 0 : i32
      %dma_wait3A_394 = tpu.memref_slice %arg5[%arg0, %dma_wait3A_392, %dma_wait3A_393] : memref<2x10112x64xf32, #tpu.memory_space<hbm>> -> memref<1x10112x64xf32, #tpu.memory_space<hbm>>
      %dma_wait3A_395 = tpu.memref_squeeze %dma_wait3A_394 : memref<1x10112x64xf32, #tpu.memory_space<hbm>> -> memref<10112x64xf32, #tpu.memory_space<hbm>>
      %dma_wait3A_396 = arith.constant 0 : i32
      %dma_wait3A_397 = tpu.memref_slice %dma_wait3A_395[%add3A_364, %dma_wait3A_396] : memref<10112x64xf32, #tpu.memory_space<hbm>> -> memref<120x64xf32, #tpu.memory_space<hbm>>
      %dma_wait3A_398 = arith.constant 0 : i32
      %dma_wait3A_399 = arith.constant 0 : i32
      %dma_wait3A_400 = tpu.memref_slice %run_scoped3A_2[%dma_wait3A_398, %dma_wait3A_399] : memref<256x64xf32, #tpu.memory_space<vmem>> -> memref<120x64xf32, #tpu.memory_space<vmem>>
      tpu.wait_dma2 semaphore(%arg9 : memref<!tpu.dma_semaphore, #tpu.memory_space<semaphore_mem>>) src(%dma_wait3A_400 : memref<120x64xf32, #tpu.memory_space<vmem>>) dst(%dma_wait3A_397 : memref<120x64xf32, #tpu.memory_space<hbm>>)
      tpu.yield
    }) : () -> ()
    return
  }
}

module attributes {stable_mosaic.version = 14 : i64} {
  func.func @_tc_layer_body(%arg0: i32, %arg1: memref<2x1000x64xf32, #tpu.memory_space<vmem>>, %arg2: memref<128x128xf32, #tpu.memory_space<vmem>>, %arg3: memref<1x128xf32, #tpu.memory_space<vmem>>, %arg4: memref<2x1000x64xf32, #tpu.memory_space<vmem>>) attributes {dimension_semantics = [#tpu.dimension_semantics<arbitrary>], iteration_bounds = array<i64: 10>, scalar_prefetch = 0 : i64, scratch_operands = 0 : i64, tpu.core_type = #tpu.core_type<tc>, window_params = [{transform_indices = @transform_0, window_bounds = array<i64: 2, 1000, 64>}, {pipeline_mode = #tpu.pipeline_mode<synchronous>, transform_indices = @transform_1, window_bounds = array<i64: 128, 128>}, {pipeline_mode = #tpu.pipeline_mode<synchronous>, transform_indices = @transform_2, window_bounds = array<i64: 1, 128>}, {transform_indices = @transform_3, window_bounds = array<i64: 2, 1000, 64>}]} {
    %get3A = arith.constant 0 : index
    %get3A_0 = arith.constant 0 : index
    %get3A_1 = arith.constant 0 : index
    %get3A_2 = vector.load %arg1[%get3A, %get3A_0, %get3A_1] : memref<2x1000x64xf32, #tpu.memory_space<vmem>>, vector<1x1000x64xf32>
    %get3A_3 = vector.shape_cast %get3A_2 : vector<1x1000x64xf32> to vector<1000x64xf32>
    %get3A_4 = arith.constant 1 : index
    %get3A_5 = arith.constant 0 : index
    %get3A_6 = arith.constant 0 : index
    %get3A_7 = vector.load %arg1[%get3A_4, %get3A_5, %get3A_6] : memref<2x1000x64xf32, #tpu.memory_space<vmem>>, vector<1x1000x64xf32>
    %get3A_8 = vector.shape_cast %get3A_7 : vector<1x1000x64xf32> to vector<1000x64xf32>
    %concatenate3A = tpu.concatenate %get3A_3, %get3A_8 in 1 : vector<1000x64xf32>, vector<1000x64xf32> -> vector<1000x128xf32>
    %get3A_9 = arith.constant 0 : index
    %get3A_10 = arith.constant 0 : index
    %get3A_11 = vector.load %arg2[%get3A_9, %get3A_10] : memref<128x128xf32, #tpu.memory_space<vmem>>, vector<128x128xf32>
    %dot_general3A = arith.constant dense<0.000000e+00> : vector<1000x128xf32>
    %dot_general3A_12 = tpu.matmul %concatenate3A, %get3A_11, %dot_general3A {dimension_numbers = #tpu.dot_dimension_numbers<[1], [0], [0], [1], [0, 0, 1, 1], [], []>, transpose_lhs_hint = false} : vector<1000x128xf32>, vector<128x128xf32>, vector<1000x128xf32> -> vector<1000x128xf32>
    %get3A_13 = arith.constant 0 : index
    %get3A_14 = arith.constant 0 : index
    %get3A_15 = vector.load %arg3[%get3A_13, %get3A_14] : memref<1x128xf32, #tpu.memory_space<vmem>>, vector<1x128xf32>
    %add3A = vector.broadcast %get3A_15 : vector<1x128xf32> to vector<1000x128xf32>
    %add3A_16 = arith.addf %dot_general3A_12, %add3A : vector<1000x128xf32>
    %max3A = arith.constant 0.000000e+00 : f32
    %max3A_17 = vector.broadcast %max3A : f32 to vector<1000x128xf32>
    %max3A_18 = arith.maximumf %add3A_16, %max3A_17 : vector<1000x128xf32>
    %slice3A = vector.extract_strided_slice %max3A_18 {offsets = [0, 0], sizes = [1000, 64], strides = [1, 1]} : vector<1000x128xf32> to vector<1000x64xf32>
    %swap3A = arith.constant 0 : index
    %swap3A_19 = arith.constant 0 : index
    %swap3A_20 = arith.constant 0 : index
    %swap3A_21 = vector.load %arg4[%swap3A, %swap3A_19, %swap3A_20] : memref<2x1000x64xf32, #tpu.memory_space<vmem>>, vector<1x1000x64xf32>
    %swap3A_22 = vector.shape_cast %swap3A_21 : vector<1x1000x64xf32> to vector<1000x64xf32>
    %swap3A_23 = vector.shape_cast %slice3A : vector<1000x64xf32> to vector<1x1000x64xf32>
    tpu.vector_store %arg4[%swap3A, %swap3A_19, %swap3A_20], %swap3A_23 {strides = array<i32>} : memref<2x1000x64xf32, #tpu.memory_space<vmem>>, vector<1x1000x64xf32>,
    %slice3A_24 = vector.extract_strided_slice %max3A_18 {offsets = [0, 64], sizes = [1000, 64], strides = [1, 1]} : vector<1000x128xf32> to vector<1000x64xf32>
    %swap3A_25 = arith.constant 1 : index
    %swap3A_26 = arith.constant 0 : index
    %swap3A_27 = arith.constant 0 : index
    %swap3A_28 = vector.load %arg4[%swap3A_25, %swap3A_26, %swap3A_27] : memref<2x1000x64xf32, #tpu.memory_space<vmem>>, vector<1x1000x64xf32>
    %swap3A_29 = vector.shape_cast %swap3A_28 : vector<1x1000x64xf32> to vector<1000x64xf32>
    %swap3A_30 = vector.shape_cast %slice3A_24 : vector<1000x64xf32> to vector<1x1000x64xf32>
    tpu.vector_store %arg4[%swap3A_25, %swap3A_26, %swap3A_27], %swap3A_30 {strides = array<i32>} : memref<2x1000x64xf32, #tpu.memory_space<vmem>>, vector<1x1000x64xf32>,
    return
  }
  func.func @transform_0(%arg0: i32) -> (i32, i32, i32) {
    %c0_i32 = arith.constant 0 : i32
    %c0_i32_0 = arith.constant 0 : i32
    %c0_i32_1 = arith.constant 0 : i32
    return %c0_i32, %arg0, %c0_i32_0 : i32, i32, i32
  }
  func.func @transform_1(%arg0: i32) -> (i32, i32) {
    %c0_i32 = arith.constant 0 : i32
    %c0_i32_0 = arith.constant 0 : i32
    %c0_i32_1 = arith.constant 0 : i32
    return %c0_i32, %c0_i32_0 : i32, i32
  }
  func.func @transform_2(%arg0: i32) -> (i32, i32) {
    %c0_i32 = arith.constant 0 : i32
    %c0_i32_0 = arith.constant 0 : i32
    %c0_i32_1 = arith.constant 0 : i32
    return %c0_i32, %c0_i32_0 : i32, i32
  }
  func.func @transform_3(%arg0: i32) -> (i32, i32, i32) {
    %c0_i32 = arith.constant 0 : i32
    %c0_i32_0 = arith.constant 0 : i32
    %c0_i32_1 = arith.constant 0 : i32
    return %c0_i32, %arg0, %c0_i32_0 : i32, i32, i32
  }
}

module attributes {stable_mosaic.version = 14 : i64} {
  func.func @_tc_final_body(%arg0: i32, %arg1: memref<2x1000x64xf32, #tpu.memory_space<vmem>>, %arg2: memref<128x128xf32, #tpu.memory_space<vmem>>, %arg3: memref<1x128xf32, #tpu.memory_space<vmem>>, %arg4: memref<1x1x1000xi32, #tpu.memory_space<vmem>>, %arg5: memref<128x128xf32, #tpu.memory_space<vmem>>, %arg6: memref<1x128xf32, #tpu.memory_space<vmem>>, %arg7: memref<64x128xf32, #tpu.memory_space<vmem>>, %arg8: memref<64x128xf32, #tpu.memory_space<vmem>>, %arg9: memref<64x128xf32, #tpu.memory_space<vmem>>) attributes {dimension_semantics = [#tpu.dimension_semantics<arbitrary>], iteration_bounds = array<i64: 10>, scalar_prefetch = 0 : i64, scratch_operands = 2 : i64, tpu.core_type = #tpu.core_type<tc>, window_params = [{transform_indices = @transform_0, window_bounds = array<i64: 2, 1000, 64>}, {pipeline_mode = #tpu.pipeline_mode<synchronous>, transform_indices = @transform_1, window_bounds = array<i64: 128, 128>}, {pipeline_mode = #tpu.pipeline_mode<synchronous>, transform_indices = @transform_2, window_bounds = array<i64: 1, 128>}, {transform_indices = @transform_3, window_bounds = array<i64: 1, 1, 1000>}, {pipeline_mode = #tpu.pipeline_mode<synchronous>, transform_indices = @transform_4, window_bounds = array<i64: 128, 128>}, {pipeline_mode = #tpu.pipeline_mode<synchronous>, transform_indices = @transform_5, window_bounds = array<i64: 1, 128>}, {pipeline_mode = #tpu.pipeline_mode<synchronous>, transform_indices = @transform_6, window_bounds = array<i64: 64, 128>}]} {
    %eq3A = arith.constant 0 : i32
    %eq3A_0 = arith.cmpi eq, %arg0, %eq3A : i32
    %convert_element_type3A = arith.extui %eq3A_0 : i1 to i32
    %cond3A = arith.constant 0 : i32
    %cond3A_1 = arith.cmpi ne, %convert_element_type3A, %cond3A : i32
    scf.if %cond3A_1 {
      %broadcast_in_dim3A_54 = arith.constant 0.000000e+00 : f32
      %broadcast_in_dim3A_55 = vector.broadcast %broadcast_in_dim3A_54 : f32 to vector<64x128xf32>
      %swap3A_56 = arith.constant 0 : index
      %swap3A_57 = arith.constant 0 : index
      %swap3A_58 = vector.load %arg8[%swap3A_56, %swap3A_57] : memref<64x128xf32, #tpu.memory_space<vmem>>, vector<64x128xf32>
      tpu.vector_store %arg8[%swap3A_56, %swap3A_57], %broadcast_in_dim3A_55 {strides = array<i32>} : memref<64x128xf32, #tpu.memory_space<vmem>>, vector<64x128xf32>,
      %broadcast_in_dim3A_59 = arith.constant 0.000000e+00 : f32
      %broadcast_in_dim3A_60 = vector.broadcast %broadcast_in_dim3A_59 : f32 to vector<64x128xf32>
      %swap3A_61 = arith.constant 0 : index
      %swap3A_62 = arith.constant 0 : index
      %swap3A_63 = vector.load %arg9[%swap3A_61, %swap3A_62] : memref<64x128xf32, #tpu.memory_space<vmem>>, vector<64x128xf32>
      tpu.vector_store %arg9[%swap3A_61, %swap3A_62], %broadcast_in_dim3A_60 {strides = array<i32>} : memref<64x128xf32, #tpu.memory_space<vmem>>, vector<64x128xf32>,
    } else {
    }
    %get3A = arith.constant 0 : index
    %get3A_2 = arith.constant 0 : index
    %get3A_3 = arith.constant 0 : index
    %get3A_4 = vector.load %arg1[%get3A, %get3A_2, %get3A_3] : memref<2x1000x64xf32, #tpu.memory_space<vmem>>, vector<1x1000x64xf32>
    %get3A_5 = vector.shape_cast %get3A_4 : vector<1x1000x64xf32> to vector<1000x64xf32>
    %get3A_6 = arith.constant 1 : index
    %get3A_7 = arith.constant 0 : index
    %get3A_8 = arith.constant 0 : index
    %get3A_9 = vector.load %arg1[%get3A_6, %get3A_7, %get3A_8] : memref<2x1000x64xf32, #tpu.memory_space<vmem>>, vector<1x1000x64xf32>
    %get3A_10 = vector.shape_cast %get3A_9 : vector<1x1000x64xf32> to vector<1000x64xf32>
    %concatenate3A = tpu.concatenate %get3A_5, %get3A_10 in 1 : vector<1000x64xf32>, vector<1000x64xf32> -> vector<1000x128xf32>
    %get3A_11 = arith.constant 0 : index
    %get3A_12 = arith.constant 0 : index
    %get3A_13 = vector.load %arg2[%get3A_11, %get3A_12] : memref<128x128xf32, #tpu.memory_space<vmem>>, vector<128x128xf32>
    %dot_general3A = arith.constant dense<0.000000e+00> : vector<1000x128xf32>
    %dot_general3A_14 = tpu.matmul %concatenate3A, %get3A_13, %dot_general3A {dimension_numbers = #tpu.dot_dimension_numbers<[1], [0], [0], [1], [0, 0, 1, 1], [], []>, transpose_lhs_hint = false} : vector<1000x128xf32>, vector<128x128xf32>, vector<1000x128xf32> -> vector<1000x128xf32>
    %get3A_15 = arith.constant 0 : index
    %get3A_16 = arith.constant 0 : index
    %get3A_17 = vector.load %arg3[%get3A_15, %get3A_16] : memref<1x128xf32, #tpu.memory_space<vmem>>, vector<1x128xf32>
    %add3A = vector.broadcast %get3A_17 : vector<1x128xf32> to vector<1000x128xf32>
    %add3A_18 = arith.addf %dot_general3A_14, %add3A : vector<1000x128xf32>
    %max3A = arith.constant 0.000000e+00 : f32
    %max3A_19 = vector.broadcast %max3A : f32 to vector<1000x128xf32>
    %max3A_20 = arith.maximumf %add3A_18, %max3A_19 : vector<1000x128xf32>
    %get3A_21 = arith.constant 0 : index
    %get3A_22 = arith.constant 0 : index
    %get3A_23 = arith.constant 0 : index
    %get3A_24 = vector.load %arg4[%get3A_21, %get3A_22, %get3A_23] : memref<1x1x1000xi32, #tpu.memory_space<vmem>>, vector<1x1x1000xi32>
    %get3A_25 = vector.shape_cast %get3A_24 : vector<1x1x1000xi32> to vector<1x1000xi32>
    %iota3A = tpu.iota {dimensions = array<i32: 0>} : vector<64x1000xi32>
    %broadcast_in_dim3A = vector.shape_cast %get3A_25 : vector<1x1000xi32> to vector<1x1000xi32>
    %broadcast_in_dim3A_26 = vector.broadcast %broadcast_in_dim3A : vector<1x1000xi32> to vector<64x1000xi32>
    %eq3A_27 = arith.cmpi eq, %iota3A, %broadcast_in_dim3A_26 : vector<64x1000xi32>
    %convert_element_type3A_28 = arith.extui %eq3A_27 : vector<64x1000xi1> to vector<64x1000xi32>
    %convert_element_type3A_29 = arith.sitofp %convert_element_type3A_28 : vector<64x1000xi32> to vector<64x1000xf32>
    %get3A_30 = arith.constant 0 : index
    %get3A_31 = arith.constant 0 : index
    %get3A_32 = vector.load %arg8[%get3A_30, %get3A_31] : memref<64x128xf32, #tpu.memory_space<vmem>>, vector<64x128xf32>
    %dot_general3A_33 = arith.constant dense<0.000000e+00> : vector<64x128xf32>
    %dot_general3A_34 = tpu.matmul %convert_element_type3A_29, %max3A_20, %dot_general3A_33 {dimension_numbers = #tpu.dot_dimension_numbers<[1], [0], [0], [1], [0, 0, 1, 1], [], []>, transpose_lhs_hint = false} : vector<64x1000xf32>, vector<1000x128xf32>, vector<64x128xf32> -> vector<64x128xf32>
    %add3A_35 = arith.addf %get3A_32, %dot_general3A_34 : vector<64x128xf32>
    %swap3A = arith.constant 0 : index
    %swap3A_36 = arith.constant 0 : index
    %swap3A_37 = vector.load %arg8[%swap3A, %swap3A_36] : memref<64x128xf32, #tpu.memory_space<vmem>>, vector<64x128xf32>
    tpu.vector_store %arg8[%swap3A, %swap3A_36], %add3A_35 {strides = array<i32>} : memref<64x128xf32, #tpu.memory_space<vmem>>, vector<64x128xf32>,
    %get3A_38 = arith.constant 0 : index
    %get3A_39 = arith.constant 0 : index
    %get3A_40 = vector.load %arg9[%get3A_38, %get3A_39] : memref<64x128xf32, #tpu.memory_space<vmem>>, vector<64x128xf32>
    %reduce_sum3A = arith.constant dense<0.000000e+00> : vector<64xf32>
    %reduce_sum3A_41 = vector.multi_reduction <add>, %convert_element_type3A_29, %reduce_sum3A [1] : vector<64x1000xf32> to vector<64xf32>
    %broadcast_in_dim3A_42 = vector.shape_cast %reduce_sum3A_41 : vector<64xf32> to vector<64x1xf32>
    %broadcast_in_dim3A_43 = vector.shape_cast %broadcast_in_dim3A_42 : vector<64x1xf32> to vector<64x1xf32>
    %broadcast_in_dim3A_44 = vector.broadcast %broadcast_in_dim3A_43 : vector<64x1xf32> to vector<64x128xf32>
    %add3A_45 = arith.addf %get3A_40, %broadcast_in_dim3A_44 : vector<64x128xf32>
    %swap3A_46 = arith.constant 0 : index
    %swap3A_47 = arith.constant 0 : index
    %swap3A_48 = vector.load %arg9[%swap3A_46, %swap3A_47] : memref<64x128xf32, #tpu.memory_space<vmem>>, vector<64x128xf32>
    tpu.vector_store %arg9[%swap3A_46, %swap3A_47], %add3A_45 {strides = array<i32>} : memref<64x128xf32, #tpu.memory_space<vmem>>, vector<64x128xf32>,
    %eq3A_49 = arith.constant 9 : i32
    %eq3A_50 = arith.cmpi eq, %arg0, %eq3A_49 : i32
    %convert_element_type3A_51 = arith.extui %eq3A_50 : i1 to i32
    %cond3A_52 = arith.constant 0 : i32
    %cond3A_53 = arith.cmpi ne, %convert_element_type3A_51, %cond3A_52 : i32
    scf.if %cond3A_53 {
      %get3A_54 = arith.constant 0 : index
      %get3A_55 = arith.constant 0 : index
      %get3A_56 = vector.load %arg8[%get3A_54, %get3A_55] : memref<64x128xf32, #tpu.memory_space<vmem>>, vector<64x128xf32>
      %get3A_57 = arith.constant 0 : index
      %get3A_58 = arith.constant 0 : index
      %get3A_59 = vector.load %arg9[%get3A_57, %get3A_58] : memref<64x128xf32, #tpu.memory_space<vmem>>, vector<64x128xf32>
      %max3A_60 = arith.constant 1.000000e+00 : f32
      %max3A_61 = vector.broadcast %max3A_60 : f32 to vector<64x128xf32>
      %max3A_62 = arith.maximumf %get3A_59, %max3A_61 : vector<64x128xf32>
      %div3A = arith.divf %get3A_56, %max3A_62 : vector<64x128xf32>
      %get3A_63 = arith.constant 0 : index
      %get3A_64 = arith.constant 0 : index
      %get3A_65 = vector.load %arg5[%get3A_63, %get3A_64] : memref<128x128xf32, #tpu.memory_space<vmem>>, vector<128x128xf32>
      %dot_general3A_66 = arith.constant dense<0.000000e+00> : vector<64x128xf32>
      %dot_general3A_67 = tpu.matmul %div3A, %get3A_65, %dot_general3A_66 {dimension_numbers = #tpu.dot_dimension_numbers<[1], [0], [0], [1], [0, 0, 1, 1], [], []>, transpose_lhs_hint = false} : vector<64x128xf32>, vector<128x128xf32>, vector<64x128xf32> -> vector<64x128xf32>
      %get3A_68 = arith.constant 0 : index
      %get3A_69 = arith.constant 0 : index
      %get3A_70 = vector.load %arg6[%get3A_68, %get3A_69] : memref<1x128xf32, #tpu.memory_space<vmem>>, vector<1x128xf32>
      %add3A_71 = vector.broadcast %get3A_70 : vector<1x128xf32> to vector<64x128xf32>
      %add3A_72 = arith.addf %dot_general3A_67, %add3A_71 : vector<64x128xf32>
      %swap3A_73 = arith.constant 0 : index
      %swap3A_74 = arith.constant 0 : index
      %swap3A_75 = vector.load %arg7[%swap3A_73, %swap3A_74] : memref<64x128xf32, #tpu.memory_space<vmem>>, vector<64x128xf32>
      tpu.vector_store %arg7[%swap3A_73, %swap3A_74], %add3A_72 {strides = array<i32>} : memref<64x128xf32, #tpu.memory_space<vmem>>, vector<64x128xf32>,
    } else {
    }
    return
  }
  func.func @transform_0(%arg0: i32) -> (i32, i32, i32) {
    %c0_i32 = arith.constant 0 : i32
    %c0_i32_0 = arith.constant 0 : i32
    %c0_i32_1 = arith.constant 0 : i32
    return %c0_i32, %arg0, %c0_i32_0 : i32, i32, i32
  }
  func.func @transform_1(%arg0: i32) -> (i32, i32) {
    %c0_i32 = arith.constant 0 : i32
    %c0_i32_0 = arith.constant 0 : i32
    %c0_i32_1 = arith.constant 0 : i32
    return %c0_i32, %c0_i32_0 : i32, i32
  }
  func.func @transform_2(%arg0: i32) -> (i32, i32) {
    %c0_i32 = arith.constant 0 : i32
    %c0_i32_0 = arith.constant 0 : i32
    %c0_i32_1 = arith.constant 0 : i32
    return %c0_i32, %c0_i32_0 : i32, i32
  }
  func.func @transform_3(%arg0: i32) -> (i32, i32, i32) {
    %c0_i32 = arith.constant 0 : i32
    %c0_i32_0 = arith.constant 0 : i32
    %c0_i32_1 = arith.constant 0 : i32
    return %arg0, %c0_i32, %c0_i32_0 : i32, i32, i32
  }
  func.func @transform_4(%arg0: i32) -> (i32, i32) {
    %c0_i32 = arith.constant 0 : i32
    %c0_i32_0 = arith.constant 0 : i32
    %c0_i32_1 = arith.constant 0 : i32
    return %c0_i32, %c0_i32_0 : i32, i32
  }
  func.func @transform_5(%arg0: i32) -> (i32, i32) {
    %c0_i32 = arith.constant 0 : i32
    %c0_i32_0 = arith.constant 0 : i32
    %c0_i32_1 = arith.constant 0 : i32
    return %c0_i32, %c0_i32_0 : i32, i32
  }
  func.func @transform_6(%arg0: i32) -> (i32, i32) {
    %c0_i32 = arith.constant 0 : i32
    %c0_i32_0 = arith.constant 0 : i32
    %c0_i32_1 = arith.constant 0 : i32
    return %c0_i32, %c0_i32_0 : i32, i32
  }
}

</mosaic_0001>

<sc_bundles>
// kernel: kernel.11.cloned.1.call-start
scs
__scs_entry_jumppad:
0x0: {  	(pc) =	sbr.rel $0x88, $3  }
0x1: {  	(tag) =	ssettag $0x0;
	lr =	simm.s32 $0x1  }
0x2: {  	[smem:$0x3F96] =	sst lr;
	_ =	strace $0xD0000000  }
0x3: {  	_ = 	snop  }
0x4: {  	_ = 	snop  }
0x5: {  	_ = 	snop  }
0x6: {  	_ = 	snop  }
0x7: {  	_ = 	snop  }
__scs_overlays_trampoline_lowered:
0x8: {  	[smem:$0x3FA5] =	sst s0  }
0x9: {  	[smem:$0x3FA6] =	sst s1  }
0xa: {  	[smem:$0x3FA7] =	sst s2  }
0xb: {  	[smem:$0x3FA8] =	sst s3  }
0xc: {  	[smem:$0x3FA9] =	sst s4  }
0xd: {  	[smem:$0x3FAA] =	sst s5  }
0xe: {  	[smem:$0x3FAB] =	sst s6  }
0xf: {  	[smem:$0x3FAC] =	sst s7  }
0x10: {  	[smem:$0x3FAD] =	sst s8  }
0x11: {  	[smem:$0x3FAE] =	sst s9;
	s0 =	simm.s32 @!p0 $0x0  }
0x12: {  	s1 =	sld [smem:$0x3F94];
	s0 =	simm.s32 @p0 $0x1  }
0x13: {  	[smem:$0x3FAF] =	sst s0;
	s0 =	simm.s32 @!p1 $0x0  }
0x14: {  	s2 =	sld [smem:$0x3F93];
	s0 =	simm.s32 @p1 $0x1  }
0x15: {  	[smem:$0x3FB0] =	sst s0;
	s0 =	simm.s32 @!p2 $0x0  }
0x16: {  	s3 =	sld [smem:$0x3FDB];
	s0 =	simm.s32 @p2 $0x1  }
0x17: {  	s4 =	simm.s32 $0x1BF5;
	[smem:$0x3FB2] =	sst s0  }
0x18: {  	s0 =	sld [smem:$0x3F95];
	_ =	swait.ge [sflag:s4], $0x0  }
0x19: {  	s7 =	sld [smem:$0x3F96]  }
0x1a: {  	s8 =	sadd.s32 $0xFFFFE003, lr  }
0x1b: {  	s9 =	sadd.s32 $0xFFFFFEF7, lr;
	s5 =	simm.s32 $0xFFFFFFFF;
	p2 =	slt.u32 s8, $0xFFFFF086  }
0x1c: {  	p1 =	slt.u32 s9, $0xF7A;
	s5 =	simm.s32 @!p2 $0x0  }
0x1d: {  	s5 =	simm.s32 @p1 $0x1;
	p0 =	seq.s32 s7, s2  }
0x1e: {  	s7 =	smul.u32 @!p0 $0xF7A, s2;
	p2 =	seq.s32 @!p0 s5, $0x0  }
0x1f: {  	s9 =	smul.u32 $0xF7A, s1;
	s8 =	simm.s32 @!p0 $0x1BF5;
	p2 =	por !p2, p0  }
0x20: {  	[sflag:s8] =	ssyncset.s32 @!p0 $0xFFFFF086;
	s6 =	sadd.s32 @!p0 s3, s7;
	s7 =	simm.s32 @!p0 $0x108  }
0x21: {  	s3 =	sadd.s32 s3, s9;
	s6 =	sadd.s32 @!p0 $0x88, s6;
	s7 =	simm.s32 @p2 $0x1082  }
0x22: {  	[simem:s7], [sflag:s8] =	dma.local @!p0 [hbm:s6], $0xF7A  }
0x23: {  	s9 =	sor.u32 $0xD0000000, s2;
	s6 =	simm.s32 $0x108;
	_ =	swait.ge @!p0 [sflag:s8], $0x0  }
0x24: {  	s3 =	sadd.s32 $0x88, s3;
	s6 =	simm.s32 @!p1 $0x1082;
	[sflag:s4] =	ssyncset.s32 $0xFFFFF086  }
0x25: {  	[simem:s6], [sflag:s4] =	dma.local [hbm:s3], $0xF7A  }
0x26: {  	[smem:$0x3F96] =	sst s1;
	(tag) =	ssettag s2;
	_ =	strace s9  }
0x27: {  	s1 =	sld [smem:$0x3FA6]  }
0x28: {  	s2 =	sld [smem:$0x3FA7]  }
0x29: {  	s4 =	sld [smem:$0x3FA9]  }
0x2a: {  	p0 =	seq.s32 s5, $0x0;
	s5 =	sld [smem:$0x3FAA]  }
0x2b: {  	s6 =	sld [smem:$0x3FAB]  }
0x2c: {  	s7 =	sld [smem:$0x3FAC]  }
0x2d: {  	s3 =	simm.s32 $0x108;
	s8 =	sld [smem:$0x3FAD]  }
0x2e: {  	s3 =	simm.s32 @!p0 $0x1082;
	s9 =	sld [smem:$0x3FAE]  }
0x2f: {  	lr =	sadd.s32 s0, s3;
	s0 =	sld [smem:$0x3FA5]  }
0x30: {  	s3 =	sld [smem:$0x3FA8]  }
0x31: {  	[smem:$0x3FB1] =	sst s10  }
0x32: {  	s10 =	sld [smem:$0x3FAF];
	_ =	sdelay $0x3  }
0x33: {  	p0 =	seq.s32 s10, $0x1;
	s10 =	sld [smem:$0x3FB1];
	_ =	sdelay $0x3  }
0x34: {  	[smem:$0x3FB1] =	sst s10  }
0x35: {  	s10 =	sld [smem:$0x3FB0];
	_ =	sdelay $0x3  }
0x36: {  	p1 =	seq.s32 s10, $0x1;
	s10 =	sld [smem:$0x3FB1];
	_ =	sdelay $0x3  }
0x37: {  	[smem:$0x3FB1] =	sst s10  }
0x38: {  	s10 =	sld [smem:$0x3FB2]  }
0x39: {  	_ = 	snop;
	(pc) =	sbr.ind lr, $3  }
0x3a: {  	_ = 	snop  }
0x3b: {  	_ = 	snop  }
0x3c: {  	p2 =	seq.s32 s10, $0x1;
	s10 =	sld [smem:$0x3FB1]  }
0x3d: {  	_ =	shalt  }
0x3e: {  	_ =	shalt  }
0x3f: {  	_ =	shalt  }
0x40: {  	_ =	shalt  }
0x41: {  	_ =	shalt  }
0x42: {  	_ =	shalt  }
0x43: {  	_ =	shalt  }
0x44: {  	_ =	shalt  }
0x45: {  	_ =	shalt  }
0x46: {  	_ =	shalt  }
0x47: {  	_ =	shalt  }
0x48: {  	_ =	shalt  }
0x49: {  	_ =	shalt  }
0x4a: {  	_ =	shalt  }
0x4b: {  	_ =	shalt  }
0x4c: {  	_ =	shalt  }
0x4d: {  	_ =	shalt  }
0x4e: {  	_ =	shalt  }
0x4f: {  	_ =	shalt  }
0x50: {  	_ =	shalt  }
0x51: {  	_ =	shalt  }
0x52: {  	_ =	shalt  }
0x53: {  	_ =	shalt  }
0x54: {  	_ =	shalt  }
0x55: {  	_ =	shalt  }
0x56: {  	_ =	shalt  }
0x57: {  	_ =	shalt  }
0x58: {  	_ =	shalt  }
0x59: {  	_ =	shalt  }
0x5a: {  	_ =	shalt  }
0x5b: {  	_ =	shalt  }
0x5c: {  	_ =	shalt  }
0x5d: {  	_ =	shalt  }
0x5e: {  	_ =	shalt  }
0x5f: {  	_ =	shalt  }
0x60: {  	_ =	shalt  }
0x61: {  	_ =	shalt  }
0x62: {  	_ =	shalt  }
0x63: {  	_ =	shalt  }
0x64: {  	_ =	shalt  }
0x65: {  	_ =	shalt  }
0x66: {  	_ =	shalt  }
0x67: {  	_ =	shalt  }
0x68: {  	_ =	shalt  }
0x69: {  	_ =	shalt  }
0x6a: {  	_ =	shalt  }
0x6b: {  	_ =	shalt  }
0x6c: {  	_ =	shalt  }
0x6d: {  	_ =	shalt  }
0x6e: {  	_ =	shalt  }
0x6f: {  	_ =	shalt  }
0x70: {  	_ =	shalt  }
0x71: {  	_ =	shalt  }
0x72: {  	_ =	shalt  }
0x73: {  	_ =	shalt  }
0x74: {  	_ =	shalt  }
0x75: {  	_ =	shalt  }
0x76: {  	_ =	shalt  }
0x77: {  	_ =	shalt  }
0x78: {  	_ =	shalt  }
0x79: {  	_ =	shalt  }
0x7a: {  	_ =	shalt  }
0x7b: {  	_ =	shalt  }
0x7c: {  	_ =	shalt  }
0x7d: {  	_ =	shalt  }
0x7e: {  	_ =	shalt  }
0x7f: {  	_ =	shalt  }
0x80: {  	_ =	shalt  }
0x81: {  	_ =	shalt  }
0x82: {  	_ =	shalt  }
0x83: {  	_ =	shalt  }
0x84: {  	_ =	shalt  }
0x85: {  	_ =	shalt  }
0x86: {  	_ =	shalt  }
0x87: {  	_ =	shalt  }
.Lfunc_end0:
.L_simem_size_0:
called_computation.1_lowered:
.L_overlay_start_0:
0x88: {  	s2 =	sld [smem:$0x3FD9]  }
0x89: {  	s3 =	sld [smem:$0x3FFE];
	_ =	sdelay $0x1  }
0x8a: {  	s1 =	srdreg.scid  }
0x8b: {  	s0 =	sand.u32 $0x1, s1  }
0x8c: {  	s16 =	sshll.u32 s0, $0xA;
	s2 =	sadd.s32 s3, s2  }
0x8d: {  	s2 =	sadd.s32 s2, s16  }
0x8e: {  	[smem:$0x3FBD] =	sst s2  }
0x8f: {  	_ = 	snop  }
0x90: {  	(tm) =	ssettm $0x1  }
0x91: {  	s17 =	sld [smem:$0x3FFB];
	_ =	sdelay $0x3  }
0x92: {  	_ =	strace s17  }
0x93: {  	s2 =	sld [smem:$0x3FFC];
	_ =	sdelay $0x3  }
0x94: {  	_ =	strace s2  }
0x95: {  	s2 =	sld [smem:$0x3FFD];
	_ =	sdelay $0x3  }
0x96: {  	_ =	strace s2  }
0x97: {  	_ =	strace $0x8FFFFFFF  }
0x98: {  	s18 =	sld [smem:$0x3FDB];
	_ =	sdelay $0x1  }
0x99: {  	s19 =	simm.s32 $_scs_section_size  }
0x9a: {  	s4 =	simm.s32 $_size__tile_overlayer_lowered;
	s5 =	simm.s32 $_tile_overlayer_lowered  }
0x9b: {  	s22 =	simm.s32 $0x1BFF;
	s21 =	sshll.u32 s5, $0x1;
	s2 =	sadd.s32 s19, s18  }
0x9c: {  	s6 =	simm.s32 $0x0;
	s20 =	sshll.u32 s4, $0x1;
	s4 =	sadd.s32 s21, s2  }
0x9d: {  	[timem:s6], [sflag:s22] =	dma.local [hbm:s4], s20  }
0x9e: {  	_ =	swait.ge [sflag:s22], s20  }
0x9f: {  	s3 =	ssub.s32 $0x0, s20;
	[sflag:s22] =	ssyncset.done $0x0  }
0xa0: {  	[sflag:s22] =	ssyncadd.s32 s3;
	_ =	sdelay $0x1  }
0xa1: {  	s23 =	simm.s32 $0x1B8B  }
0xa2: {  	_ =	swait.ge [sflag:s23], $0x1  }
0xa3: {  	[sflag:s23] =	ssyncset.done $0x0  }
0xa4: {  	s25 =	simm.s32 $0x1B8E;
	s24 =	sld [smem:$0x3FFE];
	[sflag:s23] =	ssyncadd.s32 $0xFFFFFFFF  }
0xa5: {  	s26 =	simm.s32 $execute0_lowered;
	[smem:$0x3FD2] =	sst s25  }
0xa6: {  	s4 =	sshll.u32 s26, $0x1;
	_ =	strace $0x80000049;
	[dreg:$0x1] =	wrdreg $0xFFFFFFFF  }
0xa7: {  	s28 =	simm.s32 $_size_execute0_lowered;
	s2 =	sadd.s32 s2, s4;
	[dreg:$0x0] =	wrdreg $0x0  }
0xa8: {  	s4 =	sshll.u32 s28, $0x1;
	[dreg:$0x2] =	wrdreg s2  }
0xa9: {  	[dreg:$0x3] =	wrdreg s4  }
0xaa: {  	[dreg:$0x4] =	wrdreg $0xC0  }
0xab: {  	_ =	task [dreg:s6], $0x5FFFF  }
0xac: {  	[dreg:$0x1] =	wrdreg $0xFFFFFFFF  }
0xad: {  	[dreg:$0x0] =	wrdreg $0x60  }
0xae: {  	[dreg:$0x2] =	wrdreg s24  }
0xaf: {  	[dreg:$0x3] =	wrdreg $0x9E000  }
0xb0: {  	[dreg:$0x4] =	wrdreg $0x0  }
0xb1: {  	[dreg:$0x5] =	wrdreg $0x9  }
0xb2: {  	_ =	task.clear_ibuf [dreg:s6], $0x6FFFF;
	_ =	strace $0x90000049  }
0xb3: {  	s29 =	simm.s32 $0x9;
	_ =	strace $0x8000004B  }
0xb4: {  	_ =	swait.ge [sflag:s29], $0x1  }
0xb5: {  	[sflag:s29] =	ssyncadd.s32 $0xFFFFFFFF  }
0xb6: {  	_ =	strace $0x9000004B  }
0xb7: {  	_ =	sfence  }
0xb8: {  	s30 =	sld [smem:$0x0];
	_ =	sdelay $0x2  }
0xb9: {  	s31 =	sshll.u32 s1, $0xD;
	s1 =	sshrl.u32 s1, $0x2  }
0xba: {  	s3 =	sand.u32 $0x4000, s31;
	s1 =	sadd.s32 s1, s30  }
0xbb: {  	s0 =	sor.u32 s3, s0;
	s1 =	sshll.u32 s1, $0x11  }
0xbc: {  	s0 =	sor.u32 s1, s0  }
0xbd: {  	s0 =	sadd.s32 $0x8F2B, s0  }
0xbe: {  	[sflag:s0] =	ssyncadd.remote.s32 $0x1  }
0xbf: {  	_ =	sfence.sel $0xFFFF  }
0xc0: {  	[dreg:$0x0] =	wrdreg $0xFFFFFFFF;
	(pc) =	sbr.abs _section_cstart, $3  }
0xc1: {  	[dreg:$0x1] =	wrdreg $0xFFFFFFFF  }
0xc2: {  	_ =	task.clear_ibuf [dreg:s6], $0x2FFFF;
	_ =	strace $0x9FFFFFFF  }
0xc3: {  	(tm) =	ssettm $0x7FFFFFFF  }
tec
execute0_lowered:
.L_overlay_start_1:
0x0: {  	(tag) =	ssettag $0x1  }
0x1: {  	s0 =	rddreg [dreg:$0x0]  }
0x2: {  	s1 =	rddreg [dreg:$0x1]  }
0x3: {  	s2 =	rddreg [dreg:$0x2]  }
0x4: {  	s3 =	simm.s32 $0x0;
	s4 =	srdreg.scid;
	s11 =	stileid.u32  }
0x5: {  	s28 =	simm.s32 $0x3;
	s29 =	simm.s32 $0x1BC00;
	s30 =	simm.s32 $0x5  }
0x6: {  	s31 =	simm.s32 $0x1BE00;
	s15 =	simm.s32 $0x1BD80;
	s7 =	smul.u32 $0x9E00, s11  }
0x7: {  	[smem:$0x7FF] =	sst s3;
	s4 =	sand.u32 $0x1, s4;
	s21 =	smul.u32 $0x5000, s11  }
0x8: {  	s6 =	sadd.s32 $0x29200, s0;
	s8 =	sadd.s32 $0x33200, s0;
	s25 =	smul.u32 $0xA00, s11  }
0x9: {  	s11 =	simm.s32 $0x19C00;
	s5 =	smul.u32 $0x13C00, s4;
	s4 =	ssub.s32 $0x2, s4  }
0xa: {  	_ =	strace $0x8000004A;
	s17 =	sshrl.u32 s4, $0x1;
	s9 =	sshrl.u32 s7, $0x3  }
0xb: {  	s19 =	sadd.s32 s7, s1;
	s20 =	sadd.s32 $0x4000, s7;
	s13 =	sadd.s32 s7, s2  }
0xc: {  	s7 =	sadd.s32 $0x8000, s7;
	s23 =	sshrl.u32 s21, $0x3;
	[dreg:$0x4] =	wrdreg s9  }
0xd: {  	s0 =	sadd.s32 s5, s0;
	s4 =	ssub.s32 s4, s17;
	[dreg:$0x6] =	wrdreg s19  }
0xe: {  	s10 =	sshrl.u32 s20, $0x3;
	s12 =	sshrl.u32 s7, $0x3;
	[dreg:$0x7] =	wrdreg s13  }
0xf: {  	s14 =	sadd.s32 s20, s1;
	s16 =	sadd.s32 s20, s2;
	[dreg:$0x8] =	wrdreg s10  }
0x10: {  	s22 =	sadd.s32 s7, s1;
	s20 =	sadd.s32 s7, s2;
	[dreg:$0xb] =	wrdreg s14  }
0x11: {  	s24 =	sadd.s32 s6, s23;
	s19 =	simm.s32 $0x1BF80;
	[dreg:$0xa] =	wrdreg s12  }
0x12: {  	s17 =	simm.s32 $0x0;
	s18 =	sadd.s32 $0x1A00, s0;
	[dreg:$0xe] =	wrdreg s22  }
0x13: {  	[dreg:$0x10] =	wrdreg s24;
	s7 =	sadd.s32 $0x20, s24;
	s0 =	sadd.s32 $0x3D200, s0  }
0x14: {  	s26 =	smax.u32 s4, $0x1;
	s22 =	sadd.s32 s25, s8;
	[dreg:$0xc] =	wrdreg s16  }
0x15: {  	s24 =	simm.s32 $0x1C000;
	s4 =	simm.s32 $0x13C00;
	[dreg:$0xf] =	wrdreg s20  }
0x16: {  	s14 =	simm.s32 $0x17C00;
	s9 =	sadd.s32 s9, s18;
	[dreg:$0x12] =	wrdreg s7  }
0x17: {  	s10 =	sadd.s32 s10, s18;
	s5 =	sadd.s32 s12, s18;
	[dreg:$0x13] =	wrdreg s0  }
0x18: {  	[dreg:$0x14] =	wrdreg s26;
	s26 =	simm.s32 $0x1;
	s0 =	simm.s32 $0x80  }
.Ltmp0:
0x19: {  	s7 =	simm.s32 $0x15C00;
	[dreg:$0x5] =	wrdreg s9;
	(pc) =	sbr.rel .LBB2_1-.Ltmp0, $4  }
0x1a: {  	s12 =	simm.s32 $0x1BE80;
	s18 =	simm.s32 $0x2;
	[dreg:$0x9] =	wrdreg s10  }
0x1b: {  	[dreg:$0xd] =	wrdreg s5;
	s5 =	sadd.s32 s8, s23;
	s23 =	sadd.s32 s25, s6  }
0x1c: {  	s25 =	simm.s32 $0x7;
	s6 =	simm.s32 $0x1BC80;
	s10 =	simm.s32 $0x6  }
0x1d: {  	s9 =	simm.s32 $0x1BF00;
	[dreg:$0x11] =	wrdreg s5;
	s5 =	simm.s32 $0x1BD00  }
.LBB2_4:
0x1e: {  	s8 =	simm.s32 $0x4  }
0x1f: {  	_ =	swait.ge [sflag:s8], $0x2000  }
0x20: {  	[sflag:s8] =	ssyncset.done $0x0  }
0x21: {  	[sflag:s8] =	ssyncadd.s32 $0xFFFFE000  }
0x22: {  	_ =	swait.ge [sflag:s8], $0x2000  }
0x23: {  	[sflag:s8] =	ssyncset.done $0x0  }
0x24: {  	[sflag:s8] =	ssyncadd.s32 $0xFFFFE000  }
0x25: {  	[bflag:$0x0] =	sbarrier.arrive $0xFFFF  }
0x26: {  	s13 =	rddreg [dreg:$0x7]  }
0x27: {  	[tilespmem:s24], [sflag:$0x7] =	stream.linear.gather [spmem:s13], $0x4000, $0x38;
	v63 =	vld [tilespmem:$0x0]  }
0x28: {  	_ =	swait.ge [sflag:s25], $0x4000  }
0x29: {  	s16 =	rddreg [dreg:$0x4]  }
0x2a: {  	[sflag:s25] =	ssyncset.done $0x0;
	s21 =	rddreg [dreg:$0x13]  }
0x2b: {  	[sflag:s25] =	ssyncadd.s32 $0xFFFFC000;
	s8 =	sadd.s32 s16, s21  }
0x2c: {  	[hbm4b:s8+s3] =	stream.linear.scatter [tilespmem:s24], [sflag:$0x2], $0x4000, $0x38;
	v63 =	vld [tilespmem:$0x0]  }
0x2d: {  	_ =	swait.ge [sflag:s18], $0x4000  }
0x2e: {  	[sflag:s18] =	ssyncset.done $0x0  }
0x2f: {  	s16 =	rddreg [dreg:$0xc];
	[sflag:s18] =	ssyncadd.s32 $0xFFFFC000  }
0x30: {  	[tilespmem:s24], [sflag:$0x7] =	stream.linear.gather [spmem:s16], $0x4000, $0x38;
	v63 =	vld [tilespmem:$0x0]  }
0x31: {  	_ =	swait.ge [sflag:s25], $0x4000  }
0x32: {  	[sflag:s25] =	ssyncset.done $0x0;
	s20 =	rddreg [dreg:$0x8]  }
0x33: {  	[sflag:s25] =	ssyncadd.s32 $0xFFFFC000;
	s8 =	sadd.s32 s20, s21  }
0x34: {  	[hbm4b:s8+s3] =	stream.linear.scatter [tilespmem:s24], [sflag:$0x2], $0x4000, $0x38;
	v63 =	vld [tilespmem:$0x0]  }
0x35: {  	_ =	swait.ge [sflag:s18], $0x4000  }
0x36: {  	[sflag:s18] =	ssyncset.done $0x0  }
0x37: {  	s20 =	rddreg [dreg:$0xf];
	[sflag:s18] =	ssyncadd.s32 $0xFFFFC000  }
0x38: {  	[tilespmem:s24], [sflag:$0x7] =	stream.linear.gather [spmem:s20], $0x1E00, $0x38;
	v63 =	vld [tilespmem:$0x0]  }
0x39: {  	_ =	swait.ge [sflag:s25], $0x1E00  }
0x3a: {  	[sflag:s25] =	ssyncset.done $0x0;
	s8 =	rddreg [dreg:$0xa]  }
0x3b: {  	[sflag:s25] =	ssyncadd.s32 $0xFFFFE200;
	s8 =	sadd.s32 s8, s21  }
0x3c: {  	[hbm4b:s8+s3] =	stream.linear.scatter [tilespmem:s24], [sflag:$0x2], $0x1E00, $0x38;
	v63 =	vld [tilespmem:$0x0]  }
0x3d: {  	_ =	swait.ge [sflag:s18], $0x1E00  }
0x3e: {  	s17 =	sadd.s32 $0x1, s17;
	s21 =	rddreg [dreg:$0x14]  }
0x3f: {  	p0 =	sne.s32 s17, s21  }
.Ltmp1:
0x40: {  	_ = 	snop;
	(pc) =	sbr.rel @!p0 .LBB2_5-.Ltmp1, $3  }
0x41: {  	_ =	sdelay $0x1  }
0x42: {  	[sflag:s18] =	ssyncset.done $0x0  }
0x43: {  	[sflag:s18] =	ssyncadd.s32 $0xFFFFE200  }
.LBB2_1:
0x44: {  	s8 =	rddreg [dreg:$0x5]  }
0x45: {  	[tilespmem:s24], [sflag:$0x7] =	stream.linear.gather [hbm4b:s8+s3], $0x4000, $0x38;
	v63 =	vld [tilespmem:$0x0]  }
0x46: {  	_ =	swait.ge [sflag:s25], $0x4000  }
0x47: {  	[sflag:s25] =	ssyncset.done $0x0  }
0x48: {  	s21 =	rddreg [dreg:$0x6];
	[sflag:s25] =	ssyncadd.s32 $0xFFFFC000  }
0x49: {  	[spmem:s21] =	stream.linear.scatter [tilespmem:s24], [sflag:$0x1], $0x4000, $0x38;
	v63 =	vld [tilespmem:$0x0]  }
0x4a: {  	_ = 	snop  }
0x4b: {  	[spmem:s13] =	stream.linear.scatter [tilespmem:s24], [sflag:$0x3], $0x4000, $0x38;
	v63 =	vld [tilespmem:$0x0]  }
0x4c: {  	_ =	swait.ge [sflag:s26], $0x4000  }
0x4d: {  	[sflag:s26] =	ssyncset.done $0x0  }
0x4e: {  	[sflag:s26] =	ssyncadd.s32 $0xFFFFC000  }
0x4f: {  	_ =	swait.ge [sflag:s28], $0x4000  }
0x50: {  	[sflag:s28] =	ssyncset.done $0x0  }
0x51: {  	s21 =	rddreg [dreg:$0x9];
	[sflag:s28] =	ssyncadd.s32 $0xFFFFC000  }
0x52: {  	[tilespmem:s24], [sflag:$0x7] =	stream.linear.gather [hbm4b:s21+s3], $0x4000, $0x38;
	v63 =	vld [tilespmem:$0x0]  }
0x53: {  	_ =	swait.ge [sflag:s25], $0x4000  }
0x54: {  	[sflag:s25] =	ssyncset.done $0x0  }
0x55: {  	s13 =	rddreg [dreg:$0xb];
	[sflag:s25] =	ssyncadd.s32 $0xFFFFC000  }
0x56: {  	[spmem:s13] =	stream.linear.scatter [tilespmem:s24], [sflag:$0x1], $0x4000, $0x38;
	v63 =	vld [tilespmem:$0x0]  }
0x57: {  	_ = 	snop  }
0x58: {  	[spmem:s16] =	stream.linear.scatter [tilespmem:s24], [sflag:$0x3], $0x4000, $0x38;
	v63 =	vld [tilespmem:$0x0]  }
0x59: {  	_ =	swait.ge [sflag:s26], $0x4000  }
0x5a: {  	[sflag:s26] =	ssyncset.done $0x0  }
0x5b: {  	[sflag:s26] =	ssyncadd.s32 $0xFFFFC000  }
0x5c: {  	_ =	swait.ge [sflag:s28], $0x4000  }
0x5d: {  	[sflag:s28] =	ssyncset.done $0x0  }
0x5e: {  	s21 =	rddreg [dreg:$0xd];
	[sflag:s28] =	ssyncadd.s32 $0xFFFFC000  }
0x5f: {  	[tilespmem:s24], [sflag:$0x7] =	stream.linear.gather [hbm4b:s21+s3], $0x1E00, $0x38;
	v63 =	vld [tilespmem:$0x0]  }
0x60: {  	_ =	swait.ge [sflag:s25], $0x1E00  }
0x61: {  	[sflag:s25] =	ssyncset.done $0x0  }
0x62: {  	s13 =	rddreg [dreg:$0xe];
	[sflag:s25] =	ssyncadd.s32 $0xFFFFE200  }
0x63: {  	[spmem:s13] =	stream.linear.scatter [tilespmem:s24], [sflag:$0x1], $0x1E00, $0x38;
	v63 =	vld [tilespmem:$0x0]  }
0x64: {  	_ = 	snop  }
0x65: {  	[spmem:s20] =	stream.linear.scatter [tilespmem:s24], [sflag:$0x3], $0x1E00, $0x38;
	v63 =	vld [tilespmem:$0x0]  }
0x66: {  	_ =	swait.ge [sflag:s26], $0x1E00  }
0x67: {  	[sflag:s26] =	ssyncset.done $0x0  }
0x68: {  	[sflag:s26] =	ssyncadd.s32 $0xFFFFE200  }
0x69: {  	_ =	swait.ge [sflag:s28], $0x1E00  }
0x6a: {  	[sflag:s28] =	ssyncset.done $0x0  }
0x6b: {  	[sflag:s28] =	ssyncadd.s32 $0xFFFFE200  }
0x6c: {  	[bflag:$0x0] =	sbarrier.arrive $0xFFFF  }
0x6d: {  	s16 =	rddreg [dreg:$0x10]  }
0x6e: {  	[tilespmem:s29], [sflag:$0x5] =	stream.linear.gather [hbm4b:s16+s3], $0x100, $0x38;
	v63 =	vld [tilespmem:$0x0]  }
0x6f: {  	_ =	swait.ge [sflag:s30], $0x100  }
0x70: {  	[sflag:s30] =	ssyncset.done $0x0  }
0x71: {  	s20 =	rddreg [dreg:$0x11];
	[sflag:s30] =	ssyncadd.s32 $0xFFFFFF00  }
0x72: {  	[tilespmem:s31], [sflag:$0x6] =	stream.linear.gather [hbm4b:s20+s3], $0x100, $0x38;
	v63 =	vld [tilespmem:$0x0]  }
0x73: {  	_ = 	snop  }
0x74: {  	[tilespmem:s4], [sflag:$0x1] =	stream.indirect.gather [spmem:s1], $0x40, s29, s0, $0xb8;
	v63 =	vld [tilespmem:$0x0]  }
0x75: {  	_ = 	snop  }
0x76: {  	[tilespmem:s7], [sflag:$0x1] =	stream.indirect.gather [spmem:s1], $0x40, s6, s0, $0xb8;
	v63 =	vld [tilespmem:$0x0]  }
0x77: {  	s8 =	simm.s32 $0x0;
	s21 =	rddreg [dreg:$0x12]  }
0x78: {  	[tilespmem:s5], [sflag:$0x5] =	stream.linear.gather [hbm4b:s21+s3], $0x100, $0x38;
	v63 =	vld [tilespmem:$0x0]  }
.LBB2_2:
0x79: {  	p0 =	seq.s32 s8, $0x0  }
0x7a: {  	s13 =	simm.s32 @!p0 $0x4  }
0x7b: {  	_ =	swait.ge @!p0 [sflag:s13], $0x2000  }
0x7c: {  	[sflag:s13] =	ssyncset.done @!p0 $0x0  }
0x7d: {  	[sflag:s13] =	ssyncadd.s32 @!p0 $0xFFFFE000  }
0x7e: {  	_ =	swait.ge @!p0 [sflag:s13], $0x2000  }
0x7f: {  	[sflag:s13] =	ssyncset.done @!p0 $0x0  }
0x80: {  	[sflag:s13] =	ssyncadd.s32 @!p0 $0xFFFFE000  }
0x81: {  	_ =	swait.ge [sflag:s26], $0x2000  }
0x82: {  	[sflag:s26] =	ssyncset.done $0x0  }
0x83: {  	[sflag:s26] =	ssyncadd.s32 $0xFFFFE000  }
0x84: {  	_ =	swait.ge [sflag:s26], $0x2000  }
0x85: {  	[sflag:s26] =	ssyncset.done $0x0  }
0x86: {  	[sflag:s26] =	ssyncadd.s32 $0xFFFFE000  }
0x87: {  	_ =	swait.ge [sflag:s10], $0x100  }
0x88: {  	[sflag:s10] =	ssyncset.done $0x0  }
0x89: {  	[sflag:s10] =	ssyncadd.s32 $0xFFFFFF00  }
0x8a: {  	[spmem:s2] =	stream.indirect.scatter.add.f32 [tilespmem:s4], [sflag:$0x3], $0x40, s31, s0, $0xb8;
	v63 =	vld [tilespmem:$0x0]  }
0x8b: {  	s13 =	sadd.s32 s8, s22  }
0x8c: {  	[spmem:s2] =	stream.indirect.scatter.add.f32 [tilespmem:s7], [sflag:$0x3], $0x40, s12, s0, $0xb8;
	v63 =	vld [tilespmem:$0x0]  }
0x8d: {  	s16 =	sadd.s32 $0x20, s13  }
0x8e: {  	[tilespmem:s9], [sflag:$0x6] =	stream.linear.gather [hbm4b:s16+s3], $0x100, $0x38;
	v63 =	vld [tilespmem:$0x0]  }
0x8f: {  	_ =	swait.ge [sflag:s30], $0x100  }
0x90: {  	[sflag:s30] =	ssyncset.done $0x0  }
0x91: {  	p0 =	seq.s32 s8, $0x9C0;
	[sflag:s30] =	ssyncadd.s32 $0xFFFFFF00  }
0x92: {  	[tilespmem:s14], [sflag:$0x2] =	stream.indirect.gather [spmem:s1], $0x40, s5, s0, $0xb8;
	v63 =	vld [tilespmem:$0x0]  }
0x93: {  	s16 =	sadd.s32 @!p0 s8, s23  }
0x94: {  	[tilespmem:s11], [sflag:$0x2] =	stream.indirect.gather [spmem:s1], $0x40, s15, s0, $0xb8;
	v63 =	vld [tilespmem:$0x0]  }
0x95: {  	s20 =	simm.s32 @!p0 $0x0;
	s21 =	simm.s32 @!p0 $0x1BC00;
	s16 =	sadd.s32 @!p0 $0x40, s16  }
0x96: {  	[tilespmem:s21], [sflag:$0x5] =	stream.linear.gather @!p0 [hbm4b:s16+s20], $0x100, $0x38;
	v63 =	vld [tilespmem:$0x0]  }
0x97: {  	_ =	swait.ge [sflag:s28], $0x2000  }
0x98: {  	[sflag:s28] =	ssyncset.done $0x0  }
0x99: {  	[sflag:s28] =	ssyncadd.s32 $0xFFFFE000  }
0x9a: {  	_ =	swait.ge [sflag:s28], $0x2000  }
0x9b: {  	[sflag:s28] =	ssyncset.done $0x0  }
0x9c: {  	[sflag:s28] =	ssyncadd.s32 $0xFFFFE000  }
0x9d: {  	_ =	swait.ge [sflag:s18], $0x2000  }
0x9e: {  	[sflag:s18] =	ssyncset.done $0x0  }
0x9f: {  	[sflag:s18] =	ssyncadd.s32 $0xFFFFE000  }
0xa0: {  	_ =	swait.ge [sflag:s18], $0x2000  }
0xa1: {  	[sflag:s18] =	ssyncset.done $0x0  }
0xa2: {  	[sflag:s18] =	ssyncadd.s32 $0xFFFFE000  }
0xa3: {  	_ =	swait.ge [sflag:s10], $0x100  }
.Ltmp2:
0xa4: {  	[sflag:s10] =	ssyncset.done $0x0;
	(pc) =	sbr.rel @p0 .LBB2_4-.Ltmp2, $4  }
0xa5: {  	[sflag:s10] =	ssyncadd.s32 $0xFFFFFF00  }
0xa6: {  	[spmem:s2] =	stream.indirect.scatter.add.f32 [tilespmem:s14], [sflag:$0x4], $0x40, s9, s0, $0xb8;
	v63 =	vld [tilespmem:$0x0]  }
0xa7: {  	_ = 	snop  }
0xa8: {  	[spmem:s2] =	stream.indirect.scatter.add.f32 [tilespmem:s11], [sflag:$0x4], $0x40, s19, s0, $0xb8;
	v63 =	vld [tilespmem:$0x0]  }
0xa9: {  	s13 =	sadd.s32 $0x40, s13  }
0xaa: {  	[tilespmem:s31], [sflag:$0x6] =	stream.linear.gather [hbm4b:s13+s3], $0x100, $0x38;
	v63 =	vld [tilespmem:$0x0]  }
0xab: {  	_ =	swait.ge [sflag:s30], $0x100  }
0xac: {  	[sflag:s30] =	ssyncset.done $0x0  }
0xad: {  	[sflag:s30] =	ssyncadd.s32 $0xFFFFFF00  }
0xae: {  	[tilespmem:s4], [sflag:$0x1] =	stream.indirect.gather [spmem:s1], $0x40, s29, s0, $0xb8;
	v63 =	vld [tilespmem:$0x0]  }
.Ltmp3:
0xaf: {  	_ = 	snop;
	(pc) =	sbr.rel .LBB2_2-.Ltmp3, $4  }
0xb0: {  	s21 =	sadd.s32 s8, s23  }
0xb1: {  	[tilespmem:s7], [sflag:$0x1] =	stream.indirect.gather [spmem:s1], $0x40, s6, s0, $0xb8;
	v63 =	vld [tilespmem:$0x0]  }
0xb2: {  	s8 =	sadd.s32 $0x40, s8;
	s13 =	sadd.s32 $0x60, s21  }
0xb3: {  	[tilespmem:s5], [sflag:$0x5] =	stream.linear.gather [hbm4b:s13+s3], $0x100, $0x38;
	v63 =	vld [tilespmem:$0x0]  }
.LBB2_5:
0xb4: {  	_ =	sfence.sel $0x180000  }
0xb5: {  	[bflag:$0x0] =	sbarrier.arrive $0xFFFF  }
0xb6: {  	_ =	strace $0x9000004A  }
0xb7: {  	s0 =	stileid.u32;
	[bflag:$0x2] =	sbarrier.arrive $0xFFFF  }
0xb8: {  	p0 =	sne.s32 s0, $0x0;
	s0 =	rddreg [dreg:$0x3]  }
0xb9: {  	s0 =	sadd.s32 @!p0 $0x100000, s0  }
0xba: {  	[sflag:s0] =	ssyncadd.tile.s32 @!p0 $0x1;
	_ =	shalt  }
.Lfunc_end2:
_tile_overlayer_lowered:
.L_overlay_start_2:
0xbb: {  	(tag) =	ssettag $0x2  }
0xbc: {  	s0 =	rddreg [dreg:$0x0];
	s2 =	stileid.u32  }
0xbd: {  	s1 =	rddreg [dreg:$0x1];
	p0 =	sne.s32 s2, $0x0  }
0xbe: {  	s3 =	rddreg [dreg:$0x2];
	[bflag:$0x3] =	sbarrier.arrive $0xFFFF;
	s2 =	simm.s32 @!p0 $0x1C07  }
0xbf: {  	[timem:s3], [sflag:s2] =	dma.local @!p0 [hbm:s0], s1  }
0xc0: {  	s0 =	simm.s32 @!p0 $0x7  }
0xc1: {  	_ =	swait.ge @!p0 [sflag:s0], s1  }
0xc2: {  	s1 =	ssub.s32 @!p0 $0x0, s1;
	[sflag:s0] =	ssyncset.done @!p0 $0x0  }
0xc3: {  	[sflag:s0] =	ssyncadd.s32 @!p0 s1  }
0xc4: {  	[bflag:$0x3] =	sbarrier.arrive $0xFFFF  }
0xc5: {  	_ =	shalt  }

// kernel: kernel.14.cloned.1.call-start
scs
__scs_entry_jumppad:
0x0: {  	(pc) =	sbr.rel $0x88, $3  }
0x1: {  	(tag) =	ssettag $0x0;
	lr =	simm.s32 $0x1  }
0x2: {  	[smem:$0x3F96] =	sst lr;
	_ =	strace $0xD0000000  }
0x3: {  	_ = 	snop  }
0x4: {  	_ = 	snop  }
0x5: {  	_ = 	snop  }
0x6: {  	_ = 	snop  }
0x7: {  	_ = 	snop  }
__scs_overlays_trampoline_lowered:
0x8: {  	[smem:$0x3FA5] =	sst s0  }
0x9: {  	[smem:$0x3FA6] =	sst s1  }
0xa: {  	[smem:$0x3FA7] =	sst s2  }
0xb: {  	[smem:$0x3FA8] =	sst s3  }
0xc: {  	[smem:$0x3FA9] =	sst s4  }
0xd: {  	[smem:$0x3FAA] =	sst s5  }
0xe: {  	[smem:$0x3FAB] =	sst s6  }
0xf: {  	[smem:$0x3FAC] =	sst s7  }
0x10: {  	[smem:$0x3FAD] =	sst s8  }
0x11: {  	[smem:$0x3FAE] =	sst s9;
	s0 =	simm.s32 @!p0 $0x0  }
0x12: {  	s1 =	sld [smem:$0x3F94];
	s0 =	simm.s32 @p0 $0x1  }
0x13: {  	[smem:$0x3FAF] =	sst s0;
	s0 =	simm.s32 @!p1 $0x0  }
0x14: {  	s2 =	sld [smem:$0x3F93];
	s0 =	simm.s32 @p1 $0x1  }
0x15: {  	[smem:$0x3FB0] =	sst s0;
	s0 =	simm.s32 @!p2 $0x0  }
0x16: {  	s3 =	sld [smem:$0x3FDB];
	s0 =	simm.s32 @p2 $0x1  }
0x17: {  	s4 =	simm.s32 $0x1BF5;
	[smem:$0x3FB2] =	sst s0  }
0x18: {  	s0 =	sld [smem:$0x3F95];
	_ =	swait.ge [sflag:s4], $0x0  }
0x19: {  	s7 =	sld [smem:$0x3F96]  }
0x1a: {  	s8 =	sadd.s32 $0xFFFFE003, lr  }
0x1b: {  	s9 =	sadd.s32 $0xFFFFFEF7, lr;
	s5 =	simm.s32 $0xFFFFFFFF;
	p2 =	slt.u32 s8, $0xFFFFF086  }
0x1c: {  	p1 =	slt.u32 s9, $0xF7A;
	s5 =	simm.s32 @!p2 $0x0  }
0x1d: {  	s5 =	simm.s32 @p1 $0x1;
	p0 =	seq.s32 s7, s2  }
0x1e: {  	s7 =	smul.u32 @!p0 $0xF7A, s2;
	p2 =	seq.s32 @!p0 s5, $0x0  }
0x1f: {  	s9 =	smul.u32 $0xF7A, s1;
	s8 =	simm.s32 @!p0 $0x1BF5;
	p2 =	por !p2, p0  }
0x20: {  	[sflag:s8] =	ssyncset.s32 @!p0 $0xFFFFF086;
	s6 =	sadd.s32 @!p0 s3, s7;
	s7 =	simm.s32 @!p0 $0x108  }
0x21: {  	s3 =	sadd.s32 s3, s9;
	s6 =	sadd.s32 @!p0 $0x88, s6;
	s7 =	simm.s32 @p2 $0x1082  }
0x22: {  	[simem:s7], [sflag:s8] =	dma.local @!p0 [hbm:s6], $0xF7A  }
0x23: {  	s9 =	sor.u32 $0xD0000000, s2;
	s6 =	simm.s32 $0x108;
	_ =	swait.ge @!p0 [sflag:s8], $0x0  }
0x24: {  	s3 =	sadd.s32 $0x88, s3;
	s6 =	simm.s32 @!p1 $0x1082;
	[sflag:s4] =	ssyncset.s32 $0xFFFFF086  }
0x25: {  	[simem:s6], [sflag:s4] =	dma.local [hbm:s3], $0xF7A  }
0x26: {  	[smem:$0x3F96] =	sst s1;
	(tag) =	ssettag s2;
	_ =	strace s9  }
0x27: {  	s1 =	sld [smem:$0x3FA6]  }
0x28: {  	s2 =	sld [smem:$0x3FA7]  }
0x29: {  	s4 =	sld [smem:$0x3FA9]  }
0x2a: {  	p0 =	seq.s32 s5, $0x0;
	s5 =	sld [smem:$0x3FAA]  }
0x2b: {  	s6 =	sld [smem:$0x3FAB]  }
0x2c: {  	s7 =	sld [smem:$0x3FAC]  }
0x2d: {  	s3 =	simm.s32 $0x108;
	s8 =	sld [smem:$0x3FAD]  }
0x2e: {  	s3 =	simm.s32 @!p0 $0x1082;
	s9 =	sld [smem:$0x3FAE]  }
0x2f: {  	lr =	sadd.s32 s0, s3;
	s0 =	sld [smem:$0x3FA5]  }
0x30: {  	s3 =	sld [smem:$0x3FA8]  }
0x31: {  	[smem:$0x3FB1] =	sst s10  }
0x32: {  	s10 =	sld [smem:$0x3FAF];
	_ =	sdelay $0x3  }
0x33: {  	p0 =	seq.s32 s10, $0x1;
	s10 =	sld [smem:$0x3FB1];
	_ =	sdelay $0x3  }
0x34: {  	[smem:$0x3FB1] =	sst s10  }
0x35: {  	s10 =	sld [smem:$0x3FB0];
	_ =	sdelay $0x3  }
0x36: {  	p1 =	seq.s32 s10, $0x1;
	s10 =	sld [smem:$0x3FB1];
	_ =	sdelay $0x3  }
0x37: {  	[smem:$0x3FB1] =	sst s10  }
0x38: {  	s10 =	sld [smem:$0x3FB2]  }
0x39: {  	_ = 	snop;
	(pc) =	sbr.ind lr, $3  }
0x3a: {  	_ = 	snop  }
0x3b: {  	_ = 	snop  }
0x3c: {  	p2 =	seq.s32 s10, $0x1;
	s10 =	sld [smem:$0x3FB1]  }
0x3d: {  	_ =	shalt  }
0x3e: {  	_ =	shalt  }
0x3f: {  	_ =	shalt  }
0x40: {  	_ =	shalt  }
0x41: {  	_ =	shalt  }
0x42: {  	_ =	shalt  }
0x43: {  	_ =	shalt  }
0x44: {  	_ =	shalt  }
0x45: {  	_ =	shalt  }
0x46: {  	_ =	shalt  }
0x47: {  	_ =	shalt  }
0x48: {  	_ =	shalt  }
0x49: {  	_ =	shalt  }
0x4a: {  	_ =	shalt  }
0x4b: {  	_ =	shalt  }
0x4c: {  	_ =	shalt  }
0x4d: {  	_ =	shalt  }
0x4e: {  	_ =	shalt  }
0x4f: {  	_ =	shalt  }
0x50: {  	_ =	shalt  }
0x51: {  	_ =	shalt  }
0x52: {  	_ =	shalt  }
0x53: {  	_ =	shalt  }
0x54: {  	_ =	shalt  }
0x55: {  	_ =	shalt  }
0x56: {  	_ =	shalt  }
0x57: {  	_ =	shalt  }
0x58: {  	_ =	shalt  }
0x59: {  	_ =	shalt  }
0x5a: {  	_ =	shalt  }
0x5b: {  	_ =	shalt  }
0x5c: {  	_ =	shalt  }
0x5d: {  	_ =	shalt  }
0x5e: {  	_ =	shalt  }
0x5f: {  	_ =	shalt  }
0x60: {  	_ =	shalt  }
0x61: {  	_ =	shalt  }
0x62: {  	_ =	shalt  }
0x63: {  	_ =	shalt  }
0x64: {  	_ =	shalt  }
0x65: {  	_ =	shalt  }
0x66: {  	_ =	shalt  }
0x67: {  	_ =	shalt  }
0x68: {  	_ =	shalt  }
0x69: {  	_ =	shalt  }
0x6a: {  	_ =	shalt  }
0x6b: {  	_ =	shalt  }
0x6c: {  	_ =	shalt  }
0x6d: {  	_ =	shalt  }
0x6e: {  	_ =	shalt  }
0x6f: {  	_ =	shalt  }
0x70: {  	_ =	shalt  }
0x71: {  	_ =	shalt  }
0x72: {  	_ =	shalt  }
0x73: {  	_ =	shalt  }
0x74: {  	_ =	shalt  }
0x75: {  	_ =	shalt  }
0x76: {  	_ =	shalt  }
0x77: {  	_ =	shalt  }
0x78: {  	_ =	shalt  }
0x79: {  	_ =	shalt  }
0x7a: {  	_ =	shalt  }
0x7b: {  	_ =	shalt  }
0x7c: {  	_ =	shalt  }
0x7d: {  	_ =	shalt  }
0x7e: {  	_ =	shalt  }
0x7f: {  	_ =	shalt  }
0x80: {  	_ =	shalt  }
0x81: {  	_ =	shalt  }
0x82: {  	_ =	shalt  }
0x83: {  	_ =	shalt  }
0x84: {  	_ =	shalt  }
0x85: {  	_ =	shalt  }
0x86: {  	_ =	shalt  }
0x87: {  	_ =	shalt  }
.Lfunc_end0:
.L_simem_size_0:
called_computation.2_lowered:
.L_overlay_start_0:
0x88: {  	s2 =	sld [smem:$0x3FD9]  }
0x89: {  	s3 =	sld [smem:$0x3FFE];
	_ =	sdelay $0x1  }
0x8a: {  	s1 =	srdreg.scid  }
0x8b: {  	s0 =	sand.u32 $0x1, s1  }
0x8c: {  	s16 =	sshll.u32 s0, $0xA;
	s2 =	sadd.s32 s3, s2  }
0x8d: {  	s2 =	sadd.s32 s2, s16  }
0x8e: {  	[smem:$0x3FBD] =	sst s2  }
0x8f: {  	_ = 	snop  }
0x90: {  	(tm) =	ssettm $0x1  }
0x91: {  	s17 =	sld [smem:$0x3FFB];
	_ =	sdelay $0x3  }
0x92: {  	_ =	strace s17  }
0x93: {  	s2 =	sld [smem:$0x3FFC];
	_ =	sdelay $0x3  }
0x94: {  	_ =	strace s2  }
0x95: {  	s2 =	sld [smem:$0x3FFD];
	_ =	sdelay $0x3  }
0x96: {  	_ =	strace s2  }
0x97: {  	_ =	strace $0x8FFFFFFF  }
0x98: {  	s18 =	sld [smem:$0x3FDB];
	_ =	sdelay $0x1  }
0x99: {  	s19 =	simm.s32 $_scs_section_size  }
0x9a: {  	s4 =	simm.s32 $_size__tile_overlayer_lowered;
	s5 =	simm.s32 $_tile_overlayer_lowered  }
0x9b: {  	s22 =	simm.s32 $0x1BFF;
	s21 =	sshll.u32 s5, $0x1;
	s2 =	sadd.s32 s19, s18  }
0x9c: {  	s6 =	simm.s32 $0x0;
	s20 =	sshll.u32 s4, $0x1;
	s4 =	sadd.s32 s21, s2  }
0x9d: {  	[timem:s6], [sflag:s22] =	dma.local [hbm:s4], s20  }
0x9e: {  	_ =	swait.ge [sflag:s22], s20  }
0x9f: {  	s3 =	ssub.s32 $0x0, s20;
	[sflag:s22] =	ssyncset.done $0x0  }
0xa0: {  	[sflag:s22] =	ssyncadd.s32 s3;
	_ =	sdelay $0x1  }
0xa1: {  	s23 =	simm.s32 $0x1B8B  }
0xa2: {  	_ =	swait.ge [sflag:s23], $0x1  }
0xa3: {  	[sflag:s23] =	ssyncset.done $0x0  }
0xa4: {  	s25 =	simm.s32 $0x1B8E;
	s24 =	sld [smem:$0x3FFE];
	[sflag:s23] =	ssyncadd.s32 $0xFFFFFFFF  }
0xa5: {  	s26 =	simm.s32 $execute0_lowered;
	[smem:$0x3FD2] =	sst s25  }
0xa6: {  	s4 =	sshll.u32 s26, $0x1;
	_ =	strace $0x8000004C;
	[dreg:$0x1] =	wrdreg $0xFFFFFFFF  }
0xa7: {  	s28 =	simm.s32 $_size_execute0_lowered;
	s2 =	sadd.s32 s2, s4;
	[dreg:$0x0] =	wrdreg $0x0  }
0xa8: {  	s4 =	sshll.u32 s28, $0x1;
	[dreg:$0x2] =	wrdreg s2  }
0xa9: {  	[dreg:$0x3] =	wrdreg s4  }
0xaa: {  	[dreg:$0x4] =	wrdreg $0xC0  }
0xab: {  	_ =	task [dreg:s6], $0x5FFFF  }
0xac: {  	[dreg:$0x1] =	wrdreg $0xFFFFFFFF  }
0xad: {  	[dreg:$0x0] =	wrdreg $0x60  }
0xae: {  	[dreg:$0x2] =	wrdreg s24  }
0xaf: {  	[dreg:$0x3] =	wrdreg $0x9E000  }
0xb0: {  	[dreg:$0x4] =	wrdreg $0x0  }
0xb1: {  	[dreg:$0x5] =	wrdreg $0x9  }
0xb2: {  	_ =	task.clear_ibuf [dreg:s6], $0x6FFFF;
	_ =	strace $0x9000004C  }
0xb3: {  	s29 =	simm.s32 $0x9;
	_ =	strace $0x8000004E  }
0xb4: {  	_ =	swait.ge [sflag:s29], $0x1  }
0xb5: {  	[sflag:s29] =	ssyncadd.s32 $0xFFFFFFFF  }
0xb6: {  	_ =	strace $0x9000004E  }
0xb7: {  	_ =	sfence  }
0xb8: {  	s30 =	sld [smem:$0x0];
	_ =	sdelay $0x2  }
0xb9: {  	s31 =	sshll.u32 s1, $0xD;
	s1 =	sshrl.u32 s1, $0x2  }
0xba: {  	s3 =	sand.u32 $0x4000, s31;
	s1 =	sadd.s32 s1, s30  }
0xbb: {  	s0 =	sor.u32 s3, s0;
	s1 =	sshll.u32 s1, $0x11  }
0xbc: {  	s0 =	sor.u32 s1, s0  }
0xbd: {  	s0 =	sadd.s32 $0x8F2B, s0  }
0xbe: {  	[sflag:s0] =	ssyncadd.remote.s32 $0x1  }
0xbf: {  	_ =	sfence.sel $0xFFFF  }
0xc0: {  	[dreg:$0x0] =	wrdreg $0xFFFFFFFF;
	(pc) =	sbr.abs _section_cstart, $3  }
0xc1: {  	[dreg:$0x1] =	wrdreg $0xFFFFFFFF  }
0xc2: {  	_ =	task.clear_ibuf [dreg:s6], $0x2FFFF;
	_ =	strace $0x9FFFFFFF  }
0xc3: {  	(tm) =	ssettm $0x7FFFFFFF  }
tec
execute0_lowered:
.L_overlay_start_1:
0x0: {  	(tag) =	ssettag $0x1  }
0x1: {  	s0 =	rddreg [dreg:$0x0]  }
0x2: {  	s1 =	rddreg [dreg:$0x1]  }
0x3: {  	s2 =	rddreg [dreg:$0x2]  }
0x4: {  	s3 =	simm.s32 $0x0;
	s4 =	srdreg.scid;
	s11 =	stileid.u32  }
0x5: {  	s28 =	simm.s32 $0x3;
	s29 =	simm.s32 $0x1BC00;
	s30 =	simm.s32 $0x5  }
0x6: {  	s31 =	simm.s32 $0x1BE00;
	s15 =	simm.s32 $0x1BD80;
	s7 =	smul.u32 $0x9E00, s11  }
0x7: {  	[smem:$0x7FF] =	sst s3;
	s4 =	sand.u32 $0x1, s4;
	s21 =	smul.u32 $0x5000, s11  }
0x8: {  	s6 =	sadd.s32 $0x29200, s0;
	s8 =	sadd.s32 $0x33200, s0;
	s25 =	smul.u32 $0xA00, s11  }
0x9: {  	s11 =	simm.s32 $0x19C00;
	s5 =	smul.u32 $0x13C00, s4;
	s4 =	ssub.s32 $0x2, s4  }
0xa: {  	_ =	strace $0x8000004D;
	s17 =	sshrl.u32 s4, $0x1;
	s9 =	sshrl.u32 s7, $0x3  }
0xb: {  	s19 =	sadd.s32 s7, s1;
	s20 =	sadd.s32 $0x4000, s7;
	s13 =	sadd.s32 s7, s2  }
0xc: {  	s7 =	sadd.s32 $0x8000, s7;
	s23 =	sshrl.u32 s21, $0x3;
	[dreg:$0x4] =	wrdreg s9  }
0xd: {  	s0 =	sadd.s32 s5, s0;
	s4 =	ssub.s32 s4, s17;
	[dreg:$0x6] =	wrdreg s19  }
0xe: {  	s10 =	sshrl.u32 s20, $0x3;
	s12 =	sshrl.u32 s7, $0x3;
	[dreg:$0x7] =	wrdreg s13  }
0xf: {  	s14 =	sadd.s32 s20, s1;
	s16 =	sadd.s32 s20, s2;
	[dreg:$0x8] =	wrdreg s10  }
0x10: {  	s22 =	sadd.s32 s7, s1;
	s20 =	sadd.s32 s7, s2;
	[dreg:$0xb] =	wrdreg s14  }
0x11: {  	s24 =	sadd.s32 s6, s23;
	s19 =	simm.s32 $0x1BF80;
	[dreg:$0xa] =	wrdreg s12  }
0x12: {  	s17 =	simm.s32 $0x0;
	s18 =	sadd.s32 $0x1A00, s0;
	[dreg:$0xe] =	wrdreg s22  }
0x13: {  	[dreg:$0x10] =	wrdreg s24;
	s7 =	sadd.s32 $0x20, s24;
	s0 =	sadd.s32 $0x3D200, s0  }
0x14: {  	s26 =	smax.u32 s4, $0x1;
	s22 =	sadd.s32 s25, s8;
	[dreg:$0xc] =	wrdreg s16  }
0x15: {  	s24 =	simm.s32 $0x1C000;
	s4 =	simm.s32 $0x13C00;
	[dreg:$0xf] =	wrdreg s20  }
0x16: {  	s14 =	simm.s32 $0x17C00;
	s9 =	sadd.s32 s9, s18;
	[dreg:$0x12] =	wrdreg s7  }
0x17: {  	s10 =	sadd.s32 s10, s18;
	s5 =	sadd.s32 s12, s18;
	[dreg:$0x13] =	wrdreg s0  }
0x18: {  	[dreg:$0x14] =	wrdreg s26;
	s26 =	simm.s32 $0x1;
	s0 =	simm.s32 $0x80  }
.Ltmp0:
0x19: {  	s7 =	simm.s32 $0x15C00;
	[dreg:$0x5] =	wrdreg s9;
	(pc) =	sbr.rel .LBB2_1-.Ltmp0, $4  }
0x1a: {  	s12 =	simm.s32 $0x1BE80;
	s18 =	simm.s32 $0x2;
	[dreg:$0x9] =	wrdreg s10  }
0x1b: {  	[dreg:$0xd] =	wrdreg s5;
	s5 =	sadd.s32 s8, s23;
	s23 =	sadd.s32 s25, s6  }
0x1c: {  	s25 =	simm.s32 $0x7;
	s6 =	simm.s32 $0x1BC80;
	s10 =	simm.s32 $0x6  }
0x1d: {  	s9 =	simm.s32 $0x1BF00;
	[dreg:$0x11] =	wrdreg s5;
	s5 =	simm.s32 $0x1BD00  }
.LBB2_4:
0x1e: {  	s8 =	simm.s32 $0x4  }
0x1f: {  	_ =	swait.ge [sflag:s8], $0x2000  }
0x20: {  	[sflag:s8] =	ssyncset.done $0x0  }
0x21: {  	[sflag:s8] =	ssyncadd.s32 $0xFFFFE000  }
0x22: {  	_ =	swait.ge [sflag:s8], $0x2000  }
0x23: {  	[sflag:s8] =	ssyncset.done $0x0  }
0x24: {  	[sflag:s8] =	ssyncadd.s32 $0xFFFFE000  }
0x25: {  	[bflag:$0x0] =	sbarrier.arrive $0xFFFF  }
0x26: {  	s13 =	rddreg [dreg:$0x7]  }
0x27: {  	[tilespmem:s24], [sflag:$0x7] =	stream.linear.gather [spmem:s13], $0x4000, $0x38;
	v63 =	vld [tilespmem:$0x0]  }
0x28: {  	_ =	swait.ge [sflag:s25], $0x4000  }
0x29: {  	s16 =	rddreg [dreg:$0x4]  }
0x2a: {  	[sflag:s25] =	ssyncset.done $0x0;
	s21 =	rddreg [dreg:$0x13]  }
0x2b: {  	[sflag:s25] =	ssyncadd.s32 $0xFFFFC000;
	s8 =	sadd.s32 s16, s21  }
0x2c: {  	[hbm4b:s8+s3] =	stream.linear.scatter [tilespmem:s24], [sflag:$0x2], $0x4000, $0x38;
	v63 =	vld [tilespmem:$0x0]  }
0x2d: {  	_ =	swait.ge [sflag:s18], $0x4000  }
0x2e: {  	[sflag:s18] =	ssyncset.done $0x0  }
0x2f: {  	s16 =	rddreg [dreg:$0xc];
	[sflag:s18] =	ssyncadd.s32 $0xFFFFC000  }
0x30: {  	[tilespmem:s24], [sflag:$0x7] =	stream.linear.gather [spmem:s16], $0x4000, $0x38;
	v63 =	vld [tilespmem:$0x0]  }
0x31: {  	_ =	swait.ge [sflag:s25], $0x4000  }
0x32: {  	[sflag:s25] =	ssyncset.done $0x0;
	s20 =	rddreg [dreg:$0x8]  }
0x33: {  	[sflag:s25] =	ssyncadd.s32 $0xFFFFC000;
	s8 =	sadd.s32 s20, s21  }
0x34: {  	[hbm4b:s8+s3] =	stream.linear.scatter [tilespmem:s24], [sflag:$0x2], $0x4000, $0x38;
	v63 =	vld [tilespmem:$0x0]  }
0x35: {  	_ =	swait.ge [sflag:s18], $0x4000  }
0x36: {  	[sflag:s18] =	ssyncset.done $0x0  }
0x37: {  	s20 =	rddreg [dreg:$0xf];
	[sflag:s18] =	ssyncadd.s32 $0xFFFFC000  }
0x38: {  	[tilespmem:s24], [sflag:$0x7] =	stream.linear.gather [spmem:s20], $0x1E00, $0x38;
	v63 =	vld [tilespmem:$0x0]  }
0x39: {  	_ =	swait.ge [sflag:s25], $0x1E00  }
0x3a: {  	[sflag:s25] =	ssyncset.done $0x0;
	s8 =	rddreg [dreg:$0xa]  }
0x3b: {  	[sflag:s25] =	ssyncadd.s32 $0xFFFFE200;
	s8 =	sadd.s32 s8, s21  }
0x3c: {  	[hbm4b:s8+s3] =	stream.linear.scatter [tilespmem:s24], [sflag:$0x2], $0x1E00, $0x38;
	v63 =	vld [tilespmem:$0x0]  }
0x3d: {  	_ =	swait.ge [sflag:s18], $0x1E00  }
0x3e: {  	s17 =	sadd.s32 $0x1, s17;
	s21 =	rddreg [dreg:$0x14]  }
0x3f: {  	p0 =	sne.s32 s17, s21  }
.Ltmp1:
0x40: {  	_ = 	snop;
	(pc) =	sbr.rel @!p0 .LBB2_5-.Ltmp1, $3  }
0x41: {  	_ =	sdelay $0x1  }
0x42: {  	[sflag:s18] =	ssyncset.done $0x0  }
0x43: {  	[sflag:s18] =	ssyncadd.s32 $0xFFFFE200  }
.LBB2_1:
0x44: {  	s8 =	rddreg [dreg:$0x5]  }
0x45: {  	[tilespmem:s24], [sflag:$0x7] =	stream.linear.gather [hbm4b:s8+s3], $0x4000, $0x38;
	v63 =	vld [tilespmem:$0x0]  }
0x46: {  	_ =	swait.ge [sflag:s25], $0x4000  }
0x47: {  	[sflag:s25] =	ssyncset.done $0x0  }
0x48: {  	s21 =	rddreg [dreg:$0x6];
	[sflag:s25] =	ssyncadd.s32 $0xFFFFC000  }
0x49: {  	[spmem:s21] =	stream.linear.scatter [tilespmem:s24], [sflag:$0x1], $0x4000, $0x38;
	v63 =	vld [tilespmem:$0x0]  }
0x4a: {  	_ = 	snop  }
0x4b: {  	[spmem:s13] =	stream.linear.scatter [tilespmem:s24], [sflag:$0x3], $0x4000, $0x38;
	v63 =	vld [tilespmem:$0x0]  }
0x4c: {  	_ =	swait.ge [sflag:s26], $0x4000  }
0x4d: {  	[sflag:s26] =	ssyncset.done $0x0  }
0x4e: {  	[sflag:s26] =	ssyncadd.s32 $0xFFFFC000  }
0x4f: {  	_ =	swait.ge [sflag:s28], $0x4000  }
0x50: {  	[sflag:s28] =	ssyncset.done $0x0  }
0x51: {  	s21 =	rddreg [dreg:$0x9];
	[sflag:s28] =	ssyncadd.s32 $0xFFFFC000  }
0x52: {  	[tilespmem:s24], [sflag:$0x7] =	stream.linear.gather [hbm4b:s21+s3], $0x4000, $0x38;
	v63 =	vld [tilespmem:$0x0]  }
0x53: {  	_ =	swait.ge [sflag:s25], $0x4000  }
0x54: {  	[sflag:s25] =	ssyncset.done $0x0  }
0x55: {  	s13 =	rddreg [dreg:$0xb];
	[sflag:s25] =	ssyncadd.s32 $0xFFFFC000  }
0x56: {  	[spmem:s13] =	stream.linear.scatter [tilespmem:s24], [sflag:$0x1], $0x4000, $0x38;
	v63 =	vld [tilespmem:$0x0]  }
0x57: {  	_ = 	snop  }
0x58: {  	[spmem:s16] =	stream.linear.scatter [tilespmem:s24], [sflag:$0x3], $0x4000, $0x38;
	v63 =	vld [tilespmem:$0x0]  }
0x59: {  	_ =	swait.ge [sflag:s26], $0x4000  }
0x5a: {  	[sflag:s26] =	ssyncset.done $0x0  }
0x5b: {  	[sflag:s26] =	ssyncadd.s32 $0xFFFFC000  }
0x5c: {  	_ =	swait.ge [sflag:s28], $0x4000  }
0x5d: {  	[sflag:s28] =	ssyncset.done $0x0  }
0x5e: {  	s21 =	rddreg [dreg:$0xd];
	[sflag:s28] =	ssyncadd.s32 $0xFFFFC000  }
0x5f: {  	[tilespmem:s24], [sflag:$0x7] =	stream.linear.gather [hbm4b:s21+s3], $0x1E00, $0x38;
	v63 =	vld [tilespmem:$0x0]  }
0x60: {  	_ =	swait.ge [sflag:s25], $0x1E00  }
0x61: {  	[sflag:s25] =	ssyncset.done $0x0  }
0x62: {  	s13 =	rddreg [dreg:$0xe];
	[sflag:s25] =	ssyncadd.s32 $0xFFFFE200  }
0x63: {  	[spmem:s13] =	stream.linear.scatter [tilespmem:s24], [sflag:$0x1], $0x1E00, $0x38;
	v63 =	vld [tilespmem:$0x0]  }
0x64: {  	_ = 	snop  }
0x65: {  	[spmem:s20] =	stream.linear.scatter [tilespmem:s24], [sflag:$0x3], $0x1E00, $0x38;
	v63 =	vld [tilespmem:$0x0]  }
0x66: {  	_ =	swait.ge [sflag:s26], $0x1E00  }
0x67: {  	[sflag:s26] =	ssyncset.done $0x0  }
0x68: {  	[sflag:s26] =	ssyncadd.s32 $0xFFFFE200  }
0x69: {  	_ =	swait.ge [sflag:s28], $0x1E00  }
0x6a: {  	[sflag:s28] =	ssyncset.done $0x0  }
0x6b: {  	[sflag:s28] =	ssyncadd.s32 $0xFFFFE200  }
0x6c: {  	[bflag:$0x0] =	sbarrier.arrive $0xFFFF  }
0x6d: {  	s16 =	rddreg [dreg:$0x10]  }
0x6e: {  	[tilespmem:s29], [sflag:$0x5] =	stream.linear.gather [hbm4b:s16+s3], $0x100, $0x38;
	v63 =	vld [tilespmem:$0x0]  }
0x6f: {  	_ =	swait.ge [sflag:s30], $0x100  }
0x70: {  	[sflag:s30] =	ssyncset.done $0x0  }
0x71: {  	s20 =	rddreg [dreg:$0x11];
	[sflag:s30] =	ssyncadd.s32 $0xFFFFFF00  }
0x72: {  	[tilespmem:s31], [sflag:$0x6] =	stream.linear.gather [hbm4b:s20+s3], $0x100, $0x38;
	v63 =	vld [tilespmem:$0x0]  }
0x73: {  	_ = 	snop  }
0x74: {  	[tilespmem:s4], [sflag:$0x1] =	stream.indirect.gather [spmem:s1], $0x40, s29, s0, $0xb8;
	v63 =	vld [tilespmem:$0x0]  }
0x75: {  	_ = 	snop  }
0x76: {  	[tilespmem:s7], [sflag:$0x1] =	stream.indirect.gather [spmem:s1], $0x40, s6, s0, $0xb8;
	v63 =	vld [tilespmem:$0x0]  }
0x77: {  	s8 =	simm.s32 $0x0;
	s21 =	rddreg [dreg:$0x12]  }
0x78: {  	[tilespmem:s5], [sflag:$0x5] =	stream.linear.gather [hbm4b:s21+s3], $0x100, $0x38;
	v63 =	vld [tilespmem:$0x0]  }
.LBB2_2:
0x79: {  	p0 =	seq.s32 s8, $0x0  }
0x7a: {  	s13 =	simm.s32 @!p0 $0x4  }
0x7b: {  	_ =	swait.ge @!p0 [sflag:s13], $0x2000  }
0x7c: {  	[sflag:s13] =	ssyncset.done @!p0 $0x0  }
0x7d: {  	[sflag:s13] =	ssyncadd.s32 @!p0 $0xFFFFE000  }
0x7e: {  	_ =	swait.ge @!p0 [sflag:s13], $0x2000  }
0x7f: {  	[sflag:s13] =	ssyncset.done @!p0 $0x0  }
0x80: {  	[sflag:s13] =	ssyncadd.s32 @!p0 $0xFFFFE000  }
0x81: {  	_ =	swait.ge [sflag:s26], $0x2000  }
0x82: {  	[sflag:s26] =	ssyncset.done $0x0  }
0x83: {  	[sflag:s26] =	ssyncadd.s32 $0xFFFFE000  }
0x84: {  	_ =	swait.ge [sflag:s26], $0x2000  }
0x85: {  	[sflag:s26] =	ssyncset.done $0x0  }
0x86: {  	[sflag:s26] =	ssyncadd.s32 $0xFFFFE000  }
0x87: {  	_ =	swait.ge [sflag:s10], $0x100  }
0x88: {  	[sflag:s10] =	ssyncset.done $0x0  }
0x89: {  	[sflag:s10] =	ssyncadd.s32 $0xFFFFFF00  }
0x8a: {  	[spmem:s2] =	stream.indirect.scatter.add.f32 [tilespmem:s4], [sflag:$0x3], $0x40, s31, s0, $0xb8;
	v63 =	vld [tilespmem:$0x0]  }
0x8b: {  	s13 =	sadd.s32 s8, s22  }
0x8c: {  	[spmem:s2] =	stream.indirect.scatter.add.f32 [tilespmem:s7], [sflag:$0x3], $0x40, s12, s0, $0xb8;
	v63 =	vld [tilespmem:$0x0]  }
0x8d: {  	s16 =	sadd.s32 $0x20, s13  }
0x8e: {  	[tilespmem:s9], [sflag:$0x6] =	stream.linear.gather [hbm4b:s16+s3], $0x100, $0x38;
	v63 =	vld [tilespmem:$0x0]  }
0x8f: {  	_ =	swait.ge [sflag:s30], $0x100  }
0x90: {  	[sflag:s30] =	ssyncset.done $0x0  }
0x91: {  	p0 =	seq.s32 s8, $0x9C0;
	[sflag:s30] =	ssyncadd.s32 $0xFFFFFF00  }
0x92: {  	[tilespmem:s14], [sflag:$0x2] =	stream.indirect.gather [spmem:s1], $0x40, s5, s0, $0xb8;
	v63 =	vld [tilespmem:$0x0]  }
0x93: {  	s16 =	sadd.s32 @!p0 s8, s23  }
0x94: {  	[tilespmem:s11], [sflag:$0x2] =	stream.indirect.gather [spmem:s1], $0x40, s15, s0, $0xb8;
	v63 =	vld [tilespmem:$0x0]  }
0x95: {  	s20 =	simm.s32 @!p0 $0x0;
	s21 =	simm.s32 @!p0 $0x1BC00;
	s16 =	sadd.s32 @!p0 $0x40, s16  }
0x96: {  	[tilespmem:s21], [sflag:$0x5] =	stream.linear.gather @!p0 [hbm4b:s16+s20], $0x100, $0x38;
	v63 =	vld [tilespmem:$0x0]  }
0x97: {  	_ =	swait.ge [sflag:s28], $0x2000  }
0x98: {  	[sflag:s28] =	ssyncset.done $0x0  }
0x99: {  	[sflag:s28] =	ssyncadd.s32 $0xFFFFE000  }
0x9a: {  	_ =	swait.ge [sflag:s28], $0x2000  }
0x9b: {  	[sflag:s28] =	ssyncset.done $0x0  }
0x9c: {  	[sflag:s28] =	ssyncadd.s32 $0xFFFFE000  }
0x9d: {  	_ =	swait.ge [sflag:s18], $0x2000  }
0x9e: {  	[sflag:s18] =	ssyncset.done $0x0  }
0x9f: {  	[sflag:s18] =	ssyncadd.s32 $0xFFFFE000  }
0xa0: {  	_ =	swait.ge [sflag:s18], $0x2000  }
0xa1: {  	[sflag:s18] =	ssyncset.done $0x0  }
0xa2: {  	[sflag:s18] =	ssyncadd.s32 $0xFFFFE000  }
0xa3: {  	_ =	swait.ge [sflag:s10], $0x100  }
.Ltmp2:
0xa4: {  	[sflag:s10] =	ssyncset.done $0x0;
	(pc) =	sbr.rel @p0 .LBB2_4-.Ltmp2, $4  }
0xa5: {  	[sflag:s10] =	ssyncadd.s32 $0xFFFFFF00  }
0xa6: {  	[spmem:s2] =	stream.indirect.scatter.add.f32 [tilespmem:s14], [sflag:$0x4], $0x40, s9, s0, $0xb8;
	v63 =	vld [tilespmem:$0x0]  }
0xa7: {  	_ = 	snop  }
0xa8: {  	[spmem:s2] =	stream.indirect.scatter.add.f32 [tilespmem:s11], [sflag:$0x4], $0x40, s19, s0, $0xb8;
	v63 =	vld [tilespmem:$0x0]  }
0xa9: {  	s13 =	sadd.s32 $0x40, s13  }
0xaa: {  	[tilespmem:s31], [sflag:$0x6] =	stream.linear.gather [hbm4b:s13+s3], $0x100, $0x38;
	v63 =	vld [tilespmem:$0x0]  }
0xab: {  	_ =	swait.ge [sflag:s30], $0x100  }
0xac: {  	[sflag:s30] =	ssyncset.done $0x0  }
0xad: {  	[sflag:s30] =	ssyncadd.s32 $0xFFFFFF00  }
0xae: {  	[tilespmem:s4], [sflag:$0x1] =	stream.indirect.gather [spmem:s1], $0x40, s29, s0, $0xb8;
	v63 =	vld [tilespmem:$0x0]  }
.Ltmp3:
0xaf: {  	_ = 	snop;
	(pc) =	sbr.rel .LBB2_2-.Ltmp3, $4  }
0xb0: {  	s21 =	sadd.s32 s8, s23  }
0xb1: {  	[tilespmem:s7], [sflag:$0x1] =	stream.indirect.gather [spmem:s1], $0x40, s6, s0, $0xb8;
	v63 =	vld [tilespmem:$0x0]  }
0xb2: {  	s8 =	sadd.s32 $0x40, s8;
	s13 =	sadd.s32 $0x60, s21  }
0xb3: {  	[tilespmem:s5], [sflag:$0x5] =	stream.linear.gather [hbm4b:s13+s3], $0x100, $0x38;
	v63 =	vld [tilespmem:$0x0]  }
.LBB2_5:
0xb4: {  	_ =	sfence.sel $0x180000  }
0xb5: {  	[bflag:$0x0] =	sbarrier.arrive $0xFFFF  }
0xb6: {  	_ =	strace $0x9000004D  }
0xb7: {  	s0 =	stileid.u32;
	[bflag:$0x2] =	sbarrier.arrive $0xFFFF  }
0xb8: {  	p0 =	sne.s32 s0, $0x0;
	s0 =	rddreg [dreg:$0x3]  }
0xb9: {  	s0 =	sadd.s32 @!p0 $0x100000, s0  }
0xba: {  	[sflag:s0] =	ssyncadd.tile.s32 @!p0 $0x1;
	_ =	shalt  }
.Lfunc_end2:
_tile_overlayer_lowered:
.L_overlay_start_2:
0xbb: {  	(tag) =	ssettag $0x2  }
0xbc: {  	s0 =	rddreg [dreg:$0x0];
	s2 =	stileid.u32  }
0xbd: {  	s1 =	rddreg [dreg:$0x1];
	p0 =	sne.s32 s2, $0x0  }
0xbe: {  	s3 =	rddreg [dreg:$0x2];
	[bflag:$0x3] =	sbarrier.arrive $0xFFFF;
	s2 =	simm.s32 @!p0 $0x1C07  }
0xbf: {  	[timem:s3], [sflag:s2] =	dma.local @!p0 [hbm:s0], s1  }
0xc0: {  	s0 =	simm.s32 @!p0 $0x7  }
0xc1: {  	_ =	swait.ge @!p0 [sflag:s0], s1  }
0xc2: {  	s1 =	ssub.s32 @!p0 $0x0, s1;
	[sflag:s0] =	ssyncset.done @!p0 $0x0  }
0xc3: {  	[sflag:s0] =	ssyncadd.s32 @!p0 s1  }
0xc4: {  	[bflag:$0x3] =	sbarrier.arrive $0xFFFF  }
0xc5: {  	_ =	shalt  }

// kernel: kernel.8.cloned.1.call-start
scs
__scs_entry_jumppad:
0x0: {  	(pc) =	sbr.rel $0x88, $3  }
0x1: {  	(tag) =	ssettag $0x0;
	lr =	simm.s32 $0x1  }
0x2: {  	[smem:$0x3F96] =	sst lr;
	_ =	strace $0xD0000000  }
0x3: {  	_ = 	snop  }
0x4: {  	_ = 	snop  }
0x5: {  	_ = 	snop  }
0x6: {  	_ = 	snop  }
0x7: {  	_ = 	snop  }
__scs_overlays_trampoline_lowered:
0x8: {  	[smem:$0x3FA5] =	sst s0  }
0x9: {  	[smem:$0x3FA6] =	sst s1  }
0xa: {  	[smem:$0x3FA7] =	sst s2  }
0xb: {  	[smem:$0x3FA8] =	sst s3  }
0xc: {  	[smem:$0x3FA9] =	sst s4  }
0xd: {  	[smem:$0x3FAA] =	sst s5  }
0xe: {  	[smem:$0x3FAB] =	sst s6  }
0xf: {  	[smem:$0x3FAC] =	sst s7  }
0x10: {  	[smem:$0x3FAD] =	sst s8  }
0x11: {  	[smem:$0x3FAE] =	sst s9;
	s0 =	simm.s32 @!p0 $0x0  }
0x12: {  	s1 =	sld [smem:$0x3F94];
	s0 =	simm.s32 @p0 $0x1  }
0x13: {  	[smem:$0x3FAF] =	sst s0;
	s0 =	simm.s32 @!p1 $0x0  }
0x14: {  	s2 =	sld [smem:$0x3F93];
	s0 =	simm.s32 @p1 $0x1  }
0x15: {  	[smem:$0x3FB0] =	sst s0;
	s0 =	simm.s32 @!p2 $0x0  }
0x16: {  	s3 =	sld [smem:$0x3FDB];
	s0 =	simm.s32 @p2 $0x1  }
0x17: {  	s4 =	simm.s32 $0x1BF5;
	[smem:$0x3FB2] =	sst s0  }
0x18: {  	s0 =	sld [smem:$0x3F95];
	_ =	swait.ge [sflag:s4], $0x0  }
0x19: {  	s7 =	sld [smem:$0x3F96]  }
0x1a: {  	s8 =	sadd.s32 $0xFFFFE003, lr  }
0x1b: {  	s9 =	sadd.s32 $0xFFFFFEF7, lr;
	s5 =	simm.s32 $0xFFFFFFFF;
	p2 =	slt.u32 s8, $0xFFFFF086  }
0x1c: {  	p1 =	slt.u32 s9, $0xF7A;
	s5 =	simm.s32 @!p2 $0x0  }
0x1d: {  	s5 =	simm.s32 @p1 $0x1;
	p0 =	seq.s32 s7, s2  }
0x1e: {  	s7 =	smul.u32 @!p0 $0xF7A, s2;
	p2 =	seq.s32 @!p0 s5, $0x0  }
0x1f: {  	s9 =	smul.u32 $0xF7A, s1;
	s8 =	simm.s32 @!p0 $0x1BF5;
	p2 =	por !p2, p0  }
0x20: {  	[sflag:s8] =	ssyncset.s32 @!p0 $0xFFFFF086;
	s6 =	sadd.s32 @!p0 s3, s7;
	s7 =	simm.s32 @!p0 $0x108  }
0x21: {  	s3 =	sadd.s32 s3, s9;
	s6 =	sadd.s32 @!p0 $0x88, s6;
	s7 =	simm.s32 @p2 $0x1082  }
0x22: {  	[simem:s7], [sflag:s8] =	dma.local @!p0 [hbm:s6], $0xF7A  }
0x23: {  	s9 =	sor.u32 $0xD0000000, s2;
	s6 =	simm.s32 $0x108;
	_ =	swait.ge @!p0 [sflag:s8], $0x0  }
0x24: {  	s3 =	sadd.s32 $0x88, s3;
	s6 =	simm.s32 @!p1 $0x1082;
	[sflag:s4] =	ssyncset.s32 $0xFFFFF086  }
0x25: {  	[simem:s6], [sflag:s4] =	dma.local [hbm:s3], $0xF7A  }
0x26: {  	[smem:$0x3F96] =	sst s1;
	(tag) =	ssettag s2;
	_ =	strace s9  }
0x27: {  	s1 =	sld [smem:$0x3FA6]  }
0x28: {  	s2 =	sld [smem:$0x3FA7]  }
0x29: {  	s4 =	sld [smem:$0x3FA9]  }
0x2a: {  	p0 =	seq.s32 s5, $0x0;
	s5 =	sld [smem:$0x3FAA]  }
0x2b: {  	s6 =	sld [smem:$0x3FAB]  }
0x2c: {  	s7 =	sld [smem:$0x3FAC]  }
0x2d: {  	s3 =	simm.s32 $0x108;
	s8 =	sld [smem:$0x3FAD]  }
0x2e: {  	s3 =	simm.s32 @!p0 $0x1082;
	s9 =	sld [smem:$0x3FAE]  }
0x2f: {  	lr =	sadd.s32 s0, s3;
	s0 =	sld [smem:$0x3FA5]  }
0x30: {  	s3 =	sld [smem:$0x3FA8]  }
0x31: {  	[smem:$0x3FB1] =	sst s10  }
0x32: {  	s10 =	sld [smem:$0x3FAF];
	_ =	sdelay $0x3  }
0x33: {  	p0 =	seq.s32 s10, $0x1;
	s10 =	sld [smem:$0x3FB1];
	_ =	sdelay $0x3  }
0x34: {  	[smem:$0x3FB1] =	sst s10  }
0x35: {  	s10 =	sld [smem:$0x3FB0];
	_ =	sdelay $0x3  }
0x36: {  	p1 =	seq.s32 s10, $0x1;
	s10 =	sld [smem:$0x3FB1];
	_ =	sdelay $0x3  }
0x37: {  	[smem:$0x3FB1] =	sst s10  }
0x38: {  	s10 =	sld [smem:$0x3FB2]  }
0x39: {  	_ = 	snop;
	(pc) =	sbr.ind lr, $3  }
0x3a: {  	_ = 	snop  }
0x3b: {  	_ = 	snop  }
0x3c: {  	p2 =	seq.s32 s10, $0x1;
	s10 =	sld [smem:$0x3FB1]  }
0x3d: {  	_ =	shalt  }
0x3e: {  	_ =	shalt  }
0x3f: {  	_ =	shalt  }
0x40: {  	_ =	shalt  }
0x41: {  	_ =	shalt  }
0x42: {  	_ =	shalt  }
0x43: {  	_ =	shalt  }
0x44: {  	_ =	shalt  }
0x45: {  	_ =	shalt  }
0x46: {  	_ =	shalt  }
0x47: {  	_ =	shalt  }
0x48: {  	_ =	shalt  }
0x49: {  	_ =	shalt  }
0x4a: {  	_ =	shalt  }
0x4b: {  	_ =	shalt  }
0x4c: {  	_ =	shalt  }
0x4d: {  	_ =	shalt  }
0x4e: {  	_ =	shalt  }
0x4f: {  	_ =	shalt  }
0x50: {  	_ =	shalt  }
0x51: {  	_ =	shalt  }
0x52: {  	_ =	shalt  }
0x53: {  	_ =	shalt  }
0x54: {  	_ =	shalt  }
0x55: {  	_ =	shalt  }
0x56: {  	_ =	shalt  }
0x57: {  	_ =	shalt  }
0x58: {  	_ =	shalt  }
0x59: {  	_ =	shalt  }
0x5a: {  	_ =	shalt  }
0x5b: {  	_ =	shalt  }
0x5c: {  	_ =	shalt  }
0x5d: {  	_ =	shalt  }
0x5e: {  	_ =	shalt  }
0x5f: {  	_ =	shalt  }
0x60: {  	_ =	shalt  }
0x61: {  	_ =	shalt  }
0x62: {  	_ =	shalt  }
0x63: {  	_ =	shalt  }
0x64: {  	_ =	shalt  }
0x65: {  	_ =	shalt  }
0x66: {  	_ =	shalt  }
0x67: {  	_ =	shalt  }
0x68: {  	_ =	shalt  }
0x69: {  	_ =	shalt  }
0x6a: {  	_ =	shalt  }
0x6b: {  	_ =	shalt  }
0x6c: {  	_ =	shalt  }
0x6d: {  	_ =	shalt  }
0x6e: {  	_ =	shalt  }
0x6f: {  	_ =	shalt  }
0x70: {  	_ =	shalt  }
0x71: {  	_ =	shalt  }
0x72: {  	_ =	shalt  }
0x73: {  	_ =	shalt  }
0x74: {  	_ =	shalt  }
0x75: {  	_ =	shalt  }
0x76: {  	_ =	shalt  }
0x77: {  	_ =	shalt  }
0x78: {  	_ =	shalt  }
0x79: {  	_ =	shalt  }
0x7a: {  	_ =	shalt  }
0x7b: {  	_ =	shalt  }
0x7c: {  	_ =	shalt  }
0x7d: {  	_ =	shalt  }
0x7e: {  	_ =	shalt  }
0x7f: {  	_ =	shalt  }
0x80: {  	_ =	shalt  }
0x81: {  	_ =	shalt  }
0x82: {  	_ =	shalt  }
0x83: {  	_ =	shalt  }
0x84: {  	_ =	shalt  }
0x85: {  	_ =	shalt  }
0x86: {  	_ =	shalt  }
0x87: {  	_ =	shalt  }
.Lfunc_end0:
.L_simem_size_0:
called_computation_lowered:
.L_overlay_start_0:
0x88: {  	s2 =	sld [smem:$0x3FD9]  }
0x89: {  	s3 =	sld [smem:$0x3FFE];
	_ =	sdelay $0x1  }
0x8a: {  	s1 =	srdreg.scid  }
0x8b: {  	s0 =	sand.u32 $0x1, s1  }
0x8c: {  	s16 =	sshll.u32 s0, $0xA;
	s2 =	sadd.s32 s3, s2  }
0x8d: {  	s2 =	sadd.s32 s2, s16  }
0x8e: {  	[smem:$0x3FBD] =	sst s2  }
0x8f: {  	_ = 	snop  }
0x90: {  	(tm) =	ssettm $0x1  }
0x91: {  	s17 =	sld [smem:$0x3FFB];
	_ =	sdelay $0x3  }
0x92: {  	_ =	strace s17  }
0x93: {  	s2 =	sld [smem:$0x3FFC];
	_ =	sdelay $0x3  }
0x94: {  	_ =	strace s2  }
0x95: {  	s2 =	sld [smem:$0x3FFD];
	_ =	sdelay $0x3  }
0x96: {  	_ =	strace s2  }
0x97: {  	_ =	strace $0x8FFFFFFF  }
0x98: {  	s18 =	sld [smem:$0x3FDB];
	_ =	sdelay $0x1  }
0x99: {  	s19 =	simm.s32 $_scs_section_size  }
0x9a: {  	s4 =	simm.s32 $_size__tile_overlayer_lowered;
	s5 =	simm.s32 $_tile_overlayer_lowered  }
0x9b: {  	s22 =	simm.s32 $0x1BFF;
	s21 =	sshll.u32 s5, $0x1;
	s2 =	sadd.s32 s19, s18  }
0x9c: {  	s6 =	simm.s32 $0x0;
	s20 =	sshll.u32 s4, $0x1;
	s4 =	sadd.s32 s21, s2  }
0x9d: {  	[timem:s6], [sflag:s22] =	dma.local [hbm:s4], s20  }
0x9e: {  	_ =	swait.ge [sflag:s22], s20  }
0x9f: {  	s3 =	ssub.s32 $0x0, s20;
	[sflag:s22] =	ssyncset.done $0x0  }
0xa0: {  	[sflag:s22] =	ssyncadd.s32 s3;
	_ =	sdelay $0x1  }
0xa1: {  	s23 =	simm.s32 $0x1B8B  }
0xa2: {  	_ =	swait.ge [sflag:s23], $0x1  }
0xa3: {  	[sflag:s23] =	ssyncset.done $0x0  }
0xa4: {  	s25 =	simm.s32 $0x1B8E;
	s24 =	sld [smem:$0x3FFE];
	[sflag:s23] =	ssyncadd.s32 $0xFFFFFFFF  }
0xa5: {  	s26 =	simm.s32 $execute0_lowered;
	[smem:$0x3FD2] =	sst s25  }
0xa6: {  	s4 =	sshll.u32 s26, $0x1;
	_ =	strace $0x80000046;
	[dreg:$0x1] =	wrdreg $0xFFFFFFFF  }
0xa7: {  	s28 =	simm.s32 $_size_execute0_lowered;
	s2 =	sadd.s32 s2, s4;
	[dreg:$0x0] =	wrdreg $0x0  }
0xa8: {  	s4 =	sshll.u32 s28, $0x1;
	[dreg:$0x2] =	wrdreg s2  }
0xa9: {  	[dreg:$0x3] =	wrdreg s4  }
0xaa: {  	[dreg:$0x4] =	wrdreg $0xC0  }
0xab: {  	_ =	task [dreg:s6], $0x5FFFF  }
0xac: {  	[dreg:$0x1] =	wrdreg $0xFFFFFFFF  }
0xad: {  	[dreg:$0x0] =	wrdreg $0x60  }
0xae: {  	[dreg:$0x2] =	wrdreg s24  }
0xaf: {  	[dreg:$0x3] =	wrdreg $0x9E000  }
0xb0: {  	[dreg:$0x4] =	wrdreg $0x0  }
0xb1: {  	[dreg:$0x5] =	wrdreg $0x9  }
0xb2: {  	_ =	task.clear_ibuf [dreg:s6], $0x6FFFF;
	_ =	strace $0x90000046  }
0xb3: {  	s29 =	simm.s32 $0x9;
	_ =	strace $0x80000048  }
0xb4: {  	_ =	swait.ge [sflag:s29], $0x1  }
0xb5: {  	[sflag:s29] =	ssyncadd.s32 $0xFFFFFFFF  }
0xb6: {  	_ =	strace $0x90000048  }
0xb7: {  	_ =	sfence  }
0xb8: {  	s30 =	sld [smem:$0x0];
	_ =	sdelay $0x2  }
0xb9: {  	s31 =	sshll.u32 s1, $0xD;
	s1 =	sshrl.u32 s1, $0x2  }
0xba: {  	s3 =	sand.u32 $0x4000, s31;
	s1 =	sadd.s32 s1, s30  }
0xbb: {  	s0 =	sor.u32 s3, s0;
	s1 =	sshll.u32 s1, $0x11  }
0xbc: {  	s0 =	sor.u32 s1, s0  }
0xbd: {  	s0 =	sadd.s32 $0x8F2B, s0  }
0xbe: {  	[sflag:s0] =	ssyncadd.remote.s32 $0x1  }
0xbf: {  	_ =	sfence.sel $0xFFFF  }
0xc0: {  	[dreg:$0x0] =	wrdreg $0xFFFFFFFF;
	(pc) =	sbr.abs _section_cstart, $3  }
0xc1: {  	[dreg:$0x1] =	wrdreg $0xFFFFFFFF  }
0xc2: {  	_ =	task.clear_ibuf [dreg:s6], $0x2FFFF;
	_ =	strace $0x9FFFFFFF  }
0xc3: {  	(tm) =	ssettm $0x7FFFFFFF  }
tec
execute0_lowered:
.L_overlay_start_1:
0x0: {  	(tag) =	ssettag $0x1  }
0x1: {  	s0 =	rddreg [dreg:$0x0]  }
0x2: {  	s1 =	rddreg [dreg:$0x1]  }
0x3: {  	s2 =	rddreg [dreg:$0x2]  }
0x4: {  	s3 =	simm.s32 $0x0;
	s4 =	srdreg.scid;
	s11 =	stileid.u32  }
0x5: {  	s28 =	simm.s32 $0x3;
	s29 =	simm.s32 $0x1BC00;
	s30 =	simm.s32 $0x5  }
0x6: {  	s31 =	simm.s32 $0x1BE00;
	s15 =	simm.s32 $0x1BD80;
	s7 =	smul.u32 $0x9E00, s11  }
0x7: {  	[smem:$0x7FF] =	sst s3;
	s4 =	sand.u32 $0x1, s4;
	s21 =	smul.u32 $0x5000, s11  }
0x8: {  	s6 =	sadd.s32 $0x29200, s0;
	s8 =	sadd.s32 $0x33200, s0;
	s25 =	smul.u32 $0xA00, s11  }
0x9: {  	s11 =	simm.s32 $0x19C00;
	s5 =	smul.u32 $0x13C00, s4;
	s4 =	ssub.s32 $0x2, s4  }
0xa: {  	_ =	strace $0x80000047;
	s17 =	sshrl.u32 s4, $0x1;
	s9 =	sshrl.u32 s7, $0x3  }
0xb: {  	s19 =	sadd.s32 s7, s1;
	s20 =	sadd.s32 $0x4000, s7;
	s13 =	sadd.s32 s7, s2  }
0xc: {  	s7 =	sadd.s32 $0x8000, s7;
	s23 =	sshrl.u32 s21, $0x3;
	[dreg:$0x4] =	wrdreg s9  }
0xd: {  	s0 =	sadd.s32 s5, s0;
	s4 =	ssub.s32 s4, s17;
	[dreg:$0x6] =	wrdreg s19  }
0xe: {  	s10 =	sshrl.u32 s20, $0x3;
	s12 =	sshrl.u32 s7, $0x3;
	[dreg:$0x7] =	wrdreg s13  }
0xf: {  	s14 =	sadd.s32 s20, s1;
	s16 =	sadd.s32 s20, s2;
	[dreg:$0x8] =	wrdreg s10  }
0x10: {  	s22 =	sadd.s32 s7, s1;
	s20 =	sadd.s32 s7, s2;
	[dreg:$0xb] =	wrdreg s14  }
0x11: {  	s24 =	sadd.s32 s6, s23;
	s19 =	simm.s32 $0x1BF80;
	[dreg:$0xa] =	wrdreg s12  }
0x12: {  	s17 =	simm.s32 $0x0;
	s18 =	sadd.s32 $0x1A00, s0;
	[dreg:$0xe] =	wrdreg s22  }
0x13: {  	[dreg:$0x10] =	wrdreg s24;
	s7 =	sadd.s32 $0x20, s24;
	s0 =	sadd.s32 $0x3D200, s0  }
0x14: {  	s26 =	smax.u32 s4, $0x1;
	s22 =	sadd.s32 s25, s8;
	[dreg:$0xc] =	wrdreg s16  }
0x15: {  	s24 =	simm.s32 $0x1C000;
	s4 =	simm.s32 $0x13C00;
	[dreg:$0xf] =	wrdreg s20  }
0x16: {  	s14 =	simm.s32 $0x17C00;
	s9 =	sadd.s32 s9, s18;
	[dreg:$0x12] =	wrdreg s7  }
0x17: {  	s10 =	sadd.s32 s10, s18;
	s5 =	sadd.s32 s12, s18;
	[dreg:$0x13] =	wrdreg s0  }
0x18: {  	[dreg:$0x14] =	wrdreg s26;
	s26 =	simm.s32 $0x1;
	s0 =	simm.s32 $0x80  }
.Ltmp0:
0x19: {  	s7 =	simm.s32 $0x15C00;
	[dreg:$0x5] =	wrdreg s9;
	(pc) =	sbr.rel .LBB2_1-.Ltmp0, $4  }
0x1a: {  	s12 =	simm.s32 $0x1BE80;
	s18 =	simm.s32 $0x2;
	[dreg:$0x9] =	wrdreg s10  }
0x1b: {  	[dreg:$0xd] =	wrdreg s5;
	s5 =	sadd.s32 s8, s23;
	s23 =	sadd.s32 s25, s6  }
0x1c: {  	s25 =	simm.s32 $0x7;
	s6 =	simm.s32 $0x1BC80;
	s10 =	simm.s32 $0x6  }
0x1d: {  	s9 =	simm.s32 $0x1BF00;
	[dreg:$0x11] =	wrdreg s5;
	s5 =	simm.s32 $0x1BD00  }
.LBB2_4:
0x1e: {  	s8 =	simm.s32 $0x4  }
0x1f: {  	_ =	swait.ge [sflag:s8], $0x2000  }
0x20: {  	[sflag:s8] =	ssyncset.done $0x0  }
0x21: {  	[sflag:s8] =	ssyncadd.s32 $0xFFFFE000  }
0x22: {  	_ =	swait.ge [sflag:s8], $0x2000  }
0x23: {  	[sflag:s8] =	ssyncset.done $0x0  }
0x24: {  	[sflag:s8] =	ssyncadd.s32 $0xFFFFE000  }
0x25: {  	[bflag:$0x0] =	sbarrier.arrive $0xFFFF  }
0x26: {  	s13 =	rddreg [dreg:$0x7]  }
0x27: {  	[tilespmem:s24], [sflag:$0x7] =	stream.linear.gather [spmem:s13], $0x4000, $0x38;
	v63 =	vld [tilespmem:$0x0]  }
0x28: {  	_ =	swait.ge [sflag:s25], $0x4000  }
0x29: {  	s16 =	rddreg [dreg:$0x4]  }
0x2a: {  	[sflag:s25] =	ssyncset.done $0x0;
	s21 =	rddreg [dreg:$0x13]  }
0x2b: {  	[sflag:s25] =	ssyncadd.s32 $0xFFFFC000;
	s8 =	sadd.s32 s16, s21  }
0x2c: {  	[hbm4b:s8+s3] =	stream.linear.scatter [tilespmem:s24], [sflag:$0x2], $0x4000, $0x38;
	v63 =	vld [tilespmem:$0x0]  }
0x2d: {  	_ =	swait.ge [sflag:s18], $0x4000  }
0x2e: {  	[sflag:s18] =	ssyncset.done $0x0  }
0x2f: {  	s16 =	rddreg [dreg:$0xc];
	[sflag:s18] =	ssyncadd.s32 $0xFFFFC000  }
0x30: {  	[tilespmem:s24], [sflag:$0x7] =	stream.linear.gather [spmem:s16], $0x4000, $0x38;
	v63 =	vld [tilespmem:$0x0]  }
0x31: {  	_ =	swait.ge [sflag:s25], $0x4000  }
0x32: {  	[sflag:s25] =	ssyncset.done $0x0;
	s20 =	rddreg [dreg:$0x8]  }
0x33: {  	[sflag:s25] =	ssyncadd.s32 $0xFFFFC000;
	s8 =	sadd.s32 s20, s21  }
0x34: {  	[hbm4b:s8+s3] =	stream.linear.scatter [tilespmem:s24], [sflag:$0x2], $0x4000, $0x38;
	v63 =	vld [tilespmem:$0x0]  }
0x35: {  	_ =	swait.ge [sflag:s18], $0x4000  }
0x36: {  	[sflag:s18] =	ssyncset.done $0x0  }
0x37: {  	s20 =	rddreg [dreg:$0xf];
	[sflag:s18] =	ssyncadd.s32 $0xFFFFC000  }
0x38: {  	[tilespmem:s24], [sflag:$0x7] =	stream.linear.gather [spmem:s20], $0x1E00, $0x38;
	v63 =	vld [tilespmem:$0x0]  }
0x39: {  	_ =	swait.ge [sflag:s25], $0x1E00  }
0x3a: {  	[sflag:s25] =	ssyncset.done $0x0;
	s8 =	rddreg [dreg:$0xa]  }
0x3b: {  	[sflag:s25] =	ssyncadd.s32 $0xFFFFE200;
	s8 =	sadd.s32 s8, s21  }
0x3c: {  	[hbm4b:s8+s3] =	stream.linear.scatter [tilespmem:s24], [sflag:$0x2], $0x1E00, $0x38;
	v63 =	vld [tilespmem:$0x0]  }
0x3d: {  	_ =	swait.ge [sflag:s18], $0x1E00  }
0x3e: {  	s17 =	sadd.s32 $0x1, s17;
	s21 =	rddreg [dreg:$0x14]  }
0x3f: {  	p0 =	sne.s32 s17, s21  }
.Ltmp1:
0x40: {  	_ = 	snop;
	(pc) =	sbr.rel @!p0 .LBB2_5-.Ltmp1, $3  }
0x41: {  	_ =	sdelay $0x1  }
0x42: {  	[sflag:s18] =	ssyncset.done $0x0  }
0x43: {  	[sflag:s18] =	ssyncadd.s32 $0xFFFFE200  }
.LBB2_1:
0x44: {  	s8 =	rddreg [dreg:$0x5]  }
0x45: {  	[tilespmem:s24], [sflag:$0x7] =	stream.linear.gather [hbm4b:s8+s3], $0x4000, $0x38;
	v63 =	vld [tilespmem:$0x0]  }
0x46: {  	_ =	swait.ge [sflag:s25], $0x4000  }
0x47: {  	[sflag:s25] =	ssyncset.done $0x0  }
0x48: {  	s21 =	rddreg [dreg:$0x6];
	[sflag:s25] =	ssyncadd.s32 $0xFFFFC000  }
0x49: {  	[spmem:s21] =	stream.linear.scatter [tilespmem:s24], [sflag:$0x1], $0x4000, $0x38;
	v63 =	vld [tilespmem:$0x0]  }
0x4a: {  	_ = 	snop  }
0x4b: {  	[spmem:s13] =	stream.linear.scatter [tilespmem:s24], [sflag:$0x3], $0x4000, $0x38;
	v63 =	vld [tilespmem:$0x0]  }
0x4c: {  	_ =	swait.ge [sflag:s26], $0x4000  }
0x4d: {  	[sflag:s26] =	ssyncset.done $0x0  }
0x4e: {  	[sflag:s26] =	ssyncadd.s32 $0xFFFFC000  }
0x4f: {  	_ =	swait.ge [sflag:s28], $0x4000  }
0x50: {  	[sflag:s28] =	ssyncset.done $0x0  }
0x51: {  	s21 =	rddreg [dreg:$0x9];
	[sflag:s28] =	ssyncadd.s32 $0xFFFFC000  }
0x52: {  	[tilespmem:s24], [sflag:$0x7] =	stream.linear.gather [hbm4b:s21+s3], $0x4000, $0x38;
	v63 =	vld [tilespmem:$0x0]  }
0x53: {  	_ =	swait.ge [sflag:s25], $0x4000  }
0x54: {  	[sflag:s25] =	ssyncset.done $0x0  }
0x55: {  	s13 =	rddreg [dreg:$0xb];
	[sflag:s25] =	ssyncadd.s32 $0xFFFFC000  }
0x56: {  	[spmem:s13] =	stream.linear.scatter [tilespmem:s24], [sflag:$0x1], $0x4000, $0x38;
	v63 =	vld [tilespmem:$0x0]  }
0x57: {  	_ = 	snop  }
0x58: {  	[spmem:s16] =	stream.linear.scatter [tilespmem:s24], [sflag:$0x3], $0x4000, $0x38;
	v63 =	vld [tilespmem:$0x0]  }
0x59: {  	_ =	swait.ge [sflag:s26], $0x4000  }
0x5a: {  	[sflag:s26] =	ssyncset.done $0x0  }
0x5b: {  	[sflag:s26] =	ssyncadd.s32 $0xFFFFC000  }
0x5c: {  	_ =	swait.ge [sflag:s28], $0x4000  }
0x5d: {  	[sflag:s28] =	ssyncset.done $0x0  }
0x5e: {  	s21 =	rddreg [dreg:$0xd];
	[sflag:s28] =	ssyncadd.s32 $0xFFFFC000  }
0x5f: {  	[tilespmem:s24], [sflag:$0x7] =	stream.linear.gather [hbm4b:s21+s3], $0x1E00, $0x38;
	v63 =	vld [tilespmem:$0x0]  }
0x60: {  	_ =	swait.ge [sflag:s25], $0x1E00  }
0x61: {  	[sflag:s25] =	ssyncset.done $0x0  }
0x62: {  	s13 =	rddreg [dreg:$0xe];
	[sflag:s25] =	ssyncadd.s32 $0xFFFFE200  }
0x63: {  	[spmem:s13] =	stream.linear.scatter [tilespmem:s24], [sflag:$0x1], $0x1E00, $0x38;
	v63 =	vld [tilespmem:$0x0]  }
0x64: {  	_ = 	snop  }
0x65: {  	[spmem:s20] =	stream.linear.scatter [tilespmem:s24], [sflag:$0x3], $0x1E00, $0x38;
	v63 =	vld [tilespmem:$0x0]  }
0x66: {  	_ =	swait.ge [sflag:s26], $0x1E00  }
0x67: {  	[sflag:s26] =	ssyncset.done $0x0  }
0x68: {  	[sflag:s26] =	ssyncadd.s32 $0xFFFFE200  }
0x69: {  	_ =	swait.ge [sflag:s28], $0x1E00  }
0x6a: {  	[sflag:s28] =	ssyncset.done $0x0  }
0x6b: {  	[sflag:s28] =	ssyncadd.s32 $0xFFFFE200  }
0x6c: {  	[bflag:$0x0] =	sbarrier.arrive $0xFFFF  }
0x6d: {  	s16 =	rddreg [dreg:$0x10]  }
0x6e: {  	[tilespmem:s29], [sflag:$0x5] =	stream.linear.gather [hbm4b:s16+s3], $0x100, $0x38;
	v63 =	vld [tilespmem:$0x0]  }
0x6f: {  	_ =	swait.ge [sflag:s30], $0x100  }
0x70: {  	[sflag:s30] =	ssyncset.done $0x0  }
0x71: {  	s20 =	rddreg [dreg:$0x11];
	[sflag:s30] =	ssyncadd.s32 $0xFFFFFF00  }
0x72: {  	[tilespmem:s31], [sflag:$0x6] =	stream.linear.gather [hbm4b:s20+s3], $0x100, $0x38;
	v63 =	vld [tilespmem:$0x0]  }
0x73: {  	_ = 	snop  }
0x74: {  	[tilespmem:s4], [sflag:$0x1] =	stream.indirect.gather [spmem:s1], $0x40, s29, s0, $0xb8;
	v63 =	vld [tilespmem:$0x0]  }
0x75: {  	_ = 	snop  }
0x76: {  	[tilespmem:s7], [sflag:$0x1] =	stream.indirect.gather [spmem:s1], $0x40, s6, s0, $0xb8;
	v63 =	vld [tilespmem:$0x0]  }
0x77: {  	s8 =	simm.s32 $0x0;
	s21 =	rddreg [dreg:$0x12]  }
0x78: {  	[tilespmem:s5], [sflag:$0x5] =	stream.linear.gather [hbm4b:s21+s3], $0x100, $0x38;
	v63 =	vld [tilespmem:$0x0]  }
.LBB2_2:
0x79: {  	p0 =	seq.s32 s8, $0x0  }
0x7a: {  	s13 =	simm.s32 @!p0 $0x4  }
0x7b: {  	_ =	swait.ge @!p0 [sflag:s13], $0x2000  }
0x7c: {  	[sflag:s13] =	ssyncset.done @!p0 $0x0  }
0x7d: {  	[sflag:s13] =	ssyncadd.s32 @!p0 $0xFFFFE000  }
0x7e: {  	_ =	swait.ge @!p0 [sflag:s13], $0x2000  }
0x7f: {  	[sflag:s13] =	ssyncset.done @!p0 $0x0  }
0x80: {  	[sflag:s13] =	ssyncadd.s32 @!p0 $0xFFFFE000  }
0x81: {  	_ =	swait.ge [sflag:s26], $0x2000  }
0x82: {  	[sflag:s26] =	ssyncset.done $0x0  }
0x83: {  	[sflag:s26] =	ssyncadd.s32 $0xFFFFE000  }
0x84: {  	_ =	swait.ge [sflag:s26], $0x2000  }
0x85: {  	[sflag:s26] =	ssyncset.done $0x0  }
0x86: {  	[sflag:s26] =	ssyncadd.s32 $0xFFFFE000  }
0x87: {  	_ =	swait.ge [sflag:s10], $0x100  }
0x88: {  	[sflag:s10] =	ssyncset.done $0x0  }
0x89: {  	[sflag:s10] =	ssyncadd.s32 $0xFFFFFF00  }
0x8a: {  	[spmem:s2] =	stream.indirect.scatter.add.f32 [tilespmem:s4], [sflag:$0x3], $0x40, s31, s0, $0xb8;
	v63 =	vld [tilespmem:$0x0]  }
0x8b: {  	s13 =	sadd.s32 s8, s22  }
0x8c: {  	[spmem:s2] =	stream.indirect.scatter.add.f32 [tilespmem:s7], [sflag:$0x3], $0x40, s12, s0, $0xb8;
	v63 =	vld [tilespmem:$0x0]  }
0x8d: {  	s16 =	sadd.s32 $0x20, s13  }
0x8e: {  	[tilespmem:s9], [sflag:$0x6] =	stream.linear.gather [hbm4b:s16+s3], $0x100, $0x38;
	v63 =	vld [tilespmem:$0x0]  }
0x8f: {  	_ =	swait.ge [sflag:s30], $0x100  }
0x90: {  	[sflag:s30] =	ssyncset.done $0x0  }
0x91: {  	p0 =	seq.s32 s8, $0x9C0;
	[sflag:s30] =	ssyncadd.s32 $0xFFFFFF00  }
0x92: {  	[tilespmem:s14], [sflag:$0x2] =	stream.indirect.gather [spmem:s1], $0x40, s5, s0, $0xb8;
	v63 =	vld [tilespmem:$0x0]  }
0x93: {  	s16 =	sadd.s32 @!p0 s8, s23  }
0x94: {  	[tilespmem:s11], [sflag:$0x2] =	stream.indirect.gather [spmem:s1], $0x40, s15, s0, $0xb8;
	v63 =	vld [tilespmem:$0x0]  }
0x95: {  	s20 =	simm.s32 @!p0 $0x0;
	s21 =	simm.s32 @!p0 $0x1BC00;
	s16 =	sadd.s32 @!p0 $0x40, s16  }
0x96: {  	[tilespmem:s21], [sflag:$0x5] =	stream.linear.gather @!p0 [hbm4b:s16+s20], $0x100, $0x38;
	v63 =	vld [tilespmem:$0x0]  }
0x97: {  	_ =	swait.ge [sflag:s28], $0x2000  }
0x98: {  	[sflag:s28] =	ssyncset.done $0x0  }
0x99: {  	[sflag:s28] =	ssyncadd.s32 $0xFFFFE000  }
0x9a: {  	_ =	swait.ge [sflag:s28], $0x2000  }
0x9b: {  	[sflag:s28] =	ssyncset.done $0x0  }
0x9c: {  	[sflag:s28] =	ssyncadd.s32 $0xFFFFE000  }
0x9d: {  	_ =	swait.ge [sflag:s18], $0x2000  }
0x9e: {  	[sflag:s18] =	ssyncset.done $0x0  }
0x9f: {  	[sflag:s18] =	ssyncadd.s32 $0xFFFFE000  }
0xa0: {  	_ =	swait.ge [sflag:s18], $0x2000  }
0xa1: {  	[sflag:s18] =	ssyncset.done $0x0  }
0xa2: {  	[sflag:s18] =	ssyncadd.s32 $0xFFFFE000  }
0xa3: {  	_ =	swait.ge [sflag:s10], $0x100  }
.Ltmp2:
0xa4: {  	[sflag:s10] =	ssyncset.done $0x0;
	(pc) =	sbr.rel @p0 .LBB2_4-.Ltmp2, $4  }
0xa5: {  	[sflag:s10] =	ssyncadd.s32 $0xFFFFFF00  }
0xa6: {  	[spmem:s2] =	stream.indirect.scatter.add.f32 [tilespmem:s14], [sflag:$0x4], $0x40, s9, s0, $0xb8;
	v63 =	vld [tilespmem:$0x0]  }
0xa7: {  	_ = 	snop  }
0xa8: {  	[spmem:s2] =	stream.indirect.scatter.add.f32 [tilespmem:s11], [sflag:$0x4], $0x40, s19, s0, $0xb8;
	v63 =	vld [tilespmem:$0x0]  }
0xa9: {  	s13 =	sadd.s32 $0x40, s13  }
0xaa: {  	[tilespmem:s31], [sflag:$0x6] =	stream.linear.gather [hbm4b:s13+s3], $0x100, $0x38;
	v63 =	vld [tilespmem:$0x0]  }
0xab: {  	_ =	swait.ge [sflag:s30], $0x100  }
0xac: {  	[sflag:s30] =	ssyncset.done $0x0  }
0xad: {  	[sflag:s30] =	ssyncadd.s32 $0xFFFFFF00  }
0xae: {  	[tilespmem:s4], [sflag:$0x1] =	stream.indirect.gather [spmem:s1], $0x40, s29, s0, $0xb8;
	v63 =	vld [tilespmem:$0x0]  }
.Ltmp3:
0xaf: {  	_ = 	snop;
	(pc) =	sbr.rel .LBB2_2-.Ltmp3, $4  }
0xb0: {  	s21 =	sadd.s32 s8, s23  }
0xb1: {  	[tilespmem:s7], [sflag:$0x1] =	stream.indirect.gather [spmem:s1], $0x40, s6, s0, $0xb8;
	v63 =	vld [tilespmem:$0x0]  }
0xb2: {  	s8 =	sadd.s32 $0x40, s8;
	s13 =	sadd.s32 $0x60, s21  }
0xb3: {  	[tilespmem:s5], [sflag:$0x5] =	stream.linear.gather [hbm4b:s13+s3], $0x100, $0x38;
	v63 =	vld [tilespmem:$0x0]  }
.LBB2_5:
0xb4: {  	_ =	sfence.sel $0x180000  }
0xb5: {  	[bflag:$0x0] =	sbarrier.arrive $0xFFFF  }
0xb6: {  	_ =	strace $0x90000047  }
0xb7: {  	s0 =	stileid.u32;
	[bflag:$0x2] =	sbarrier.arrive $0xFFFF  }
0xb8: {  	p0 =	sne.s32 s0, $0x0;
	s0 =	rddreg [dreg:$0x3]  }
0xb9: {  	s0 =	sadd.s32 @!p0 $0x100000, s0  }
0xba: {  	[sflag:s0] =	ssyncadd.tile.s32 @!p0 $0x1;
	_ =	shalt  }
.Lfunc_end2:
_tile_overlayer_lowered:
.L_overlay_start_2:
0xbb: {  	(tag) =	ssettag $0x2  }
0xbc: {  	s0 =	rddreg [dreg:$0x0];
	s2 =	stileid.u32  }
0xbd: {  	s1 =	rddreg [dreg:$0x1];
	p0 =	sne.s32 s2, $0x0  }
0xbe: {  	s3 =	rddreg [dreg:$0x2];
	[bflag:$0x3] =	sbarrier.arrive $0xFFFF;
	s2 =	simm.s32 @!p0 $0x1C07  }
0xbf: {  	[timem:s3], [sflag:s2] =	dma.local @!p0 [hbm:s0], s1  }
0xc0: {  	s0 =	simm.s32 @!p0 $0x7  }
0xc1: {  	_ =	swait.ge @!p0 [sflag:s0], s1  }
0xc2: {  	s1 =	ssub.s32 @!p0 $0x0, s1;
	[sflag:s0] =	ssyncset.done @!p0 $0x0  }
0xc3: {  	[sflag:s0] =	ssyncadd.s32 @!p0 s1  }
0xc4: {  	[bflag:$0x3] =	sbarrier.arrive $0xFFFF  }
0xc5: {  	_ =	shalt  }

</sc_bundles>
